<compile_context>
chip_gen: v7x
topology: tpu7x:2x2x1
jax: 0.10.2.dev20260603
libtpu: 0.0.44.dev20260713+nightly
codegen_flags: <defaults>
</compile_context>

<pallas_src>
import functools

import jax
import jax.numpy as jnp
from jax import lax
from jax.experimental import pallas as pl
from jax.experimental.pallas import tpu as pltpu
from jax.experimental.pallas import tpu_sc as plsc

_B = 4
_N = 4096
_NC = 2
_NS = 16
_NW = _NC * _NS
_WPB = _NW // _B
_CHUNK = _N // _WPB
_L = 16
_G = 4
_QB = _CHUNK // (_L * _G)

_NEG = -3.4e38


def _sc_chamfer(pos_t, xhat_t, pos_h, xhat_h, nb=_B):
    wpb = _NW // nb
    chunk = _N // wpb
    qb = chunk // (_L * _G)
    mesh = plsc.VectorSubcoreMesh(core_axis_name="c", subcore_axis_name="s")

    @functools.partial(
        pl.kernel,
        mesh=mesh,
        out_type=jax.ShapeDtypeStruct((_NW, _L), jnp.float32),
        scratch_types=[
            pltpu.VMEM((3, _N), jnp.float32),
            pltpu.VMEM((3, _N), jnp.float32),
            pltpu.VMEM((_N,), jnp.float32),
            pltpu.VMEM((_N,), jnp.float32),
            pltpu.VMEM((_L,), jnp.float32),
        ],
    )
    def k(pos_hbm, xhat_hbm, ph_hbm, xh_hbm, out_hbm,
          a_ref, b_ref, ah_ref, bh_ref, o_ref):
        wid = lax.axis_index("s") * _NC + lax.axis_index("c")
        bat = wid // wpb
        chk = wid % wpb
        pltpu.sync_copy(pos_hbm.at[bat], a_ref)
        pltpu.sync_copy(xhat_hbm.at[bat], b_ref)
        pltpu.sync_copy(ph_hbm.at[bat], ah_ref)
        pltpu.sync_copy(xh_hbm.at[bat], bh_ref)

        def one_direction(q_ref, qh_ref, s_ref, sh_ref, acc0):
            def qblock(gb, acc):
                qoff = chk * chunk + gb * (_L * _G)
                qx = [q_ref[0, pl.ds(qoff + i * _L, _L)] for i in range(_G)]
                qy = [q_ref[1, pl.ds(qoff + i * _L, _L)] for i in range(_G)]
                qz = [q_ref[2, pl.ds(qoff + i * _L, _L)] for i in range(_G)]
                qh = [qh_ref[pl.ds(qoff + i * _L, _L)] for i in range(_G)]

                def jloop(j, ms):
                    soff = j * _L
                    sxv = s_ref[0, pl.ds(soff, _L)]
                    syv = s_ref[1, pl.ds(soff, _L)]
                    szv = s_ref[2, pl.ds(soff, _L)]
                    shv = sh_ref[pl.ds(soff, _L)]
                    ms = list(ms)
                    for e in range(_L):
                        sx = sxv[e]
                        sy = syv[e]
                        sz = szv[e]
                        sh = shv[e]
                        for i in range(_G):
                            t = qx[i] * sx + qy[i] * sy + qz[i] * sz
                            ms[i] = jnp.maximum(ms[i], t - sh)
                    return tuple(ms)

                ms = lax.fori_loop(
                    0, _N // _L, jloop,
                    tuple(jnp.full((_L,), _NEG, jnp.float32)
                          for _ in range(_G)))
                for i in range(_G):
                    acc = acc + (qh[i] - ms[i])
                return acc

            return lax.fori_loop(0, qb, qblock, acc0)

        s = one_direction(a_ref, ah_ref, b_ref, bh_ref,
                          jnp.zeros((_L,), jnp.float32))
        s = one_direction(b_ref, bh_ref, a_ref, ah_ref, s)
        o_ref[...] = s + s
        pltpu.sync_copy(o_ref, out_hbm.at[wid])

    return k(pos_t, xhat_t, pos_h, xhat_h)


_TCQ = 1024
_TCKB = _N // _TCQ


def _tc_chamfer(q6, s6, nb):
    def body(q_ref, s_ref, out_ref, cmax_ref):
        b = pl.program_id(0)
        k = pl.program_id(1)

        @pl.when(jnp.logical_and(b == 0, k == 0))
        def _():
            out_ref[0, 0] = jnp.float32(0.0)

        @pl.when(k == 0)
        def _():
            cmax_ref[...] = jnp.full((8, _N), _NEG, jnp.float32)

        q = q_ref[0]
        s = s_ref[0]
        m = (q[:, 0:1] * s[0:1, :] + q[:, 1:2] * s[1:2, :]
             + (q[:, 2:3] * s[2:3, :] + (q[:, 4:5] + s[3:4, :])))
        out_ref[0, 0] += jnp.sum(jnp.max(m, axis=1))
        c = cmax_ref[...]
        for i in range(_TCQ // 8):
            c = jnp.maximum(c, m[i * 8:(i + 1) * 8, :])
        cmax_ref[...] = c

        @pl.when(k == _TCKB - 1)
        def _():
            out_ref[0, 0] += jnp.sum(jnp.max(cmax_ref[...], axis=0))

    return pl.pallas_call(
        body,
        grid=(nb, _TCKB),
        in_specs=[
            pl.BlockSpec((1, _TCQ, 8), lambda b, k: (b, k, 0)),
            pl.BlockSpec((1, 8, _N), lambda b, k: (b, 0, 0)),
        ],
        out_specs=pl.BlockSpec(memory_space=pltpu.SMEM),
        out_shape=jax.ShapeDtypeStruct((1, 1), jnp.float32),
        scratch_shapes=[pltpu.VMEM((8, _N), jnp.float32)],
    )(q6, s6)


def _sc_kernel(pos, x_hat):
    pos_h = 0.5 * jnp.sum(pos * pos, axis=-1)
    xhat_h = 0.5 * jnp.sum(x_hat * x_hat, axis=-1)
    pos_t = jnp.transpose(pos, (0, 2, 1))
    xhat_t = jnp.transpose(x_hat, (0, 2, 1))
    partials = _sc_chamfer(pos_t, xhat_t, pos_h, xhat_h)
    return jnp.sum(partials) * jnp.float32(1.0 / (_B * _N))


_NSC = 1


def kernel(pos, x_hat):
    ntc = _B - _NSC
    pos_h = 0.5 * jnp.sum(pos * pos, axis=-1)
    xhat_h = 0.5 * jnp.sum(x_hat * x_hat, axis=-1)
    ones = jnp.ones((ntc, _N, 1), jnp.float32)
    zeros = jnp.zeros((ntc, _N, 3), jnp.float32)
    q6 = jnp.concatenate(
        [pos[:ntc], ones, -pos_h[:ntc, :, None], zeros], axis=-1)
    s6 = jnp.concatenate(
        [x_hat[:ntc], -xhat_h[:ntc, :, None], ones, zeros], axis=-1)
    s6 = jnp.transpose(s6, (0, 2, 1))
    pos_t = jnp.transpose(pos[ntc:], (0, 2, 1))
    xhat_t = jnp.transpose(x_hat[ntc:], (0, 2, 1))
    partials = _sc_chamfer(pos_t, xhat_t, pos_h[ntc:], xhat_h[ntc:],
                           nb=_NSC)
    msum = _tc_chamfer(q6, s6, ntc)
    return (jnp.sum(partials) - 2.0 * msum[0, 0]) * jnp.float32(
        1.0 / (_B * _N))

# --- scband reference (transcript-rebuilt; emitter-appended) ---
"""Pipeline reference for scband-chamfer-pcc-rate-distortion-loss-44418551775684 (READ-ONLY COPY).

The authoritative reference and input builder live on the scoring server;
editing this copy changes nothing except your own understanding.
"""

import jax, jax.numpy as jnp
import numpy as np


def setup_inputs(seed: int = 0) -> dict:
    key = jax.random.key(seed)
    k1, k2 = jax.random.split(key)
    pos = jax.random.normal(k1, (4, 4096, 3), dtype=jnp.float32)
    x_hat = jax.random.normal(k2, (4, 4096, 3), dtype=jnp.float32)
    return {"pos": pos, "x_hat": x_hat}


def reference(pos, x_hat):
    # chamfer_distance(target['pos'], output['x_hat'], order='b n c')
    # 1-NN search (knnquery_heap with k=1) == argmin over pairwise sq-dists.
    # d[b, i, j] = ||pos[b, i] - x_hat[b, j]||^2
    d = jnp.sum((pos[:, :, None, :] - x_hat[:, None, :, :]) ** 2, axis=-1)
    idx1 = jnp.argmin(d, axis=2)  # [B, N] nearest x_hat point for each pos point
    idx2 = jnp.argmin(d, axis=1)  # [B, M] nearest pos point for each x_hat point
    # gather nearest neighbors (index_points) and recompute sq distances,
    # mirroring the torch code which recomputes dist from gathered points
    nn1 = jnp.take_along_axis(x_hat, idx1[:, :, None], axis=1)  # [B, N, 3]
    nn2 = jnp.take_along_axis(pos, idx2[:, :, None], axis=1)    # [B, M, 3]
    dist1 = jnp.sum((pos - nn1) ** 2, axis=-1)   # [B, N]
    dist2 = jnp.sum((x_hat - nn2) ** 2, axis=-1)  # [B, M]
    rec_loss = dist1.mean() + dist2.mean()
    # no 'likelihoods' in output -> no rate loss; lmbda = {'rec': 1.0, 'bpp': 1.0}
    loss = 1.0 * rec_loss
    return loss

if __name__ == "__main__":
    import jax
    _d = setup_inputs()
    print(jax.jit(kernel)(*tuple(_d.values())))

</pallas_src>

<mosaic_0001>
#map = affine_map<(d0, d1) -> (0, 0, 0)>
#map1 = affine_map<(d0, d1) -> (0, 0)>
module attributes {stable_mosaic.version = 14 : i64} {
  func.func @k(%arg0: i32, %arg1: i32, %arg2: memref<1x3x4096xf32, #tpu.memory_space<hbm>>, %arg3: memref<1x3x4096xf32, #tpu.memory_space<hbm>>, %arg4: memref<1x4096xf32, #tpu.memory_space<hbm>>, %arg5: memref<1x4096xf32, #tpu.memory_space<hbm>>, %arg6: memref<32x16xf32, #tpu.memory_space<hbm>>, %arg7: memref<3x4096xf32, #tpu.memory_space<vmem>>, %arg8: memref<3x4096xf32, #tpu.memory_space<vmem>>, %arg9: memref<4096xf32, #tpu.memory_space<vmem>>, %arg10: memref<4096xf32, #tpu.memory_space<vmem>>, %arg11: memref<16xf32, #tpu.memory_space<vmem>>) attributes {dimension_semantics = [#tpu.dimension_semantics<core_parallel>, #tpu.dimension_semantics<subcore_parallel>], iteration_bounds = array<i64: 2, 16>, scalar_prefetch = 0 : i64, scratch_operands = 5 : i64, tpu.core_type = #tpu.core_type<sc_vector_subcore>, window_params = [{transform_indices = #map}, {transform_indices = #map}, {transform_indices = #map1}, {transform_indices = #map1}, {transform_indices = #map1}]} {
    %mul3A = arith.constant 2 : i32
    %mul3A_0 = arith.muli %arg1, %mul3A : i32
    %add3A = arith.addi %mul3A_0, %arg0 : i32
    %jit3A = arith.constant 32 : i32
    %div3A = arith.divsi %add3A, %jit3A : i32
    %sign3A = arith.constant 0 : i32
    %sign3A_1 = arith.cmpi sgt, %add3A, %sign3A : i32
    %sign3A_2 = arith.extui %sign3A_1 : i1 to i32
    %sign3A_3 = arith.constant 0 : i32
    %sign3A_4 = arith.cmpi slt, %add3A, %sign3A_3 : i32
    %sign3A_5 = arith.extui %sign3A_4 : i1 to i32
    %sign3A_6 = arith.subi %sign3A_2, %sign3A_5 : i32
    %sign3A_7 = arith.constant 0 : i32
    %sign3A_8 = arith.cmpi sgt, %jit3A, %sign3A_7 : i32
    %sign3A_9 = arith.extui %sign3A_8 : i1 to i32
    %sign3A_10 = arith.constant 0 : i32
    %sign3A_11 = arith.cmpi slt, %jit3A, %sign3A_10 : i32
    %sign3A_12 = arith.extui %sign3A_11 : i1 to i32
    %sign3A_13 = arith.subi %sign3A_9, %sign3A_12 : i32
    %ne3A = arith.cmpi ne, %sign3A_6, %sign3A_13 : i32
    %rem3A = arith.remsi %add3A, %jit3A : i32
    %ne3A_14 = arith.constant 0 : i32
    %ne3A_15 = arith.cmpi ne, %rem3A, %ne3A_14 : i32
    %and3A = arith.andi %ne3A, %ne3A_15 : i1
    %sub3A = arith.constant 1 : i32
    %sub3A_16 = arith.subi %div3A, %sub3A : i32
    %select_n3A = arith.select %and3A, %sub3A_16, %div3A : i32
    %jit3A_17 = arith.constant 32 : i32
    %eq3A = arith.constant 0 : i32
    %eq3A_18 = arith.cmpi eq, %jit3A_17, %eq3A : i32
    %jit3A_19 = arith.constant 1 : i32
    %select_n3A_20 = arith.select %eq3A_18, %jit3A_19, %jit3A_17 : i32
    %rem3A_21 = arith.remsi %add3A, %select_n3A_20 : i32
    %ne3A_22 = arith.constant 0 : i32
    %ne3A_23 = arith.cmpi ne, %rem3A_21, %ne3A_22 : i32
    %lt3A = arith.constant 0 : i32
    %lt3A_24 = arith.cmpi slt, %rem3A_21, %lt3A : i32
    %lt3A_25 = arith.constant 0 : i32
    %lt3A_26 = arith.cmpi slt, %select_n3A_20, %lt3A_25 : i32
    %ne3A_27 = arith.xori %lt3A_24, %lt3A_26 : i1
    %and3A_28 = arith.andi %ne3A_27, %ne3A_23 : i1
    %add3A_29 = arith.addi %rem3A_21, %select_n3A_20 : i32
    %select_n3A_30 = arith.select %and3A_28, %add3A_29, %rem3A_21 : i32
    "tpu.region"() ({
      %run_scoped3A = tpu.sem_alloc : memref<!tpu.dma_semaphore, #tpu.memory_space<semaphore_mem>>
      %dma_start3A = arith.constant 0 : i32
      %dma_start3A_47 = arith.constant 0 : i32
      %dma_start3A_48 = tpu.memref_slice %arg2[%select_n3A, %dma_start3A, %dma_start3A_47] : memref<1x3x4096xf32, #tpu.memory_space<hbm>> -> memref<1x3x4096xf32, #tpu.memory_space<hbm>>
      %dma_start3A_49 = tpu.memref_squeeze %dma_start3A_48 : memref<1x3x4096xf32, #tpu.memory_space<hbm>> -> memref<3x4096xf32, #tpu.memory_space<hbm>>
      %dma_start3A_50 = arith.constant 0 : i32
      %dma_start3A_51 = arith.constant 0 : i32
      %dma_start3A_52 = tpu.memref_slice %arg2[%select_n3A, %dma_start3A_50, %dma_start3A_51] : memref<1x3x4096xf32, #tpu.memory_space<hbm>> -> memref<1x3x4096xf32, #tpu.memory_space<hbm>>
      %dma_start3A_53 = tpu.memref_squeeze %dma_start3A_52 : memref<1x3x4096xf32, #tpu.memory_space<hbm>> -> memref<3x4096xf32, #tpu.memory_space<hbm>>
      tpu.enqueue_dma source(%dma_start3A_53 : memref<3x4096xf32, #tpu.memory_space<hbm>>) target(%arg7 : memref<3x4096xf32, #tpu.memory_space<vmem>>) target_semaphore(%run_scoped3A : memref<!tpu.dma_semaphore, #tpu.memory_space<semaphore_mem>>)
      %dma_wait3A = arith.constant 0 : i32
      %dma_wait3A_54 = arith.constant 0 : i32
      %dma_wait3A_55 = tpu.memref_slice %arg2[%select_n3A, %dma_wait3A, %dma_wait3A_54] : memref<1x3x4096xf32, #tpu.memory_space<hbm>> -> memref<1x3x4096xf32, #tpu.memory_space<hbm>>
      %dma_wait3A_56 = tpu.memref_squeeze %dma_wait3A_55 : memref<1x3x4096xf32, #tpu.memory_space<hbm>> -> memref<3x4096xf32, #tpu.memory_space<hbm>>
      %dma_wait3A_57 = arith.constant 0 : i32
      %dma_wait3A_58 = arith.constant 0 : i32
      %dma_wait3A_59 = tpu.memref_slice %arg2[%select_n3A, %dma_wait3A_57, %dma_wait3A_58] : memref<1x3x4096xf32, #tpu.memory_space<hbm>> -> memref<1x3x4096xf32, #tpu.memory_space<hbm>>
      %dma_wait3A_60 = tpu.memref_squeeze %dma_wait3A_59 : memref<1x3x4096xf32, #tpu.memory_space<hbm>> -> memref<3x4096xf32, #tpu.memory_space<hbm>>
      tpu.wait_dma2 semaphore(%run_scoped3A : memref<!tpu.dma_semaphore, #tpu.memory_space<semaphore_mem>>) src(%dma_wait3A_60 : memref<3x4096xf32, #tpu.memory_space<hbm>>) dst(%arg7 : memref<3x4096xf32, #tpu.memory_space<vmem>>)
      tpu.yield
    }) : () -> ()
    "tpu.region"() ({
      %run_scoped3A = tpu.sem_alloc : memref<!tpu.dma_semaphore, #tpu.memory_space<semaphore_mem>>
      %dma_start3A = arith.constant 0 : i32
      %dma_start3A_47 = arith.constant 0 : i32
      %dma_start3A_48 = tpu.memref_slice %arg3[%select_n3A, %dma_start3A, %dma_start3A_47] : memref<1x3x4096xf32, #tpu.memory_space<hbm>> -> memref<1x3x4096xf32, #tpu.memory_space<hbm>>
      %dma_start3A_49 = tpu.memref_squeeze %dma_start3A_48 : memref<1x3x4096xf32, #tpu.memory_space<hbm>> -> memref<3x4096xf32, #tpu.memory_space<hbm>>
      %dma_start3A_50 = arith.constant 0 : i32
      %dma_start3A_51 = arith.constant 0 : i32
      %dma_start3A_52 = tpu.memref_slice %arg3[%select_n3A, %dma_start3A_50, %dma_start3A_51] : memref<1x3x4096xf32, #tpu.memory_space<hbm>> -> memref<1x3x4096xf32, #tpu.memory_space<hbm>>
      %dma_start3A_53 = tpu.memref_squeeze %dma_start3A_52 : memref<1x3x4096xf32, #tpu.memory_space<hbm>> -> memref<3x4096xf32, #tpu.memory_space<hbm>>
      tpu.enqueue_dma source(%dma_start3A_53 : memref<3x4096xf32, #tpu.memory_space<hbm>>) target(%arg8 : memref<3x4096xf32, #tpu.memory_space<vmem>>) target_semaphore(%run_scoped3A : memref<!tpu.dma_semaphore, #tpu.memory_space<semaphore_mem>>)
      %dma_wait3A = arith.constant 0 : i32
      %dma_wait3A_54 = arith.constant 0 : i32
      %dma_wait3A_55 = tpu.memref_slice %arg3[%select_n3A, %dma_wait3A, %dma_wait3A_54] : memref<1x3x4096xf32, #tpu.memory_space<hbm>> -> memref<1x3x4096xf32, #tpu.memory_space<hbm>>
      %dma_wait3A_56 = tpu.memref_squeeze %dma_wait3A_55 : memref<1x3x4096xf32, #tpu.memory_space<hbm>> -> memref<3x4096xf32, #tpu.memory_space<hbm>>
      %dma_wait3A_57 = arith.constant 0 : i32
      %dma_wait3A_58 = arith.constant 0 : i32
      %dma_wait3A_59 = tpu.memref_slice %arg3[%select_n3A, %dma_wait3A_57, %dma_wait3A_58] : memref<1x3x4096xf32, #tpu.memory_space<hbm>> -> memref<1x3x4096xf32, #tpu.memory_space<hbm>>
      %dma_wait3A_60 = tpu.memref_squeeze %dma_wait3A_59 : memref<1x3x4096xf32, #tpu.memory_space<hbm>> -> memref<3x4096xf32, #tpu.memory_space<hbm>>
      tpu.wait_dma2 semaphore(%run_scoped3A : memref<!tpu.dma_semaphore, #tpu.memory_space<semaphore_mem>>) src(%dma_wait3A_60 : memref<3x4096xf32, #tpu.memory_space<hbm>>) dst(%arg8 : memref<3x4096xf32, #tpu.memory_space<vmem>>)
      tpu.yield
    }) : () -> ()
    "tpu.region"() ({
      %run_scoped3A = tpu.sem_alloc : memref<!tpu.dma_semaphore, #tpu.memory_space<semaphore_mem>>
      %dma_start3A = arith.constant 0 : i32
      %dma_start3A_47 = tpu.memref_slice %arg4[%select_n3A, %dma_start3A] : memref<1x4096xf32, #tpu.memory_space<hbm>> -> memref<1x4096xf32, #tpu.memory_space<hbm>>
      %dma_start3A_48 = tpu.memref_squeeze %dma_start3A_47 : memref<1x4096xf32, #tpu.memory_space<hbm>> -> memref<4096xf32, #tpu.memory_space<hbm>>
      %dma_start3A_49 = arith.constant 0 : i32
      %dma_start3A_50 = tpu.memref_slice %arg4[%select_n3A, %dma_start3A_49] : memref<1x4096xf32, #tpu.memory_space<hbm>> -> memref<1x4096xf32, #tpu.memory_space<hbm>>
      %dma_start3A_51 = tpu.memref_squeeze %dma_start3A_50 : memref<1x4096xf32, #tpu.memory_space<hbm>> -> memref<4096xf32, #tpu.memory_space<hbm>>
      tpu.enqueue_dma source(%dma_start3A_51 : memref<4096xf32, #tpu.memory_space<hbm>>) target(%arg9 : memref<4096xf32, #tpu.memory_space<vmem>>) target_semaphore(%run_scoped3A : memref<!tpu.dma_semaphore, #tpu.memory_space<semaphore_mem>>)
      %dma_wait3A = arith.constant 0 : i32
      %dma_wait3A_52 = tpu.memref_slice %arg4[%select_n3A, %dma_wait3A] : memref<1x4096xf32, #tpu.memory_space<hbm>> -> memref<1x4096xf32, #tpu.memory_space<hbm>>
      %dma_wait3A_53 = tpu.memref_squeeze %dma_wait3A_52 : memref<1x4096xf32, #tpu.memory_space<hbm>> -> memref<4096xf32, #tpu.memory_space<hbm>>
      %dma_wait3A_54 = arith.constant 0 : i32
      %dma_wait3A_55 = tpu.memref_slice %arg4[%select_n3A, %dma_wait3A_54] : memref<1x4096xf32, #tpu.memory_space<hbm>> -> memref<1x4096xf32, #tpu.memory_space<hbm>>
      %dma_wait3A_56 = tpu.memref_squeeze %dma_wait3A_55 : memref<1x4096xf32, #tpu.memory_space<hbm>> -> memref<4096xf32, #tpu.memory_space<hbm>>
      tpu.wait_dma2 semaphore(%run_scoped3A : memref<!tpu.dma_semaphore, #tpu.memory_space<semaphore_mem>>) src(%dma_wait3A_56 : memref<4096xf32, #tpu.memory_space<hbm>>) dst(%arg9 : memref<4096xf32, #tpu.memory_space<vmem>>)
      tpu.yield
    }) : () -> ()
    "tpu.region"() ({
      %run_scoped3A = tpu.sem_alloc : memref<!tpu.dma_semaphore, #tpu.memory_space<semaphore_mem>>
      %dma_start3A = arith.constant 0 : i32
      %dma_start3A_47 = tpu.memref_slice %arg5[%select_n3A, %dma_start3A] : memref<1x4096xf32, #tpu.memory_space<hbm>> -> memref<1x4096xf32, #tpu.memory_space<hbm>>
      %dma_start3A_48 = tpu.memref_squeeze %dma_start3A_47 : memref<1x4096xf32, #tpu.memory_space<hbm>> -> memref<4096xf32, #tpu.memory_space<hbm>>
      %dma_start3A_49 = arith.constant 0 : i32
      %dma_start3A_50 = tpu.memref_slice %arg5[%select_n3A, %dma_start3A_49] : memref<1x4096xf32, #tpu.memory_space<hbm>> -> memref<1x4096xf32, #tpu.memory_space<hbm>>
      %dma_start3A_51 = tpu.memref_squeeze %dma_start3A_50 : memref<1x4096xf32, #tpu.memory_space<hbm>> -> memref<4096xf32, #tpu.memory_space<hbm>>
      tpu.enqueue_dma source(%dma_start3A_51 : memref<4096xf32, #tpu.memory_space<hbm>>) target(%arg10 : memref<4096xf32, #tpu.memory_space<vmem>>) target_semaphore(%run_scoped3A : memref<!tpu.dma_semaphore, #tpu.memory_space<semaphore_mem>>)
      %dma_wait3A = arith.constant 0 : i32
      %dma_wait3A_52 = tpu.memref_slice %arg5[%select_n3A, %dma_wait3A] : memref<1x4096xf32, #tpu.memory_space<hbm>> -> memref<1x4096xf32, #tpu.memory_space<hbm>>
      %dma_wait3A_53 = tpu.memref_squeeze %dma_wait3A_52 : memref<1x4096xf32, #tpu.memory_space<hbm>> -> memref<4096xf32, #tpu.memory_space<hbm>>
      %dma_wait3A_54 = arith.constant 0 : i32
      %dma_wait3A_55 = tpu.memref_slice %arg5[%select_n3A, %dma_wait3A_54] : memref<1x4096xf32, #tpu.memory_space<hbm>> -> memref<1x4096xf32, #tpu.memory_space<hbm>>
      %dma_wait3A_56 = tpu.memref_squeeze %dma_wait3A_55 : memref<1x4096xf32, #tpu.memory_space<hbm>> -> memref<4096xf32, #tpu.memory_space<hbm>>
      tpu.wait_dma2 semaphore(%run_scoped3A : memref<!tpu.dma_semaphore, #tpu.memory_space<semaphore_mem>>) src(%dma_wait3A_56 : memref<4096xf32, #tpu.memory_space<hbm>>) dst(%arg10 : memref<4096xf32, #tpu.memory_space<vmem>>)
      tpu.yield
    }) : () -> ()
    %broadcast_in_dim3A = arith.constant 0.000000e+00 : f32
    %broadcast_in_dim3A_31 = vector.broadcast %broadcast_in_dim3A : f32 to vector<16xf32>
    %scan3A = arith.constant 0 : i32
    %scan3A_32 = arith.constant 2 : i32
    %scan3A_33 = arith.addi %scan3A, %scan3A_32 : i32
    %scan3A_34 = arith.constant 1 : i32
    %scan3A_35 = scf.for %scan3A_47 = %scan3A to %scan3A_33 step %scan3A_34 iter_args(%scan3A_48 = %broadcast_in_dim3A_31) -> (vector<16xf32>)  : i32 {
      %mul3A_49 = arith.constant 128 : i32
      %mul3A_50 = arith.muli %select_n3A_30, %mul3A_49 : i32
      %mul3A_51 = arith.constant 64 : i32
      %mul3A_52 = arith.muli %scan3A_47, %mul3A_51 : i32
      %add3A_53 = arith.addi %mul3A_50, %mul3A_52 : i32
      %add3A_54 = arith.constant 0 : i32
      %add3A_55 = arith.addi %add3A_53, %add3A_54 : i32
      %get3A = arith.constant 0 : i32
      %get3A_56 = arith.index_cast %get3A : i32 to index
      %get3A_57 = arith.index_cast %add3A_55 : i32 to index
      %get3A_58 = tpu.vector_load %arg7[%get3A_56, %get3A_57] {strides = array<i32>} : memref<3x4096xf32, #tpu.memory_space<vmem>>, vector<1x16xf32>,
      %get3A_59 = vector.shape_cast %get3A_58 : vector<1x16xf32> to vector<16xf32>
      %add3A_60 = arith.constant 16 : i32
      %add3A_61 = arith.addi %add3A_53, %add3A_60 : i32
      %get3A_62 = arith.constant 0 : i32
      %get3A_63 = arith.index_cast %get3A_62 : i32 to index
      %get3A_64 = arith.index_cast %add3A_61 : i32 to index
      %get3A_65 = tpu.vector_load %arg7[%get3A_63, %get3A_64] {strides = array<i32>} : memref<3x4096xf32, #tpu.memory_space<vmem>>, vector<1x16xf32>,
      %get3A_66 = vector.shape_cast %get3A_65 : vector<1x16xf32> to vector<16xf32>
      %add3A_67 = arith.constant 32 : i32
      %add3A_68 = arith.addi %add3A_53, %add3A_67 : i32
      %get3A_69 = arith.constant 0 : i32
      %get3A_70 = arith.index_cast %get3A_69 : i32 to index
      %get3A_71 = arith.index_cast %add3A_68 : i32 to index
      %get3A_72 = tpu.vector_load %arg7[%get3A_70, %get3A_71] {strides = array<i32>} : memref<3x4096xf32, #tpu.memory_space<vmem>>, vector<1x16xf32>,
      %get3A_73 = vector.shape_cast %get3A_72 : vector<1x16xf32> to vector<16xf32>
      %add3A_74 = arith.constant 48 : i32
      %add3A_75 = arith.addi %add3A_53, %add3A_74 : i32
      %get3A_76 = arith.constant 0 : i32
      %get3A_77 = arith.index_cast %get3A_76 : i32 to index
      %get3A_78 = arith.index_cast %add3A_75 : i32 to index
      %get3A_79 = tpu.vector_load %arg7[%get3A_77, %get3A_78] {strides = array<i32>} : memref<3x4096xf32, #tpu.memory_space<vmem>>, vector<1x16xf32>,
      %get3A_80 = vector.shape_cast %get3A_79 : vector<1x16xf32> to vector<16xf32>
      %add3A_81 = arith.constant 0 : i32
      %add3A_82 = arith.addi %add3A_53, %add3A_81 : i32
      %get3A_83 = arith.constant 1 : i32
      %get3A_84 = arith.index_cast %get3A_83 : i32 to index
      %get3A_85 = arith.index_cast %add3A_82 : i32 to index
      %get3A_86 = tpu.vector_load %arg7[%get3A_84, %get3A_85] {strides = array<i32>} : memref<3x4096xf32, #tpu.memory_space<vmem>>, vector<1x16xf32>,
      %get3A_87 = vector.shape_cast %get3A_86 : vector<1x16xf32> to vector<16xf32>
      %add3A_88 = arith.constant 16 : i32
      %add3A_89 = arith.addi %add3A_53, %add3A_88 : i32
      %get3A_90 = arith.constant 1 : i32
      %get3A_91 = arith.index_cast %get3A_90 : i32 to index
      %get3A_92 = arith.index_cast %add3A_89 : i32 to index
      %get3A_93 = tpu.vector_load %arg7[%get3A_91, %get3A_92] {strides = array<i32>} : memref<3x4096xf32, #tpu.memory_space<vmem>>, vector<1x16xf32>,
      %get3A_94 = vector.shape_cast %get3A_93 : vector<1x16xf32> to vector<16xf32>
      %add3A_95 = arith.constant 32 : i32
      %add3A_96 = arith.addi %add3A_53, %add3A_95 : i32
      %get3A_97 = arith.constant 1 : i32
      %get3A_98 = arith.index_cast %get3A_97 : i32 to index
      %get3A_99 = arith.index_cast %add3A_96 : i32 to index
      %get3A_100 = tpu.vector_load %arg7[%get3A_98, %get3A_99] {strides = array<i32>} : memref<3x4096xf32, #tpu.memory_space<vmem>>, vector<1x16xf32>,
      %get3A_101 = vector.shape_cast %get3A_100 : vector<1x16xf32> to vector<16xf32>
      %add3A_102 = arith.constant 48 : i32
      %add3A_103 = arith.addi %add3A_53, %add3A_102 : i32
      %get3A_104 = arith.constant 1 : i32
      %get3A_105 = arith.index_cast %get3A_104 : i32 to index
      %get3A_106 = arith.index_cast %add3A_103 : i32 to index
      %get3A_107 = tpu.vector_load %arg7[%get3A_105, %get3A_106] {strides = array<i32>} : memref<3x4096xf32, #tpu.memory_space<vmem>>, vector<1x16xf32>,
      %get3A_108 = vector.shape_cast %get3A_107 : vector<1x16xf32> to vector<16xf32>
      %add3A_109 = arith.constant 0 : i32
      %add3A_110 = arith.addi %add3A_53, %add3A_109 : i32
      %get3A_111 = arith.constant 2 : i32
      %get3A_112 = arith.index_cast %get3A_111 : i32 to index
      %get3A_113 = arith.index_cast %add3A_110 : i32 to index
      %get3A_114 = tpu.vector_load %arg7[%get3A_112, %get3A_113] {strides = array<i32>} : memref<3x4096xf32, #tpu.memory_space<vmem>>, vector<1x16xf32>,
      %get3A_115 = vector.shape_cast %get3A_114 : vector<1x16xf32> to vector<16xf32>
      %add3A_116 = arith.constant 16 : i32
      %add3A_117 = arith.addi %add3A_53, %add3A_116 : i32
      %get3A_118 = arith.constant 2 : i32
      %get3A_119 = arith.index_cast %get3A_118 : i32 to index
      %get3A_120 = arith.index_cast %add3A_117 : i32 to index
      %get3A_121 = tpu.vector_load %arg7[%get3A_119, %get3A_120] {strides = array<i32>} : memref<3x4096xf32, #tpu.memory_space<vmem>>, vector<1x16xf32>,
      %get3A_122 = vector.shape_cast %get3A_121 : vector<1x16xf32> to vector<16xf32>
      %add3A_123 = arith.constant 32 : i32
      %add3A_124 = arith.addi %add3A_53, %add3A_123 : i32
      %get3A_125 = arith.constant 2 : i32
      %get3A_126 = arith.index_cast %get3A_125 : i32 to index
      %get3A_127 = arith.index_cast %add3A_124 : i32 to index
      %get3A_128 = tpu.vector_load %arg7[%get3A_126, %get3A_127] {strides = array<i32>} : memref<3x4096xf32, #tpu.memory_space<vmem>>, vector<1x16xf32>,
      %get3A_129 = vector.shape_cast %get3A_128 : vector<1x16xf32> to vector<16xf32>
      %add3A_130 = arith.constant 48 : i32
      %add3A_131 = arith.addi %add3A_53, %add3A_130 : i32
      %get3A_132 = arith.constant 2 : i32
      %get3A_133 = arith.index_cast %get3A_132 : i32 to index
      %get3A_134 = arith.index_cast %add3A_131 : i32 to index
      %get3A_135 = tpu.vector_load %arg7[%get3A_133, %get3A_134] {strides = array<i32>} : memref<3x4096xf32, #tpu.memory_space<vmem>>, vector<1x16xf32>,
      %get3A_136 = vector.shape_cast %get3A_135 : vector<1x16xf32> to vector<16xf32>
      %add3A_137 = arith.constant 0 : i32
      %add3A_138 = arith.addi %add3A_53, %add3A_137 : i32
      %get3A_139 = arith.index_cast %add3A_138 : i32 to index
      %get3A_140 = tpu.vector_load %arg9[%get3A_139] {strides = array<i32>} : memref<4096xf32, #tpu.memory_space<vmem>>, vector<16xf32>,
      %get3A_141 = vector.shape_cast %get3A_140 : vector<16xf32> to vector<16xf32>
      %add3A_142 = arith.constant 16 : i32
      %add3A_143 = arith.addi %add3A_53, %add3A_142 : i32
      %get3A_144 = arith.index_cast %add3A_143 : i32 to index
      %get3A_145 = tpu.vector_load %arg9[%get3A_144] {strides = array<i32>} : memref<4096xf32, #tpu.memory_space<vmem>>, vector<16xf32>,
      %get3A_146 = vector.shape_cast %get3A_145 : vector<16xf32> to vector<16xf32>
      %add3A_147 = arith.constant 32 : i32
      %add3A_148 = arith.addi %add3A_53, %add3A_147 : i32
      %get3A_149 = arith.index_cast %add3A_148 : i32 to index
      %get3A_150 = tpu.vector_load %arg9[%get3A_149] {strides = array<i32>} : memref<4096xf32, #tpu.memory_space<vmem>>, vector<16xf32>,
      %get3A_151 = vector.shape_cast %get3A_150 : vector<16xf32> to vector<16xf32>
      %add3A_152 = arith.constant 48 : i32
      %add3A_153 = arith.addi %add3A_53, %add3A_152 : i32
      %get3A_154 = arith.index_cast %add3A_153 : i32 to index
      %get3A_155 = tpu.vector_load %arg9[%get3A_154] {strides = array<i32>} : memref<4096xf32, #tpu.memory_space<vmem>>, vector<16xf32>,
      %get3A_156 = vector.shape_cast %get3A_155 : vector<16xf32> to vector<16xf32>
      %broadcast_in_dim3A_157 = arith.constant -3.400000e+38 : f32
      %broadcast_in_dim3A_158 = vector.broadcast %broadcast_in_dim3A_157 : f32 to vector<16xf32>
      %broadcast_in_dim3A_159 = arith.constant -3.400000e+38 : f32
      %broadcast_in_dim3A_160 = vector.broadcast %broadcast_in_dim3A_159 : f32 to vector<16xf32>
      %broadcast_in_dim3A_161 = arith.constant -3.400000e+38 : f32
      %broadcast_in_dim3A_162 = vector.broadcast %broadcast_in_dim3A_161 : f32 to vector<16xf32>
      %broadcast_in_dim3A_163 = arith.constant -3.400000e+38 : f32
      %broadcast_in_dim3A_164 = vector.broadcast %broadcast_in_dim3A_163 : f32 to vector<16xf32>
      %scan3A_165 = arith.constant 0 : i32
      %scan3A_166 = arith.constant 256 : i32
      %scan3A_167 = arith.addi %scan3A_165, %scan3A_166 : i32
      %scan3A_168 = arith.constant 1 : i32
      %scan3A_169:4 = scf.for %scan3A_179 = %scan3A_165 to %scan3A_167 step %scan3A_168 iter_args(%scan3A_180 = %broadcast_in_dim3A_158, %scan3A_181 = %broadcast_in_dim3A_160, %scan3A_182 = %broadcast_in_dim3A_162, %scan3A_183 = %broadcast_in_dim3A_164) -> (vector<16xf32>, vector<16xf32>, vector<16xf32>, vector<16xf32>)  : i32 {
        %mul3A_184 = arith.constant 16 : i32
        %mul3A_185 = arith.muli %scan3A_179, %mul3A_184 : i32
        %get3A_186 = arith.constant 0 : i32
        %get3A_187 = arith.index_cast %get3A_186 : i32 to index
        %get3A_188 = arith.index_cast %mul3A_185 : i32 to index
        %get3A_189 = tpu.vector_load %arg8[%get3A_187, %get3A_188] {strides = array<i32>} : memref<3x4096xf32, #tpu.memory_space<vmem>>, vector<1x16xf32>,
        %get3A_190 = vector.shape_cast %get3A_189 : vector<1x16xf32> to vector<16xf32>
        %get3A_191 = arith.constant 1 : i32
        %get3A_192 = arith.index_cast %get3A_191 : i32 to index
        %get3A_193 = arith.index_cast %mul3A_185 : i32 to index
        %get3A_194 = tpu.vector_load %arg8[%get3A_192, %get3A_193] {strides = array<i32>} : memref<3x4096xf32, #tpu.memory_space<vmem>>, vector<1x16xf32>,
        %get3A_195 = vector.shape_cast %get3A_194 : vector<1x16xf32> to vector<16xf32>
        %get3A_196 = arith.constant 2 : i32
        %get3A_197 = arith.index_cast %get3A_196 : i32 to index
        %get3A_198 = arith.index_cast %mul3A_185 : i32 to index
        %get3A_199 = tpu.vector_load %arg8[%get3A_197, %get3A_198] {strides = array<i32>} : memref<3x4096xf32, #tpu.memory_space<vmem>>, vector<1x16xf32>,
        %get3A_200 = vector.shape_cast %get3A_199 : vector<1x16xf32> to vector<16xf32>
        %get3A_201 = arith.index_cast %mul3A_185 : i32 to index
        %get3A_202 = tpu.vector_load %arg10[%get3A_201] {strides = array<i32>} : memref<4096xf32, #tpu.memory_space<vmem>>, vector<16xf32>,
        %get3A_203 = vector.shape_cast %get3A_202 : vector<16xf32> to vector<16xf32>
        %slice3A = vector.extract_strided_slice %get3A_190 {offsets = [0], sizes = [1], strides = [1]} : vector<16xf32> to vector<1xf32>
        %squeeze3A = vector.extract %slice3A[0] : f32 from vector<1xf32>
        %slice3A_204 = vector.extract_strided_slice %get3A_195 {offsets = [0], sizes = [1], strides = [1]} : vector<16xf32> to vector<1xf32>
        %squeeze3A_205 = vector.extract %slice3A_204[0] : f32 from vector<1xf32>
        %slice3A_206 = vector.extract_strided_slice %get3A_200 {offsets = [0], sizes = [1], strides = [1]} : vector<16xf32> to vector<1xf32>
        %squeeze3A_207 = vector.extract %slice3A_206[0] : f32 from vector<1xf32>
        %slice3A_208 = vector.extract_strided_slice %get3A_203 {offsets = [0], sizes = [1], strides = [1]} : vector<16xf32> to vector<1xf32>
        %squeeze3A_209 = vector.extract %slice3A_208[0] : f32 from vector<1xf32>
        %mul3A_210 = vector.broadcast %squeeze3A : f32 to vector<16xf32>
        %mul3A_211 = arith.mulf %get3A_59, %mul3A_210 : vector<16xf32>
        %mul3A_212 = vector.broadcast %squeeze3A_205 : f32 to vector<16xf32>
        %mul3A_213 = arith.mulf %get3A_87, %mul3A_212 : vector<16xf32>
        %add3A_214 = arith.addf %mul3A_211, %mul3A_213 : vector<16xf32>
        %mul3A_215 = vector.broadcast %squeeze3A_207 : f32 to vector<16xf32>
        %mul3A_216 = arith.mulf %get3A_115, %mul3A_215 : vector<16xf32>
        %add3A_217 = arith.addf %add3A_214, %mul3A_216 : vector<16xf32>
        %sub3A_218 = vector.broadcast %squeeze3A_209 : f32 to vector<16xf32>
        %sub3A_219 = arith.subf %add3A_217, %sub3A_218 : vector<16xf32>
        %max3A = arith.maximumf %scan3A_180, %sub3A_219 : vector<16xf32>
        %mul3A_220 = vector.broadcast %squeeze3A : f32 to vector<16xf32>
        %mul3A_221 = arith.mulf %get3A_66, %mul3A_220 : vector<16xf32>
        %mul3A_222 = vector.broadcast %squeeze3A_205 : f32 to vector<16xf32>
        %mul3A_223 = arith.mulf %get3A_94, %mul3A_222 : vector<16xf32>
        %add3A_224 = arith.addf %mul3A_221, %mul3A_223 : vector<16xf32>
        %mul3A_225 = vector.broadcast %squeeze3A_207 : f32 to vector<16xf32>
        %mul3A_226 = arith.mulf %get3A_122, %mul3A_225 : vector<16xf32>
        %add3A_227 = arith.addf %add3A_224, %mul3A_226 : vector<16xf32>
        %sub3A_228 = vector.broadcast %squeeze3A_209 : f32 to vector<16xf32>
        %sub3A_229 = arith.subf %add3A_227, %sub3A_228 : vector<16xf32>
        %max3A_230 = arith.maximumf %scan3A_181, %sub3A_229 : vector<16xf32>
        %mul3A_231 = vector.broadcast %squeeze3A : f32 to vector<16xf32>
        %mul3A_232 = arith.mulf %get3A_73, %mul3A_231 : vector<16xf32>
        %mul3A_233 = vector.broadcast %squeeze3A_205 : f32 to vector<16xf32>
        %mul3A_234 = arith.mulf %get3A_101, %mul3A_233 : vector<16xf32>
        %add3A_235 = arith.addf %mul3A_232, %mul3A_234 : vector<16xf32>
        %mul3A_236 = vector.broadcast %squeeze3A_207 : f32 to vector<16xf32>
        %mul3A_237 = arith.mulf %get3A_129, %mul3A_236 : vector<16xf32>
        %add3A_238 = arith.addf %add3A_235, %mul3A_237 : vector<16xf32>
        %sub3A_239 = vector.broadcast %squeeze3A_209 : f32 to vector<16xf32>
        %sub3A_240 = arith.subf %add3A_238, %sub3A_239 : vector<16xf32>
        %max3A_241 = arith.maximumf %scan3A_182, %sub3A_240 : vector<16xf32>
        %mul3A_242 = vector.broadcast %squeeze3A : f32 to vector<16xf32>
        %mul3A_243 = arith.mulf %get3A_80, %mul3A_242 : vector<16xf32>
        %mul3A_244 = vector.broadcast %squeeze3A_205 : f32 to vector<16xf32>
        %mul3A_245 = arith.mulf %get3A_108, %mul3A_244 : vector<16xf32>
        %add3A_246 = arith.addf %mul3A_243, %mul3A_245 : vector<16xf32>
        %mul3A_247 = vector.broadcast %squeeze3A_207 : f32 to vector<16xf32>
        %mul3A_248 = arith.mulf %get3A_136, %mul3A_247 : vector<16xf32>
        %add3A_249 = arith.addf %add3A_246, %mul3A_248 : vector<16xf32>
        %sub3A_250 = vector.broadcast %squeeze3A_209 : f32 to vector<16xf32>
        %sub3A_251 = arith.subf %add3A_249, %sub3A_250 : vector<16xf32>
        %max3A_252 = arith.maximumf %scan3A_183, %sub3A_251 : vector<16xf32>
        %slice3A_253 = vector.extract_strided_slice %get3A_190 {offsets = [1], sizes = [1], strides = [1]} : vector<16xf32> to vector<1xf32>
        %squeeze3A_254 = vector.extract %slice3A_253[0] : f32 from vector<1xf32>
        %slice3A_255 = vector.extract_strided_slice %get3A_195 {offsets = [1], sizes = [1], strides = [1]} : vector<16xf32> to vector<1xf32>
        %squeeze3A_256 = vector.extract %slice3A_255[0] : f32 from vector<1xf32>
        %slice3A_257 = vector.extract_strided_slice %get3A_200 {offsets = [1], sizes = [1], strides = [1]} : vector<16xf32> to vector<1xf32>
        %squeeze3A_258 = vector.extract %slice3A_257[0] : f32 from vector<1xf32>
        %slice3A_259 = vector.extract_strided_slice %get3A_203 {offsets = [1], sizes = [1], strides = [1]} : vector<16xf32> to vector<1xf32>
        %squeeze3A_260 = vector.extract %slice3A_259[0] : f32 from vector<1xf32>
        %mul3A_261 = vector.broadcast %squeeze3A_254 : f32 to vector<16xf32>
        %mul3A_262 = arith.mulf %get3A_59, %mul3A_261 : vector<16xf32>
        %mul3A_263 = vector.broadcast %squeeze3A_256 : f32 to vector<16xf32>
        %mul3A_264 = arith.mulf %get3A_87, %mul3A_263 : vector<16xf32>
        %add3A_265 = arith.addf %mul3A_262, %mul3A_264 : vector<16xf32>
        %mul3A_266 = vector.broadcast %squeeze3A_258 : f32 to vector<16xf32>
        %mul3A_267 = arith.mulf %get3A_115, %mul3A_266 : vector<16xf32>
        %add3A_268 = arith.addf %add3A_265, %mul3A_267 : vector<16xf32>
        %sub3A_269 = vector.broadcast %squeeze3A_260 : f32 to vector<16xf32>
        %sub3A_270 = arith.subf %add3A_268, %sub3A_269 : vector<16xf32>
        %max3A_271 = arith.maximumf %max3A, %sub3A_270 : vector<16xf32>
        %mul3A_272 = vector.broadcast %squeeze3A_254 : f32 to vector<16xf32>
        %mul3A_273 = arith.mulf %get3A_66, %mul3A_272 : vector<16xf32>
        %mul3A_274 = vector.broadcast %squeeze3A_256 : f32 to vector<16xf32>
        %mul3A_275 = arith.mulf %get3A_94, %mul3A_274 : vector<16xf32>
        %add3A_276 = arith.addf %mul3A_273, %mul3A_275 : vector<16xf32>
        %mul3A_277 = vector.broadcast %squeeze3A_258 : f32 to vector<16xf32>
        %mul3A_278 = arith.mulf %get3A_122, %mul3A_277 : vector<16xf32>
        %add3A_279 = arith.addf %add3A_276, %mul3A_278 : vector<16xf32>
        %sub3A_280 = vector.broadcast %squeeze3A_260 : f32 to vector<16xf32>
        %sub3A_281 = arith.subf %add3A_279, %sub3A_280 : vector<16xf32>
        %max3A_282 = arith.maximumf %max3A_230, %sub3A_281 : vector<16xf32>
        %mul3A_283 = vector.broadcast %squeeze3A_254 : f32 to vector<16xf32>
        %mul3A_284 = arith.mulf %get3A_73, %mul3A_283 : vector<16xf32>
        %mul3A_285 = vector.broadcast %squeeze3A_256 : f32 to vector<16xf32>
        %mul3A_286 = arith.mulf %get3A_101, %mul3A_285 : vector<16xf32>
        %add3A_287 = arith.addf %mul3A_284, %mul3A_286 : vector<16xf32>
        %mul3A_288 = vector.broadcast %squeeze3A_258 : f32 to vector<16xf32>
        %mul3A_289 = arith.mulf %get3A_129, %mul3A_288 : vector<16xf32>
        %add3A_290 = arith.addf %add3A_287, %mul3A_289 : vector<16xf32>
        %sub3A_291 = vector.broadcast %squeeze3A_260 : f32 to vector<16xf32>
        %sub3A_292 = arith.subf %add3A_290, %sub3A_291 : vector<16xf32>
        %max3A_293 = arith.maximumf %max3A_241, %sub3A_292 : vector<16xf32>
        %mul3A_294 = vector.broadcast %squeeze3A_254 : f32 to vector<16xf32>
        %mul3A_295 = arith.mulf %get3A_80, %mul3A_294 : vector<16xf32>
        %mul3A_296 = vector.broadcast %squeeze3A_256 : f32 to vector<16xf32>
        %mul3A_297 = arith.mulf %get3A_108, %mul3A_296 : vector<16xf32>
        %add3A_298 = arith.addf %mul3A_295, %mul3A_297 : vector<16xf32>
        %mul3A_299 = vector.broadcast %squeeze3A_258 : f32 to vector<16xf32>
        %mul3A_300 = arith.mulf %get3A_136, %mul3A_299 : vector<16xf32>
        %add3A_301 = arith.addf %add3A_298, %mul3A_300 : vector<16xf32>
        %sub3A_302 = vector.broadcast %squeeze3A_260 : f32 to vector<16xf32>
        %sub3A_303 = arith.subf %add3A_301, %sub3A_302 : vector<16xf32>
        %max3A_304 = arith.maximumf %max3A_252, %sub3A_303 : vector<16xf32>
        %slice3A_305 = vector.extract_strided_slice %get3A_190 {offsets = [2], sizes = [1], strides = [1]} : vector<16xf32> to vector<1xf32>
        %squeeze3A_306 = vector.extract %slice3A_305[0] : f32 from vector<1xf32>
        %slice3A_307 = vector.extract_strided_slice %get3A_195 {offsets = [2], sizes = [1], strides = [1]} : vector<16xf32> to vector<1xf32>
        %squeeze3A_308 = vector.extract %slice3A_307[0] : f32 from vector<1xf32>
        %slice3A_309 = vector.extract_strided_slice %get3A_200 {offsets = [2], sizes = [1], strides = [1]} : vector<16xf32> to vector<1xf32>
        %squeeze3A_310 = vector.extract %slice3A_309[0] : f32 from vector<1xf32>
        %slice3A_311 = vector.extract_strided_slice %get3A_203 {offsets = [2], sizes = [1], strides = [1]} : vector<16xf32> to vector<1xf32>
        %squeeze3A_312 = vector.extract %slice3A_311[0] : f32 from vector<1xf32>
        %mul3A_313 = vector.broadcast %squeeze3A_306 : f32 to vector<16xf32>
        %mul3A_314 = arith.mulf %get3A_59, %mul3A_313 : vector<16xf32>
        %mul3A_315 = vector.broadcast %squeeze3A_308 : f32 to vector<16xf32>
        %mul3A_316 = arith.mulf %get3A_87, %mul3A_315 : vector<16xf32>
        %add3A_317 = arith.addf %mul3A_314, %mul3A_316 : vector<16xf32>
        %mul3A_318 = vector.broadcast %squeeze3A_310 : f32 to vector<16xf32>
        %mul3A_319 = arith.mulf %get3A_115, %mul3A_318 : vector<16xf32>
        %add3A_320 = arith.addf %add3A_317, %mul3A_319 : vector<16xf32>
        %sub3A_321 = vector.broadcast %squeeze3A_312 : f32 to vector<16xf32>
        %sub3A_322 = arith.subf %add3A_320, %sub3A_321 : vector<16xf32>
        %max3A_323 = arith.maximumf %max3A_271, %sub3A_322 : vector<16xf32>
        %mul3A_324 = vector.broadcast %squeeze3A_306 : f32 to vector<16xf32>
        %mul3A_325 = arith.mulf %get3A_66, %mul3A_324 : vector<16xf32>
        %mul3A_326 = vector.broadcast %squeeze3A_308 : f32 to vector<16xf32>
        %mul3A_327 = arith.mulf %get3A_94, %mul3A_326 : vector<16xf32>
        %add3A_328 = arith.addf %mul3A_325, %mul3A_327 : vector<16xf32>
        %mul3A_329 = vector.broadcast %squeeze3A_310 : f32 to vector<16xf32>
        %mul3A_330 = arith.mulf %get3A_122, %mul3A_329 : vector<16xf32>
        %add3A_331 = arith.addf %add3A_328, %mul3A_330 : vector<16xf32>
        %sub3A_332 = vector.broadcast %squeeze3A_312 : f32 to vector<16xf32>
        %sub3A_333 = arith.subf %add3A_331, %sub3A_332 : vector<16xf32>
        %max3A_334 = arith.maximumf %max3A_282, %sub3A_333 : vector<16xf32>
        %mul3A_335 = vector.broadcast %squeeze3A_306 : f32 to vector<16xf32>
        %mul3A_336 = arith.mulf %get3A_73, %mul3A_335 : vector<16xf32>
        %mul3A_337 = vector.broadcast %squeeze3A_308 : f32 to vector<16xf32>
        %mul3A_338 = arith.mulf %get3A_101, %mul3A_337 : vector<16xf32>
        %add3A_339 = arith.addf %mul3A_336, %mul3A_338 : vector<16xf32>
        %mul3A_340 = vector.broadcast %squeeze3A_310 : f32 to vector<16xf32>
        %mul3A_341 = arith.mulf %get3A_129, %mul3A_340 : vector<16xf32>
        %add3A_342 = arith.addf %add3A_339, %mul3A_341 : vector<16xf32>
        %sub3A_343 = vector.broadcast %squeeze3A_312 : f32 to vector<16xf32>
        %sub3A_344 = arith.subf %add3A_342, %sub3A_343 : vector<16xf32>
        %max3A_345 = arith.maximumf %max3A_293, %sub3A_344 : vector<16xf32>
        %mul3A_346 = vector.broadcast %squeeze3A_306 : f32 to vector<16xf32>
        %mul3A_347 = arith.mulf %get3A_80, %mul3A_346 : vector<16xf32>
        %mul3A_348 = vector.broadcast %squeeze3A_308 : f32 to vector<16xf32>
        %mul3A_349 = arith.mulf %get3A_108, %mul3A_348 : vector<16xf32>
        %add3A_350 = arith.addf %mul3A_347, %mul3A_349 : vector<16xf32>
        %mul3A_351 = vector.broadcast %squeeze3A_310 : f32 to vector<16xf32>
        %mul3A_352 = arith.mulf %get3A_136, %mul3A_351 : vector<16xf32>
        %add3A_353 = arith.addf %add3A_350, %mul3A_352 : vector<16xf32>
        %sub3A_354 = vector.broadcast %squeeze3A_312 : f32 to vector<16xf32>
        %sub3A_355 = arith.subf %add3A_353, %sub3A_354 : vector<16xf32>
        %max3A_356 = arith.maximumf %max3A_304, %sub3A_355 : vector<16xf32>
        %slice3A_357 = vector.extract_strided_slice %get3A_190 {offsets = [3], sizes = [1], strides = [1]} : vector<16xf32> to vector<1xf32>
        %squeeze3A_358 = vector.extract %slice3A_357[0] : f32 from vector<1xf32>
        %slice3A_359 = vector.extract_strided_slice %get3A_195 {offsets = [3], sizes = [1], strides = [1]} : vector<16xf32> to vector<1xf32>
        %squeeze3A_360 = vector.extract %slice3A_359[0] : f32 from vector<1xf32>
        %slice3A_361 = vector.extract_strided_slice %get3A_200 {offsets = [3], sizes = [1], strides = [1]} : vector<16xf32> to vector<1xf32>
        %squeeze3A_362 = vector.extract %slice3A_361[0] : f32 from vector<1xf32>
        %slice3A_363 = vector.extract_strided_slice %get3A_203 {offsets = [3], sizes = [1], strides = [1]} : vector<16xf32> to vector<1xf32>
        %squeeze3A_364 = vector.extract %slice3A_363[0] : f32 from vector<1xf32>
        %mul3A_365 = vector.broadcast %squeeze3A_358 : f32 to vector<16xf32>
        %mul3A_366 = arith.mulf %get3A_59, %mul3A_365 : vector<16xf32>
        %mul3A_367 = vector.broadcast %squeeze3A_360 : f32 to vector<16xf32>
        %mul3A_368 = arith.mulf %get3A_87, %mul3A_367 : vector<16xf32>
        %add3A_369 = arith.addf %mul3A_366, %mul3A_368 : vector<16xf32>
        %mul3A_370 = vector.broadcast %squeeze3A_362 : f32 to vector<16xf32>
        %mul3A_371 = arith.mulf %get3A_115, %mul3A_370 : vector<16xf32>
        %add3A_372 = arith.addf %add3A_369, %mul3A_371 : vector<16xf32>
        %sub3A_373 = vector.broadcast %squeeze3A_364 : f32 to vector<16xf32>
        %sub3A_374 = arith.subf %add3A_372, %sub3A_373 : vector<16xf32>
        %max3A_375 = arith.maximumf %max3A_323, %sub3A_374 : vector<16xf32>
        %mul3A_376 = vector.broadcast %squeeze3A_358 : f32 to vector<16xf32>
        %mul3A_377 = arith.mulf %get3A_66, %mul3A_376 : vector<16xf32>
        %mul3A_378 = vector.broadcast %squeeze3A_360 : f32 to vector<16xf32>
        %mul3A_379 = arith.mulf %get3A_94, %mul3A_378 : vector<16xf32>
        %add3A_380 = arith.addf %mul3A_377, %mul3A_379 : vector<16xf32>
        %mul3A_381 = vector.broadcast %squeeze3A_362 : f32 to vector<16xf32>
        %mul3A_382 = arith.mulf %get3A_122, %mul3A_381 : vector<16xf32>
        %add3A_383 = arith.addf %add3A_380, %mul3A_382 : vector<16xf32>
        %sub3A_384 = vector.broadcast %squeeze3A_364 : f32 to vector<16xf32>
        %sub3A_385 = arith.subf %add3A_383, %sub3A_384 : vector<16xf32>
        %max3A_386 = arith.maximumf %max3A_334, %sub3A_385 : vector<16xf32>
        %mul3A_387 = vector.broadcast %squeeze3A_358 : f32 to vector<16xf32>
        %mul3A_388 = arith.mulf %get3A_73, %mul3A_387 : vector<16xf32>
        %mul3A_389 = vector.broadcast %squeeze3A_360 : f32 to vector<16xf32>
        %mul3A_390 = arith.mulf %get3A_101, %mul3A_389 : vector<16xf32>
        %add3A_391 = arith.addf %mul3A_388, %mul3A_390 : vector<16xf32>
        %mul3A_392 = vector.broadcast %squeeze3A_362 : f32 to vector<16xf32>
        %mul3A_393 = arith.mulf %get3A_129, %mul3A_392 : vector<16xf32>
        %add3A_394 = arith.addf %add3A_391, %mul3A_393 : vector<16xf32>
        %sub3A_395 = vector.broadcast %squeeze3A_364 : f32 to vector<16xf32>
        %sub3A_396 = arith.subf %add3A_394, %sub3A_395 : vector<16xf32>
        %max3A_397 = arith.maximumf %max3A_345, %sub3A_396 : vector<16xf32>
        %mul3A_398 = vector.broadcast %squeeze3A_358 : f32 to vector<16xf32>
        %mul3A_399 = arith.mulf %get3A_80, %mul3A_398 : vector<16xf32>
        %mul3A_400 = vector.broadcast %squeeze3A_360 : f32 to vector<16xf32>
        %mul3A_401 = arith.mulf %get3A_108, %mul3A_400 : vector<16xf32>
        %add3A_402 = arith.addf %mul3A_399, %mul3A_401 : vector<16xf32>
        %mul3A_403 = vector.broadcast %squeeze3A_362 : f32 to vector<16xf32>
        %mul3A_404 = arith.mulf %get3A_136, %mul3A_403 : vector<16xf32>
        %add3A_405 = arith.addf %add3A_402, %mul3A_404 : vector<16xf32>
        %sub3A_406 = vector.broadcast %squeeze3A_364 : f32 to vector<16xf32>
        %sub3A_407 = arith.subf %add3A_405, %sub3A_406 : vector<16xf32>
        %max3A_408 = arith.maximumf %max3A_356, %sub3A_407 : vector<16xf32>
        %slice3A_409 = vector.extract_strided_slice %get3A_190 {offsets = [4], sizes = [1], strides = [1]} : vector<16xf32> to vector<1xf32>
        %squeeze3A_410 = vector.extract %slice3A_409[0] : f32 from vector<1xf32>
        %slice3A_411 = vector.extract_strided_slice %get3A_195 {offsets = [4], sizes = [1], strides = [1]} : vector<16xf32> to vector<1xf32>
        %squeeze3A_412 = vector.extract %slice3A_411[0] : f32 from vector<1xf32>
        %slice3A_413 = vector.extract_strided_slice %get3A_200 {offsets = [4], sizes = [1], strides = [1]} : vector<16xf32> to vector<1xf32>
        %squeeze3A_414 = vector.extract %slice3A_413[0] : f32 from vector<1xf32>
        %slice3A_415 = vector.extract_strided_slice %get3A_203 {offsets = [4], sizes = [1], strides = [1]} : vector<16xf32> to vector<1xf32>
        %squeeze3A_416 = vector.extract %slice3A_415[0] : f32 from vector<1xf32>
        %mul3A_417 = vector.broadcast %squeeze3A_410 : f32 to vector<16xf32>
        %mul3A_418 = arith.mulf %get3A_59, %mul3A_417 : vector<16xf32>
        %mul3A_419 = vector.broadcast %squeeze3A_412 : f32 to vector<16xf32>
        %mul3A_420 = arith.mulf %get3A_87, %mul3A_419 : vector<16xf32>
        %add3A_421 = arith.addf %mul3A_418, %mul3A_420 : vector<16xf32>
        %mul3A_422 = vector.broadcast %squeeze3A_414 : f32 to vector<16xf32>
        %mul3A_423 = arith.mulf %get3A_115, %mul3A_422 : vector<16xf32>
        %add3A_424 = arith.addf %add3A_421, %mul3A_423 : vector<16xf32>
        %sub3A_425 = vector.broadcast %squeeze3A_416 : f32 to vector<16xf32>
        %sub3A_426 = arith.subf %add3A_424, %sub3A_425 : vector<16xf32>
        %max3A_427 = arith.maximumf %max3A_375, %sub3A_426 : vector<16xf32>
        %mul3A_428 = vector.broadcast %squeeze3A_410 : f32 to vector<16xf32>
        %mul3A_429 = arith.mulf %get3A_66, %mul3A_428 : vector<16xf32>
        %mul3A_430 = vector.broadcast %squeeze3A_412 : f32 to vector<16xf32>
        %mul3A_431 = arith.mulf %get3A_94, %mul3A_430 : vector<16xf32>
        %add3A_432 = arith.addf %mul3A_429, %mul3A_431 : vector<16xf32>
        %mul3A_433 = vector.broadcast %squeeze3A_414 : f32 to vector<16xf32>
        %mul3A_434 = arith.mulf %get3A_122, %mul3A_433 : vector<16xf32>
        %add3A_435 = arith.addf %add3A_432, %mul3A_434 : vector<16xf32>
        %sub3A_436 = vector.broadcast %squeeze3A_416 : f32 to vector<16xf32>
        %sub3A_437 = arith.subf %add3A_435, %sub3A_436 : vector<16xf32>
        %max3A_438 = arith.maximumf %max3A_386, %sub3A_437 : vector<16xf32>
        %mul3A_439 = vector.broadcast %squeeze3A_410 : f32 to vector<16xf32>
        %mul3A_440 = arith.mulf %get3A_73, %mul3A_439 : vector<16xf32>
        %mul3A_441 = vector.broadcast %squeeze3A_412 : f32 to vector<16xf32>
        %mul3A_442 = arith.mulf %get3A_101, %mul3A_441 : vector<16xf32>
        %add3A_443 = arith.addf %mul3A_440, %mul3A_442 : vector<16xf32>
        %mul3A_444 = vector.broadcast %squeeze3A_414 : f32 to vector<16xf32>
        %mul3A_445 = arith.mulf %get3A_129, %mul3A_444 : vector<16xf32>
        %add3A_446 = arith.addf %add3A_443, %mul3A_445 : vector<16xf32>
        %sub3A_447 = vector.broadcast %squeeze3A_416 : f32 to vector<16xf32>
        %sub3A_448 = arith.subf %add3A_446, %sub3A_447 : vector<16xf32>
        %max3A_449 = arith.maximumf %max3A_397, %sub3A_448 : vector<16xf32>
        %mul3A_450 = vector.broadcast %squeeze3A_410 : f32 to vector<16xf32>
        %mul3A_451 = arith.mulf %get3A_80, %mul3A_450 : vector<16xf32>
        %mul3A_452 = vector.broadcast %squeeze3A_412 : f32 to vector<16xf32>
        %mul3A_453 = arith.mulf %get3A_108, %mul3A_452 : vector<16xf32>
        %add3A_454 = arith.addf %mul3A_451, %mul3A_453 : vector<16xf32>
        %mul3A_455 = vector.broadcast %squeeze3A_414 : f32 to vector<16xf32>
        %mul3A_456 = arith.mulf %get3A_136, %mul3A_455 : vector<16xf32>
        %add3A_457 = arith.addf %add3A_454, %mul3A_456 : vector<16xf32>
        %sub3A_458 = vector.broadcast %squeeze3A_416 : f32 to vector<16xf32>
        %sub3A_459 = arith.subf %add3A_457, %sub3A_458 : vector<16xf32>
        %max3A_460 = arith.maximumf %max3A_408, %sub3A_459 : vector<16xf32>
        %slice3A_461 = vector.extract_strided_slice %get3A_190 {offsets = [5], sizes = [1], strides = [1]} : vector<16xf32> to vector<1xf32>
        %squeeze3A_462 = vector.extract %slice3A_461[0] : f32 from vector<1xf32>
        %slice3A_463 = vector.extract_strided_slice %get3A_195 {offsets = [5], sizes = [1], strides = [1]} : vector<16xf32> to vector<1xf32>
        %squeeze3A_464 = vector.extract %slice3A_463[0] : f32 from vector<1xf32>
        %slice3A_465 = vector.extract_strided_slice %get3A_200 {offsets = [5], sizes = [1], strides = [1]} : vector<16xf32> to vector<1xf32>
        %squeeze3A_466 = vector.extract %slice3A_465[0] : f32 from vector<1xf32>
        %slice3A_467 = vector.extract_strided_slice %get3A_203 {offsets = [5], sizes = [1], strides = [1]} : vector<16xf32> to vector<1xf32>
        %squeeze3A_468 = vector.extract %slice3A_467[0] : f32 from vector<1xf32>
        %mul3A_469 = vector.broadcast %squeeze3A_462 : f32 to vector<16xf32>
        %mul3A_470 = arith.mulf %get3A_59, %mul3A_469 : vector<16xf32>
        %mul3A_471 = vector.broadcast %squeeze3A_464 : f32 to vector<16xf32>
        %mul3A_472 = arith.mulf %get3A_87, %mul3A_471 : vector<16xf32>
        %add3A_473 = arith.addf %mul3A_470, %mul3A_472 : vector<16xf32>
        %mul3A_474 = vector.broadcast %squeeze3A_466 : f32 to vector<16xf32>
        %mul3A_475 = arith.mulf %get3A_115, %mul3A_474 : vector<16xf32>
        %add3A_476 = arith.addf %add3A_473, %mul3A_475 : vector<16xf32>
        %sub3A_477 = vector.broadcast %squeeze3A_468 : f32 to vector<16xf32>
        %sub3A_478 = arith.subf %add3A_476, %sub3A_477 : vector<16xf32>
        %max3A_479 = arith.maximumf %max3A_427, %sub3A_478 : vector<16xf32>
        %mul3A_480 = vector.broadcast %squeeze3A_462 : f32 to vector<16xf32>
        %mul3A_481 = arith.mulf %get3A_66, %mul3A_480 : vector<16xf32>
        %mul3A_482 = vector.broadcast %squeeze3A_464 : f32 to vector<16xf32>
        %mul3A_483 = arith.mulf %get3A_94, %mul3A_482 : vector<16xf32>
        %add3A_484 = arith.addf %mul3A_481, %mul3A_483 : vector<16xf32>
        %mul3A_485 = vector.broadcast %squeeze3A_466 : f32 to vector<16xf32>
        %mul3A_486 = arith.mulf %get3A_122, %mul3A_485 : vector<16xf32>
        %add3A_487 = arith.addf %add3A_484, %mul3A_486 : vector<16xf32>
        %sub3A_488 = vector.broadcast %squeeze3A_468 : f32 to vector<16xf32>
        %sub3A_489 = arith.subf %add3A_487, %sub3A_488 : vector<16xf32>
        %max3A_490 = arith.maximumf %max3A_438, %sub3A_489 : vector<16xf32>
        %mul3A_491 = vector.broadcast %squeeze3A_462 : f32 to vector<16xf32>
        %mul3A_492 = arith.mulf %get3A_73, %mul3A_491 : vector<16xf32>
        %mul3A_493 = vector.broadcast %squeeze3A_464 : f32 to vector<16xf32>
        %mul3A_494 = arith.mulf %get3A_101, %mul3A_493 : vector<16xf32>
        %add3A_495 = arith.addf %mul3A_492, %mul3A_494 : vector<16xf32>
        %mul3A_496 = vector.broadcast %squeeze3A_466 : f32 to vector<16xf32>
        %mul3A_497 = arith.mulf %get3A_129, %mul3A_496 : vector<16xf32>
        %add3A_498 = arith.addf %add3A_495, %mul3A_497 : vector<16xf32>
        %sub3A_499 = vector.broadcast %squeeze3A_468 : f32 to vector<16xf32>
        %sub3A_500 = arith.subf %add3A_498, %sub3A_499 : vector<16xf32>
        %max3A_501 = arith.maximumf %max3A_449, %sub3A_500 : vector<16xf32>
        %mul3A_502 = vector.broadcast %squeeze3A_462 : f32 to vector<16xf32>
        %mul3A_503 = arith.mulf %get3A_80, %mul3A_502 : vector<16xf32>
        %mul3A_504 = vector.broadcast %squeeze3A_464 : f32 to vector<16xf32>
        %mul3A_505 = arith.mulf %get3A_108, %mul3A_504 : vector<16xf32>
        %add3A_506 = arith.addf %mul3A_503, %mul3A_505 : vector<16xf32>
        %mul3A_507 = vector.broadcast %squeeze3A_466 : f32 to vector<16xf32>
        %mul3A_508 = arith.mulf %get3A_136, %mul3A_507 : vector<16xf32>
        %add3A_509 = arith.addf %add3A_506, %mul3A_508 : vector<16xf32>
        %sub3A_510 = vector.broadcast %squeeze3A_468 : f32 to vector<16xf32>
        %sub3A_511 = arith.subf %add3A_509, %sub3A_510 : vector<16xf32>
        %max3A_512 = arith.maximumf %max3A_460, %sub3A_511 : vector<16xf32>
        %slice3A_513 = vector.extract_strided_slice %get3A_190 {offsets = [6], sizes = [1], strides = [1]} : vector<16xf32> to vector<1xf32>
        %squeeze3A_514 = vector.extract %slice3A_513[0] : f32 from vector<1xf32>
        %slice3A_515 = vector.extract_strided_slice %get3A_195 {offsets = [6], sizes = [1], strides = [1]} : vector<16xf32> to vector<1xf32>
        %squeeze3A_516 = vector.extract %slice3A_515[0] : f32 from vector<1xf32>
        %slice3A_517 = vector.extract_strided_slice %get3A_200 {offsets = [6], sizes = [1], strides = [1]} : vector<16xf32> to vector<1xf32>
        %squeeze3A_518 = vector.extract %slice3A_517[0] : f32 from vector<1xf32>
        %slice3A_519 = vector.extract_strided_slice %get3A_203 {offsets = [6], sizes = [1], strides = [1]} : vector<16xf32> to vector<1xf32>
        %squeeze3A_520 = vector.extract %slice3A_519[0] : f32 from vector<1xf32>
        %mul3A_521 = vector.broadcast %squeeze3A_514 : f32 to vector<16xf32>
        %mul3A_522 = arith.mulf %get3A_59, %mul3A_521 : vector<16xf32>
        %mul3A_523 = vector.broadcast %squeeze3A_516 : f32 to vector<16xf32>
        %mul3A_524 = arith.mulf %get3A_87, %mul3A_523 : vector<16xf32>
        %add3A_525 = arith.addf %mul3A_522, %mul3A_524 : vector<16xf32>
        %mul3A_526 = vector.broadcast %squeeze3A_518 : f32 to vector<16xf32>
        %mul3A_527 = arith.mulf %get3A_115, %mul3A_526 : vector<16xf32>
        %add3A_528 = arith.addf %add3A_525, %mul3A_527 : vector<16xf32>
        %sub3A_529 = vector.broadcast %squeeze3A_520 : f32 to vector<16xf32>
        %sub3A_530 = arith.subf %add3A_528, %sub3A_529 : vector<16xf32>
        %max3A_531 = arith.maximumf %max3A_479, %sub3A_530 : vector<16xf32>
        %mul3A_532 = vector.broadcast %squeeze3A_514 : f32 to vector<16xf32>
        %mul3A_533 = arith.mulf %get3A_66, %mul3A_532 : vector<16xf32>
        %mul3A_534 = vector.broadcast %squeeze3A_516 : f32 to vector<16xf32>
        %mul3A_535 = arith.mulf %get3A_94, %mul3A_534 : vector<16xf32>
        %add3A_536 = arith.addf %mul3A_533, %mul3A_535 : vector<16xf32>
        %mul3A_537 = vector.broadcast %squeeze3A_518 : f32 to vector<16xf32>
        %mul3A_538 = arith.mulf %get3A_122, %mul3A_537 : vector<16xf32>
        %add3A_539 = arith.addf %add3A_536, %mul3A_538 : vector<16xf32>
        %sub3A_540 = vector.broadcast %squeeze3A_520 : f32 to vector<16xf32>
        %sub3A_541 = arith.subf %add3A_539, %sub3A_540 : vector<16xf32>
        %max3A_542 = arith.maximumf %max3A_490, %sub3A_541 : vector<16xf32>
        %mul3A_543 = vector.broadcast %squeeze3A_514 : f32 to vector<16xf32>
        %mul3A_544 = arith.mulf %get3A_73, %mul3A_543 : vector<16xf32>
        %mul3A_545 = vector.broadcast %squeeze3A_516 : f32 to vector<16xf32>
        %mul3A_546 = arith.mulf %get3A_101, %mul3A_545 : vector<16xf32>
        %add3A_547 = arith.addf %mul3A_544, %mul3A_546 : vector<16xf32>
        %mul3A_548 = vector.broadcast %squeeze3A_518 : f32 to vector<16xf32>
        %mul3A_549 = arith.mulf %get3A_129, %mul3A_548 : vector<16xf32>
        %add3A_550 = arith.addf %add3A_547, %mul3A_549 : vector<16xf32>
        %sub3A_551 = vector.broadcast %squeeze3A_520 : f32 to vector<16xf32>
        %sub3A_552 = arith.subf %add3A_550, %sub3A_551 : vector<16xf32>
        %max3A_553 = arith.maximumf %max3A_501, %sub3A_552 : vector<16xf32>
        %mul3A_554 = vector.broadcast %squeeze3A_514 : f32 to vector<16xf32>
        %mul3A_555 = arith.mulf %get3A_80, %mul3A_554 : vector<16xf32>
        %mul3A_556 = vector.broadcast %squeeze3A_516 : f32 to vector<16xf32>
        %mul3A_557 = arith.mulf %get3A_108, %mul3A_556 : vector<16xf32>
        %add3A_558 = arith.addf %mul3A_555, %mul3A_557 : vector<16xf32>
        %mul3A_559 = vector.broadcast %squeeze3A_518 : f32 to vector<16xf32>
        %mul3A_560 = arith.mulf %get3A_136, %mul3A_559 : vector<16xf32>
        %add3A_561 = arith.addf %add3A_558, %mul3A_560 : vector<16xf32>
        %sub3A_562 = vector.broadcast %squeeze3A_520 : f32 to vector<16xf32>
        %sub3A_563 = arith.subf %add3A_561, %sub3A_562 : vector<16xf32>
        %max3A_564 = arith.maximumf %max3A_512, %sub3A_563 : vector<16xf32>
        %slice3A_565 = vector.extract_strided_slice %get3A_190 {offsets = [7], sizes = [1], strides = [1]} : vector<16xf32> to vector<1xf32>
        %squeeze3A_566 = vector.extract %slice3A_565[0] : f32 from vector<1xf32>
        %slice3A_567 = vector.extract_strided_slice %get3A_195 {offsets = [7], sizes = [1], strides = [1]} : vector<16xf32> to vector<1xf32>
        %squeeze3A_568 = vector.extract %slice3A_567[0] : f32 from vector<1xf32>
        %slice3A_569 = vector.extract_strided_slice %get3A_200 {offsets = [7], sizes = [1], strides = [1]} : vector<16xf32> to vector<1xf32>
        %squeeze3A_570 = vector.extract %slice3A_569[0] : f32 from vector<1xf32>
        %slice3A_571 = vector.extract_strided_slice %get3A_203 {offsets = [7], sizes = [1], strides = [1]} : vector<16xf32> to vector<1xf32>
        %squeeze3A_572 = vector.extract %slice3A_571[0] : f32 from vector<1xf32>
        %mul3A_573 = vector.broadcast %squeeze3A_566 : f32 to vector<16xf32>
        %mul3A_574 = arith.mulf %get3A_59, %mul3A_573 : vector<16xf32>
        %mul3A_575 = vector.broadcast %squeeze3A_568 : f32 to vector<16xf32>
        %mul3A_576 = arith.mulf %get3A_87, %mul3A_575 : vector<16xf32>
        %add3A_577 = arith.addf %mul3A_574, %mul3A_576 : vector<16xf32>
        %mul3A_578 = vector.broadcast %squeeze3A_570 : f32 to vector<16xf32>
        %mul3A_579 = arith.mulf %get3A_115, %mul3A_578 : vector<16xf32>
        %add3A_580 = arith.addf %add3A_577, %mul3A_579 : vector<16xf32>
        %sub3A_581 = vector.broadcast %squeeze3A_572 : f32 to vector<16xf32>
        %sub3A_582 = arith.subf %add3A_580, %sub3A_581 : vector<16xf32>
        %max3A_583 = arith.maximumf %max3A_531, %sub3A_582 : vector<16xf32>
        %mul3A_584 = vector.broadcast %squeeze3A_566 : f32 to vector<16xf32>
        %mul3A_585 = arith.mulf %get3A_66, %mul3A_584 : vector<16xf32>
        %mul3A_586 = vector.broadcast %squeeze3A_568 : f32 to vector<16xf32>
        %mul3A_587 = arith.mulf %get3A_94, %mul3A_586 : vector<16xf32>
        %add3A_588 = arith.addf %mul3A_585, %mul3A_587 : vector<16xf32>
        %mul3A_589 = vector.broadcast %squeeze3A_570 : f32 to vector<16xf32>
        %mul3A_590 = arith.mulf %get3A_122, %mul3A_589 : vector<16xf32>
        %add3A_591 = arith.addf %add3A_588, %mul3A_590 : vector<16xf32>
        %sub3A_592 = vector.broadcast %squeeze3A_572 : f32 to vector<16xf32>
        %sub3A_593 = arith.subf %add3A_591, %sub3A_592 : vector<16xf32>
        %max3A_594 = arith.maximumf %max3A_542, %sub3A_593 : vector<16xf32>
        %mul3A_595 = vector.broadcast %squeeze3A_566 : f32 to vector<16xf32>
        %mul3A_596 = arith.mulf %get3A_73, %mul3A_595 : vector<16xf32>
        %mul3A_597 = vector.broadcast %squeeze3A_568 : f32 to vector<16xf32>
        %mul3A_598 = arith.mulf %get3A_101, %mul3A_597 : vector<16xf32>
        %add3A_599 = arith.addf %mul3A_596, %mul3A_598 : vector<16xf32>
        %mul3A_600 = vector.broadcast %squeeze3A_570 : f32 to vector<16xf32>
        %mul3A_601 = arith.mulf %get3A_129, %mul3A_600 : vector<16xf32>
        %add3A_602 = arith.addf %add3A_599, %mul3A_601 : vector<16xf32>
        %sub3A_603 = vector.broadcast %squeeze3A_572 : f32 to vector<16xf32>
        %sub3A_604 = arith.subf %add3A_602, %sub3A_603 : vector<16xf32>
        %max3A_605 = arith.maximumf %max3A_553, %sub3A_604 : vector<16xf32>
        %mul3A_606 = vector.broadcast %squeeze3A_566 : f32 to vector<16xf32>
        %mul3A_607 = arith.mulf %get3A_80, %mul3A_606 : vector<16xf32>
        %mul3A_608 = vector.broadcast %squeeze3A_568 : f32 to vector<16xf32>
        %mul3A_609 = arith.mulf %get3A_108, %mul3A_608 : vector<16xf32>
        %add3A_610 = arith.addf %mul3A_607, %mul3A_609 : vector<16xf32>
        %mul3A_611 = vector.broadcast %squeeze3A_570 : f32 to vector<16xf32>
        %mul3A_612 = arith.mulf %get3A_136, %mul3A_611 : vector<16xf32>
        %add3A_613 = arith.addf %add3A_610, %mul3A_612 : vector<16xf32>
        %sub3A_614 = vector.broadcast %squeeze3A_572 : f32 to vector<16xf32>
        %sub3A_615 = arith.subf %add3A_613, %sub3A_614 : vector<16xf32>
        %max3A_616 = arith.maximumf %max3A_564, %sub3A_615 : vector<16xf32>
        %slice3A_617 = vector.extract_strided_slice %get3A_190 {offsets = [8], sizes = [1], strides = [1]} : vector<16xf32> to vector<1xf32>
        %squeeze3A_618 = vector.extract %slice3A_617[0] : f32 from vector<1xf32>
        %slice3A_619 = vector.extract_strided_slice %get3A_195 {offsets = [8], sizes = [1], strides = [1]} : vector<16xf32> to vector<1xf32>
        %squeeze3A_620 = vector.extract %slice3A_619[0] : f32 from vector<1xf32>
        %slice3A_621 = vector.extract_strided_slice %get3A_200 {offsets = [8], sizes = [1], strides = [1]} : vector<16xf32> to vector<1xf32>
        %squeeze3A_622 = vector.extract %slice3A_621[0] : f32 from vector<1xf32>
        %slice3A_623 = vector.extract_strided_slice %get3A_203 {offsets = [8], sizes = [1], strides = [1]} : vector<16xf32> to vector<1xf32>
        %squeeze3A_624 = vector.extract %slice3A_623[0] : f32 from vector<1xf32>
        %mul3A_625 = vector.broadcast %squeeze3A_618 : f32 to vector<16xf32>
        %mul3A_626 = arith.mulf %get3A_59, %mul3A_625 : vector<16xf32>
        %mul3A_627 = vector.broadcast %squeeze3A_620 : f32 to vector<16xf32>
        %mul3A_628 = arith.mulf %get3A_87, %mul3A_627 : vector<16xf32>
        %add3A_629 = arith.addf %mul3A_626, %mul3A_628 : vector<16xf32>
        %mul3A_630 = vector.broadcast %squeeze3A_622 : f32 to vector<16xf32>
        %mul3A_631 = arith.mulf %get3A_115, %mul3A_630 : vector<16xf32>
        %add3A_632 = arith.addf %add3A_629, %mul3A_631 : vector<16xf32>
        %sub3A_633 = vector.broadcast %squeeze3A_624 : f32 to vector<16xf32>
        %sub3A_634 = arith.subf %add3A_632, %sub3A_633 : vector<16xf32>
        %max3A_635 = arith.maximumf %max3A_583, %sub3A_634 : vector<16xf32>
        %mul3A_636 = vector.broadcast %squeeze3A_618 : f32 to vector<16xf32>
        %mul3A_637 = arith.mulf %get3A_66, %mul3A_636 : vector<16xf32>
        %mul3A_638 = vector.broadcast %squeeze3A_620 : f32 to vector<16xf32>
        %mul3A_639 = arith.mulf %get3A_94, %mul3A_638 : vector<16xf32>
        %add3A_640 = arith.addf %mul3A_637, %mul3A_639 : vector<16xf32>
        %mul3A_641 = vector.broadcast %squeeze3A_622 : f32 to vector<16xf32>
        %mul3A_642 = arith.mulf %get3A_122, %mul3A_641 : vector<16xf32>
        %add3A_643 = arith.addf %add3A_640, %mul3A_642 : vector<16xf32>
        %sub3A_644 = vector.broadcast %squeeze3A_624 : f32 to vector<16xf32>
        %sub3A_645 = arith.subf %add3A_643, %sub3A_644 : vector<16xf32>
        %max3A_646 = arith.maximumf %max3A_594, %sub3A_645 : vector<16xf32>
        %mul3A_647 = vector.broadcast %squeeze3A_618 : f32 to vector<16xf32>
        %mul3A_648 = arith.mulf %get3A_73, %mul3A_647 : vector<16xf32>
        %mul3A_649 = vector.broadcast %squeeze3A_620 : f32 to vector<16xf32>
        %mul3A_650 = arith.mulf %get3A_101, %mul3A_649 : vector<16xf32>
        %add3A_651 = arith.addf %mul3A_648, %mul3A_650 : vector<16xf32>
        %mul3A_652 = vector.broadcast %squeeze3A_622 : f32 to vector<16xf32>
        %mul3A_653 = arith.mulf %get3A_129, %mul3A_652 : vector<16xf32>
        %add3A_654 = arith.addf %add3A_651, %mul3A_653 : vector<16xf32>
        %sub3A_655 = vector.broadcast %squeeze3A_624 : f32 to vector<16xf32>
        %sub3A_656 = arith.subf %add3A_654, %sub3A_655 : vector<16xf32>
        %max3A_657 = arith.maximumf %max3A_605, %sub3A_656 : vector<16xf32>
        %mul3A_658 = vector.broadcast %squeeze3A_618 : f32 to vector<16xf32>
        %mul3A_659 = arith.mulf %get3A_80, %mul3A_658 : vector<16xf32>
        %mul3A_660 = vector.broadcast %squeeze3A_620 : f32 to vector<16xf32>
        %mul3A_661 = arith.mulf %get3A_108, %mul3A_660 : vector<16xf32>
        %add3A_662 = arith.addf %mul3A_659, %mul3A_661 : vector<16xf32>
        %mul3A_663 = vector.broadcast %squeeze3A_622 : f32 to vector<16xf32>
        %mul3A_664 = arith.mulf %get3A_136, %mul3A_663 : vector<16xf32>
        %add3A_665 = arith.addf %add3A_662, %mul3A_664 : vector<16xf32>
        %sub3A_666 = vector.broadcast %squeeze3A_624 : f32 to vector<16xf32>
        %sub3A_667 = arith.subf %add3A_665, %sub3A_666 : vector<16xf32>
        %max3A_668 = arith.maximumf %max3A_616, %sub3A_667 : vector<16xf32>
        %slice3A_669 = vector.extract_strided_slice %get3A_190 {offsets = [9], sizes = [1], strides = [1]} : vector<16xf32> to vector<1xf32>
        %squeeze3A_670 = vector.extract %slice3A_669[0] : f32 from vector<1xf32>
        %slice3A_671 = vector.extract_strided_slice %get3A_195 {offsets = [9], sizes = [1], strides = [1]} : vector<16xf32> to vector<1xf32>
        %squeeze3A_672 = vector.extract %slice3A_671[0] : f32 from vector<1xf32>
        %slice3A_673 = vector.extract_strided_slice %get3A_200 {offsets = [9], sizes = [1], strides = [1]} : vector<16xf32> to vector<1xf32>
        %squeeze3A_674 = vector.extract %slice3A_673[0] : f32 from vector<1xf32>
        %slice3A_675 = vector.extract_strided_slice %get3A_203 {offsets = [9], sizes = [1], strides = [1]} : vector<16xf32> to vector<1xf32>
        %squeeze3A_676 = vector.extract %slice3A_675[0] : f32 from vector<1xf32>
        %mul3A_677 = vector.broadcast %squeeze3A_670 : f32 to vector<16xf32>
        %mul3A_678 = arith.mulf %get3A_59, %mul3A_677 : vector<16xf32>
        %mul3A_679 = vector.broadcast %squeeze3A_672 : f32 to vector<16xf32>
        %mul3A_680 = arith.mulf %get3A_87, %mul3A_679 : vector<16xf32>
        %add3A_681 = arith.addf %mul3A_678, %mul3A_680 : vector<16xf32>
        %mul3A_682 = vector.broadcast %squeeze3A_674 : f32 to vector<16xf32>
        %mul3A_683 = arith.mulf %get3A_115, %mul3A_682 : vector<16xf32>
        %add3A_684 = arith.addf %add3A_681, %mul3A_683 : vector<16xf32>
        %sub3A_685 = vector.broadcast %squeeze3A_676 : f32 to vector<16xf32>
        %sub3A_686 = arith.subf %add3A_684, %sub3A_685 : vector<16xf32>
        %max3A_687 = arith.maximumf %max3A_635, %sub3A_686 : vector<16xf32>
        %mul3A_688 = vector.broadcast %squeeze3A_670 : f32 to vector<16xf32>
        %mul3A_689 = arith.mulf %get3A_66, %mul3A_688 : vector<16xf32>
        %mul3A_690 = vector.broadcast %squeeze3A_672 : f32 to vector<16xf32>
        %mul3A_691 = arith.mulf %get3A_94, %mul3A_690 : vector<16xf32>
        %add3A_692 = arith.addf %mul3A_689, %mul3A_691 : vector<16xf32>
        %mul3A_693 = vector.broadcast %squeeze3A_674 : f32 to vector<16xf32>
        %mul3A_694 = arith.mulf %get3A_122, %mul3A_693 : vector<16xf32>
        %add3A_695 = arith.addf %add3A_692, %mul3A_694 : vector<16xf32>
        %sub3A_696 = vector.broadcast %squeeze3A_676 : f32 to vector<16xf32>
        %sub3A_697 = arith.subf %add3A_695, %sub3A_696 : vector<16xf32>
        %max3A_698 = arith.maximumf %max3A_646, %sub3A_697 : vector<16xf32>
        %mul3A_699 = vector.broadcast %squeeze3A_670 : f32 to vector<16xf32>
        %mul3A_700 = arith.mulf %get3A_73, %mul3A_699 : vector<16xf32>
        %mul3A_701 = vector.broadcast %squeeze3A_672 : f32 to vector<16xf32>
        %mul3A_702 = arith.mulf %get3A_101, %mul3A_701 : vector<16xf32>
        %add3A_703 = arith.addf %mul3A_700, %mul3A_702 : vector<16xf32>
        %mul3A_704 = vector.broadcast %squeeze3A_674 : f32 to vector<16xf32>
        %mul3A_705 = arith.mulf %get3A_129, %mul3A_704 : vector<16xf32>
        %add3A_706 = arith.addf %add3A_703, %mul3A_705 : vector<16xf32>
        %sub3A_707 = vector.broadcast %squeeze3A_676 : f32 to vector<16xf32>
        %sub3A_708 = arith.subf %add3A_706, %sub3A_707 : vector<16xf32>
        %max3A_709 = arith.maximumf %max3A_657, %sub3A_708 : vector<16xf32>
        %mul3A_710 = vector.broadcast %squeeze3A_670 : f32 to vector<16xf32>
        %mul3A_711 = arith.mulf %get3A_80, %mul3A_710 : vector<16xf32>
        %mul3A_712 = vector.broadcast %squeeze3A_672 : f32 to vector<16xf32>
        %mul3A_713 = arith.mulf %get3A_108, %mul3A_712 : vector<16xf32>
        %add3A_714 = arith.addf %mul3A_711, %mul3A_713 : vector<16xf32>
        %mul3A_715 = vector.broadcast %squeeze3A_674 : f32 to vector<16xf32>
        %mul3A_716 = arith.mulf %get3A_136, %mul3A_715 : vector<16xf32>
        %add3A_717 = arith.addf %add3A_714, %mul3A_716 : vector<16xf32>
        %sub3A_718 = vector.broadcast %squeeze3A_676 : f32 to vector<16xf32>
        %sub3A_719 = arith.subf %add3A_717, %sub3A_718 : vector<16xf32>
        %max3A_720 = arith.maximumf %max3A_668, %sub3A_719 : vector<16xf32>
        %slice3A_721 = vector.extract_strided_slice %get3A_190 {offsets = [10], sizes = [1], strides = [1]} : vector<16xf32> to vector<1xf32>
        %squeeze3A_722 = vector.extract %slice3A_721[0] : f32 from vector<1xf32>
        %slice3A_723 = vector.extract_strided_slice %get3A_195 {offsets = [10], sizes = [1], strides = [1]} : vector<16xf32> to vector<1xf32>
        %squeeze3A_724 = vector.extract %slice3A_723[0] : f32 from vector<1xf32>
        %slice3A_725 = vector.extract_strided_slice %get3A_200 {offsets = [10], sizes = [1], strides = [1]} : vector<16xf32> to vector<1xf32>
        %squeeze3A_726 = vector.extract %slice3A_725[0] : f32 from vector<1xf32>
        %slice3A_727 = vector.extract_strided_slice %get3A_203 {offsets = [10], sizes = [1], strides = [1]} : vector<16xf32> to vector<1xf32>
        %squeeze3A_728 = vector.extract %slice3A_727[0] : f32 from vector<1xf32>
        %mul3A_729 = vector.broadcast %squeeze3A_722 : f32 to vector<16xf32>
        %mul3A_730 = arith.mulf %get3A_59, %mul3A_729 : vector<16xf32>
        %mul3A_731 = vector.broadcast %squeeze3A_724 : f32 to vector<16xf32>
        %mul3A_732 = arith.mulf %get3A_87, %mul3A_731 : vector<16xf32>
        %add3A_733 = arith.addf %mul3A_730, %mul3A_732 : vector<16xf32>
        %mul3A_734 = vector.broadcast %squeeze3A_726 : f32 to vector<16xf32>
        %mul3A_735 = arith.mulf %get3A_115, %mul3A_734 : vector<16xf32>
        %add3A_736 = arith.addf %add3A_733, %mul3A_735 : vector<16xf32>
        %sub3A_737 = vector.broadcast %squeeze3A_728 : f32 to vector<16xf32>
        %sub3A_738 = arith.subf %add3A_736, %sub3A_737 : vector<16xf32>
        %max3A_739 = arith.maximumf %max3A_687, %sub3A_738 : vector<16xf32>
        %mul3A_740 = vector.broadcast %squeeze3A_722 : f32 to vector<16xf32>
        %mul3A_741 = arith.mulf %get3A_66, %mul3A_740 : vector<16xf32>
        %mul3A_742 = vector.broadcast %squeeze3A_724 : f32 to vector<16xf32>
        %mul3A_743 = arith.mulf %get3A_94, %mul3A_742 : vector<16xf32>
        %add3A_744 = arith.addf %mul3A_741, %mul3A_743 : vector<16xf32>
        %mul3A_745 = vector.broadcast %squeeze3A_726 : f32 to vector<16xf32>
        %mul3A_746 = arith.mulf %get3A_122, %mul3A_745 : vector<16xf32>
        %add3A_747 = arith.addf %add3A_744, %mul3A_746 : vector<16xf32>
        %sub3A_748 = vector.broadcast %squeeze3A_728 : f32 to vector<16xf32>
        %sub3A_749 = arith.subf %add3A_747, %sub3A_748 : vector<16xf32>
        %max3A_750 = arith.maximumf %max3A_698, %sub3A_749 : vector<16xf32>
        %mul3A_751 = vector.broadcast %squeeze3A_722 : f32 to vector<16xf32>
        %mul3A_752 = arith.mulf %get3A_73, %mul3A_751 : vector<16xf32>
        %mul3A_753 = vector.broadcast %squeeze3A_724 : f32 to vector<16xf32>
        %mul3A_754 = arith.mulf %get3A_101, %mul3A_753 : vector<16xf32>
        %add3A_755 = arith.addf %mul3A_752, %mul3A_754 : vector<16xf32>
        %mul3A_756 = vector.broadcast %squeeze3A_726 : f32 to vector<16xf32>
        %mul3A_757 = arith.mulf %get3A_129, %mul3A_756 : vector<16xf32>
        %add3A_758 = arith.addf %add3A_755, %mul3A_757 : vector<16xf32>
        %sub3A_759 = vector.broadcast %squeeze3A_728 : f32 to vector<16xf32>
        %sub3A_760 = arith.subf %add3A_758, %sub3A_759 : vector<16xf32>
        %max3A_761 = arith.maximumf %max3A_709, %sub3A_760 : vector<16xf32>
        %mul3A_762 = vector.broadcast %squeeze3A_722 : f32 to vector<16xf32>
        %mul3A_763 = arith.mulf %get3A_80, %mul3A_762 : vector<16xf32>
        %mul3A_764 = vector.broadcast %squeeze3A_724 : f32 to vector<16xf32>
        %mul3A_765 = arith.mulf %get3A_108, %mul3A_764 : vector<16xf32>
        %add3A_766 = arith.addf %mul3A_763, %mul3A_765 : vector<16xf32>
        %mul3A_767 = vector.broadcast %squeeze3A_726 : f32 to vector<16xf32>
        %mul3A_768 = arith.mulf %get3A_136, %mul3A_767 : vector<16xf32>
        %add3A_769 = arith.addf %add3A_766, %mul3A_768 : vector<16xf32>
        %sub3A_770 = vector.broadcast %squeeze3A_728 : f32 to vector<16xf32>
        %sub3A_771 = arith.subf %add3A_769, %sub3A_770 : vector<16xf32>
        %max3A_772 = arith.maximumf %max3A_720, %sub3A_771 : vector<16xf32>
        %slice3A_773 = vector.extract_strided_slice %get3A_190 {offsets = [11], sizes = [1], strides = [1]} : vector<16xf32> to vector<1xf32>
        %squeeze3A_774 = vector.extract %slice3A_773[0] : f32 from vector<1xf32>
        %slice3A_775 = vector.extract_strided_slice %get3A_195 {offsets = [11], sizes = [1], strides = [1]} : vector<16xf32> to vector<1xf32>
        %squeeze3A_776 = vector.extract %slice3A_775[0] : f32 from vector<1xf32>
        %slice3A_777 = vector.extract_strided_slice %get3A_200 {offsets = [11], sizes = [1], strides = [1]} : vector<16xf32> to vector<1xf32>
        %squeeze3A_778 = vector.extract %slice3A_777[0] : f32 from vector<1xf32>
        %slice3A_779 = vector.extract_strided_slice %get3A_203 {offsets = [11], sizes = [1], strides = [1]} : vector<16xf32> to vector<1xf32>
        %squeeze3A_780 = vector.extract %slice3A_779[0] : f32 from vector<1xf32>
        %mul3A_781 = vector.broadcast %squeeze3A_774 : f32 to vector<16xf32>
        %mul3A_782 = arith.mulf %get3A_59, %mul3A_781 : vector<16xf32>
        %mul3A_783 = vector.broadcast %squeeze3A_776 : f32 to vector<16xf32>
        %mul3A_784 = arith.mulf %get3A_87, %mul3A_783 : vector<16xf32>
        %add3A_785 = arith.addf %mul3A_782, %mul3A_784 : vector<16xf32>
        %mul3A_786 = vector.broadcast %squeeze3A_778 : f32 to vector<16xf32>
        %mul3A_787 = arith.mulf %get3A_115, %mul3A_786 : vector<16xf32>
        %add3A_788 = arith.addf %add3A_785, %mul3A_787 : vector<16xf32>
        %sub3A_789 = vector.broadcast %squeeze3A_780 : f32 to vector<16xf32>
        %sub3A_790 = arith.subf %add3A_788, %sub3A_789 : vector<16xf32>
        %max3A_791 = arith.maximumf %max3A_739, %sub3A_790 : vector<16xf32>
        %mul3A_792 = vector.broadcast %squeeze3A_774 : f32 to vector<16xf32>
        %mul3A_793 = arith.mulf %get3A_66, %mul3A_792 : vector<16xf32>
        %mul3A_794 = vector.broadcast %squeeze3A_776 : f32 to vector<16xf32>
        %mul3A_795 = arith.mulf %get3A_94, %mul3A_794 : vector<16xf32>
        %add3A_796 = arith.addf %mul3A_793, %mul3A_795 : vector<16xf32>
        %mul3A_797 = vector.broadcast %squeeze3A_778 : f32 to vector<16xf32>
        %mul3A_798 = arith.mulf %get3A_122, %mul3A_797 : vector<16xf32>
        %add3A_799 = arith.addf %add3A_796, %mul3A_798 : vector<16xf32>
        %sub3A_800 = vector.broadcast %squeeze3A_780 : f32 to vector<16xf32>
        %sub3A_801 = arith.subf %add3A_799, %sub3A_800 : vector<16xf32>
        %max3A_802 = arith.maximumf %max3A_750, %sub3A_801 : vector<16xf32>
        %mul3A_803 = vector.broadcast %squeeze3A_774 : f32 to vector<16xf32>
        %mul3A_804 = arith.mulf %get3A_73, %mul3A_803 : vector<16xf32>
        %mul3A_805 = vector.broadcast %squeeze3A_776 : f32 to vector<16xf32>
        %mul3A_806 = arith.mulf %get3A_101, %mul3A_805 : vector<16xf32>
        %add3A_807 = arith.addf %mul3A_804, %mul3A_806 : vector<16xf32>
        %mul3A_808 = vector.broadcast %squeeze3A_778 : f32 to vector<16xf32>
        %mul3A_809 = arith.mulf %get3A_129, %mul3A_808 : vector<16xf32>
        %add3A_810 = arith.addf %add3A_807, %mul3A_809 : vector<16xf32>
        %sub3A_811 = vector.broadcast %squeeze3A_780 : f32 to vector<16xf32>
        %sub3A_812 = arith.subf %add3A_810, %sub3A_811 : vector<16xf32>
        %max3A_813 = arith.maximumf %max3A_761, %sub3A_812 : vector<16xf32>
        %mul3A_814 = vector.broadcast %squeeze3A_774 : f32 to vector<16xf32>
        %mul3A_815 = arith.mulf %get3A_80, %mul3A_814 : vector<16xf32>
        %mul3A_816 = vector.broadcast %squeeze3A_776 : f32 to vector<16xf32>
        %mul3A_817 = arith.mulf %get3A_108, %mul3A_816 : vector<16xf32>
        %add3A_818 = arith.addf %mul3A_815, %mul3A_817 : vector<16xf32>
        %mul3A_819 = vector.broadcast %squeeze3A_778 : f32 to vector<16xf32>
        %mul3A_820 = arith.mulf %get3A_136, %mul3A_819 : vector<16xf32>
        %add3A_821 = arith.addf %add3A_818, %mul3A_820 : vector<16xf32>
        %sub3A_822 = vector.broadcast %squeeze3A_780 : f32 to vector<16xf32>
        %sub3A_823 = arith.subf %add3A_821, %sub3A_822 : vector<16xf32>
        %max3A_824 = arith.maximumf %max3A_772, %sub3A_823 : vector<16xf32>
        %slice3A_825 = vector.extract_strided_slice %get3A_190 {offsets = [12], sizes = [1], strides = [1]} : vector<16xf32> to vector<1xf32>
        %squeeze3A_826 = vector.extract %slice3A_825[0] : f32 from vector<1xf32>
        %slice3A_827 = vector.extract_strided_slice %get3A_195 {offsets = [12], sizes = [1], strides = [1]} : vector<16xf32> to vector<1xf32>
        %squeeze3A_828 = vector.extract %slice3A_827[0] : f32 from vector<1xf32>
        %slice3A_829 = vector.extract_strided_slice %get3A_200 {offsets = [12], sizes = [1], strides = [1]} : vector<16xf32> to vector<1xf32>
        %squeeze3A_830 = vector.extract %slice3A_829[0] : f32 from vector<1xf32>
        %slice3A_831 = vector.extract_strided_slice %get3A_203 {offsets = [12], sizes = [1], strides = [1]} : vector<16xf32> to vector<1xf32>
        %squeeze3A_832 = vector.extract %slice3A_831[0] : f32 from vector<1xf32>
        %mul3A_833 = vector.broadcast %squeeze3A_826 : f32 to vector<16xf32>
        %mul3A_834 = arith.mulf %get3A_59, %mul3A_833 : vector<16xf32>
        %mul3A_835 = vector.broadcast %squeeze3A_828 : f32 to vector<16xf32>
        %mul3A_836 = arith.mulf %get3A_87, %mul3A_835 : vector<16xf32>
        %add3A_837 = arith.addf %mul3A_834, %mul3A_836 : vector<16xf32>
        %mul3A_838 = vector.broadcast %squeeze3A_830 : f32 to vector<16xf32>
        %mul3A_839 = arith.mulf %get3A_115, %mul3A_838 : vector<16xf32>
        %add3A_840 = arith.addf %add3A_837, %mul3A_839 : vector<16xf32>
        %sub3A_841 = vector.broadcast %squeeze3A_832 : f32 to vector<16xf32>
        %sub3A_842 = arith.subf %add3A_840, %sub3A_841 : vector<16xf32>
        %max3A_843 = arith.maximumf %max3A_791, %sub3A_842 : vector<16xf32>
        %mul3A_844 = vector.broadcast %squeeze3A_826 : f32 to vector<16xf32>
        %mul3A_845 = arith.mulf %get3A_66, %mul3A_844 : vector<16xf32>
        %mul3A_846 = vector.broadcast %squeeze3A_828 : f32 to vector<16xf32>
        %mul3A_847 = arith.mulf %get3A_94, %mul3A_846 : vector<16xf32>
        %add3A_848 = arith.addf %mul3A_845, %mul3A_847 : vector<16xf32>
        %mul3A_849 = vector.broadcast %squeeze3A_830 : f32 to vector<16xf32>
        %mul3A_850 = arith.mulf %get3A_122, %mul3A_849 : vector<16xf32>
        %add3A_851 = arith.addf %add3A_848, %mul3A_850 : vector<16xf32>
        %sub3A_852 = vector.broadcast %squeeze3A_832 : f32 to vector<16xf32>
        %sub3A_853 = arith.subf %add3A_851, %sub3A_852 : vector<16xf32>
        %max3A_854 = arith.maximumf %max3A_802, %sub3A_853 : vector<16xf32>
        %mul3A_855 = vector.broadcast %squeeze3A_826 : f32 to vector<16xf32>
        %mul3A_856 = arith.mulf %get3A_73, %mul3A_855 : vector<16xf32>
        %mul3A_857 = vector.broadcast %squeeze3A_828 : f32 to vector<16xf32>
        %mul3A_858 = arith.mulf %get3A_101, %mul3A_857 : vector<16xf32>
        %add3A_859 = arith.addf %mul3A_856, %mul3A_858 : vector<16xf32>
        %mul3A_860 = vector.broadcast %squeeze3A_830 : f32 to vector<16xf32>
        %mul3A_861 = arith.mulf %get3A_129, %mul3A_860 : vector<16xf32>
        %add3A_862 = arith.addf %add3A_859, %mul3A_861 : vector<16xf32>
        %sub3A_863 = vector.broadcast %squeeze3A_832 : f32 to vector<16xf32>
        %sub3A_864 = arith.subf %add3A_862, %sub3A_863 : vector<16xf32>
        %max3A_865 = arith.maximumf %max3A_813, %sub3A_864 : vector<16xf32>
        %mul3A_866 = vector.broadcast %squeeze3A_826 : f32 to vector<16xf32>
        %mul3A_867 = arith.mulf %get3A_80, %mul3A_866 : vector<16xf32>
        %mul3A_868 = vector.broadcast %squeeze3A_828 : f32 to vector<16xf32>
        %mul3A_869 = arith.mulf %get3A_108, %mul3A_868 : vector<16xf32>
        %add3A_870 = arith.addf %mul3A_867, %mul3A_869 : vector<16xf32>
        %mul3A_871 = vector.broadcast %squeeze3A_830 : f32 to vector<16xf32>
        %mul3A_872 = arith.mulf %get3A_136, %mul3A_871 : vector<16xf32>
        %add3A_873 = arith.addf %add3A_870, %mul3A_872 : vector<16xf32>
        %sub3A_874 = vector.broadcast %squeeze3A_832 : f32 to vector<16xf32>
        %sub3A_875 = arith.subf %add3A_873, %sub3A_874 : vector<16xf32>
        %max3A_876 = arith.maximumf %max3A_824, %sub3A_875 : vector<16xf32>
        %slice3A_877 = vector.extract_strided_slice %get3A_190 {offsets = [13], sizes = [1], strides = [1]} : vector<16xf32> to vector<1xf32>
        %squeeze3A_878 = vector.extract %slice3A_877[0] : f32 from vector<1xf32>
        %slice3A_879 = vector.extract_strided_slice %get3A_195 {offsets = [13], sizes = [1], strides = [1]} : vector<16xf32> to vector<1xf32>
        %squeeze3A_880 = vector.extract %slice3A_879[0] : f32 from vector<1xf32>
        %slice3A_881 = vector.extract_strided_slice %get3A_200 {offsets = [13], sizes = [1], strides = [1]} : vector<16xf32> to vector<1xf32>
        %squeeze3A_882 = vector.extract %slice3A_881[0] : f32 from vector<1xf32>
        %slice3A_883 = vector.extract_strided_slice %get3A_203 {offsets = [13], sizes = [1], strides = [1]} : vector<16xf32> to vector<1xf32>
        %squeeze3A_884 = vector.extract %slice3A_883[0] : f32 from vector<1xf32>
        %mul3A_885 = vector.broadcast %squeeze3A_878 : f32 to vector<16xf32>
        %mul3A_886 = arith.mulf %get3A_59, %mul3A_885 : vector<16xf32>
        %mul3A_887 = vector.broadcast %squeeze3A_880 : f32 to vector<16xf32>
        %mul3A_888 = arith.mulf %get3A_87, %mul3A_887 : vector<16xf32>
        %add3A_889 = arith.addf %mul3A_886, %mul3A_888 : vector<16xf32>
        %mul3A_890 = vector.broadcast %squeeze3A_882 : f32 to vector<16xf32>
        %mul3A_891 = arith.mulf %get3A_115, %mul3A_890 : vector<16xf32>
        %add3A_892 = arith.addf %add3A_889, %mul3A_891 : vector<16xf32>
        %sub3A_893 = vector.broadcast %squeeze3A_884 : f32 to vector<16xf32>
        %sub3A_894 = arith.subf %add3A_892, %sub3A_893 : vector<16xf32>
        %max3A_895 = arith.maximumf %max3A_843, %sub3A_894 : vector<16xf32>
        %mul3A_896 = vector.broadcast %squeeze3A_878 : f32 to vector<16xf32>
        %mul3A_897 = arith.mulf %get3A_66, %mul3A_896 : vector<16xf32>
        %mul3A_898 = vector.broadcast %squeeze3A_880 : f32 to vector<16xf32>
        %mul3A_899 = arith.mulf %get3A_94, %mul3A_898 : vector<16xf32>
        %add3A_900 = arith.addf %mul3A_897, %mul3A_899 : vector<16xf32>
        %mul3A_901 = vector.broadcast %squeeze3A_882 : f32 to vector<16xf32>
        %mul3A_902 = arith.mulf %get3A_122, %mul3A_901 : vector<16xf32>
        %add3A_903 = arith.addf %add3A_900, %mul3A_902 : vector<16xf32>
        %sub3A_904 = vector.broadcast %squeeze3A_884 : f32 to vector<16xf32>
        %sub3A_905 = arith.subf %add3A_903, %sub3A_904 : vector<16xf32>
        %max3A_906 = arith.maximumf %max3A_854, %sub3A_905 : vector<16xf32>
        %mul3A_907 = vector.broadcast %squeeze3A_878 : f32 to vector<16xf32>
        %mul3A_908 = arith.mulf %get3A_73, %mul3A_907 : vector<16xf32>
        %mul3A_909 = vector.broadcast %squeeze3A_880 : f32 to vector<16xf32>
        %mul3A_910 = arith.mulf %get3A_101, %mul3A_909 : vector<16xf32>
        %add3A_911 = arith.addf %mul3A_908, %mul3A_910 : vector<16xf32>
        %mul3A_912 = vector.broadcast %squeeze3A_882 : f32 to vector<16xf32>
        %mul3A_913 = arith.mulf %get3A_129, %mul3A_912 : vector<16xf32>
        %add3A_914 = arith.addf %add3A_911, %mul3A_913 : vector<16xf32>
        %sub3A_915 = vector.broadcast %squeeze3A_884 : f32 to vector<16xf32>
        %sub3A_916 = arith.subf %add3A_914, %sub3A_915 : vector<16xf32>
        %max3A_917 = arith.maximumf %max3A_865, %sub3A_916 : vector<16xf32>
        %mul3A_918 = vector.broadcast %squeeze3A_878 : f32 to vector<16xf32>
        %mul3A_919 = arith.mulf %get3A_80, %mul3A_918 : vector<16xf32>
        %mul3A_920 = vector.broadcast %squeeze3A_880 : f32 to vector<16xf32>
        %mul3A_921 = arith.mulf %get3A_108, %mul3A_920 : vector<16xf32>
        %add3A_922 = arith.addf %mul3A_919, %mul3A_921 : vector<16xf32>
        %mul3A_923 = vector.broadcast %squeeze3A_882 : f32 to vector<16xf32>
        %mul3A_924 = arith.mulf %get3A_136, %mul3A_923 : vector<16xf32>
        %add3A_925 = arith.addf %add3A_922, %mul3A_924 : vector<16xf32>
        %sub3A_926 = vector.broadcast %squeeze3A_884 : f32 to vector<16xf32>
        %sub3A_927 = arith.subf %add3A_925, %sub3A_926 : vector<16xf32>
        %max3A_928 = arith.maximumf %max3A_876, %sub3A_927 : vector<16xf32>
        %slice3A_929 = vector.extract_strided_slice %get3A_190 {offsets = [14], sizes = [1], strides = [1]} : vector<16xf32> to vector<1xf32>
        %squeeze3A_930 = vector.extract %slice3A_929[0] : f32 from vector<1xf32>
        %slice3A_931 = vector.extract_strided_slice %get3A_195 {offsets = [14], sizes = [1], strides = [1]} : vector<16xf32> to vector<1xf32>
        %squeeze3A_932 = vector.extract %slice3A_931[0] : f32 from vector<1xf32>
        %slice3A_933 = vector.extract_strided_slice %get3A_200 {offsets = [14], sizes = [1], strides = [1]} : vector<16xf32> to vector<1xf32>
        %squeeze3A_934 = vector.extract %slice3A_933[0] : f32 from vector<1xf32>
        %slice3A_935 = vector.extract_strided_slice %get3A_203 {offsets = [14], sizes = [1], strides = [1]} : vector<16xf32> to vector<1xf32>
        %squeeze3A_936 = vector.extract %slice3A_935[0] : f32 from vector<1xf32>
        %mul3A_937 = vector.broadcast %squeeze3A_930 : f32 to vector<16xf32>
        %mul3A_938 = arith.mulf %get3A_59, %mul3A_937 : vector<16xf32>
        %mul3A_939 = vector.broadcast %squeeze3A_932 : f32 to vector<16xf32>
        %mul3A_940 = arith.mulf %get3A_87, %mul3A_939 : vector<16xf32>
        %add3A_941 = arith.addf %mul3A_938, %mul3A_940 : vector<16xf32>
        %mul3A_942 = vector.broadcast %squeeze3A_934 : f32 to vector<16xf32>
        %mul3A_943 = arith.mulf %get3A_115, %mul3A_942 : vector<16xf32>
        %add3A_944 = arith.addf %add3A_941, %mul3A_943 : vector<16xf32>
        %sub3A_945 = vector.broadcast %squeeze3A_936 : f32 to vector<16xf32>
        %sub3A_946 = arith.subf %add3A_944, %sub3A_945 : vector<16xf32>
        %max3A_947 = arith.maximumf %max3A_895, %sub3A_946 : vector<16xf32>
        %mul3A_948 = vector.broadcast %squeeze3A_930 : f32 to vector<16xf32>
        %mul3A_949 = arith.mulf %get3A_66, %mul3A_948 : vector<16xf32>
        %mul3A_950 = vector.broadcast %squeeze3A_932 : f32 to vector<16xf32>
        %mul3A_951 = arith.mulf %get3A_94, %mul3A_950 : vector<16xf32>
        %add3A_952 = arith.addf %mul3A_949, %mul3A_951 : vector<16xf32>
        %mul3A_953 = vector.broadcast %squeeze3A_934 : f32 to vector<16xf32>
        %mul3A_954 = arith.mulf %get3A_122, %mul3A_953 : vector<16xf32>
        %add3A_955 = arith.addf %add3A_952, %mul3A_954 : vector<16xf32>
        %sub3A_956 = vector.broadcast %squeeze3A_936 : f32 to vector<16xf32>
        %sub3A_957 = arith.subf %add3A_955, %sub3A_956 : vector<16xf32>
        %max3A_958 = arith.maximumf %max3A_906, %sub3A_957 : vector<16xf32>
        %mul3A_959 = vector.broadcast %squeeze3A_930 : f32 to vector<16xf32>
        %mul3A_960 = arith.mulf %get3A_73, %mul3A_959 : vector<16xf32>
        %mul3A_961 = vector.broadcast %squeeze3A_932 : f32 to vector<16xf32>
        %mul3A_962 = arith.mulf %get3A_101, %mul3A_961 : vector<16xf32>
        %add3A_963 = arith.addf %mul3A_960, %mul3A_962 : vector<16xf32>
        %mul3A_964 = vector.broadcast %squeeze3A_934 : f32 to vector<16xf32>
        %mul3A_965 = arith.mulf %get3A_129, %mul3A_964 : vector<16xf32>
        %add3A_966 = arith.addf %add3A_963, %mul3A_965 : vector<16xf32>
        %sub3A_967 = vector.broadcast %squeeze3A_936 : f32 to vector<16xf32>
        %sub3A_968 = arith.subf %add3A_966, %sub3A_967 : vector<16xf32>
        %max3A_969 = arith.maximumf %max3A_917, %sub3A_968 : vector<16xf32>
        %mul3A_970 = vector.broadcast %squeeze3A_930 : f32 to vector<16xf32>
        %mul3A_971 = arith.mulf %get3A_80, %mul3A_970 : vector<16xf32>
        %mul3A_972 = vector.broadcast %squeeze3A_932 : f32 to vector<16xf32>
        %mul3A_973 = arith.mulf %get3A_108, %mul3A_972 : vector<16xf32>
        %add3A_974 = arith.addf %mul3A_971, %mul3A_973 : vector<16xf32>
        %mul3A_975 = vector.broadcast %squeeze3A_934 : f32 to vector<16xf32>
        %mul3A_976 = arith.mulf %get3A_136, %mul3A_975 : vector<16xf32>
        %add3A_977 = arith.addf %add3A_974, %mul3A_976 : vector<16xf32>
        %sub3A_978 = vector.broadcast %squeeze3A_936 : f32 to vector<16xf32>
        %sub3A_979 = arith.subf %add3A_977, %sub3A_978 : vector<16xf32>
        %max3A_980 = arith.maximumf %max3A_928, %sub3A_979 : vector<16xf32>
        %slice3A_981 = vector.extract_strided_slice %get3A_190 {offsets = [15], sizes = [1], strides = [1]} : vector<16xf32> to vector<1xf32>
        %squeeze3A_982 = vector.extract %slice3A_981[0] : f32 from vector<1xf32>
        %slice3A_983 = vector.extract_strided_slice %get3A_195 {offsets = [15], sizes = [1], strides = [1]} : vector<16xf32> to vector<1xf32>
        %squeeze3A_984 = vector.extract %slice3A_983[0] : f32 from vector<1xf32>
        %slice3A_985 = vector.extract_strided_slice %get3A_200 {offsets = [15], sizes = [1], strides = [1]} : vector<16xf32> to vector<1xf32>
        %squeeze3A_986 = vector.extract %slice3A_985[0] : f32 from vector<1xf32>
        %slice3A_987 = vector.extract_strided_slice %get3A_203 {offsets = [15], sizes = [1], strides = [1]} : vector<16xf32> to vector<1xf32>
        %squeeze3A_988 = vector.extract %slice3A_987[0] : f32 from vector<1xf32>
        %mul3A_989 = vector.broadcast %squeeze3A_982 : f32 to vector<16xf32>
        %mul3A_990 = arith.mulf %get3A_59, %mul3A_989 : vector<16xf32>
        %mul3A_991 = vector.broadcast %squeeze3A_984 : f32 to vector<16xf32>
        %mul3A_992 = arith.mulf %get3A_87, %mul3A_991 : vector<16xf32>
        %add3A_993 = arith.addf %mul3A_990, %mul3A_992 : vector<16xf32>
        %mul3A_994 = vector.broadcast %squeeze3A_986 : f32 to vector<16xf32>
        %mul3A_995 = arith.mulf %get3A_115, %mul3A_994 : vector<16xf32>
        %add3A_996 = arith.addf %add3A_993, %mul3A_995 : vector<16xf32>
        %sub3A_997 = vector.broadcast %squeeze3A_988 : f32 to vector<16xf32>
        %sub3A_998 = arith.subf %add3A_996, %sub3A_997 : vector<16xf32>
        %max3A_999 = arith.maximumf %max3A_947, %sub3A_998 : vector<16xf32>
        %mul3A_1000 = vector.broadcast %squeeze3A_982 : f32 to vector<16xf32>
        %mul3A_1001 = arith.mulf %get3A_66, %mul3A_1000 : vector<16xf32>
        %mul3A_1002 = vector.broadcast %squeeze3A_984 : f32 to vector<16xf32>
        %mul3A_1003 = arith.mulf %get3A_94, %mul3A_1002 : vector<16xf32>
        %add3A_1004 = arith.addf %mul3A_1001, %mul3A_1003 : vector<16xf32>
        %mul3A_1005 = vector.broadcast %squeeze3A_986 : f32 to vector<16xf32>
        %mul3A_1006 = arith.mulf %get3A_122, %mul3A_1005 : vector<16xf32>
        %add3A_1007 = arith.addf %add3A_1004, %mul3A_1006 : vector<16xf32>
        %sub3A_1008 = vector.broadcast %squeeze3A_988 : f32 to vector<16xf32>
        %sub3A_1009 = arith.subf %add3A_1007, %sub3A_1008 : vector<16xf32>
        %max3A_1010 = arith.maximumf %max3A_958, %sub3A_1009 : vector<16xf32>
        %mul3A_1011 = vector.broadcast %squeeze3A_982 : f32 to vector<16xf32>
        %mul3A_1012 = arith.mulf %get3A_73, %mul3A_1011 : vector<16xf32>
        %mul3A_1013 = vector.broadcast %squeeze3A_984 : f32 to vector<16xf32>
        %mul3A_1014 = arith.mulf %get3A_101, %mul3A_1013 : vector<16xf32>
        %add3A_1015 = arith.addf %mul3A_1012, %mul3A_1014 : vector<16xf32>
        %mul3A_1016 = vector.broadcast %squeeze3A_986 : f32 to vector<16xf32>
        %mul3A_1017 = arith.mulf %get3A_129, %mul3A_1016 : vector<16xf32>
        %add3A_1018 = arith.addf %add3A_1015, %mul3A_1017 : vector<16xf32>
        %sub3A_1019 = vector.broadcast %squeeze3A_988 : f32 to vector<16xf32>
        %sub3A_1020 = arith.subf %add3A_1018, %sub3A_1019 : vector<16xf32>
        %max3A_1021 = arith.maximumf %max3A_969, %sub3A_1020 : vector<16xf32>
        %mul3A_1022 = vector.broadcast %squeeze3A_982 : f32 to vector<16xf32>
        %mul3A_1023 = arith.mulf %get3A_80, %mul3A_1022 : vector<16xf32>
        %mul3A_1024 = vector.broadcast %squeeze3A_984 : f32 to vector<16xf32>
        %mul3A_1025 = arith.mulf %get3A_108, %mul3A_1024 : vector<16xf32>
        %add3A_1026 = arith.addf %mul3A_1023, %mul3A_1025 : vector<16xf32>
        %mul3A_1027 = vector.broadcast %squeeze3A_986 : f32 to vector<16xf32>
        %mul3A_1028 = arith.mulf %get3A_136, %mul3A_1027 : vector<16xf32>
        %add3A_1029 = arith.addf %add3A_1026, %mul3A_1028 : vector<16xf32>
        %sub3A_1030 = vector.broadcast %squeeze3A_988 : f32 to vector<16xf32>
        %sub3A_1031 = arith.subf %add3A_1029, %sub3A_1030 : vector<16xf32>
        %max3A_1032 = arith.maximumf %max3A_980, %sub3A_1031 : vector<16xf32>
        scf.yield %max3A_999, %max3A_1010, %max3A_1021, %max3A_1032 : vector<16xf32>, vector<16xf32>, vector<16xf32>, vector<16xf32>
      }
      %scan3A_170 = arith.constant 256 : i32
      %sub3A_171 = arith.subf %get3A_141, %scan3A_169#0 : vector<16xf32>
      %add3A_172 = arith.addf %scan3A_48, %sub3A_171 : vector<16xf32>
      %sub3A_173 = arith.subf %get3A_146, %scan3A_169#1 : vector<16xf32>
      %add3A_174 = arith.addf %add3A_172, %sub3A_173 : vector<16xf32>
      %sub3A_175 = arith.subf %get3A_151, %scan3A_169#2 : vector<16xf32>
      %add3A_176 = arith.addf %add3A_174, %sub3A_175 : vector<16xf32>
      %sub3A_177 = arith.subf %get3A_156, %scan3A_169#3 : vector<16xf32>
      %add3A_178 = arith.addf %add3A_176, %sub3A_177 : vector<16xf32>
      scf.yield %add3A_178 : vector<16xf32>
    }
    %scan3A_36 = arith.constant 2 : i32
    %scan3A_37 = arith.constant 0 : i32
    %scan3A_38 = arith.constant 2 : i32
    %scan3A_39 = arith.addi %scan3A_37, %scan3A_38 : i32
    %scan3A_40 = arith.constant 1 : i32
    %scan3A_41 = scf.for %scan3A_47 = %scan3A_37 to %scan3A_39 step %scan3A_40 iter_args(%scan3A_48 = %scan3A_35) -> (vector<16xf32>)  : i32 {
      %mul3A_49 = arith.constant 128 : i32
      %mul3A_50 = arith.muli %select_n3A_30, %mul3A_49 : i32
      %mul3A_51 = arith.constant 64 : i32
      %mul3A_52 = arith.muli %scan3A_47, %mul3A_51 : i32
      %add3A_53 = arith.addi %mul3A_50, %mul3A_52 : i32
      %add3A_54 = arith.constant 0 : i32
      %add3A_55 = arith.addi %add3A_53, %add3A_54 : i32
      %get3A = arith.constant 0 : i32
      %get3A_56 = arith.index_cast %get3A : i32 to index
      %get3A_57 = arith.index_cast %add3A_55 : i32 to index
      %get3A_58 = tpu.vector_load %arg8[%get3A_56, %get3A_57] {strides = array<i32>} : memref<3x4096xf32, #tpu.memory_space<vmem>>, vector<1x16xf32>,
      %get3A_59 = vector.shape_cast %get3A_58 : vector<1x16xf32> to vector<16xf32>
      %add3A_60 = arith.constant 16 : i32
      %add3A_61 = arith.addi %add3A_53, %add3A_60 : i32
      %get3A_62 = arith.constant 0 : i32
      %get3A_63 = arith.index_cast %get3A_62 : i32 to index
      %get3A_64 = arith.index_cast %add3A_61 : i32 to index
      %get3A_65 = tpu.vector_load %arg8[%get3A_63, %get3A_64] {strides = array<i32>} : memref<3x4096xf32, #tpu.memory_space<vmem>>, vector<1x16xf32>,
      %get3A_66 = vector.shape_cast %get3A_65 : vector<1x16xf32> to vector<16xf32>
      %add3A_67 = arith.constant 32 : i32
      %add3A_68 = arith.addi %add3A_53, %add3A_67 : i32
      %get3A_69 = arith.constant 0 : i32
      %get3A_70 = arith.index_cast %get3A_69 : i32 to index
      %get3A_71 = arith.index_cast %add3A_68 : i32 to index
      %get3A_72 = tpu.vector_load %arg8[%get3A_70, %get3A_71] {strides = array<i32>} : memref<3x4096xf32, #tpu.memory_space<vmem>>, vector<1x16xf32>,
      %get3A_73 = vector.shape_cast %get3A_72 : vector<1x16xf32> to vector<16xf32>
      %add3A_74 = arith.constant 48 : i32
      %add3A_75 = arith.addi %add3A_53, %add3A_74 : i32
      %get3A_76 = arith.constant 0 : i32
      %get3A_77 = arith.index_cast %get3A_76 : i32 to index
      %get3A_78 = arith.index_cast %add3A_75 : i32 to index
      %get3A_79 = tpu.vector_load %arg8[%get3A_77, %get3A_78] {strides = array<i32>} : memref<3x4096xf32, #tpu.memory_space<vmem>>, vector<1x16xf32>,
      %get3A_80 = vector.shape_cast %get3A_79 : vector<1x16xf32> to vector<16xf32>
      %add3A_81 = arith.constant 0 : i32
      %add3A_82 = arith.addi %add3A_53, %add3A_81 : i32
      %get3A_83 = arith.constant 1 : i32
      %get3A_84 = arith.index_cast %get3A_83 : i32 to index
      %get3A_85 = arith.index_cast %add3A_82 : i32 to index
      %get3A_86 = tpu.vector_load %arg8[%get3A_84, %get3A_85] {strides = array<i32>} : memref<3x4096xf32, #tpu.memory_space<vmem>>, vector<1x16xf32>,
      %get3A_87 = vector.shape_cast %get3A_86 : vector<1x16xf32> to vector<16xf32>
      %add3A_88 = arith.constant 16 : i32
      %add3A_89 = arith.addi %add3A_53, %add3A_88 : i32
      %get3A_90 = arith.constant 1 : i32
      %get3A_91 = arith.index_cast %get3A_90 : i32 to index
      %get3A_92 = arith.index_cast %add3A_89 : i32 to index
      %get3A_93 = tpu.vector_load %arg8[%get3A_91, %get3A_92] {strides = array<i32>} : memref<3x4096xf32, #tpu.memory_space<vmem>>, vector<1x16xf32>,
      %get3A_94 = vector.shape_cast %get3A_93 : vector<1x16xf32> to vector<16xf32>
      %add3A_95 = arith.constant 32 : i32
      %add3A_96 = arith.addi %add3A_53, %add3A_95 : i32
      %get3A_97 = arith.constant 1 : i32
      %get3A_98 = arith.index_cast %get3A_97 : i32 to index
      %get3A_99 = arith.index_cast %add3A_96 : i32 to index
      %get3A_100 = tpu.vector_load %arg8[%get3A_98, %get3A_99] {strides = array<i32>} : memref<3x4096xf32, #tpu.memory_space<vmem>>, vector<1x16xf32>,
      %get3A_101 = vector.shape_cast %get3A_100 : vector<1x16xf32> to vector<16xf32>
      %add3A_102 = arith.constant 48 : i32
      %add3A_103 = arith.addi %add3A_53, %add3A_102 : i32
      %get3A_104 = arith.constant 1 : i32
      %get3A_105 = arith.index_cast %get3A_104 : i32 to index
      %get3A_106 = arith.index_cast %add3A_103 : i32 to index
      %get3A_107 = tpu.vector_load %arg8[%get3A_105, %get3A_106] {strides = array<i32>} : memref<3x4096xf32, #tpu.memory_space<vmem>>, vector<1x16xf32>,
      %get3A_108 = vector.shape_cast %get3A_107 : vector<1x16xf32> to vector<16xf32>
      %add3A_109 = arith.constant 0 : i32
      %add3A_110 = arith.addi %add3A_53, %add3A_109 : i32
      %get3A_111 = arith.constant 2 : i32
      %get3A_112 = arith.index_cast %get3A_111 : i32 to index
      %get3A_113 = arith.index_cast %add3A_110 : i32 to index
      %get3A_114 = tpu.vector_load %arg8[%get3A_112, %get3A_113] {strides = array<i32>} : memref<3x4096xf32, #tpu.memory_space<vmem>>, vector<1x16xf32>,
      %get3A_115 = vector.shape_cast %get3A_114 : vector<1x16xf32> to vector<16xf32>
      %add3A_116 = arith.constant 16 : i32
      %add3A_117 = arith.addi %add3A_53, %add3A_116 : i32
      %get3A_118 = arith.constant 2 : i32
      %get3A_119 = arith.index_cast %get3A_118 : i32 to index
      %get3A_120 = arith.index_cast %add3A_117 : i32 to index
      %get3A_121 = tpu.vector_load %arg8[%get3A_119, %get3A_120] {strides = array<i32>} : memref<3x4096xf32, #tpu.memory_space<vmem>>, vector<1x16xf32>,
      %get3A_122 = vector.shape_cast %get3A_121 : vector<1x16xf32> to vector<16xf32>
      %add3A_123 = arith.constant 32 : i32
      %add3A_124 = arith.addi %add3A_53, %add3A_123 : i32
      %get3A_125 = arith.constant 2 : i32
      %get3A_126 = arith.index_cast %get3A_125 : i32 to index
      %get3A_127 = arith.index_cast %add3A_124 : i32 to index
      %get3A_128 = tpu.vector_load %arg8[%get3A_126, %get3A_127] {strides = array<i32>} : memref<3x4096xf32, #tpu.memory_space<vmem>>, vector<1x16xf32>,
      %get3A_129 = vector.shape_cast %get3A_128 : vector<1x16xf32> to vector<16xf32>
      %add3A_130 = arith.constant 48 : i32
      %add3A_131 = arith.addi %add3A_53, %add3A_130 : i32
      %get3A_132 = arith.constant 2 : i32
      %get3A_133 = arith.index_cast %get3A_132 : i32 to index
      %get3A_134 = arith.index_cast %add3A_131 : i32 to index
      %get3A_135 = tpu.vector_load %arg8[%get3A_133, %get3A_134] {strides = array<i32>} : memref<3x4096xf32, #tpu.memory_space<vmem>>, vector<1x16xf32>,
      %get3A_136 = vector.shape_cast %get3A_135 : vector<1x16xf32> to vector<16xf32>
      %add3A_137 = arith.constant 0 : i32
      %add3A_138 = arith.addi %add3A_53, %add3A_137 : i32
      %get3A_139 = arith.index_cast %add3A_138 : i32 to index
      %get3A_140 = tpu.vector_load %arg10[%get3A_139] {strides = array<i32>} : memref<4096xf32, #tpu.memory_space<vmem>>, vector<16xf32>,
      %get3A_141 = vector.shape_cast %get3A_140 : vector<16xf32> to vector<16xf32>
      %add3A_142 = arith.constant 16 : i32
      %add3A_143 = arith.addi %add3A_53, %add3A_142 : i32
      %get3A_144 = arith.index_cast %add3A_143 : i32 to index
      %get3A_145 = tpu.vector_load %arg10[%get3A_144] {strides = array<i32>} : memref<4096xf32, #tpu.memory_space<vmem>>, vector<16xf32>,
      %get3A_146 = vector.shape_cast %get3A_145 : vector<16xf32> to vector<16xf32>
      %add3A_147 = arith.constant 32 : i32
      %add3A_148 = arith.addi %add3A_53, %add3A_147 : i32
      %get3A_149 = arith.index_cast %add3A_148 : i32 to index
      %get3A_150 = tpu.vector_load %arg10[%get3A_149] {strides = array<i32>} : memref<4096xf32, #tpu.memory_space<vmem>>, vector<16xf32>,
      %get3A_151 = vector.shape_cast %get3A_150 : vector<16xf32> to vector<16xf32>
      %add3A_152 = arith.constant 48 : i32
      %add3A_153 = arith.addi %add3A_53, %add3A_152 : i32
      %get3A_154 = arith.index_cast %add3A_153 : i32 to index
      %get3A_155 = tpu.vector_load %arg10[%get3A_154] {strides = array<i32>} : memref<4096xf32, #tpu.memory_space<vmem>>, vector<16xf32>,
      %get3A_156 = vector.shape_cast %get3A_155 : vector<16xf32> to vector<16xf32>
      %broadcast_in_dim3A_157 = arith.constant -3.400000e+38 : f32
      %broadcast_in_dim3A_158 = vector.broadcast %broadcast_in_dim3A_157 : f32 to vector<16xf32>
      %broadcast_in_dim3A_159 = arith.constant -3.400000e+38 : f32
      %broadcast_in_dim3A_160 = vector.broadcast %broadcast_in_dim3A_159 : f32 to vector<16xf32>
      %broadcast_in_dim3A_161 = arith.constant -3.400000e+38 : f32
      %broadcast_in_dim3A_162 = vector.broadcast %broadcast_in_dim3A_161 : f32 to vector<16xf32>
      %broadcast_in_dim3A_163 = arith.constant -3.400000e+38 : f32
      %broadcast_in_dim3A_164 = vector.broadcast %broadcast_in_dim3A_163 : f32 to vector<16xf32>
      %scan3A_165 = arith.constant 0 : i32
      %scan3A_166 = arith.constant 256 : i32
      %scan3A_167 = arith.addi %scan3A_165, %scan3A_166 : i32
      %scan3A_168 = arith.constant 1 : i32
      %scan3A_169:4 = scf.for %scan3A_179 = %scan3A_165 to %scan3A_167 step %scan3A_168 iter_args(%scan3A_180 = %broadcast_in_dim3A_158, %scan3A_181 = %broadcast_in_dim3A_160, %scan3A_182 = %broadcast_in_dim3A_162, %scan3A_183 = %broadcast_in_dim3A_164) -> (vector<16xf32>, vector<16xf32>, vector<16xf32>, vector<16xf32>)  : i32 {
        %mul3A_184 = arith.constant 16 : i32
        %mul3A_185 = arith.muli %scan3A_179, %mul3A_184 : i32
        %get3A_186 = arith.constant 0 : i32
        %get3A_187 = arith.index_cast %get3A_186 : i32 to index
        %get3A_188 = arith.index_cast %mul3A_185 : i32 to index
        %get3A_189 = tpu.vector_load %arg7[%get3A_187, %get3A_188] {strides = array<i32>} : memref<3x4096xf32, #tpu.memory_space<vmem>>, vector<1x16xf32>,
        %get3A_190 = vector.shape_cast %get3A_189 : vector<1x16xf32> to vector<16xf32>
        %get3A_191 = arith.constant 1 : i32
        %get3A_192 = arith.index_cast %get3A_191 : i32 to index
        %get3A_193 = arith.index_cast %mul3A_185 : i32 to index
        %get3A_194 = tpu.vector_load %arg7[%get3A_192, %get3A_193] {strides = array<i32>} : memref<3x4096xf32, #tpu.memory_space<vmem>>, vector<1x16xf32>,
        %get3A_195 = vector.shape_cast %get3A_194 : vector<1x16xf32> to vector<16xf32>
        %get3A_196 = arith.constant 2 : i32
        %get3A_197 = arith.index_cast %get3A_196 : i32 to index
        %get3A_198 = arith.index_cast %mul3A_185 : i32 to index
        %get3A_199 = tpu.vector_load %arg7[%get3A_197, %get3A_198] {strides = array<i32>} : memref<3x4096xf32, #tpu.memory_space<vmem>>, vector<1x16xf32>,
        %get3A_200 = vector.shape_cast %get3A_199 : vector<1x16xf32> to vector<16xf32>
        %get3A_201 = arith.index_cast %mul3A_185 : i32 to index
        %get3A_202 = tpu.vector_load %arg9[%get3A_201] {strides = array<i32>} : memref<4096xf32, #tpu.memory_space<vmem>>, vector<16xf32>,
        %get3A_203 = vector.shape_cast %get3A_202 : vector<16xf32> to vector<16xf32>
        %slice3A = vector.extract_strided_slice %get3A_190 {offsets = [0], sizes = [1], strides = [1]} : vector<16xf32> to vector<1xf32>
        %squeeze3A = vector.extract %slice3A[0] : f32 from vector<1xf32>
        %slice3A_204 = vector.extract_strided_slice %get3A_195 {offsets = [0], sizes = [1], strides = [1]} : vector<16xf32> to vector<1xf32>
        %squeeze3A_205 = vector.extract %slice3A_204[0] : f32 from vector<1xf32>
        %slice3A_206 = vector.extract_strided_slice %get3A_200 {offsets = [0], sizes = [1], strides = [1]} : vector<16xf32> to vector<1xf32>
        %squeeze3A_207 = vector.extract %slice3A_206[0] : f32 from vector<1xf32>
        %slice3A_208 = vector.extract_strided_slice %get3A_203 {offsets = [0], sizes = [1], strides = [1]} : vector<16xf32> to vector<1xf32>
        %squeeze3A_209 = vector.extract %slice3A_208[0] : f32 from vector<1xf32>
        %mul3A_210 = vector.broadcast %squeeze3A : f32 to vector<16xf32>
        %mul3A_211 = arith.mulf %get3A_59, %mul3A_210 : vector<16xf32>
        %mul3A_212 = vector.broadcast %squeeze3A_205 : f32 to vector<16xf32>
        %mul3A_213 = arith.mulf %get3A_87, %mul3A_212 : vector<16xf32>
        %add3A_214 = arith.addf %mul3A_211, %mul3A_213 : vector<16xf32>
        %mul3A_215 = vector.broadcast %squeeze3A_207 : f32 to vector<16xf32>
        %mul3A_216 = arith.mulf %get3A_115, %mul3A_215 : vector<16xf32>
        %add3A_217 = arith.addf %add3A_214, %mul3A_216 : vector<16xf32>
        %sub3A_218 = vector.broadcast %squeeze3A_209 : f32 to vector<16xf32>
        %sub3A_219 = arith.subf %add3A_217, %sub3A_218 : vector<16xf32>
        %max3A = arith.maximumf %scan3A_180, %sub3A_219 : vector<16xf32>
        %mul3A_220 = vector.broadcast %squeeze3A : f32 to vector<16xf32>
        %mul3A_221 = arith.mulf %get3A_66, %mul3A_220 : vector<16xf32>
        %mul3A_222 = vector.broadcast %squeeze3A_205 : f32 to vector<16xf32>
        %mul3A_223 = arith.mulf %get3A_94, %mul3A_222 : vector<16xf32>
        %add3A_224 = arith.addf %mul3A_221, %mul3A_223 : vector<16xf32>
        %mul3A_225 = vector.broadcast %squeeze3A_207 : f32 to vector<16xf32>
        %mul3A_226 = arith.mulf %get3A_122, %mul3A_225 : vector<16xf32>
        %add3A_227 = arith.addf %add3A_224, %mul3A_226 : vector<16xf32>
        %sub3A_228 = vector.broadcast %squeeze3A_209 : f32 to vector<16xf32>
        %sub3A_229 = arith.subf %add3A_227, %sub3A_228 : vector<16xf32>
        %max3A_230 = arith.maximumf %scan3A_181, %sub3A_229 : vector<16xf32>
        %mul3A_231 = vector.broadcast %squeeze3A : f32 to vector<16xf32>
        %mul3A_232 = arith.mulf %get3A_73, %mul3A_231 : vector<16xf32>
        %mul3A_233 = vector.broadcast %squeeze3A_205 : f32 to vector<16xf32>
        %mul3A_234 = arith.mulf %get3A_101, %mul3A_233 : vector<16xf32>
        %add3A_235 = arith.addf %mul3A_232, %mul3A_234 : vector<16xf32>
        %mul3A_236 = vector.broadcast %squeeze3A_207 : f32 to vector<16xf32>
        %mul3A_237 = arith.mulf %get3A_129, %mul3A_236 : vector<16xf32>
        %add3A_238 = arith.addf %add3A_235, %mul3A_237 : vector<16xf32>
        %sub3A_239 = vector.broadcast %squeeze3A_209 : f32 to vector<16xf32>
        %sub3A_240 = arith.subf %add3A_238, %sub3A_239 : vector<16xf32>
        %max3A_241 = arith.maximumf %scan3A_182, %sub3A_240 : vector<16xf32>
        %mul3A_242 = vector.broadcast %squeeze3A : f32 to vector<16xf32>
        %mul3A_243 = arith.mulf %get3A_80, %mul3A_242 : vector<16xf32>
        %mul3A_244 = vector.broadcast %squeeze3A_205 : f32 to vector<16xf32>
        %mul3A_245 = arith.mulf %get3A_108, %mul3A_244 : vector<16xf32>
        %add3A_246 = arith.addf %mul3A_243, %mul3A_245 : vector<16xf32>
        %mul3A_247 = vector.broadcast %squeeze3A_207 : f32 to vector<16xf32>
        %mul3A_248 = arith.mulf %get3A_136, %mul3A_247 : vector<16xf32>
        %add3A_249 = arith.addf %add3A_246, %mul3A_248 : vector<16xf32>
        %sub3A_250 = vector.broadcast %squeeze3A_209 : f32 to vector<16xf32>
        %sub3A_251 = arith.subf %add3A_249, %sub3A_250 : vector<16xf32>
        %max3A_252 = arith.maximumf %scan3A_183, %sub3A_251 : vector<16xf32>
        %slice3A_253 = vector.extract_strided_slice %get3A_190 {offsets = [1], sizes = [1], strides = [1]} : vector<16xf32> to vector<1xf32>
        %squeeze3A_254 = vector.extract %slice3A_253[0] : f32 from vector<1xf32>
        %slice3A_255 = vector.extract_strided_slice %get3A_195 {offsets = [1], sizes = [1], strides = [1]} : vector<16xf32> to vector<1xf32>
        %squeeze3A_256 = vector.extract %slice3A_255[0] : f32 from vector<1xf32>
        %slice3A_257 = vector.extract_strided_slice %get3A_200 {offsets = [1], sizes = [1], strides = [1]} : vector<16xf32> to vector<1xf32>
        %squeeze3A_258 = vector.extract %slice3A_257[0] : f32 from vector<1xf32>
        %slice3A_259 = vector.extract_strided_slice %get3A_203 {offsets = [1], sizes = [1], strides = [1]} : vector<16xf32> to vector<1xf32>
        %squeeze3A_260 = vector.extract %slice3A_259[0] : f32 from vector<1xf32>
        %mul3A_261 = vector.broadcast %squeeze3A_254 : f32 to vector<16xf32>
        %mul3A_262 = arith.mulf %get3A_59, %mul3A_261 : vector<16xf32>
        %mul3A_263 = vector.broadcast %squeeze3A_256 : f32 to vector<16xf32>
        %mul3A_264 = arith.mulf %get3A_87, %mul3A_263 : vector<16xf32>
        %add3A_265 = arith.addf %mul3A_262, %mul3A_264 : vector<16xf32>
        %mul3A_266 = vector.broadcast %squeeze3A_258 : f32 to vector<16xf32>
        %mul3A_267 = arith.mulf %get3A_115, %mul3A_266 : vector<16xf32>
        %add3A_268 = arith.addf %add3A_265, %mul3A_267 : vector<16xf32>
        %sub3A_269 = vector.broadcast %squeeze3A_260 : f32 to vector<16xf32>
        %sub3A_270 = arith.subf %add3A_268, %sub3A_269 : vector<16xf32>
        %max3A_271 = arith.maximumf %max3A, %sub3A_270 : vector<16xf32>
        %mul3A_272 = vector.broadcast %squeeze3A_254 : f32 to vector<16xf32>
        %mul3A_273 = arith.mulf %get3A_66, %mul3A_272 : vector<16xf32>
        %mul3A_274 = vector.broadcast %squeeze3A_256 : f32 to vector<16xf32>
        %mul3A_275 = arith.mulf %get3A_94, %mul3A_274 : vector<16xf32>
        %add3A_276 = arith.addf %mul3A_273, %mul3A_275 : vector<16xf32>
        %mul3A_277 = vector.broadcast %squeeze3A_258 : f32 to vector<16xf32>
        %mul3A_278 = arith.mulf %get3A_122, %mul3A_277 : vector<16xf32>
        %add3A_279 = arith.addf %add3A_276, %mul3A_278 : vector<16xf32>
        %sub3A_280 = vector.broadcast %squeeze3A_260 : f32 to vector<16xf32>
        %sub3A_281 = arith.subf %add3A_279, %sub3A_280 : vector<16xf32>
        %max3A_282 = arith.maximumf %max3A_230, %sub3A_281 : vector<16xf32>
        %mul3A_283 = vector.broadcast %squeeze3A_254 : f32 to vector<16xf32>
        %mul3A_284 = arith.mulf %get3A_73, %mul3A_283 : vector<16xf32>
        %mul3A_285 = vector.broadcast %squeeze3A_256 : f32 to vector<16xf32>
        %mul3A_286 = arith.mulf %get3A_101, %mul3A_285 : vector<16xf32>
        %add3A_287 = arith.addf %mul3A_284, %mul3A_286 : vector<16xf32>
        %mul3A_288 = vector.broadcast %squeeze3A_258 : f32 to vector<16xf32>
        %mul3A_289 = arith.mulf %get3A_129, %mul3A_288 : vector<16xf32>
        %add3A_290 = arith.addf %add3A_287, %mul3A_289 : vector<16xf32>
        %sub3A_291 = vector.broadcast %squeeze3A_260 : f32 to vector<16xf32>
        %sub3A_292 = arith.subf %add3A_290, %sub3A_291 : vector<16xf32>
        %max3A_293 = arith.maximumf %max3A_241, %sub3A_292 : vector<16xf32>
        %mul3A_294 = vector.broadcast %squeeze3A_254 : f32 to vector<16xf32>
        %mul3A_295 = arith.mulf %get3A_80, %mul3A_294 : vector<16xf32>
        %mul3A_296 = vector.broadcast %squeeze3A_256 : f32 to vector<16xf32>
        %mul3A_297 = arith.mulf %get3A_108, %mul3A_296 : vector<16xf32>
        %add3A_298 = arith.addf %mul3A_295, %mul3A_297 : vector<16xf32>
        %mul3A_299 = vector.broadcast %squeeze3A_258 : f32 to vector<16xf32>
        %mul3A_300 = arith.mulf %get3A_136, %mul3A_299 : vector<16xf32>
        %add3A_301 = arith.addf %add3A_298, %mul3A_300 : vector<16xf32>
        %sub3A_302 = vector.broadcast %squeeze3A_260 : f32 to vector<16xf32>
        %sub3A_303 = arith.subf %add3A_301, %sub3A_302 : vector<16xf32>
        %max3A_304 = arith.maximumf %max3A_252, %sub3A_303 : vector<16xf32>
        %slice3A_305 = vector.extract_strided_slice %get3A_190 {offsets = [2], sizes = [1], strides = [1]} : vector<16xf32> to vector<1xf32>
        %squeeze3A_306 = vector.extract %slice3A_305[0] : f32 from vector<1xf32>
        %slice3A_307 = vector.extract_strided_slice %get3A_195 {offsets = [2], sizes = [1], strides = [1]} : vector<16xf32> to vector<1xf32>
        %squeeze3A_308 = vector.extract %slice3A_307[0] : f32 from vector<1xf32>
        %slice3A_309 = vector.extract_strided_slice %get3A_200 {offsets = [2], sizes = [1], strides = [1]} : vector<16xf32> to vector<1xf32>
        %squeeze3A_310 = vector.extract %slice3A_309[0] : f32 from vector<1xf32>
        %slice3A_311 = vector.extract_strided_slice %get3A_203 {offsets = [2], sizes = [1], strides = [1]} : vector<16xf32> to vector<1xf32>
        %squeeze3A_312 = vector.extract %slice3A_311[0] : f32 from vector<1xf32>
        %mul3A_313 = vector.broadcast %squeeze3A_306 : f32 to vector<16xf32>
        %mul3A_314 = arith.mulf %get3A_59, %mul3A_313 : vector<16xf32>
        %mul3A_315 = vector.broadcast %squeeze3A_308 : f32 to vector<16xf32>
        %mul3A_316 = arith.mulf %get3A_87, %mul3A_315 : vector<16xf32>
        %add3A_317 = arith.addf %mul3A_314, %mul3A_316 : vector<16xf32>
        %mul3A_318 = vector.broadcast %squeeze3A_310 : f32 to vector<16xf32>
        %mul3A_319 = arith.mulf %get3A_115, %mul3A_318 : vector<16xf32>
        %add3A_320 = arith.addf %add3A_317, %mul3A_319 : vector<16xf32>
        %sub3A_321 = vector.broadcast %squeeze3A_312 : f32 to vector<16xf32>
        %sub3A_322 = arith.subf %add3A_320, %sub3A_321 : vector<16xf32>
        %max3A_323 = arith.maximumf %max3A_271, %sub3A_322 : vector<16xf32>
        %mul3A_324 = vector.broadcast %squeeze3A_306 : f32 to vector<16xf32>
        %mul3A_325 = arith.mulf %get3A_66, %mul3A_324 : vector<16xf32>
        %mul3A_326 = vector.broadcast %squeeze3A_308 : f32 to vector<16xf32>
        %mul3A_327 = arith.mulf %get3A_94, %mul3A_326 : vector<16xf32>
        %add3A_328 = arith.addf %mul3A_325, %mul3A_327 : vector<16xf32>
        %mul3A_329 = vector.broadcast %squeeze3A_310 : f32 to vector<16xf32>
        %mul3A_330 = arith.mulf %get3A_122, %mul3A_329 : vector<16xf32>
        %add3A_331 = arith.addf %add3A_328, %mul3A_330 : vector<16xf32>
        %sub3A_332 = vector.broadcast %squeeze3A_312 : f32 to vector<16xf32>
        %sub3A_333 = arith.subf %add3A_331, %sub3A_332 : vector<16xf32>
        %max3A_334 = arith.maximumf %max3A_282, %sub3A_333 : vector<16xf32>
        %mul3A_335 = vector.broadcast %squeeze3A_306 : f32 to vector<16xf32>
        %mul3A_336 = arith.mulf %get3A_73, %mul3A_335 : vector<16xf32>
        %mul3A_337 = vector.broadcast %squeeze3A_308 : f32 to vector<16xf32>
        %mul3A_338 = arith.mulf %get3A_101, %mul3A_337 : vector<16xf32>
        %add3A_339 = arith.addf %mul3A_336, %mul3A_338 : vector<16xf32>
        %mul3A_340 = vector.broadcast %squeeze3A_310 : f32 to vector<16xf32>
        %mul3A_341 = arith.mulf %get3A_129, %mul3A_340 : vector<16xf32>
        %add3A_342 = arith.addf %add3A_339, %mul3A_341 : vector<16xf32>
        %sub3A_343 = vector.broadcast %squeeze3A_312 : f32 to vector<16xf32>
        %sub3A_344 = arith.subf %add3A_342, %sub3A_343 : vector<16xf32>
        %max3A_345 = arith.maximumf %max3A_293, %sub3A_344 : vector<16xf32>
        %mul3A_346 = vector.broadcast %squeeze3A_306 : f32 to vector<16xf32>
        %mul3A_347 = arith.mulf %get3A_80, %mul3A_346 : vector<16xf32>
        %mul3A_348 = vector.broadcast %squeeze3A_308 : f32 to vector<16xf32>
        %mul3A_349 = arith.mulf %get3A_108, %mul3A_348 : vector<16xf32>
        %add3A_350 = arith.addf %mul3A_347, %mul3A_349 : vector<16xf32>
        %mul3A_351 = vector.broadcast %squeeze3A_310 : f32 to vector<16xf32>
        %mul3A_352 = arith.mulf %get3A_136, %mul3A_351 : vector<16xf32>
        %add3A_353 = arith.addf %add3A_350, %mul3A_352 : vector<16xf32>
        %sub3A_354 = vector.broadcast %squeeze3A_312 : f32 to vector<16xf32>
        %sub3A_355 = arith.subf %add3A_353, %sub3A_354 : vector<16xf32>
        %max3A_356 = arith.maximumf %max3A_304, %sub3A_355 : vector<16xf32>
        %slice3A_357 = vector.extract_strided_slice %get3A_190 {offsets = [3], sizes = [1], strides = [1]} : vector<16xf32> to vector<1xf32>
        %squeeze3A_358 = vector.extract %slice3A_357[0] : f32 from vector<1xf32>
        %slice3A_359 = vector.extract_strided_slice %get3A_195 {offsets = [3], sizes = [1], strides = [1]} : vector<16xf32> to vector<1xf32>
        %squeeze3A_360 = vector.extract %slice3A_359[0] : f32 from vector<1xf32>
        %slice3A_361 = vector.extract_strided_slice %get3A_200 {offsets = [3], sizes = [1], strides = [1]} : vector<16xf32> to vector<1xf32>
        %squeeze3A_362 = vector.extract %slice3A_361[0] : f32 from vector<1xf32>
        %slice3A_363 = vector.extract_strided_slice %get3A_203 {offsets = [3], sizes = [1], strides = [1]} : vector<16xf32> to vector<1xf32>
        %squeeze3A_364 = vector.extract %slice3A_363[0] : f32 from vector<1xf32>
        %mul3A_365 = vector.broadcast %squeeze3A_358 : f32 to vector<16xf32>
        %mul3A_366 = arith.mulf %get3A_59, %mul3A_365 : vector<16xf32>
        %mul3A_367 = vector.broadcast %squeeze3A_360 : f32 to vector<16xf32>
        %mul3A_368 = arith.mulf %get3A_87, %mul3A_367 : vector<16xf32>
        %add3A_369 = arith.addf %mul3A_366, %mul3A_368 : vector<16xf32>
        %mul3A_370 = vector.broadcast %squeeze3A_362 : f32 to vector<16xf32>
        %mul3A_371 = arith.mulf %get3A_115, %mul3A_370 : vector<16xf32>
        %add3A_372 = arith.addf %add3A_369, %mul3A_371 : vector<16xf32>
        %sub3A_373 = vector.broadcast %squeeze3A_364 : f32 to vector<16xf32>
        %sub3A_374 = arith.subf %add3A_372, %sub3A_373 : vector<16xf32>
        %max3A_375 = arith.maximumf %max3A_323, %sub3A_374 : vector<16xf32>
        %mul3A_376 = vector.broadcast %squeeze3A_358 : f32 to vector<16xf32>
        %mul3A_377 = arith.mulf %get3A_66, %mul3A_376 : vector<16xf32>
        %mul3A_378 = vector.broadcast %squeeze3A_360 : f32 to vector<16xf32>
        %mul3A_379 = arith.mulf %get3A_94, %mul3A_378 : vector<16xf32>
        %add3A_380 = arith.addf %mul3A_377, %mul3A_379 : vector<16xf32>
        %mul3A_381 = vector.broadcast %squeeze3A_362 : f32 to vector<16xf32>
        %mul3A_382 = arith.mulf %get3A_122, %mul3A_381 : vector<16xf32>
        %add3A_383 = arith.addf %add3A_380, %mul3A_382 : vector<16xf32>
        %sub3A_384 = vector.broadcast %squeeze3A_364 : f32 to vector<16xf32>
        %sub3A_385 = arith.subf %add3A_383, %sub3A_384 : vector<16xf32>
        %max3A_386 = arith.maximumf %max3A_334, %sub3A_385 : vector<16xf32>
        %mul3A_387 = vector.broadcast %squeeze3A_358 : f32 to vector<16xf32>
        %mul3A_388 = arith.mulf %get3A_73, %mul3A_387 : vector<16xf32>
        %mul3A_389 = vector.broadcast %squeeze3A_360 : f32 to vector<16xf32>
        %mul3A_390 = arith.mulf %get3A_101, %mul3A_389 : vector<16xf32>
        %add3A_391 = arith.addf %mul3A_388, %mul3A_390 : vector<16xf32>
        %mul3A_392 = vector.broadcast %squeeze3A_362 : f32 to vector<16xf32>
        %mul3A_393 = arith.mulf %get3A_129, %mul3A_392 : vector<16xf32>
        %add3A_394 = arith.addf %add3A_391, %mul3A_393 : vector<16xf32>
        %sub3A_395 = vector.broadcast %squeeze3A_364 : f32 to vector<16xf32>
        %sub3A_396 = arith.subf %add3A_394, %sub3A_395 : vector<16xf32>
        %max3A_397 = arith.maximumf %max3A_345, %sub3A_396 : vector<16xf32>
        %mul3A_398 = vector.broadcast %squeeze3A_358 : f32 to vector<16xf32>
        %mul3A_399 = arith.mulf %get3A_80, %mul3A_398 : vector<16xf32>
        %mul3A_400 = vector.broadcast %squeeze3A_360 : f32 to vector<16xf32>
        %mul3A_401 = arith.mulf %get3A_108, %mul3A_400 : vector<16xf32>
        %add3A_402 = arith.addf %mul3A_399, %mul3A_401 : vector<16xf32>
        %mul3A_403 = vector.broadcast %squeeze3A_362 : f32 to vector<16xf32>
        %mul3A_404 = arith.mulf %get3A_136, %mul3A_403 : vector<16xf32>
        %add3A_405 = arith.addf %add3A_402, %mul3A_404 : vector<16xf32>
        %sub3A_406 = vector.broadcast %squeeze3A_364 : f32 to vector<16xf32>
        %sub3A_407 = arith.subf %add3A_405, %sub3A_406 : vector<16xf32>
        %max3A_408 = arith.maximumf %max3A_356, %sub3A_407 : vector<16xf32>
        %slice3A_409 = vector.extract_strided_slice %get3A_190 {offsets = [4], sizes = [1], strides = [1]} : vector<16xf32> to vector<1xf32>
        %squeeze3A_410 = vector.extract %slice3A_409[0] : f32 from vector<1xf32>
        %slice3A_411 = vector.extract_strided_slice %get3A_195 {offsets = [4], sizes = [1], strides = [1]} : vector<16xf32> to vector<1xf32>
        %squeeze3A_412 = vector.extract %slice3A_411[0] : f32 from vector<1xf32>
        %slice3A_413 = vector.extract_strided_slice %get3A_200 {offsets = [4], sizes = [1], strides = [1]} : vector<16xf32> to vector<1xf32>
        %squeeze3A_414 = vector.extract %slice3A_413[0] : f32 from vector<1xf32>
        %slice3A_415 = vector.extract_strided_slice %get3A_203 {offsets = [4], sizes = [1], strides = [1]} : vector<16xf32> to vector<1xf32>
        %squeeze3A_416 = vector.extract %slice3A_415[0] : f32 from vector<1xf32>
        %mul3A_417 = vector.broadcast %squeeze3A_410 : f32 to vector<16xf32>
        %mul3A_418 = arith.mulf %get3A_59, %mul3A_417 : vector<16xf32>
        %mul3A_419 = vector.broadcast %squeeze3A_412 : f32 to vector<16xf32>
        %mul3A_420 = arith.mulf %get3A_87, %mul3A_419 : vector<16xf32>
        %add3A_421 = arith.addf %mul3A_418, %mul3A_420 : vector<16xf32>
        %mul3A_422 = vector.broadcast %squeeze3A_414 : f32 to vector<16xf32>
        %mul3A_423 = arith.mulf %get3A_115, %mul3A_422 : vector<16xf32>
        %add3A_424 = arith.addf %add3A_421, %mul3A_423 : vector<16xf32>
        %sub3A_425 = vector.broadcast %squeeze3A_416 : f32 to vector<16xf32>
        %sub3A_426 = arith.subf %add3A_424, %sub3A_425 : vector<16xf32>
        %max3A_427 = arith.maximumf %max3A_375, %sub3A_426 : vector<16xf32>
        %mul3A_428 = vector.broadcast %squeeze3A_410 : f32 to vector<16xf32>
        %mul3A_429 = arith.mulf %get3A_66, %mul3A_428 : vector<16xf32>
        %mul3A_430 = vector.broadcast %squeeze3A_412 : f32 to vector<16xf32>
        %mul3A_431 = arith.mulf %get3A_94, %mul3A_430 : vector<16xf32>
        %add3A_432 = arith.addf %mul3A_429, %mul3A_431 : vector<16xf32>
        %mul3A_433 = vector.broadcast %squeeze3A_414 : f32 to vector<16xf32>
        %mul3A_434 = arith.mulf %get3A_122, %mul3A_433 : vector<16xf32>
        %add3A_435 = arith.addf %add3A_432, %mul3A_434 : vector<16xf32>
        %sub3A_436 = vector.broadcast %squeeze3A_416 : f32 to vector<16xf32>
        %sub3A_437 = arith.subf %add3A_435, %sub3A_436 : vector<16xf32>
        %max3A_438 = arith.maximumf %max3A_386, %sub3A_437 : vector<16xf32>
        %mul3A_439 = vector.broadcast %squeeze3A_410 : f32 to vector<16xf32>
        %mul3A_440 = arith.mulf %get3A_73, %mul3A_439 : vector<16xf32>
        %mul3A_441 = vector.broadcast %squeeze3A_412 : f32 to vector<16xf32>
        %mul3A_442 = arith.mulf %get3A_101, %mul3A_441 : vector<16xf32>
        %add3A_443 = arith.addf %mul3A_440, %mul3A_442 : vector<16xf32>
        %mul3A_444 = vector.broadcast %squeeze3A_414 : f32 to vector<16xf32>
        %mul3A_445 = arith.mulf %get3A_129, %mul3A_444 : vector<16xf32>
        %add3A_446 = arith.addf %add3A_443, %mul3A_445 : vector<16xf32>
        %sub3A_447 = vector.broadcast %squeeze3A_416 : f32 to vector<16xf32>
        %sub3A_448 = arith.subf %add3A_446, %sub3A_447 : vector<16xf32>
        %max3A_449 = arith.maximumf %max3A_397, %sub3A_448 : vector<16xf32>
        %mul3A_450 = vector.broadcast %squeeze3A_410 : f32 to vector<16xf32>
        %mul3A_451 = arith.mulf %get3A_80, %mul3A_450 : vector<16xf32>
        %mul3A_452 = vector.broadcast %squeeze3A_412 : f32 to vector<16xf32>
        %mul3A_453 = arith.mulf %get3A_108, %mul3A_452 : vector<16xf32>
        %add3A_454 = arith.addf %mul3A_451, %mul3A_453 : vector<16xf32>
        %mul3A_455 = vector.broadcast %squeeze3A_414 : f32 to vector<16xf32>
        %mul3A_456 = arith.mulf %get3A_136, %mul3A_455 : vector<16xf32>
        %add3A_457 = arith.addf %add3A_454, %mul3A_456 : vector<16xf32>
        %sub3A_458 = vector.broadcast %squeeze3A_416 : f32 to vector<16xf32>
        %sub3A_459 = arith.subf %add3A_457, %sub3A_458 : vector<16xf32>
        %max3A_460 = arith.maximumf %max3A_408, %sub3A_459 : vector<16xf32>
        %slice3A_461 = vector.extract_strided_slice %get3A_190 {offsets = [5], sizes = [1], strides = [1]} : vector<16xf32> to vector<1xf32>
        %squeeze3A_462 = vector.extract %slice3A_461[0] : f32 from vector<1xf32>
        %slice3A_463 = vector.extract_strided_slice %get3A_195 {offsets = [5], sizes = [1], strides = [1]} : vector<16xf32> to vector<1xf32>
        %squeeze3A_464 = vector.extract %slice3A_463[0] : f32 from vector<1xf32>
        %slice3A_465 = vector.extract_strided_slice %get3A_200 {offsets = [5], sizes = [1], strides = [1]} : vector<16xf32> to vector<1xf32>
        %squeeze3A_466 = vector.extract %slice3A_465[0] : f32 from vector<1xf32>
        %slice3A_467 = vector.extract_strided_slice %get3A_203 {offsets = [5], sizes = [1], strides = [1]} : vector<16xf32> to vector<1xf32>
        %squeeze3A_468 = vector.extract %slice3A_467[0] : f32 from vector<1xf32>
        %mul3A_469 = vector.broadcast %squeeze3A_462 : f32 to vector<16xf32>
        %mul3A_470 = arith.mulf %get3A_59, %mul3A_469 : vector<16xf32>
        %mul3A_471 = vector.broadcast %squeeze3A_464 : f32 to vector<16xf32>
        %mul3A_472 = arith.mulf %get3A_87, %mul3A_471 : vector<16xf32>
        %add3A_473 = arith.addf %mul3A_470, %mul3A_472 : vector<16xf32>
        %mul3A_474 = vector.broadcast %squeeze3A_466 : f32 to vector<16xf32>
        %mul3A_475 = arith.mulf %get3A_115, %mul3A_474 : vector<16xf32>
        %add3A_476 = arith.addf %add3A_473, %mul3A_475 : vector<16xf32>
        %sub3A_477 = vector.broadcast %squeeze3A_468 : f32 to vector<16xf32>
        %sub3A_478 = arith.subf %add3A_476, %sub3A_477 : vector<16xf32>
        %max3A_479 = arith.maximumf %max3A_427, %sub3A_478 : vector<16xf32>
        %mul3A_480 = vector.broadcast %squeeze3A_462 : f32 to vector<16xf32>
        %mul3A_481 = arith.mulf %get3A_66, %mul3A_480 : vector<16xf32>
        %mul3A_482 = vector.broadcast %squeeze3A_464 : f32 to vector<16xf32>
        %mul3A_483 = arith.mulf %get3A_94, %mul3A_482 : vector<16xf32>
        %add3A_484 = arith.addf %mul3A_481, %mul3A_483 : vector<16xf32>
        %mul3A_485 = vector.broadcast %squeeze3A_466 : f32 to vector<16xf32>
        %mul3A_486 = arith.mulf %get3A_122, %mul3A_485 : vector<16xf32>
        %add3A_487 = arith.addf %add3A_484, %mul3A_486 : vector<16xf32>
        %sub3A_488 = vector.broadcast %squeeze3A_468 : f32 to vector<16xf32>
        %sub3A_489 = arith.subf %add3A_487, %sub3A_488 : vector<16xf32>
        %max3A_490 = arith.maximumf %max3A_438, %sub3A_489 : vector<16xf32>
        %mul3A_491 = vector.broadcast %squeeze3A_462 : f32 to vector<16xf32>
        %mul3A_492 = arith.mulf %get3A_73, %mul3A_491 : vector<16xf32>
        %mul3A_493 = vector.broadcast %squeeze3A_464 : f32 to vector<16xf32>
        %mul3A_494 = arith.mulf %get3A_101, %mul3A_493 : vector<16xf32>
        %add3A_495 = arith.addf %mul3A_492, %mul3A_494 : vector<16xf32>
        %mul3A_496 = vector.broadcast %squeeze3A_466 : f32 to vector<16xf32>
        %mul3A_497 = arith.mulf %get3A_129, %mul3A_496 : vector<16xf32>
        %add3A_498 = arith.addf %add3A_495, %mul3A_497 : vector<16xf32>
        %sub3A_499 = vector.broadcast %squeeze3A_468 : f32 to vector<16xf32>
        %sub3A_500 = arith.subf %add3A_498, %sub3A_499 : vector<16xf32>
        %max3A_501 = arith.maximumf %max3A_449, %sub3A_500 : vector<16xf32>
        %mul3A_502 = vector.broadcast %squeeze3A_462 : f32 to vector<16xf32>
        %mul3A_503 = arith.mulf %get3A_80, %mul3A_502 : vector<16xf32>
        %mul3A_504 = vector.broadcast %squeeze3A_464 : f32 to vector<16xf32>
        %mul3A_505 = arith.mulf %get3A_108, %mul3A_504 : vector<16xf32>
        %add3A_506 = arith.addf %mul3A_503, %mul3A_505 : vector<16xf32>
        %mul3A_507 = vector.broadcast %squeeze3A_466 : f32 to vector<16xf32>
        %mul3A_508 = arith.mulf %get3A_136, %mul3A_507 : vector<16xf32>
        %add3A_509 = arith.addf %add3A_506, %mul3A_508 : vector<16xf32>
        %sub3A_510 = vector.broadcast %squeeze3A_468 : f32 to vector<16xf32>
        %sub3A_511 = arith.subf %add3A_509, %sub3A_510 : vector<16xf32>
        %max3A_512 = arith.maximumf %max3A_460, %sub3A_511 : vector<16xf32>
        %slice3A_513 = vector.extract_strided_slice %get3A_190 {offsets = [6], sizes = [1], strides = [1]} : vector<16xf32> to vector<1xf32>
        %squeeze3A_514 = vector.extract %slice3A_513[0] : f32 from vector<1xf32>
        %slice3A_515 = vector.extract_strided_slice %get3A_195 {offsets = [6], sizes = [1], strides = [1]} : vector<16xf32> to vector<1xf32>
        %squeeze3A_516 = vector.extract %slice3A_515[0] : f32 from vector<1xf32>
        %slice3A_517 = vector.extract_strided_slice %get3A_200 {offsets = [6], sizes = [1], strides = [1]} : vector<16xf32> to vector<1xf32>
        %squeeze3A_518 = vector.extract %slice3A_517[0] : f32 from vector<1xf32>
        %slice3A_519 = vector.extract_strided_slice %get3A_203 {offsets = [6], sizes = [1], strides = [1]} : vector<16xf32> to vector<1xf32>
        %squeeze3A_520 = vector.extract %slice3A_519[0] : f32 from vector<1xf32>
        %mul3A_521 = vector.broadcast %squeeze3A_514 : f32 to vector<16xf32>
        %mul3A_522 = arith.mulf %get3A_59, %mul3A_521 : vector<16xf32>
        %mul3A_523 = vector.broadcast %squeeze3A_516 : f32 to vector<16xf32>
        %mul3A_524 = arith.mulf %get3A_87, %mul3A_523 : vector<16xf32>
        %add3A_525 = arith.addf %mul3A_522, %mul3A_524 : vector<16xf32>
        %mul3A_526 = vector.broadcast %squeeze3A_518 : f32 to vector<16xf32>
        %mul3A_527 = arith.mulf %get3A_115, %mul3A_526 : vector<16xf32>
        %add3A_528 = arith.addf %add3A_525, %mul3A_527 : vector<16xf32>
        %sub3A_529 = vector.broadcast %squeeze3A_520 : f32 to vector<16xf32>
        %sub3A_530 = arith.subf %add3A_528, %sub3A_529 : vector<16xf32>
        %max3A_531 = arith.maximumf %max3A_479, %sub3A_530 : vector<16xf32>
        %mul3A_532 = vector.broadcast %squeeze3A_514 : f32 to vector<16xf32>
        %mul3A_533 = arith.mulf %get3A_66, %mul3A_532 : vector<16xf32>
        %mul3A_534 = vector.broadcast %squeeze3A_516 : f32 to vector<16xf32>
        %mul3A_535 = arith.mulf %get3A_94, %mul3A_534 : vector<16xf32>
        %add3A_536 = arith.addf %mul3A_533, %mul3A_535 : vector<16xf32>
        %mul3A_537 = vector.broadcast %squeeze3A_518 : f32 to vector<16xf32>
        %mul3A_538 = arith.mulf %get3A_122, %mul3A_537 : vector<16xf32>
        %add3A_539 = arith.addf %add3A_536, %mul3A_538 : vector<16xf32>
        %sub3A_540 = vector.broadcast %squeeze3A_520 : f32 to vector<16xf32>
        %sub3A_541 = arith.subf %add3A_539, %sub3A_540 : vector<16xf32>
        %max3A_542 = arith.maximumf %max3A_490, %sub3A_541 : vector<16xf32>
        %mul3A_543 = vector.broadcast %squeeze3A_514 : f32 to vector<16xf32>
        %mul3A_544 = arith.mulf %get3A_73, %mul3A_543 : vector<16xf32>
        %mul3A_545 = vector.broadcast %squeeze3A_516 : f32 to vector<16xf32>
        %mul3A_546 = arith.mulf %get3A_101, %mul3A_545 : vector<16xf32>
        %add3A_547 = arith.addf %mul3A_544, %mul3A_546 : vector<16xf32>
        %mul3A_548 = vector.broadcast %squeeze3A_518 : f32 to vector<16xf32>
        %mul3A_549 = arith.mulf %get3A_129, %mul3A_548 : vector<16xf32>
        %add3A_550 = arith.addf %add3A_547, %mul3A_549 : vector<16xf32>
        %sub3A_551 = vector.broadcast %squeeze3A_520 : f32 to vector<16xf32>
        %sub3A_552 = arith.subf %add3A_550, %sub3A_551 : vector<16xf32>
        %max3A_553 = arith.maximumf %max3A_501, %sub3A_552 : vector<16xf32>
        %mul3A_554 = vector.broadcast %squeeze3A_514 : f32 to vector<16xf32>
        %mul3A_555 = arith.mulf %get3A_80, %mul3A_554 : vector<16xf32>
        %mul3A_556 = vector.broadcast %squeeze3A_516 : f32 to vector<16xf32>
        %mul3A_557 = arith.mulf %get3A_108, %mul3A_556 : vector<16xf32>
        %add3A_558 = arith.addf %mul3A_555, %mul3A_557 : vector<16xf32>
        %mul3A_559 = vector.broadcast %squeeze3A_518 : f32 to vector<16xf32>
        %mul3A_560 = arith.mulf %get3A_136, %mul3A_559 : vector<16xf32>
        %add3A_561 = arith.addf %add3A_558, %mul3A_560 : vector<16xf32>
        %sub3A_562 = vector.broadcast %squeeze3A_520 : f32 to vector<16xf32>
        %sub3A_563 = arith.subf %add3A_561, %sub3A_562 : vector<16xf32>
        %max3A_564 = arith.maximumf %max3A_512, %sub3A_563 : vector<16xf32>
        %slice3A_565 = vector.extract_strided_slice %get3A_190 {offsets = [7], sizes = [1], strides = [1]} : vector<16xf32> to vector<1xf32>
        %squeeze3A_566 = vector.extract %slice3A_565[0] : f32 from vector<1xf32>
        %slice3A_567 = vector.extract_strided_slice %get3A_195 {offsets = [7], sizes = [1], strides = [1]} : vector<16xf32> to vector<1xf32>
        %squeeze3A_568 = vector.extract %slice3A_567[0] : f32 from vector<1xf32>
        %slice3A_569 = vector.extract_strided_slice %get3A_200 {offsets = [7], sizes = [1], strides = [1]} : vector<16xf32> to vector<1xf32>
        %squeeze3A_570 = vector.extract %slice3A_569[0] : f32 from vector<1xf32>
        %slice3A_571 = vector.extract_strided_slice %get3A_203 {offsets = [7], sizes = [1], strides = [1]} : vector<16xf32> to vector<1xf32>
        %squeeze3A_572 = vector.extract %slice3A_571[0] : f32 from vector<1xf32>
        %mul3A_573 = vector.broadcast %squeeze3A_566 : f32 to vector<16xf32>
        %mul3A_574 = arith.mulf %get3A_59, %mul3A_573 : vector<16xf32>
        %mul3A_575 = vector.broadcast %squeeze3A_568 : f32 to vector<16xf32>
        %mul3A_576 = arith.mulf %get3A_87, %mul3A_575 : vector<16xf32>
        %add3A_577 = arith.addf %mul3A_574, %mul3A_576 : vector<16xf32>
        %mul3A_578 = vector.broadcast %squeeze3A_570 : f32 to vector<16xf32>
        %mul3A_579 = arith.mulf %get3A_115, %mul3A_578 : vector<16xf32>
        %add3A_580 = arith.addf %add3A_577, %mul3A_579 : vector<16xf32>
        %sub3A_581 = vector.broadcast %squeeze3A_572 : f32 to vector<16xf32>
        %sub3A_582 = arith.subf %add3A_580, %sub3A_581 : vector<16xf32>
        %max3A_583 = arith.maximumf %max3A_531, %sub3A_582 : vector<16xf32>
        %mul3A_584 = vector.broadcast %squeeze3A_566 : f32 to vector<16xf32>
        %mul3A_585 = arith.mulf %get3A_66, %mul3A_584 : vector<16xf32>
        %mul3A_586 = vector.broadcast %squeeze3A_568 : f32 to vector<16xf32>
        %mul3A_587 = arith.mulf %get3A_94, %mul3A_586 : vector<16xf32>
        %add3A_588 = arith.addf %mul3A_585, %mul3A_587 : vector<16xf32>
        %mul3A_589 = vector.broadcast %squeeze3A_570 : f32 to vector<16xf32>
        %mul3A_590 = arith.mulf %get3A_122, %mul3A_589 : vector<16xf32>
        %add3A_591 = arith.addf %add3A_588, %mul3A_590 : vector<16xf32>
        %sub3A_592 = vector.broadcast %squeeze3A_572 : f32 to vector<16xf32>
        %sub3A_593 = arith.subf %add3A_591, %sub3A_592 : vector<16xf32>
        %max3A_594 = arith.maximumf %max3A_542, %sub3A_593 : vector<16xf32>
        %mul3A_595 = vector.broadcast %squeeze3A_566 : f32 to vector<16xf32>
        %mul3A_596 = arith.mulf %get3A_73, %mul3A_595 : vector<16xf32>
        %mul3A_597 = vector.broadcast %squeeze3A_568 : f32 to vector<16xf32>
        %mul3A_598 = arith.mulf %get3A_101, %mul3A_597 : vector<16xf32>
        %add3A_599 = arith.addf %mul3A_596, %mul3A_598 : vector<16xf32>
        %mul3A_600 = vector.broadcast %squeeze3A_570 : f32 to vector<16xf32>
        %mul3A_601 = arith.mulf %get3A_129, %mul3A_600 : vector<16xf32>
        %add3A_602 = arith.addf %add3A_599, %mul3A_601 : vector<16xf32>
        %sub3A_603 = vector.broadcast %squeeze3A_572 : f32 to vector<16xf32>
        %sub3A_604 = arith.subf %add3A_602, %sub3A_603 : vector<16xf32>
        %max3A_605 = arith.maximumf %max3A_553, %sub3A_604 : vector<16xf32>
        %mul3A_606 = vector.broadcast %squeeze3A_566 : f32 to vector<16xf32>
        %mul3A_607 = arith.mulf %get3A_80, %mul3A_606 : vector<16xf32>
        %mul3A_608 = vector.broadcast %squeeze3A_568 : f32 to vector<16xf32>
        %mul3A_609 = arith.mulf %get3A_108, %mul3A_608 : vector<16xf32>
        %add3A_610 = arith.addf %mul3A_607, %mul3A_609 : vector<16xf32>
        %mul3A_611 = vector.broadcast %squeeze3A_570 : f32 to vector<16xf32>
        %mul3A_612 = arith.mulf %get3A_136, %mul3A_611 : vector<16xf32>
        %add3A_613 = arith.addf %add3A_610, %mul3A_612 : vector<16xf32>
        %sub3A_614 = vector.broadcast %squeeze3A_572 : f32 to vector<16xf32>
        %sub3A_615 = arith.subf %add3A_613, %sub3A_614 : vector<16xf32>
        %max3A_616 = arith.maximumf %max3A_564, %sub3A_615 : vector<16xf32>
        %slice3A_617 = vector.extract_strided_slice %get3A_190 {offsets = [8], sizes = [1], strides = [1]} : vector<16xf32> to vector<1xf32>
        %squeeze3A_618 = vector.extract %slice3A_617[0] : f32 from vector<1xf32>
        %slice3A_619 = vector.extract_strided_slice %get3A_195 {offsets = [8], sizes = [1], strides = [1]} : vector<16xf32> to vector<1xf32>
        %squeeze3A_620 = vector.extract %slice3A_619[0] : f32 from vector<1xf32>
        %slice3A_621 = vector.extract_strided_slice %get3A_200 {offsets = [8], sizes = [1], strides = [1]} : vector<16xf32> to vector<1xf32>
        %squeeze3A_622 = vector.extract %slice3A_621[0] : f32 from vector<1xf32>
        %slice3A_623 = vector.extract_strided_slice %get3A_203 {offsets = [8], sizes = [1], strides = [1]} : vector<16xf32> to vector<1xf32>
        %squeeze3A_624 = vector.extract %slice3A_623[0] : f32 from vector<1xf32>
        %mul3A_625 = vector.broadcast %squeeze3A_618 : f32 to vector<16xf32>
        %mul3A_626 = arith.mulf %get3A_59, %mul3A_625 : vector<16xf32>
        %mul3A_627 = vector.broadcast %squeeze3A_620 : f32 to vector<16xf32>
        %mul3A_628 = arith.mulf %get3A_87, %mul3A_627 : vector<16xf32>
        %add3A_629 = arith.addf %mul3A_626, %mul3A_628 : vector<16xf32>
        %mul3A_630 = vector.broadcast %squeeze3A_622 : f32 to vector<16xf32>
        %mul3A_631 = arith.mulf %get3A_115, %mul3A_630 : vector<16xf32>
        %add3A_632 = arith.addf %add3A_629, %mul3A_631 : vector<16xf32>
        %sub3A_633 = vector.broadcast %squeeze3A_624 : f32 to vector<16xf32>
        %sub3A_634 = arith.subf %add3A_632, %sub3A_633 : vector<16xf32>
        %max3A_635 = arith.maximumf %max3A_583, %sub3A_634 : vector<16xf32>
        %mul3A_636 = vector.broadcast %squeeze3A_618 : f32 to vector<16xf32>
        %mul3A_637 = arith.mulf %get3A_66, %mul3A_636 : vector<16xf32>
        %mul3A_638 = vector.broadcast %squeeze3A_620 : f32 to vector<16xf32>
        %mul3A_639 = arith.mulf %get3A_94, %mul3A_638 : vector<16xf32>
        %add3A_640 = arith.addf %mul3A_637, %mul3A_639 : vector<16xf32>
        %mul3A_641 = vector.broadcast %squeeze3A_622 : f32 to vector<16xf32>
        %mul3A_642 = arith.mulf %get3A_122, %mul3A_641 : vector<16xf32>
        %add3A_643 = arith.addf %add3A_640, %mul3A_642 : vector<16xf32>
        %sub3A_644 = vector.broadcast %squeeze3A_624 : f32 to vector<16xf32>
        %sub3A_645 = arith.subf %add3A_643, %sub3A_644 : vector<16xf32>
        %max3A_646 = arith.maximumf %max3A_594, %sub3A_645 : vector<16xf32>
        %mul3A_647 = vector.broadcast %squeeze3A_618 : f32 to vector<16xf32>
        %mul3A_648 = arith.mulf %get3A_73, %mul3A_647 : vector<16xf32>
        %mul3A_649 = vector.broadcast %squeeze3A_620 : f32 to vector<16xf32>
        %mul3A_650 = arith.mulf %get3A_101, %mul3A_649 : vector<16xf32>
        %add3A_651 = arith.addf %mul3A_648, %mul3A_650 : vector<16xf32>
        %mul3A_652 = vector.broadcast %squeeze3A_622 : f32 to vector<16xf32>
        %mul3A_653 = arith.mulf %get3A_129, %mul3A_652 : vector<16xf32>
        %add3A_654 = arith.addf %add3A_651, %mul3A_653 : vector<16xf32>
        %sub3A_655 = vector.broadcast %squeeze3A_624 : f32 to vector<16xf32>
        %sub3A_656 = arith.subf %add3A_654, %sub3A_655 : vector<16xf32>
        %max3A_657 = arith.maximumf %max3A_605, %sub3A_656 : vector<16xf32>
        %mul3A_658 = vector.broadcast %squeeze3A_618 : f32 to vector<16xf32>
        %mul3A_659 = arith.mulf %get3A_80, %mul3A_658 : vector<16xf32>
        %mul3A_660 = vector.broadcast %squeeze3A_620 : f32 to vector<16xf32>
        %mul3A_661 = arith.mulf %get3A_108, %mul3A_660 : vector<16xf32>
        %add3A_662 = arith.addf %mul3A_659, %mul3A_661 : vector<16xf32>
        %mul3A_663 = vector.broadcast %squeeze3A_622 : f32 to vector<16xf32>
        %mul3A_664 = arith.mulf %get3A_136, %mul3A_663 : vector<16xf32>
        %add3A_665 = arith.addf %add3A_662, %mul3A_664 : vector<16xf32>
        %sub3A_666 = vector.broadcast %squeeze3A_624 : f32 to vector<16xf32>
        %sub3A_667 = arith.subf %add3A_665, %sub3A_666 : vector<16xf32>
        %max3A_668 = arith.maximumf %max3A_616, %sub3A_667 : vector<16xf32>
        %slice3A_669 = vector.extract_strided_slice %get3A_190 {offsets = [9], sizes = [1], strides = [1]} : vector<16xf32> to vector<1xf32>
        %squeeze3A_670 = vector.extract %slice3A_669[0] : f32 from vector<1xf32>
        %slice3A_671 = vector.extract_strided_slice %get3A_195 {offsets = [9], sizes = [1], strides = [1]} : vector<16xf32> to vector<1xf32>
        %squeeze3A_672 = vector.extract %slice3A_671[0] : f32 from vector<1xf32>
        %slice3A_673 = vector.extract_strided_slice %get3A_200 {offsets = [9], sizes = [1], strides = [1]} : vector<16xf32> to vector<1xf32>
        %squeeze3A_674 = vector.extract %slice3A_673[0] : f32 from vector<1xf32>
        %slice3A_675 = vector.extract_strided_slice %get3A_203 {offsets = [9], sizes = [1], strides = [1]} : vector<16xf32> to vector<1xf32>
        %squeeze3A_676 = vector.extract %slice3A_675[0] : f32 from vector<1xf32>
        %mul3A_677 = vector.broadcast %squeeze3A_670 : f32 to vector<16xf32>
        %mul3A_678 = arith.mulf %get3A_59, %mul3A_677 : vector<16xf32>
        %mul3A_679 = vector.broadcast %squeeze3A_672 : f32 to vector<16xf32>
        %mul3A_680 = arith.mulf %get3A_87, %mul3A_679 : vector<16xf32>
        %add3A_681 = arith.addf %mul3A_678, %mul3A_680 : vector<16xf32>
        %mul3A_682 = vector.broadcast %squeeze3A_674 : f32 to vector<16xf32>
        %mul3A_683 = arith.mulf %get3A_115, %mul3A_682 : vector<16xf32>
        %add3A_684 = arith.addf %add3A_681, %mul3A_683 : vector<16xf32>
        %sub3A_685 = vector.broadcast %squeeze3A_676 : f32 to vector<16xf32>
        %sub3A_686 = arith.subf %add3A_684, %sub3A_685 : vector<16xf32>
        %max3A_687 = arith.maximumf %max3A_635, %sub3A_686 : vector<16xf32>
        %mul3A_688 = vector.broadcast %squeeze3A_670 : f32 to vector<16xf32>
        %mul3A_689 = arith.mulf %get3A_66, %mul3A_688 : vector<16xf32>
        %mul3A_690 = vector.broadcast %squeeze3A_672 : f32 to vector<16xf32>
        %mul3A_691 = arith.mulf %get3A_94, %mul3A_690 : vector<16xf32>
        %add3A_692 = arith.addf %mul3A_689, %mul3A_691 : vector<16xf32>
        %mul3A_693 = vector.broadcast %squeeze3A_674 : f32 to vector<16xf32>
        %mul3A_694 = arith.mulf %get3A_122, %mul3A_693 : vector<16xf32>
        %add3A_695 = arith.addf %add3A_692, %mul3A_694 : vector<16xf32>
        %sub3A_696 = vector.broadcast %squeeze3A_676 : f32 to vector<16xf32>
        %sub3A_697 = arith.subf %add3A_695, %sub3A_696 : vector<16xf32>
        %max3A_698 = arith.maximumf %max3A_646, %sub3A_697 : vector<16xf32>
        %mul3A_699 = vector.broadcast %squeeze3A_670 : f32 to vector<16xf32>
        %mul3A_700 = arith.mulf %get3A_73, %mul3A_699 : vector<16xf32>
        %mul3A_701 = vector.broadcast %squeeze3A_672 : f32 to vector<16xf32>
        %mul3A_702 = arith.mulf %get3A_101, %mul3A_701 : vector<16xf32>
        %add3A_703 = arith.addf %mul3A_700, %mul3A_702 : vector<16xf32>
        %mul3A_704 = vector.broadcast %squeeze3A_674 : f32 to vector<16xf32>
        %mul3A_705 = arith.mulf %get3A_129, %mul3A_704 : vector<16xf32>
        %add3A_706 = arith.addf %add3A_703, %mul3A_705 : vector<16xf32>
        %sub3A_707 = vector.broadcast %squeeze3A_676 : f32 to vector<16xf32>
        %sub3A_708 = arith.subf %add3A_706, %sub3A_707 : vector<16xf32>
        %max3A_709 = arith.maximumf %max3A_657, %sub3A_708 : vector<16xf32>
        %mul3A_710 = vector.broadcast %squeeze3A_670 : f32 to vector<16xf32>
        %mul3A_711 = arith.mulf %get3A_80, %mul3A_710 : vector<16xf32>
        %mul3A_712 = vector.broadcast %squeeze3A_672 : f32 to vector<16xf32>
        %mul3A_713 = arith.mulf %get3A_108, %mul3A_712 : vector<16xf32>
        %add3A_714 = arith.addf %mul3A_711, %mul3A_713 : vector<16xf32>
        %mul3A_715 = vector.broadcast %squeeze3A_674 : f32 to vector<16xf32>
        %mul3A_716 = arith.mulf %get3A_136, %mul3A_715 : vector<16xf32>
        %add3A_717 = arith.addf %add3A_714, %mul3A_716 : vector<16xf32>
        %sub3A_718 = vector.broadcast %squeeze3A_676 : f32 to vector<16xf32>
        %sub3A_719 = arith.subf %add3A_717, %sub3A_718 : vector<16xf32>
        %max3A_720 = arith.maximumf %max3A_668, %sub3A_719 : vector<16xf32>
        %slice3A_721 = vector.extract_strided_slice %get3A_190 {offsets = [10], sizes = [1], strides = [1]} : vector<16xf32> to vector<1xf32>
        %squeeze3A_722 = vector.extract %slice3A_721[0] : f32 from vector<1xf32>
        %slice3A_723 = vector.extract_strided_slice %get3A_195 {offsets = [10], sizes = [1], strides = [1]} : vector<16xf32> to vector<1xf32>
        %squeeze3A_724 = vector.extract %slice3A_723[0] : f32 from vector<1xf32>
        %slice3A_725 = vector.extract_strided_slice %get3A_200 {offsets = [10], sizes = [1], strides = [1]} : vector<16xf32> to vector<1xf32>
        %squeeze3A_726 = vector.extract %slice3A_725[0] : f32 from vector<1xf32>
        %slice3A_727 = vector.extract_strided_slice %get3A_203 {offsets = [10], sizes = [1], strides = [1]} : vector<16xf32> to vector<1xf32>
        %squeeze3A_728 = vector.extract %slice3A_727[0] : f32 from vector<1xf32>
        %mul3A_729 = vector.broadcast %squeeze3A_722 : f32 to vector<16xf32>
        %mul3A_730 = arith.mulf %get3A_59, %mul3A_729 : vector<16xf32>
        %mul3A_731 = vector.broadcast %squeeze3A_724 : f32 to vector<16xf32>
        %mul3A_732 = arith.mulf %get3A_87, %mul3A_731 : vector<16xf32>
        %add3A_733 = arith.addf %mul3A_730, %mul3A_732 : vector<16xf32>
        %mul3A_734 = vector.broadcast %squeeze3A_726 : f32 to vector<16xf32>
        %mul3A_735 = arith.mulf %get3A_115, %mul3A_734 : vector<16xf32>
        %add3A_736 = arith.addf %add3A_733, %mul3A_735 : vector<16xf32>
        %sub3A_737 = vector.broadcast %squeeze3A_728 : f32 to vector<16xf32>
        %sub3A_738 = arith.subf %add3A_736, %sub3A_737 : vector<16xf32>
        %max3A_739 = arith.maximumf %max3A_687, %sub3A_738 : vector<16xf32>
        %mul3A_740 = vector.broadcast %squeeze3A_722 : f32 to vector<16xf32>
        %mul3A_741 = arith.mulf %get3A_66, %mul3A_740 : vector<16xf32>
        %mul3A_742 = vector.broadcast %squeeze3A_724 : f32 to vector<16xf32>
        %mul3A_743 = arith.mulf %get3A_94, %mul3A_742 : vector<16xf32>
        %add3A_744 = arith.addf %mul3A_741, %mul3A_743 : vector<16xf32>
        %mul3A_745 = vector.broadcast %squeeze3A_726 : f32 to vector<16xf32>
        %mul3A_746 = arith.mulf %get3A_122, %mul3A_745 : vector<16xf32>
        %add3A_747 = arith.addf %add3A_744, %mul3A_746 : vector<16xf32>
        %sub3A_748 = vector.broadcast %squeeze3A_728 : f32 to vector<16xf32>
        %sub3A_749 = arith.subf %add3A_747, %sub3A_748 : vector<16xf32>
        %max3A_750 = arith.maximumf %max3A_698, %sub3A_749 : vector<16xf32>
        %mul3A_751 = vector.broadcast %squeeze3A_722 : f32 to vector<16xf32>
        %mul3A_752 = arith.mulf %get3A_73, %mul3A_751 : vector<16xf32>
        %mul3A_753 = vector.broadcast %squeeze3A_724 : f32 to vector<16xf32>
        %mul3A_754 = arith.mulf %get3A_101, %mul3A_753 : vector<16xf32>
        %add3A_755 = arith.addf %mul3A_752, %mul3A_754 : vector<16xf32>
        %mul3A_756 = vector.broadcast %squeeze3A_726 : f32 to vector<16xf32>
        %mul3A_757 = arith.mulf %get3A_129, %mul3A_756 : vector<16xf32>
        %add3A_758 = arith.addf %add3A_755, %mul3A_757 : vector<16xf32>
        %sub3A_759 = vector.broadcast %squeeze3A_728 : f32 to vector<16xf32>
        %sub3A_760 = arith.subf %add3A_758, %sub3A_759 : vector<16xf32>
        %max3A_761 = arith.maximumf %max3A_709, %sub3A_760 : vector<16xf32>
        %mul3A_762 = vector.broadcast %squeeze3A_722 : f32 to vector<16xf32>
        %mul3A_763 = arith.mulf %get3A_80, %mul3A_762 : vector<16xf32>
        %mul3A_764 = vector.broadcast %squeeze3A_724 : f32 to vector<16xf32>
        %mul3A_765 = arith.mulf %get3A_108, %mul3A_764 : vector<16xf32>
        %add3A_766 = arith.addf %mul3A_763, %mul3A_765 : vector<16xf32>
        %mul3A_767 = vector.broadcast %squeeze3A_726 : f32 to vector<16xf32>
        %mul3A_768 = arith.mulf %get3A_136, %mul3A_767 : vector<16xf32>
        %add3A_769 = arith.addf %add3A_766, %mul3A_768 : vector<16xf32>
        %sub3A_770 = vector.broadcast %squeeze3A_728 : f32 to vector<16xf32>
        %sub3A_771 = arith.subf %add3A_769, %sub3A_770 : vector<16xf32>
        %max3A_772 = arith.maximumf %max3A_720, %sub3A_771 : vector<16xf32>
        %slice3A_773 = vector.extract_strided_slice %get3A_190 {offsets = [11], sizes = [1], strides = [1]} : vector<16xf32> to vector<1xf32>
        %squeeze3A_774 = vector.extract %slice3A_773[0] : f32 from vector<1xf32>
        %slice3A_775 = vector.extract_strided_slice %get3A_195 {offsets = [11], sizes = [1], strides = [1]} : vector<16xf32> to vector<1xf32>
        %squeeze3A_776 = vector.extract %slice3A_775[0] : f32 from vector<1xf32>
        %slice3A_777 = vector.extract_strided_slice %get3A_200 {offsets = [11], sizes = [1], strides = [1]} : vector<16xf32> to vector<1xf32>
        %squeeze3A_778 = vector.extract %slice3A_777[0] : f32 from vector<1xf32>
        %slice3A_779 = vector.extract_strided_slice %get3A_203 {offsets = [11], sizes = [1], strides = [1]} : vector<16xf32> to vector<1xf32>
        %squeeze3A_780 = vector.extract %slice3A_779[0] : f32 from vector<1xf32>
        %mul3A_781 = vector.broadcast %squeeze3A_774 : f32 to vector<16xf32>
        %mul3A_782 = arith.mulf %get3A_59, %mul3A_781 : vector<16xf32>
        %mul3A_783 = vector.broadcast %squeeze3A_776 : f32 to vector<16xf32>
        %mul3A_784 = arith.mulf %get3A_87, %mul3A_783 : vector<16xf32>
        %add3A_785 = arith.addf %mul3A_782, %mul3A_784 : vector<16xf32>
        %mul3A_786 = vector.broadcast %squeeze3A_778 : f32 to vector<16xf32>
        %mul3A_787 = arith.mulf %get3A_115, %mul3A_786 : vector<16xf32>
        %add3A_788 = arith.addf %add3A_785, %mul3A_787 : vector<16xf32>
        %sub3A_789 = vector.broadcast %squeeze3A_780 : f32 to vector<16xf32>
        %sub3A_790 = arith.subf %add3A_788, %sub3A_789 : vector<16xf32>
        %max3A_791 = arith.maximumf %max3A_739, %sub3A_790 : vector<16xf32>
        %mul3A_792 = vector.broadcast %squeeze3A_774 : f32 to vector<16xf32>
        %mul3A_793 = arith.mulf %get3A_66, %mul3A_792 : vector<16xf32>
        %mul3A_794 = vector.broadcast %squeeze3A_776 : f32 to vector<16xf32>
        %mul3A_795 = arith.mulf %get3A_94, %mul3A_794 : vector<16xf32>
        %add3A_796 = arith.addf %mul3A_793, %mul3A_795 : vector<16xf32>
        %mul3A_797 = vector.broadcast %squeeze3A_778 : f32 to vector<16xf32>
        %mul3A_798 = arith.mulf %get3A_122, %mul3A_797 : vector<16xf32>
        %add3A_799 = arith.addf %add3A_796, %mul3A_798 : vector<16xf32>
        %sub3A_800 = vector.broadcast %squeeze3A_780 : f32 to vector<16xf32>
        %sub3A_801 = arith.subf %add3A_799, %sub3A_800 : vector<16xf32>
        %max3A_802 = arith.maximumf %max3A_750, %sub3A_801 : vector<16xf32>
        %mul3A_803 = vector.broadcast %squeeze3A_774 : f32 to vector<16xf32>
        %mul3A_804 = arith.mulf %get3A_73, %mul3A_803 : vector<16xf32>
        %mul3A_805 = vector.broadcast %squeeze3A_776 : f32 to vector<16xf32>
        %mul3A_806 = arith.mulf %get3A_101, %mul3A_805 : vector<16xf32>
        %add3A_807 = arith.addf %mul3A_804, %mul3A_806 : vector<16xf32>
        %mul3A_808 = vector.broadcast %squeeze3A_778 : f32 to vector<16xf32>
        %mul3A_809 = arith.mulf %get3A_129, %mul3A_808 : vector<16xf32>
        %add3A_810 = arith.addf %add3A_807, %mul3A_809 : vector<16xf32>
        %sub3A_811 = vector.broadcast %squeeze3A_780 : f32 to vector<16xf32>
        %sub3A_812 = arith.subf %add3A_810, %sub3A_811 : vector<16xf32>
        %max3A_813 = arith.maximumf %max3A_761, %sub3A_812 : vector<16xf32>
        %mul3A_814 = vector.broadcast %squeeze3A_774 : f32 to vector<16xf32>
        %mul3A_815 = arith.mulf %get3A_80, %mul3A_814 : vector<16xf32>
        %mul3A_816 = vector.broadcast %squeeze3A_776 : f32 to vector<16xf32>
        %mul3A_817 = arith.mulf %get3A_108, %mul3A_816 : vector<16xf32>
        %add3A_818 = arith.addf %mul3A_815, %mul3A_817 : vector<16xf32>
        %mul3A_819 = vector.broadcast %squeeze3A_778 : f32 to vector<16xf32>
        %mul3A_820 = arith.mulf %get3A_136, %mul3A_819 : vector<16xf32>
        %add3A_821 = arith.addf %add3A_818, %mul3A_820 : vector<16xf32>
        %sub3A_822 = vector.broadcast %squeeze3A_780 : f32 to vector<16xf32>
        %sub3A_823 = arith.subf %add3A_821, %sub3A_822 : vector<16xf32>
        %max3A_824 = arith.maximumf %max3A_772, %sub3A_823 : vector<16xf32>
        %slice3A_825 = vector.extract_strided_slice %get3A_190 {offsets = [12], sizes = [1], strides = [1]} : vector<16xf32> to vector<1xf32>
        %squeeze3A_826 = vector.extract %slice3A_825[0] : f32 from vector<1xf32>
        %slice3A_827 = vector.extract_strided_slice %get3A_195 {offsets = [12], sizes = [1], strides = [1]} : vector<16xf32> to vector<1xf32>
        %squeeze3A_828 = vector.extract %slice3A_827[0] : f32 from vector<1xf32>
        %slice3A_829 = vector.extract_strided_slice %get3A_200 {offsets = [12], sizes = [1], strides = [1]} : vector<16xf32> to vector<1xf32>
        %squeeze3A_830 = vector.extract %slice3A_829[0] : f32 from vector<1xf32>
        %slice3A_831 = vector.extract_strided_slice %get3A_203 {offsets = [12], sizes = [1], strides = [1]} : vector<16xf32> to vector<1xf32>
        %squeeze3A_832 = vector.extract %slice3A_831[0] : f32 from vector<1xf32>
        %mul3A_833 = vector.broadcast %squeeze3A_826 : f32 to vector<16xf32>
        %mul3A_834 = arith.mulf %get3A_59, %mul3A_833 : vector<16xf32>
        %mul3A_835 = vector.broadcast %squeeze3A_828 : f32 to vector<16xf32>
        %mul3A_836 = arith.mulf %get3A_87, %mul3A_835 : vector<16xf32>
        %add3A_837 = arith.addf %mul3A_834, %mul3A_836 : vector<16xf32>
        %mul3A_838 = vector.broadcast %squeeze3A_830 : f32 to vector<16xf32>
        %mul3A_839 = arith.mulf %get3A_115, %mul3A_838 : vector<16xf32>
        %add3A_840 = arith.addf %add3A_837, %mul3A_839 : vector<16xf32>
        %sub3A_841 = vector.broadcast %squeeze3A_832 : f32 to vector<16xf32>
        %sub3A_842 = arith.subf %add3A_840, %sub3A_841 : vector<16xf32>
        %max3A_843 = arith.maximumf %max3A_791, %sub3A_842 : vector<16xf32>
        %mul3A_844 = vector.broadcast %squeeze3A_826 : f32 to vector<16xf32>
        %mul3A_845 = arith.mulf %get3A_66, %mul3A_844 : vector<16xf32>
        %mul3A_846 = vector.broadcast %squeeze3A_828 : f32 to vector<16xf32>
        %mul3A_847 = arith.mulf %get3A_94, %mul3A_846 : vector<16xf32>
        %add3A_848 = arith.addf %mul3A_845, %mul3A_847 : vector<16xf32>
        %mul3A_849 = vector.broadcast %squeeze3A_830 : f32 to vector<16xf32>
        %mul3A_850 = arith.mulf %get3A_122, %mul3A_849 : vector<16xf32>
        %add3A_851 = arith.addf %add3A_848, %mul3A_850 : vector<16xf32>
        %sub3A_852 = vector.broadcast %squeeze3A_832 : f32 to vector<16xf32>
        %sub3A_853 = arith.subf %add3A_851, %sub3A_852 : vector<16xf32>
        %max3A_854 = arith.maximumf %max3A_802, %sub3A_853 : vector<16xf32>
        %mul3A_855 = vector.broadcast %squeeze3A_826 : f32 to vector<16xf32>
        %mul3A_856 = arith.mulf %get3A_73, %mul3A_855 : vector<16xf32>
        %mul3A_857 = vector.broadcast %squeeze3A_828 : f32 to vector<16xf32>
        %mul3A_858 = arith.mulf %get3A_101, %mul3A_857 : vector<16xf32>
        %add3A_859 = arith.addf %mul3A_856, %mul3A_858 : vector<16xf32>
        %mul3A_860 = vector.broadcast %squeeze3A_830 : f32 to vector<16xf32>
        %mul3A_861 = arith.mulf %get3A_129, %mul3A_860 : vector<16xf32>
        %add3A_862 = arith.addf %add3A_859, %mul3A_861 : vector<16xf32>
        %sub3A_863 = vector.broadcast %squeeze3A_832 : f32 to vector<16xf32>
        %sub3A_864 = arith.subf %add3A_862, %sub3A_863 : vector<16xf32>
        %max3A_865 = arith.maximumf %max3A_813, %sub3A_864 : vector<16xf32>
        %mul3A_866 = vector.broadcast %squeeze3A_826 : f32 to vector<16xf32>
        %mul3A_867 = arith.mulf %get3A_80, %mul3A_866 : vector<16xf32>
        %mul3A_868 = vector.broadcast %squeeze3A_828 : f32 to vector<16xf32>
        %mul3A_869 = arith.mulf %get3A_108, %mul3A_868 : vector<16xf32>
        %add3A_870 = arith.addf %mul3A_867, %mul3A_869 : vector<16xf32>
        %mul3A_871 = vector.broadcast %squeeze3A_830 : f32 to vector<16xf32>
        %mul3A_872 = arith.mulf %get3A_136, %mul3A_871 : vector<16xf32>
        %add3A_873 = arith.addf %add3A_870, %mul3A_872 : vector<16xf32>
        %sub3A_874 = vector.broadcast %squeeze3A_832 : f32 to vector<16xf32>
        %sub3A_875 = arith.subf %add3A_873, %sub3A_874 : vector<16xf32>
        %max3A_876 = arith.maximumf %max3A_824, %sub3A_875 : vector<16xf32>
        %slice3A_877 = vector.extract_strided_slice %get3A_190 {offsets = [13], sizes = [1], strides = [1]} : vector<16xf32> to vector<1xf32>
        %squeeze3A_878 = vector.extract %slice3A_877[0] : f32 from vector<1xf32>
        %slice3A_879 = vector.extract_strided_slice %get3A_195 {offsets = [13], sizes = [1], strides = [1]} : vector<16xf32> to vector<1xf32>
        %squeeze3A_880 = vector.extract %slice3A_879[0] : f32 from vector<1xf32>
        %slice3A_881 = vector.extract_strided_slice %get3A_200 {offsets = [13], sizes = [1], strides = [1]} : vector<16xf32> to vector<1xf32>
        %squeeze3A_882 = vector.extract %slice3A_881[0] : f32 from vector<1xf32>
        %slice3A_883 = vector.extract_strided_slice %get3A_203 {offsets = [13], sizes = [1], strides = [1]} : vector<16xf32> to vector<1xf32>
        %squeeze3A_884 = vector.extract %slice3A_883[0] : f32 from vector<1xf32>
        %mul3A_885 = vector.broadcast %squeeze3A_878 : f32 to vector<16xf32>
        %mul3A_886 = arith.mulf %get3A_59, %mul3A_885 : vector<16xf32>
        %mul3A_887 = vector.broadcast %squeeze3A_880 : f32 to vector<16xf32>
        %mul3A_888 = arith.mulf %get3A_87, %mul3A_887 : vector<16xf32>
        %add3A_889 = arith.addf %mul3A_886, %mul3A_888 : vector<16xf32>
        %mul3A_890 = vector.broadcast %squeeze3A_882 : f32 to vector<16xf32>
        %mul3A_891 = arith.mulf %get3A_115, %mul3A_890 : vector<16xf32>
        %add3A_892 = arith.addf %add3A_889, %mul3A_891 : vector<16xf32>
        %sub3A_893 = vector.broadcast %squeeze3A_884 : f32 to vector<16xf32>
        %sub3A_894 = arith.subf %add3A_892, %sub3A_893 : vector<16xf32>
        %max3A_895 = arith.maximumf %max3A_843, %sub3A_894 : vector<16xf32>
        %mul3A_896 = vector.broadcast %squeeze3A_878 : f32 to vector<16xf32>
        %mul3A_897 = arith.mulf %get3A_66, %mul3A_896 : vector<16xf32>
        %mul3A_898 = vector.broadcast %squeeze3A_880 : f32 to vector<16xf32>
        %mul3A_899 = arith.mulf %get3A_94, %mul3A_898 : vector<16xf32>
        %add3A_900 = arith.addf %mul3A_897, %mul3A_899 : vector<16xf32>
        %mul3A_901 = vector.broadcast %squeeze3A_882 : f32 to vector<16xf32>
        %mul3A_902 = arith.mulf %get3A_122, %mul3A_901 : vector<16xf32>
        %add3A_903 = arith.addf %add3A_900, %mul3A_902 : vector<16xf32>
        %sub3A_904 = vector.broadcast %squeeze3A_884 : f32 to vector<16xf32>
        %sub3A_905 = arith.subf %add3A_903, %sub3A_904 : vector<16xf32>
        %max3A_906 = arith.maximumf %max3A_854, %sub3A_905 : vector<16xf32>
        %mul3A_907 = vector.broadcast %squeeze3A_878 : f32 to vector<16xf32>
        %mul3A_908 = arith.mulf %get3A_73, %mul3A_907 : vector<16xf32>
        %mul3A_909 = vector.broadcast %squeeze3A_880 : f32 to vector<16xf32>
        %mul3A_910 = arith.mulf %get3A_101, %mul3A_909 : vector<16xf32>
        %add3A_911 = arith.addf %mul3A_908, %mul3A_910 : vector<16xf32>
        %mul3A_912 = vector.broadcast %squeeze3A_882 : f32 to vector<16xf32>
        %mul3A_913 = arith.mulf %get3A_129, %mul3A_912 : vector<16xf32>
        %add3A_914 = arith.addf %add3A_911, %mul3A_913 : vector<16xf32>
        %sub3A_915 = vector.broadcast %squeeze3A_884 : f32 to vector<16xf32>
        %sub3A_916 = arith.subf %add3A_914, %sub3A_915 : vector<16xf32>
        %max3A_917 = arith.maximumf %max3A_865, %sub3A_916 : vector<16xf32>
        %mul3A_918 = vector.broadcast %squeeze3A_878 : f32 to vector<16xf32>
        %mul3A_919 = arith.mulf %get3A_80, %mul3A_918 : vector<16xf32>
        %mul3A_920 = vector.broadcast %squeeze3A_880 : f32 to vector<16xf32>
        %mul3A_921 = arith.mulf %get3A_108, %mul3A_920 : vector<16xf32>
        %add3A_922 = arith.addf %mul3A_919, %mul3A_921 : vector<16xf32>
        %mul3A_923 = vector.broadcast %squeeze3A_882 : f32 to vector<16xf32>
        %mul3A_924 = arith.mulf %get3A_136, %mul3A_923 : vector<16xf32>
        %add3A_925 = arith.addf %add3A_922, %mul3A_924 : vector<16xf32>
        %sub3A_926 = vector.broadcast %squeeze3A_884 : f32 to vector<16xf32>
        %sub3A_927 = arith.subf %add3A_925, %sub3A_926 : vector<16xf32>
        %max3A_928 = arith.maximumf %max3A_876, %sub3A_927 : vector<16xf32>
        %slice3A_929 = vector.extract_strided_slice %get3A_190 {offsets = [14], sizes = [1], strides = [1]} : vector<16xf32> to vector<1xf32>
        %squeeze3A_930 = vector.extract %slice3A_929[0] : f32 from vector<1xf32>
        %slice3A_931 = vector.extract_strided_slice %get3A_195 {offsets = [14], sizes = [1], strides = [1]} : vector<16xf32> to vector<1xf32>
        %squeeze3A_932 = vector.extract %slice3A_931[0] : f32 from vector<1xf32>
        %slice3A_933 = vector.extract_strided_slice %get3A_200 {offsets = [14], sizes = [1], strides = [1]} : vector<16xf32> to vector<1xf32>
        %squeeze3A_934 = vector.extract %slice3A_933[0] : f32 from vector<1xf32>
        %slice3A_935 = vector.extract_strided_slice %get3A_203 {offsets = [14], sizes = [1], strides = [1]} : vector<16xf32> to vector<1xf32>
        %squeeze3A_936 = vector.extract %slice3A_935[0] : f32 from vector<1xf32>
        %mul3A_937 = vector.broadcast %squeeze3A_930 : f32 to vector<16xf32>
        %mul3A_938 = arith.mulf %get3A_59, %mul3A_937 : vector<16xf32>
        %mul3A_939 = vector.broadcast %squeeze3A_932 : f32 to vector<16xf32>
        %mul3A_940 = arith.mulf %get3A_87, %mul3A_939 : vector<16xf32>
        %add3A_941 = arith.addf %mul3A_938, %mul3A_940 : vector<16xf32>
        %mul3A_942 = vector.broadcast %squeeze3A_934 : f32 to vector<16xf32>
        %mul3A_943 = arith.mulf %get3A_115, %mul3A_942 : vector<16xf32>
        %add3A_944 = arith.addf %add3A_941, %mul3A_943 : vector<16xf32>
        %sub3A_945 = vector.broadcast %squeeze3A_936 : f32 to vector<16xf32>
        %sub3A_946 = arith.subf %add3A_944, %sub3A_945 : vector<16xf32>
        %max3A_947 = arith.maximumf %max3A_895, %sub3A_946 : vector<16xf32>
        %mul3A_948 = vector.broadcast %squeeze3A_930 : f32 to vector<16xf32>
        %mul3A_949 = arith.mulf %get3A_66, %mul3A_948 : vector<16xf32>
        %mul3A_950 = vector.broadcast %squeeze3A_932 : f32 to vector<16xf32>
        %mul3A_951 = arith.mulf %get3A_94, %mul3A_950 : vector<16xf32>
        %add3A_952 = arith.addf %mul3A_949, %mul3A_951 : vector<16xf32>
        %mul3A_953 = vector.broadcast %squeeze3A_934 : f32 to vector<16xf32>
        %mul3A_954 = arith.mulf %get3A_122, %mul3A_953 : vector<16xf32>
        %add3A_955 = arith.addf %add3A_952, %mul3A_954 : vector<16xf32>
        %sub3A_956 = vector.broadcast %squeeze3A_936 : f32 to vector<16xf32>
        %sub3A_957 = arith.subf %add3A_955, %sub3A_956 : vector<16xf32>
        %max3A_958 = arith.maximumf %max3A_906, %sub3A_957 : vector<16xf32>
        %mul3A_959 = vector.broadcast %squeeze3A_930 : f32 to vector<16xf32>
        %mul3A_960 = arith.mulf %get3A_73, %mul3A_959 : vector<16xf32>
        %mul3A_961 = vector.broadcast %squeeze3A_932 : f32 to vector<16xf32>
        %mul3A_962 = arith.mulf %get3A_101, %mul3A_961 : vector<16xf32>
        %add3A_963 = arith.addf %mul3A_960, %mul3A_962 : vector<16xf32>
        %mul3A_964 = vector.broadcast %squeeze3A_934 : f32 to vector<16xf32>
        %mul3A_965 = arith.mulf %get3A_129, %mul3A_964 : vector<16xf32>
        %add3A_966 = arith.addf %add3A_963, %mul3A_965 : vector<16xf32>
        %sub3A_967 = vector.broadcast %squeeze3A_936 : f32 to vector<16xf32>
        %sub3A_968 = arith.subf %add3A_966, %sub3A_967 : vector<16xf32>
        %max3A_969 = arith.maximumf %max3A_917, %sub3A_968 : vector<16xf32>
        %mul3A_970 = vector.broadcast %squeeze3A_930 : f32 to vector<16xf32>
        %mul3A_971 = arith.mulf %get3A_80, %mul3A_970 : vector<16xf32>
        %mul3A_972 = vector.broadcast %squeeze3A_932 : f32 to vector<16xf32>
        %mul3A_973 = arith.mulf %get3A_108, %mul3A_972 : vector<16xf32>
        %add3A_974 = arith.addf %mul3A_971, %mul3A_973 : vector<16xf32>
        %mul3A_975 = vector.broadcast %squeeze3A_934 : f32 to vector<16xf32>
        %mul3A_976 = arith.mulf %get3A_136, %mul3A_975 : vector<16xf32>
        %add3A_977 = arith.addf %add3A_974, %mul3A_976 : vector<16xf32>
        %sub3A_978 = vector.broadcast %squeeze3A_936 : f32 to vector<16xf32>
        %sub3A_979 = arith.subf %add3A_977, %sub3A_978 : vector<16xf32>
        %max3A_980 = arith.maximumf %max3A_928, %sub3A_979 : vector<16xf32>
        %slice3A_981 = vector.extract_strided_slice %get3A_190 {offsets = [15], sizes = [1], strides = [1]} : vector<16xf32> to vector<1xf32>
        %squeeze3A_982 = vector.extract %slice3A_981[0] : f32 from vector<1xf32>
        %slice3A_983 = vector.extract_strided_slice %get3A_195 {offsets = [15], sizes = [1], strides = [1]} : vector<16xf32> to vector<1xf32>
        %squeeze3A_984 = vector.extract %slice3A_983[0] : f32 from vector<1xf32>
        %slice3A_985 = vector.extract_strided_slice %get3A_200 {offsets = [15], sizes = [1], strides = [1]} : vector<16xf32> to vector<1xf32>
        %squeeze3A_986 = vector.extract %slice3A_985[0] : f32 from vector<1xf32>
        %slice3A_987 = vector.extract_strided_slice %get3A_203 {offsets = [15], sizes = [1], strides = [1]} : vector<16xf32> to vector<1xf32>
        %squeeze3A_988 = vector.extract %slice3A_987[0] : f32 from vector<1xf32>
        %mul3A_989 = vector.broadcast %squeeze3A_982 : f32 to vector<16xf32>
        %mul3A_990 = arith.mulf %get3A_59, %mul3A_989 : vector<16xf32>
        %mul3A_991 = vector.broadcast %squeeze3A_984 : f32 to vector<16xf32>
        %mul3A_992 = arith.mulf %get3A_87, %mul3A_991 : vector<16xf32>
        %add3A_993 = arith.addf %mul3A_990, %mul3A_992 : vector<16xf32>
        %mul3A_994 = vector.broadcast %squeeze3A_986 : f32 to vector<16xf32>
        %mul3A_995 = arith.mulf %get3A_115, %mul3A_994 : vector<16xf32>
        %add3A_996 = arith.addf %add3A_993, %mul3A_995 : vector<16xf32>
        %sub3A_997 = vector.broadcast %squeeze3A_988 : f32 to vector<16xf32>
        %sub3A_998 = arith.subf %add3A_996, %sub3A_997 : vector<16xf32>
        %max3A_999 = arith.maximumf %max3A_947, %sub3A_998 : vector<16xf32>
        %mul3A_1000 = vector.broadcast %squeeze3A_982 : f32 to vector<16xf32>
        %mul3A_1001 = arith.mulf %get3A_66, %mul3A_1000 : vector<16xf32>
        %mul3A_1002 = vector.broadcast %squeeze3A_984 : f32 to vector<16xf32>
        %mul3A_1003 = arith.mulf %get3A_94, %mul3A_1002 : vector<16xf32>
        %add3A_1004 = arith.addf %mul3A_1001, %mul3A_1003 : vector<16xf32>
        %mul3A_1005 = vector.broadcast %squeeze3A_986 : f32 to vector<16xf32>
        %mul3A_1006 = arith.mulf %get3A_122, %mul3A_1005 : vector<16xf32>
        %add3A_1007 = arith.addf %add3A_1004, %mul3A_1006 : vector<16xf32>
        %sub3A_1008 = vector.broadcast %squeeze3A_988 : f32 to vector<16xf32>
        %sub3A_1009 = arith.subf %add3A_1007, %sub3A_1008 : vector<16xf32>
        %max3A_1010 = arith.maximumf %max3A_958, %sub3A_1009 : vector<16xf32>
        %mul3A_1011 = vector.broadcast %squeeze3A_982 : f32 to vector<16xf32>
        %mul3A_1012 = arith.mulf %get3A_73, %mul3A_1011 : vector<16xf32>
        %mul3A_1013 = vector.broadcast %squeeze3A_984 : f32 to vector<16xf32>
        %mul3A_1014 = arith.mulf %get3A_101, %mul3A_1013 : vector<16xf32>
        %add3A_1015 = arith.addf %mul3A_1012, %mul3A_1014 : vector<16xf32>
        %mul3A_1016 = vector.broadcast %squeeze3A_986 : f32 to vector<16xf32>
        %mul3A_1017 = arith.mulf %get3A_129, %mul3A_1016 : vector<16xf32>
        %add3A_1018 = arith.addf %add3A_1015, %mul3A_1017 : vector<16xf32>
        %sub3A_1019 = vector.broadcast %squeeze3A_988 : f32 to vector<16xf32>
        %sub3A_1020 = arith.subf %add3A_1018, %sub3A_1019 : vector<16xf32>
        %max3A_1021 = arith.maximumf %max3A_969, %sub3A_1020 : vector<16xf32>
        %mul3A_1022 = vector.broadcast %squeeze3A_982 : f32 to vector<16xf32>
        %mul3A_1023 = arith.mulf %get3A_80, %mul3A_1022 : vector<16xf32>
        %mul3A_1024 = vector.broadcast %squeeze3A_984 : f32 to vector<16xf32>
        %mul3A_1025 = arith.mulf %get3A_108, %mul3A_1024 : vector<16xf32>
        %add3A_1026 = arith.addf %mul3A_1023, %mul3A_1025 : vector<16xf32>
        %mul3A_1027 = vector.broadcast %squeeze3A_986 : f32 to vector<16xf32>
        %mul3A_1028 = arith.mulf %get3A_136, %mul3A_1027 : vector<16xf32>
        %add3A_1029 = arith.addf %add3A_1026, %mul3A_1028 : vector<16xf32>
        %sub3A_1030 = vector.broadcast %squeeze3A_988 : f32 to vector<16xf32>
        %sub3A_1031 = arith.subf %add3A_1029, %sub3A_1030 : vector<16xf32>
        %max3A_1032 = arith.maximumf %max3A_980, %sub3A_1031 : vector<16xf32>
        scf.yield %max3A_999, %max3A_1010, %max3A_1021, %max3A_1032 : vector<16xf32>, vector<16xf32>, vector<16xf32>, vector<16xf32>
      }
      %scan3A_170 = arith.constant 256 : i32
      %sub3A_171 = arith.subf %get3A_141, %scan3A_169#0 : vector<16xf32>
      %add3A_172 = arith.addf %scan3A_48, %sub3A_171 : vector<16xf32>
      %sub3A_173 = arith.subf %get3A_146, %scan3A_169#1 : vector<16xf32>
      %add3A_174 = arith.addf %add3A_172, %sub3A_173 : vector<16xf32>
      %sub3A_175 = arith.subf %get3A_151, %scan3A_169#2 : vector<16xf32>
      %add3A_176 = arith.addf %add3A_174, %sub3A_175 : vector<16xf32>
      %sub3A_177 = arith.subf %get3A_156, %scan3A_169#3 : vector<16xf32>
      %add3A_178 = arith.addf %add3A_176, %sub3A_177 : vector<16xf32>
      scf.yield %add3A_178 : vector<16xf32>
    }
    %scan3A_42 = arith.constant 2 : i32
    %add3A_43 = arith.addf %scan3A_41, %scan3A_41 : vector<16xf32>
    %swap3A = arith.constant 0 : index
    %swap3A_44 = tpu.vector_load %arg11[%swap3A] {strides = array<i32>} : memref<16xf32, #tpu.memory_space<vmem>>, vector<16xf32>,
    %swap3A_45 = vector.shape_cast %swap3A_44 : vector<16xf32> to vector<16xf32>
    %swap3A_46 = vector.shape_cast %add3A_43 : vector<16xf32> to vector<16xf32>
    tpu.vector_store %arg11[%swap3A], %swap3A_46 {strides = array<i32>} : memref<16xf32, #tpu.memory_space<vmem>>, vector<16xf32>,
    "tpu.region"() ({
      %run_scoped3A = tpu.sem_alloc : memref<!tpu.dma_semaphore, #tpu.memory_space<semaphore_mem>>
      %dma_start3A = arith.constant 0 : i32
      %dma_start3A_47 = tpu.memref_slice %arg6[%add3A, %dma_start3A] : memref<32x16xf32, #tpu.memory_space<hbm>> -> memref<1x16xf32, #tpu.memory_space<hbm>>
      %dma_start3A_48 = tpu.memref_squeeze %dma_start3A_47 : memref<1x16xf32, #tpu.memory_space<hbm>> -> memref<16xf32, #tpu.memory_space<hbm>>
      %dma_start3A_49 = arith.constant 0 : i32
      %dma_start3A_50 = tpu.memref_slice %arg6[%add3A, %dma_start3A_49] : memref<32x16xf32, #tpu.memory_space<hbm>> -> memref<1x16xf32, #tpu.memory_space<hbm>>
      %dma_start3A_51 = tpu.memref_squeeze %dma_start3A_50 : memref<1x16xf32, #tpu.memory_space<hbm>> -> memref<16xf32, #tpu.memory_space<hbm>>
      tpu.enqueue_dma source(%arg11 : memref<16xf32, #tpu.memory_space<vmem>>) target(%dma_start3A_51 : memref<16xf32, #tpu.memory_space<hbm>>) target_semaphore(%run_scoped3A : memref<!tpu.dma_semaphore, #tpu.memory_space<semaphore_mem>>)
      %dma_wait3A = arith.constant 0 : i32
      %dma_wait3A_52 = tpu.memref_slice %arg6[%add3A, %dma_wait3A] : memref<32x16xf32, #tpu.memory_space<hbm>> -> memref<1x16xf32, #tpu.memory_space<hbm>>
      %dma_wait3A_53 = tpu.memref_squeeze %dma_wait3A_52 : memref<1x16xf32, #tpu.memory_space<hbm>> -> memref<16xf32, #tpu.memory_space<hbm>>
      %dma_wait3A_54 = arith.constant 0 : i32
      %dma_wait3A_55 = tpu.memref_slice %arg6[%add3A, %dma_wait3A_54] : memref<32x16xf32, #tpu.memory_space<hbm>> -> memref<1x16xf32, #tpu.memory_space<hbm>>
      %dma_wait3A_56 = tpu.memref_squeeze %dma_wait3A_55 : memref<1x16xf32, #tpu.memory_space<hbm>> -> memref<16xf32, #tpu.memory_space<hbm>>
      tpu.wait_dma2 semaphore(%run_scoped3A : memref<!tpu.dma_semaphore, #tpu.memory_space<semaphore_mem>>) src(%arg11 : memref<16xf32, #tpu.memory_space<vmem>>) dst(%dma_wait3A_56 : memref<16xf32, #tpu.memory_space<hbm>>)
      tpu.yield
    }) : () -> ()
    return
  }
}

module attributes {stable_mosaic.version = 14 : i64} {
  func.func @body(%arg0: i32, %arg1: i32, %arg2: memref<1x1024x8xf32, #tpu.memory_space<vmem>>, %arg3: memref<1x8x4096xf32, #tpu.memory_space<vmem>>, %arg4: memref<1x1xf32, #tpu.memory_space<smem>>, %arg5: memref<8x4096xf32, #tpu.memory_space<vmem>>) attributes {dimension_semantics = [#tpu.dimension_semantics<arbitrary>, #tpu.dimension_semantics<arbitrary>], iteration_bounds = array<i64: 3, 4>, scalar_prefetch = 0 : i64, scratch_operands = 1 : i64, tpu.core_type = #tpu.core_type<tc>, window_params = [{transform_indices = @transform_0, window_bounds = array<i64: 1, 1024, 8>}, {transform_indices = @transform_1, window_bounds = array<i64: 1, 8, 4096>}, {transform_indices = @transform_2, window_bounds = array<i64: 1, 1>}]} {
    %eq3A = arith.constant 0 : i32
    %eq3A_0 = arith.cmpi eq, %arg0, %eq3A : i32
    %eq3A_1 = arith.constant 0 : i32
    %eq3A_2 = arith.cmpi eq, %arg1, %eq3A_1 : i32
    %and3A = arith.andi %eq3A_0, %eq3A_2 : i1
    %convert_element_type3A = arith.extui %and3A : i1 to i32
    %cond3A = arith.constant 0 : i32
    %cond3A_3 = arith.cmpi ne, %convert_element_type3A, %cond3A : i32
    scf.if %cond3A_3 {
      %swap3A_315 = arith.constant 0.000000e+00 : f32
      %swap3A_316 = arith.constant 0 : index
      %swap3A_317 = arith.constant 0 : index
      %swap3A_318 = memref.load %arg4[%swap3A_316, %swap3A_317] : memref<1x1xf32, #tpu.memory_space<smem>>
      memref.store %swap3A_315, %arg4[%swap3A_316, %swap3A_317] : memref<1x1xf32, #tpu.memory_space<smem>>
    } else {
    }
    %eq3A_4 = arith.constant 0 : i32
    %eq3A_5 = arith.cmpi eq, %arg1, %eq3A_4 : i32
    %convert_element_type3A_6 = arith.extui %eq3A_5 : i1 to i32
    %cond3A_7 = arith.constant 0 : i32
    %cond3A_8 = arith.cmpi ne, %convert_element_type3A_6, %cond3A_7 : i32
    scf.if %cond3A_8 {
      %broadcast_in_dim3A = arith.constant -3.400000e+38 : f32
      %broadcast_in_dim3A_315 = vector.broadcast %broadcast_in_dim3A : f32 to vector<8x4096xf32>
      %swap3A_316 = arith.constant 0 : index
      %swap3A_317 = arith.constant 0 : index
      %swap3A_318 = vector.load %arg5[%swap3A_316, %swap3A_317] : memref<8x4096xf32, #tpu.memory_space<vmem>>, vector<8x4096xf32>
      tpu.vector_store %arg5[%swap3A_316, %swap3A_317], %broadcast_in_dim3A_315 {strides = array<i32>} : memref<8x4096xf32, #tpu.memory_space<vmem>>, vector<8x4096xf32>,
    } else {
    }
    %get3A = arith.constant 0 : index
    %get3A_9 = arith.constant 0 : index
    %get3A_10 = arith.constant 0 : index
    %get3A_11 = vector.load %arg2[%get3A, %get3A_9, %get3A_10] : memref<1x1024x8xf32, #tpu.memory_space<vmem>>, vector<1x1024x8xf32>
    %get3A_12 = vector.shape_cast %get3A_11 : vector<1x1024x8xf32> to vector<1024x8xf32>
    %get3A_13 = arith.constant 0 : index
    %get3A_14 = arith.constant 0 : index
    %get3A_15 = arith.constant 0 : index
    %get3A_16 = vector.load %arg3[%get3A_13, %get3A_14, %get3A_15] : memref<1x8x4096xf32, #tpu.memory_space<vmem>>, vector<1x8x4096xf32>
    %get3A_17 = vector.shape_cast %get3A_16 : vector<1x8x4096xf32> to vector<8x4096xf32>
    %slice3A = vector.extract_strided_slice %get3A_12 {offsets = [0, 0], sizes = [1024, 1], strides = [1, 1]} : vector<1024x8xf32> to vector<1024x1xf32>
    %slice3A_18 = vector.extract_strided_slice %get3A_17 {offsets = [0, 0], sizes = [1, 4096], strides = [1, 1]} : vector<8x4096xf32> to vector<1x4096xf32>
    %mul3A = vector.broadcast %slice3A : vector<1024x1xf32> to vector<1024x4096xf32>
    %mul3A_19 = vector.broadcast %slice3A_18 : vector<1x4096xf32> to vector<1024x4096xf32>
    %mul3A_20 = arith.mulf %mul3A, %mul3A_19 : vector<1024x4096xf32>
    %slice3A_21 = vector.extract_strided_slice %get3A_12 {offsets = [0, 1], sizes = [1024, 1], strides = [1, 1]} : vector<1024x8xf32> to vector<1024x1xf32>
    %slice3A_22 = vector.extract_strided_slice %get3A_17 {offsets = [1, 0], sizes = [1, 4096], strides = [1, 1]} : vector<8x4096xf32> to vector<1x4096xf32>
    %mul3A_23 = vector.broadcast %slice3A_21 : vector<1024x1xf32> to vector<1024x4096xf32>
    %mul3A_24 = vector.broadcast %slice3A_22 : vector<1x4096xf32> to vector<1024x4096xf32>
    %mul3A_25 = arith.mulf %mul3A_23, %mul3A_24 : vector<1024x4096xf32>
    %add3A = arith.addf %mul3A_20, %mul3A_25 : vector<1024x4096xf32>
    %slice3A_26 = vector.extract_strided_slice %get3A_12 {offsets = [0, 2], sizes = [1024, 1], strides = [1, 1]} : vector<1024x8xf32> to vector<1024x1xf32>
    %slice3A_27 = vector.extract_strided_slice %get3A_17 {offsets = [2, 0], sizes = [1, 4096], strides = [1, 1]} : vector<8x4096xf32> to vector<1x4096xf32>
    %mul3A_28 = vector.broadcast %slice3A_26 : vector<1024x1xf32> to vector<1024x4096xf32>
    %mul3A_29 = vector.broadcast %slice3A_27 : vector<1x4096xf32> to vector<1024x4096xf32>
    %mul3A_30 = arith.mulf %mul3A_28, %mul3A_29 : vector<1024x4096xf32>
    %slice3A_31 = vector.extract_strided_slice %get3A_12 {offsets = [0, 4], sizes = [1024, 1], strides = [1, 1]} : vector<1024x8xf32> to vector<1024x1xf32>
    %slice3A_32 = vector.extract_strided_slice %get3A_17 {offsets = [3, 0], sizes = [1, 4096], strides = [1, 1]} : vector<8x4096xf32> to vector<1x4096xf32>
    %add3A_33 = vector.broadcast %slice3A_31 : vector<1024x1xf32> to vector<1024x4096xf32>
    %add3A_34 = vector.broadcast %slice3A_32 : vector<1x4096xf32> to vector<1024x4096xf32>
    %add3A_35 = arith.addf %add3A_33, %add3A_34 : vector<1024x4096xf32>
    %add3A_36 = arith.addf %mul3A_30, %add3A_35 : vector<1024x4096xf32>
    %add3A_37 = arith.addf %add3A, %add3A_36 : vector<1024x4096xf32>
    %get3A_38 = arith.constant 0 : index
    %get3A_39 = arith.constant 0 : index
    %get3A_40 = memref.load %arg4[%get3A_38, %get3A_39] : memref<1x1xf32, #tpu.memory_space<smem>>
    %reduce_max3A = arith.constant dense<0xFF800000> : vector<1024xf32>
    %reduce_max3A_41 = vector.multi_reduction <maximumf>, %add3A_37, %reduce_max3A [1] : vector<1024x4096xf32> to vector<1024xf32>
    %reduce_sum3A = vector.shape_cast %reduce_max3A_41 : vector<1024xf32> to vector<1x1024xf32>
    %reduce_sum3A_42 = arith.constant dense<0.000000e+00> : vector<1xf32>
    %reduce_sum3A_43 = vector.multi_reduction <add>, %reduce_sum3A, %reduce_sum3A_42 [1] : vector<1x1024xf32> to vector<1xf32>
    %reduce_sum3A_44 = vector.shape_cast %reduce_sum3A_43 : vector<1xf32> to vector<1x1xf32>
    %reduce_sum3A_45 = vector.extract %reduce_sum3A_44[0, 0] : f32 from vector<1x1xf32>
    %add3A_46 = arith.addf %get3A_40, %reduce_sum3A_45 : f32
    %swap3A = arith.constant 0 : index
    %swap3A_47 = arith.constant 0 : index
    %swap3A_48 = memref.load %arg4[%swap3A, %swap3A_47] : memref<1x1xf32, #tpu.memory_space<smem>>
    memref.store %add3A_46, %arg4[%swap3A, %swap3A_47] : memref<1x1xf32, #tpu.memory_space<smem>>
    %get3A_49 = arith.constant 0 : index
    %get3A_50 = arith.constant 0 : index
    %get3A_51 = vector.load %arg5[%get3A_49, %get3A_50] : memref<8x4096xf32, #tpu.memory_space<vmem>>, vector<8x4096xf32>
    %slice3A_52 = vector.extract_strided_slice %add3A_37 {offsets = [0, 0], sizes = [8, 4096], strides = [1, 1]} : vector<1024x4096xf32> to vector<8x4096xf32>
    %max3A = arith.maximumf %get3A_51, %slice3A_52 : vector<8x4096xf32>
    %slice3A_53 = vector.extract_strided_slice %add3A_37 {offsets = [8, 0], sizes = [8, 4096], strides = [1, 1]} : vector<1024x4096xf32> to vector<8x4096xf32>
    %max3A_54 = arith.maximumf %max3A, %slice3A_53 : vector<8x4096xf32>
    %slice3A_55 = vector.extract_strided_slice %add3A_37 {offsets = [16, 0], sizes = [8, 4096], strides = [1, 1]} : vector<1024x4096xf32> to vector<8x4096xf32>
    %max3A_56 = arith.maximumf %max3A_54, %slice3A_55 : vector<8x4096xf32>
    %slice3A_57 = vector.extract_strided_slice %add3A_37 {offsets = [24, 0], sizes = [8, 4096], strides = [1, 1]} : vector<1024x4096xf32> to vector<8x4096xf32>
    %max3A_58 = arith.maximumf %max3A_56, %slice3A_57 : vector<8x4096xf32>
    %slice3A_59 = vector.extract_strided_slice %add3A_37 {offsets = [32, 0], sizes = [8, 4096], strides = [1, 1]} : vector<1024x4096xf32> to vector<8x4096xf32>
    %max3A_60 = arith.maximumf %max3A_58, %slice3A_59 : vector<8x4096xf32>
    %slice3A_61 = vector.extract_strided_slice %add3A_37 {offsets = [40, 0], sizes = [8, 4096], strides = [1, 1]} : vector<1024x4096xf32> to vector<8x4096xf32>
    %max3A_62 = arith.maximumf %max3A_60, %slice3A_61 : vector<8x4096xf32>
    %slice3A_63 = vector.extract_strided_slice %add3A_37 {offsets = [48, 0], sizes = [8, 4096], strides = [1, 1]} : vector<1024x4096xf32> to vector<8x4096xf32>
    %max3A_64 = arith.maximumf %max3A_62, %slice3A_63 : vector<8x4096xf32>
    %slice3A_65 = vector.extract_strided_slice %add3A_37 {offsets = [56, 0], sizes = [8, 4096], strides = [1, 1]} : vector<1024x4096xf32> to vector<8x4096xf32>
    %max3A_66 = arith.maximumf %max3A_64, %slice3A_65 : vector<8x4096xf32>
    %slice3A_67 = vector.extract_strided_slice %add3A_37 {offsets = [64, 0], sizes = [8, 4096], strides = [1, 1]} : vector<1024x4096xf32> to vector<8x4096xf32>
    %max3A_68 = arith.maximumf %max3A_66, %slice3A_67 : vector<8x4096xf32>
    %slice3A_69 = vector.extract_strided_slice %add3A_37 {offsets = [72, 0], sizes = [8, 4096], strides = [1, 1]} : vector<1024x4096xf32> to vector<8x4096xf32>
    %max3A_70 = arith.maximumf %max3A_68, %slice3A_69 : vector<8x4096xf32>
    %slice3A_71 = vector.extract_strided_slice %add3A_37 {offsets = [80, 0], sizes = [8, 4096], strides = [1, 1]} : vector<1024x4096xf32> to vector<8x4096xf32>
    %max3A_72 = arith.maximumf %max3A_70, %slice3A_71 : vector<8x4096xf32>
    %slice3A_73 = vector.extract_strided_slice %add3A_37 {offsets = [88, 0], sizes = [8, 4096], strides = [1, 1]} : vector<1024x4096xf32> to vector<8x4096xf32>
    %max3A_74 = arith.maximumf %max3A_72, %slice3A_73 : vector<8x4096xf32>
    %slice3A_75 = vector.extract_strided_slice %add3A_37 {offsets = [96, 0], sizes = [8, 4096], strides = [1, 1]} : vector<1024x4096xf32> to vector<8x4096xf32>
    %max3A_76 = arith.maximumf %max3A_74, %slice3A_75 : vector<8x4096xf32>
    %slice3A_77 = vector.extract_strided_slice %add3A_37 {offsets = [104, 0], sizes = [8, 4096], strides = [1, 1]} : vector<1024x4096xf32> to vector<8x4096xf32>
    %max3A_78 = arith.maximumf %max3A_76, %slice3A_77 : vector<8x4096xf32>
    %slice3A_79 = vector.extract_strided_slice %add3A_37 {offsets = [112, 0], sizes = [8, 4096], strides = [1, 1]} : vector<1024x4096xf32> to vector<8x4096xf32>
    %max3A_80 = arith.maximumf %max3A_78, %slice3A_79 : vector<8x4096xf32>
    %slice3A_81 = vector.extract_strided_slice %add3A_37 {offsets = [120, 0], sizes = [8, 4096], strides = [1, 1]} : vector<1024x4096xf32> to vector<8x4096xf32>
    %max3A_82 = arith.maximumf %max3A_80, %slice3A_81 : vector<8x4096xf32>
    %slice3A_83 = vector.extract_strided_slice %add3A_37 {offsets = [128, 0], sizes = [8, 4096], strides = [1, 1]} : vector<1024x4096xf32> to vector<8x4096xf32>
    %max3A_84 = arith.maximumf %max3A_82, %slice3A_83 : vector<8x4096xf32>
    %slice3A_85 = vector.extract_strided_slice %add3A_37 {offsets = [136, 0], sizes = [8, 4096], strides = [1, 1]} : vector<1024x4096xf32> to vector<8x4096xf32>
    %max3A_86 = arith.maximumf %max3A_84, %slice3A_85 : vector<8x4096xf32>
    %slice3A_87 = vector.extract_strided_slice %add3A_37 {offsets = [144, 0], sizes = [8, 4096], strides = [1, 1]} : vector<1024x4096xf32> to vector<8x4096xf32>
    %max3A_88 = arith.maximumf %max3A_86, %slice3A_87 : vector<8x4096xf32>
    %slice3A_89 = vector.extract_strided_slice %add3A_37 {offsets = [152, 0], sizes = [8, 4096], strides = [1, 1]} : vector<1024x4096xf32> to vector<8x4096xf32>
    %max3A_90 = arith.maximumf %max3A_88, %slice3A_89 : vector<8x4096xf32>
    %slice3A_91 = vector.extract_strided_slice %add3A_37 {offsets = [160, 0], sizes = [8, 4096], strides = [1, 1]} : vector<1024x4096xf32> to vector<8x4096xf32>
    %max3A_92 = arith.maximumf %max3A_90, %slice3A_91 : vector<8x4096xf32>
    %slice3A_93 = vector.extract_strided_slice %add3A_37 {offsets = [168, 0], sizes = [8, 4096], strides = [1, 1]} : vector<1024x4096xf32> to vector<8x4096xf32>
    %max3A_94 = arith.maximumf %max3A_92, %slice3A_93 : vector<8x4096xf32>
    %slice3A_95 = vector.extract_strided_slice %add3A_37 {offsets = [176, 0], sizes = [8, 4096], strides = [1, 1]} : vector<1024x4096xf32> to vector<8x4096xf32>
    %max3A_96 = arith.maximumf %max3A_94, %slice3A_95 : vector<8x4096xf32>
    %slice3A_97 = vector.extract_strided_slice %add3A_37 {offsets = [184, 0], sizes = [8, 4096], strides = [1, 1]} : vector<1024x4096xf32> to vector<8x4096xf32>
    %max3A_98 = arith.maximumf %max3A_96, %slice3A_97 : vector<8x4096xf32>
    %slice3A_99 = vector.extract_strided_slice %add3A_37 {offsets = [192, 0], sizes = [8, 4096], strides = [1, 1]} : vector<1024x4096xf32> to vector<8x4096xf32>
    %max3A_100 = arith.maximumf %max3A_98, %slice3A_99 : vector<8x4096xf32>
    %slice3A_101 = vector.extract_strided_slice %add3A_37 {offsets = [200, 0], sizes = [8, 4096], strides = [1, 1]} : vector<1024x4096xf32> to vector<8x4096xf32>
    %max3A_102 = arith.maximumf %max3A_100, %slice3A_101 : vector<8x4096xf32>
    %slice3A_103 = vector.extract_strided_slice %add3A_37 {offsets = [208, 0], sizes = [8, 4096], strides = [1, 1]} : vector<1024x4096xf32> to vector<8x4096xf32>
    %max3A_104 = arith.maximumf %max3A_102, %slice3A_103 : vector<8x4096xf32>
    %slice3A_105 = vector.extract_strided_slice %add3A_37 {offsets = [216, 0], sizes = [8, 4096], strides = [1, 1]} : vector<1024x4096xf32> to vector<8x4096xf32>
    %max3A_106 = arith.maximumf %max3A_104, %slice3A_105 : vector<8x4096xf32>
    %slice3A_107 = vector.extract_strided_slice %add3A_37 {offsets = [224, 0], sizes = [8, 4096], strides = [1, 1]} : vector<1024x4096xf32> to vector<8x4096xf32>
    %max3A_108 = arith.maximumf %max3A_106, %slice3A_107 : vector<8x4096xf32>
    %slice3A_109 = vector.extract_strided_slice %add3A_37 {offsets = [232, 0], sizes = [8, 4096], strides = [1, 1]} : vector<1024x4096xf32> to vector<8x4096xf32>
    %max3A_110 = arith.maximumf %max3A_108, %slice3A_109 : vector<8x4096xf32>
    %slice3A_111 = vector.extract_strided_slice %add3A_37 {offsets = [240, 0], sizes = [8, 4096], strides = [1, 1]} : vector<1024x4096xf32> to vector<8x4096xf32>
    %max3A_112 = arith.maximumf %max3A_110, %slice3A_111 : vector<8x4096xf32>
    %slice3A_113 = vector.extract_strided_slice %add3A_37 {offsets = [248, 0], sizes = [8, 4096], strides = [1, 1]} : vector<1024x4096xf32> to vector<8x4096xf32>
    %max3A_114 = arith.maximumf %max3A_112, %slice3A_113 : vector<8x4096xf32>
    %slice3A_115 = vector.extract_strided_slice %add3A_37 {offsets = [256, 0], sizes = [8, 4096], strides = [1, 1]} : vector<1024x4096xf32> to vector<8x4096xf32>
    %max3A_116 = arith.maximumf %max3A_114, %slice3A_115 : vector<8x4096xf32>
    %slice3A_117 = vector.extract_strided_slice %add3A_37 {offsets = [264, 0], sizes = [8, 4096], strides = [1, 1]} : vector<1024x4096xf32> to vector<8x4096xf32>
    %max3A_118 = arith.maximumf %max3A_116, %slice3A_117 : vector<8x4096xf32>
    %slice3A_119 = vector.extract_strided_slice %add3A_37 {offsets = [272, 0], sizes = [8, 4096], strides = [1, 1]} : vector<1024x4096xf32> to vector<8x4096xf32>
    %max3A_120 = arith.maximumf %max3A_118, %slice3A_119 : vector<8x4096xf32>
    %slice3A_121 = vector.extract_strided_slice %add3A_37 {offsets = [280, 0], sizes = [8, 4096], strides = [1, 1]} : vector<1024x4096xf32> to vector<8x4096xf32>
    %max3A_122 = arith.maximumf %max3A_120, %slice3A_121 : vector<8x4096xf32>
    %slice3A_123 = vector.extract_strided_slice %add3A_37 {offsets = [288, 0], sizes = [8, 4096], strides = [1, 1]} : vector<1024x4096xf32> to vector<8x4096xf32>
    %max3A_124 = arith.maximumf %max3A_122, %slice3A_123 : vector<8x4096xf32>
    %slice3A_125 = vector.extract_strided_slice %add3A_37 {offsets = [296, 0], sizes = [8, 4096], strides = [1, 1]} : vector<1024x4096xf32> to vector<8x4096xf32>
    %max3A_126 = arith.maximumf %max3A_124, %slice3A_125 : vector<8x4096xf32>
    %slice3A_127 = vector.extract_strided_slice %add3A_37 {offsets = [304, 0], sizes = [8, 4096], strides = [1, 1]} : vector<1024x4096xf32> to vector<8x4096xf32>
    %max3A_128 = arith.maximumf %max3A_126, %slice3A_127 : vector<8x4096xf32>
    %slice3A_129 = vector.extract_strided_slice %add3A_37 {offsets = [312, 0], sizes = [8, 4096], strides = [1, 1]} : vector<1024x4096xf32> to vector<8x4096xf32>
    %max3A_130 = arith.maximumf %max3A_128, %slice3A_129 : vector<8x4096xf32>
    %slice3A_131 = vector.extract_strided_slice %add3A_37 {offsets = [320, 0], sizes = [8, 4096], strides = [1, 1]} : vector<1024x4096xf32> to vector<8x4096xf32>
    %max3A_132 = arith.maximumf %max3A_130, %slice3A_131 : vector<8x4096xf32>
    %slice3A_133 = vector.extract_strided_slice %add3A_37 {offsets = [328, 0], sizes = [8, 4096], strides = [1, 1]} : vector<1024x4096xf32> to vector<8x4096xf32>
    %max3A_134 = arith.maximumf %max3A_132, %slice3A_133 : vector<8x4096xf32>
    %slice3A_135 = vector.extract_strided_slice %add3A_37 {offsets = [336, 0], sizes = [8, 4096], strides = [1, 1]} : vector<1024x4096xf32> to vector<8x4096xf32>
    %max3A_136 = arith.maximumf %max3A_134, %slice3A_135 : vector<8x4096xf32>
    %slice3A_137 = vector.extract_strided_slice %add3A_37 {offsets = [344, 0], sizes = [8, 4096], strides = [1, 1]} : vector<1024x4096xf32> to vector<8x4096xf32>
    %max3A_138 = arith.maximumf %max3A_136, %slice3A_137 : vector<8x4096xf32>
    %slice3A_139 = vector.extract_strided_slice %add3A_37 {offsets = [352, 0], sizes = [8, 4096], strides = [1, 1]} : vector<1024x4096xf32> to vector<8x4096xf32>
    %max3A_140 = arith.maximumf %max3A_138, %slice3A_139 : vector<8x4096xf32>
    %slice3A_141 = vector.extract_strided_slice %add3A_37 {offsets = [360, 0], sizes = [8, 4096], strides = [1, 1]} : vector<1024x4096xf32> to vector<8x4096xf32>
    %max3A_142 = arith.maximumf %max3A_140, %slice3A_141 : vector<8x4096xf32>
    %slice3A_143 = vector.extract_strided_slice %add3A_37 {offsets = [368, 0], sizes = [8, 4096], strides = [1, 1]} : vector<1024x4096xf32> to vector<8x4096xf32>
    %max3A_144 = arith.maximumf %max3A_142, %slice3A_143 : vector<8x4096xf32>
    %slice3A_145 = vector.extract_strided_slice %add3A_37 {offsets = [376, 0], sizes = [8, 4096], strides = [1, 1]} : vector<1024x4096xf32> to vector<8x4096xf32>
    %max3A_146 = arith.maximumf %max3A_144, %slice3A_145 : vector<8x4096xf32>
    %slice3A_147 = vector.extract_strided_slice %add3A_37 {offsets = [384, 0], sizes = [8, 4096], strides = [1, 1]} : vector<1024x4096xf32> to vector<8x4096xf32>
    %max3A_148 = arith.maximumf %max3A_146, %slice3A_147 : vector<8x4096xf32>
    %slice3A_149 = vector.extract_strided_slice %add3A_37 {offsets = [392, 0], sizes = [8, 4096], strides = [1, 1]} : vector<1024x4096xf32> to vector<8x4096xf32>
    %max3A_150 = arith.maximumf %max3A_148, %slice3A_149 : vector<8x4096xf32>
    %slice3A_151 = vector.extract_strided_slice %add3A_37 {offsets = [400, 0], sizes = [8, 4096], strides = [1, 1]} : vector<1024x4096xf32> to vector<8x4096xf32>
    %max3A_152 = arith.maximumf %max3A_150, %slice3A_151 : vector<8x4096xf32>
    %slice3A_153 = vector.extract_strided_slice %add3A_37 {offsets = [408, 0], sizes = [8, 4096], strides = [1, 1]} : vector<1024x4096xf32> to vector<8x4096xf32>
    %max3A_154 = arith.maximumf %max3A_152, %slice3A_153 : vector<8x4096xf32>
    %slice3A_155 = vector.extract_strided_slice %add3A_37 {offsets = [416, 0], sizes = [8, 4096], strides = [1, 1]} : vector<1024x4096xf32> to vector<8x4096xf32>
    %max3A_156 = arith.maximumf %max3A_154, %slice3A_155 : vector<8x4096xf32>
    %slice3A_157 = vector.extract_strided_slice %add3A_37 {offsets = [424, 0], sizes = [8, 4096], strides = [1, 1]} : vector<1024x4096xf32> to vector<8x4096xf32>
    %max3A_158 = arith.maximumf %max3A_156, %slice3A_157 : vector<8x4096xf32>
    %slice3A_159 = vector.extract_strided_slice %add3A_37 {offsets = [432, 0], sizes = [8, 4096], strides = [1, 1]} : vector<1024x4096xf32> to vector<8x4096xf32>
    %max3A_160 = arith.maximumf %max3A_158, %slice3A_159 : vector<8x4096xf32>
    %slice3A_161 = vector.extract_strided_slice %add3A_37 {offsets = [440, 0], sizes = [8, 4096], strides = [1, 1]} : vector<1024x4096xf32> to vector<8x4096xf32>
    %max3A_162 = arith.maximumf %max3A_160, %slice3A_161 : vector<8x4096xf32>
    %slice3A_163 = vector.extract_strided_slice %add3A_37 {offsets = [448, 0], sizes = [8, 4096], strides = [1, 1]} : vector<1024x4096xf32> to vector<8x4096xf32>
    %max3A_164 = arith.maximumf %max3A_162, %slice3A_163 : vector<8x4096xf32>
    %slice3A_165 = vector.extract_strided_slice %add3A_37 {offsets = [456, 0], sizes = [8, 4096], strides = [1, 1]} : vector<1024x4096xf32> to vector<8x4096xf32>
    %max3A_166 = arith.maximumf %max3A_164, %slice3A_165 : vector<8x4096xf32>
    %slice3A_167 = vector.extract_strided_slice %add3A_37 {offsets = [464, 0], sizes = [8, 4096], strides = [1, 1]} : vector<1024x4096xf32> to vector<8x4096xf32>
    %max3A_168 = arith.maximumf %max3A_166, %slice3A_167 : vector<8x4096xf32>
    %slice3A_169 = vector.extract_strided_slice %add3A_37 {offsets = [472, 0], sizes = [8, 4096], strides = [1, 1]} : vector<1024x4096xf32> to vector<8x4096xf32>
    %max3A_170 = arith.maximumf %max3A_168, %slice3A_169 : vector<8x4096xf32>
    %slice3A_171 = vector.extract_strided_slice %add3A_37 {offsets = [480, 0], sizes = [8, 4096], strides = [1, 1]} : vector<1024x4096xf32> to vector<8x4096xf32>
    %max3A_172 = arith.maximumf %max3A_170, %slice3A_171 : vector<8x4096xf32>
    %slice3A_173 = vector.extract_strided_slice %add3A_37 {offsets = [488, 0], sizes = [8, 4096], strides = [1, 1]} : vector<1024x4096xf32> to vector<8x4096xf32>
    %max3A_174 = arith.maximumf %max3A_172, %slice3A_173 : vector<8x4096xf32>
    %slice3A_175 = vector.extract_strided_slice %add3A_37 {offsets = [496, 0], sizes = [8, 4096], strides = [1, 1]} : vector<1024x4096xf32> to vector<8x4096xf32>
    %max3A_176 = arith.maximumf %max3A_174, %slice3A_175 : vector<8x4096xf32>
    %slice3A_177 = vector.extract_strided_slice %add3A_37 {offsets = [504, 0], sizes = [8, 4096], strides = [1, 1]} : vector<1024x4096xf32> to vector<8x4096xf32>
    %max3A_178 = arith.maximumf %max3A_176, %slice3A_177 : vector<8x4096xf32>
    %slice3A_179 = vector.extract_strided_slice %add3A_37 {offsets = [512, 0], sizes = [8, 4096], strides = [1, 1]} : vector<1024x4096xf32> to vector<8x4096xf32>
    %max3A_180 = arith.maximumf %max3A_178, %slice3A_179 : vector<8x4096xf32>
    %slice3A_181 = vector.extract_strided_slice %add3A_37 {offsets = [520, 0], sizes = [8, 4096], strides = [1, 1]} : vector<1024x4096xf32> to vector<8x4096xf32>
    %max3A_182 = arith.maximumf %max3A_180, %slice3A_181 : vector<8x4096xf32>
    %slice3A_183 = vector.extract_strided_slice %add3A_37 {offsets = [528, 0], sizes = [8, 4096], strides = [1, 1]} : vector<1024x4096xf32> to vector<8x4096xf32>
    %max3A_184 = arith.maximumf %max3A_182, %slice3A_183 : vector<8x4096xf32>
    %slice3A_185 = vector.extract_strided_slice %add3A_37 {offsets = [536, 0], sizes = [8, 4096], strides = [1, 1]} : vector<1024x4096xf32> to vector<8x4096xf32>
    %max3A_186 = arith.maximumf %max3A_184, %slice3A_185 : vector<8x4096xf32>
    %slice3A_187 = vector.extract_strided_slice %add3A_37 {offsets = [544, 0], sizes = [8, 4096], strides = [1, 1]} : vector<1024x4096xf32> to vector<8x4096xf32>
    %max3A_188 = arith.maximumf %max3A_186, %slice3A_187 : vector<8x4096xf32>
    %slice3A_189 = vector.extract_strided_slice %add3A_37 {offsets = [552, 0], sizes = [8, 4096], strides = [1, 1]} : vector<1024x4096xf32> to vector<8x4096xf32>
    %max3A_190 = arith.maximumf %max3A_188, %slice3A_189 : vector<8x4096xf32>
    %slice3A_191 = vector.extract_strided_slice %add3A_37 {offsets = [560, 0], sizes = [8, 4096], strides = [1, 1]} : vector<1024x4096xf32> to vector<8x4096xf32>
    %max3A_192 = arith.maximumf %max3A_190, %slice3A_191 : vector<8x4096xf32>
    %slice3A_193 = vector.extract_strided_slice %add3A_37 {offsets = [568, 0], sizes = [8, 4096], strides = [1, 1]} : vector<1024x4096xf32> to vector<8x4096xf32>
    %max3A_194 = arith.maximumf %max3A_192, %slice3A_193 : vector<8x4096xf32>
    %slice3A_195 = vector.extract_strided_slice %add3A_37 {offsets = [576, 0], sizes = [8, 4096], strides = [1, 1]} : vector<1024x4096xf32> to vector<8x4096xf32>
    %max3A_196 = arith.maximumf %max3A_194, %slice3A_195 : vector<8x4096xf32>
    %slice3A_197 = vector.extract_strided_slice %add3A_37 {offsets = [584, 0], sizes = [8, 4096], strides = [1, 1]} : vector<1024x4096xf32> to vector<8x4096xf32>
    %max3A_198 = arith.maximumf %max3A_196, %slice3A_197 : vector<8x4096xf32>
    %slice3A_199 = vector.extract_strided_slice %add3A_37 {offsets = [592, 0], sizes = [8, 4096], strides = [1, 1]} : vector<1024x4096xf32> to vector<8x4096xf32>
    %max3A_200 = arith.maximumf %max3A_198, %slice3A_199 : vector<8x4096xf32>
    %slice3A_201 = vector.extract_strided_slice %add3A_37 {offsets = [600, 0], sizes = [8, 4096], strides = [1, 1]} : vector<1024x4096xf32> to vector<8x4096xf32>
    %max3A_202 = arith.maximumf %max3A_200, %slice3A_201 : vector<8x4096xf32>
    %slice3A_203 = vector.extract_strided_slice %add3A_37 {offsets = [608, 0], sizes = [8, 4096], strides = [1, 1]} : vector<1024x4096xf32> to vector<8x4096xf32>
    %max3A_204 = arith.maximumf %max3A_202, %slice3A_203 : vector<8x4096xf32>
    %slice3A_205 = vector.extract_strided_slice %add3A_37 {offsets = [616, 0], sizes = [8, 4096], strides = [1, 1]} : vector<1024x4096xf32> to vector<8x4096xf32>
    %max3A_206 = arith.maximumf %max3A_204, %slice3A_205 : vector<8x4096xf32>
    %slice3A_207 = vector.extract_strided_slice %add3A_37 {offsets = [624, 0], sizes = [8, 4096], strides = [1, 1]} : vector<1024x4096xf32> to vector<8x4096xf32>
    %max3A_208 = arith.maximumf %max3A_206, %slice3A_207 : vector<8x4096xf32>
    %slice3A_209 = vector.extract_strided_slice %add3A_37 {offsets = [632, 0], sizes = [8, 4096], strides = [1, 1]} : vector<1024x4096xf32> to vector<8x4096xf32>
    %max3A_210 = arith.maximumf %max3A_208, %slice3A_209 : vector<8x4096xf32>
    %slice3A_211 = vector.extract_strided_slice %add3A_37 {offsets = [640, 0], sizes = [8, 4096], strides = [1, 1]} : vector<1024x4096xf32> to vector<8x4096xf32>
    %max3A_212 = arith.maximumf %max3A_210, %slice3A_211 : vector<8x4096xf32>
    %slice3A_213 = vector.extract_strided_slice %add3A_37 {offsets = [648, 0], sizes = [8, 4096], strides = [1, 1]} : vector<1024x4096xf32> to vector<8x4096xf32>
    %max3A_214 = arith.maximumf %max3A_212, %slice3A_213 : vector<8x4096xf32>
    %slice3A_215 = vector.extract_strided_slice %add3A_37 {offsets = [656, 0], sizes = [8, 4096], strides = [1, 1]} : vector<1024x4096xf32> to vector<8x4096xf32>
    %max3A_216 = arith.maximumf %max3A_214, %slice3A_215 : vector<8x4096xf32>
    %slice3A_217 = vector.extract_strided_slice %add3A_37 {offsets = [664, 0], sizes = [8, 4096], strides = [1, 1]} : vector<1024x4096xf32> to vector<8x4096xf32>
    %max3A_218 = arith.maximumf %max3A_216, %slice3A_217 : vector<8x4096xf32>
    %slice3A_219 = vector.extract_strided_slice %add3A_37 {offsets = [672, 0], sizes = [8, 4096], strides = [1, 1]} : vector<1024x4096xf32> to vector<8x4096xf32>
    %max3A_220 = arith.maximumf %max3A_218, %slice3A_219 : vector<8x4096xf32>
    %slice3A_221 = vector.extract_strided_slice %add3A_37 {offsets = [680, 0], sizes = [8, 4096], strides = [1, 1]} : vector<1024x4096xf32> to vector<8x4096xf32>
    %max3A_222 = arith.maximumf %max3A_220, %slice3A_221 : vector<8x4096xf32>
    %slice3A_223 = vector.extract_strided_slice %add3A_37 {offsets = [688, 0], sizes = [8, 4096], strides = [1, 1]} : vector<1024x4096xf32> to vector<8x4096xf32>
    %max3A_224 = arith.maximumf %max3A_222, %slice3A_223 : vector<8x4096xf32>
    %slice3A_225 = vector.extract_strided_slice %add3A_37 {offsets = [696, 0], sizes = [8, 4096], strides = [1, 1]} : vector<1024x4096xf32> to vector<8x4096xf32>
    %max3A_226 = arith.maximumf %max3A_224, %slice3A_225 : vector<8x4096xf32>
    %slice3A_227 = vector.extract_strided_slice %add3A_37 {offsets = [704, 0], sizes = [8, 4096], strides = [1, 1]} : vector<1024x4096xf32> to vector<8x4096xf32>
    %max3A_228 = arith.maximumf %max3A_226, %slice3A_227 : vector<8x4096xf32>
    %slice3A_229 = vector.extract_strided_slice %add3A_37 {offsets = [712, 0], sizes = [8, 4096], strides = [1, 1]} : vector<1024x4096xf32> to vector<8x4096xf32>
    %max3A_230 = arith.maximumf %max3A_228, %slice3A_229 : vector<8x4096xf32>
    %slice3A_231 = vector.extract_strided_slice %add3A_37 {offsets = [720, 0], sizes = [8, 4096], strides = [1, 1]} : vector<1024x4096xf32> to vector<8x4096xf32>
    %max3A_232 = arith.maximumf %max3A_230, %slice3A_231 : vector<8x4096xf32>
    %slice3A_233 = vector.extract_strided_slice %add3A_37 {offsets = [728, 0], sizes = [8, 4096], strides = [1, 1]} : vector<1024x4096xf32> to vector<8x4096xf32>
    %max3A_234 = arith.maximumf %max3A_232, %slice3A_233 : vector<8x4096xf32>
    %slice3A_235 = vector.extract_strided_slice %add3A_37 {offsets = [736, 0], sizes = [8, 4096], strides = [1, 1]} : vector<1024x4096xf32> to vector<8x4096xf32>
    %max3A_236 = arith.maximumf %max3A_234, %slice3A_235 : vector<8x4096xf32>
    %slice3A_237 = vector.extract_strided_slice %add3A_37 {offsets = [744, 0], sizes = [8, 4096], strides = [1, 1]} : vector<1024x4096xf32> to vector<8x4096xf32>
    %max3A_238 = arith.maximumf %max3A_236, %slice3A_237 : vector<8x4096xf32>
    %slice3A_239 = vector.extract_strided_slice %add3A_37 {offsets = [752, 0], sizes = [8, 4096], strides = [1, 1]} : vector<1024x4096xf32> to vector<8x4096xf32>
    %max3A_240 = arith.maximumf %max3A_238, %slice3A_239 : vector<8x4096xf32>
    %slice3A_241 = vector.extract_strided_slice %add3A_37 {offsets = [760, 0], sizes = [8, 4096], strides = [1, 1]} : vector<1024x4096xf32> to vector<8x4096xf32>
    %max3A_242 = arith.maximumf %max3A_240, %slice3A_241 : vector<8x4096xf32>
    %slice3A_243 = vector.extract_strided_slice %add3A_37 {offsets = [768, 0], sizes = [8, 4096], strides = [1, 1]} : vector<1024x4096xf32> to vector<8x4096xf32>
    %max3A_244 = arith.maximumf %max3A_242, %slice3A_243 : vector<8x4096xf32>
    %slice3A_245 = vector.extract_strided_slice %add3A_37 {offsets = [776, 0], sizes = [8, 4096], strides = [1, 1]} : vector<1024x4096xf32> to vector<8x4096xf32>
    %max3A_246 = arith.maximumf %max3A_244, %slice3A_245 : vector<8x4096xf32>
    %slice3A_247 = vector.extract_strided_slice %add3A_37 {offsets = [784, 0], sizes = [8, 4096], strides = [1, 1]} : vector<1024x4096xf32> to vector<8x4096xf32>
    %max3A_248 = arith.maximumf %max3A_246, %slice3A_247 : vector<8x4096xf32>
    %slice3A_249 = vector.extract_strided_slice %add3A_37 {offsets = [792, 0], sizes = [8, 4096], strides = [1, 1]} : vector<1024x4096xf32> to vector<8x4096xf32>
    %max3A_250 = arith.maximumf %max3A_248, %slice3A_249 : vector<8x4096xf32>
    %slice3A_251 = vector.extract_strided_slice %add3A_37 {offsets = [800, 0], sizes = [8, 4096], strides = [1, 1]} : vector<1024x4096xf32> to vector<8x4096xf32>
    %max3A_252 = arith.maximumf %max3A_250, %slice3A_251 : vector<8x4096xf32>
    %slice3A_253 = vector.extract_strided_slice %add3A_37 {offsets = [808, 0], sizes = [8, 4096], strides = [1, 1]} : vector<1024x4096xf32> to vector<8x4096xf32>
    %max3A_254 = arith.maximumf %max3A_252, %slice3A_253 : vector<8x4096xf32>
    %slice3A_255 = vector.extract_strided_slice %add3A_37 {offsets = [816, 0], sizes = [8, 4096], strides = [1, 1]} : vector<1024x4096xf32> to vector<8x4096xf32>
    %max3A_256 = arith.maximumf %max3A_254, %slice3A_255 : vector<8x4096xf32>
    %slice3A_257 = vector.extract_strided_slice %add3A_37 {offsets = [824, 0], sizes = [8, 4096], strides = [1, 1]} : vector<1024x4096xf32> to vector<8x4096xf32>
    %max3A_258 = arith.maximumf %max3A_256, %slice3A_257 : vector<8x4096xf32>
    %slice3A_259 = vector.extract_strided_slice %add3A_37 {offsets = [832, 0], sizes = [8, 4096], strides = [1, 1]} : vector<1024x4096xf32> to vector<8x4096xf32>
    %max3A_260 = arith.maximumf %max3A_258, %slice3A_259 : vector<8x4096xf32>
    %slice3A_261 = vector.extract_strided_slice %add3A_37 {offsets = [840, 0], sizes = [8, 4096], strides = [1, 1]} : vector<1024x4096xf32> to vector<8x4096xf32>
    %max3A_262 = arith.maximumf %max3A_260, %slice3A_261 : vector<8x4096xf32>
    %slice3A_263 = vector.extract_strided_slice %add3A_37 {offsets = [848, 0], sizes = [8, 4096], strides = [1, 1]} : vector<1024x4096xf32> to vector<8x4096xf32>
    %max3A_264 = arith.maximumf %max3A_262, %slice3A_263 : vector<8x4096xf32>
    %slice3A_265 = vector.extract_strided_slice %add3A_37 {offsets = [856, 0], sizes = [8, 4096], strides = [1, 1]} : vector<1024x4096xf32> to vector<8x4096xf32>
    %max3A_266 = arith.maximumf %max3A_264, %slice3A_265 : vector<8x4096xf32>
    %slice3A_267 = vector.extract_strided_slice %add3A_37 {offsets = [864, 0], sizes = [8, 4096], strides = [1, 1]} : vector<1024x4096xf32> to vector<8x4096xf32>
    %max3A_268 = arith.maximumf %max3A_266, %slice3A_267 : vector<8x4096xf32>
    %slice3A_269 = vector.extract_strided_slice %add3A_37 {offsets = [872, 0], sizes = [8, 4096], strides = [1, 1]} : vector<1024x4096xf32> to vector<8x4096xf32>
    %max3A_270 = arith.maximumf %max3A_268, %slice3A_269 : vector<8x4096xf32>
    %slice3A_271 = vector.extract_strided_slice %add3A_37 {offsets = [880, 0], sizes = [8, 4096], strides = [1, 1]} : vector<1024x4096xf32> to vector<8x4096xf32>
    %max3A_272 = arith.maximumf %max3A_270, %slice3A_271 : vector<8x4096xf32>
    %slice3A_273 = vector.extract_strided_slice %add3A_37 {offsets = [888, 0], sizes = [8, 4096], strides = [1, 1]} : vector<1024x4096xf32> to vector<8x4096xf32>
    %max3A_274 = arith.maximumf %max3A_272, %slice3A_273 : vector<8x4096xf32>
    %slice3A_275 = vector.extract_strided_slice %add3A_37 {offsets = [896, 0], sizes = [8, 4096], strides = [1, 1]} : vector<1024x4096xf32> to vector<8x4096xf32>
    %max3A_276 = arith.maximumf %max3A_274, %slice3A_275 : vector<8x4096xf32>
    %slice3A_277 = vector.extract_strided_slice %add3A_37 {offsets = [904, 0], sizes = [8, 4096], strides = [1, 1]} : vector<1024x4096xf32> to vector<8x4096xf32>
    %max3A_278 = arith.maximumf %max3A_276, %slice3A_277 : vector<8x4096xf32>
    %slice3A_279 = vector.extract_strided_slice %add3A_37 {offsets = [912, 0], sizes = [8, 4096], strides = [1, 1]} : vector<1024x4096xf32> to vector<8x4096xf32>
    %max3A_280 = arith.maximumf %max3A_278, %slice3A_279 : vector<8x4096xf32>
    %slice3A_281 = vector.extract_strided_slice %add3A_37 {offsets = [920, 0], sizes = [8, 4096], strides = [1, 1]} : vector<1024x4096xf32> to vector<8x4096xf32>
    %max3A_282 = arith.maximumf %max3A_280, %slice3A_281 : vector<8x4096xf32>
    %slice3A_283 = vector.extract_strided_slice %add3A_37 {offsets = [928, 0], sizes = [8, 4096], strides = [1, 1]} : vector<1024x4096xf32> to vector<8x4096xf32>
    %max3A_284 = arith.maximumf %max3A_282, %slice3A_283 : vector<8x4096xf32>
    %slice3A_285 = vector.extract_strided_slice %add3A_37 {offsets = [936, 0], sizes = [8, 4096], strides = [1, 1]} : vector<1024x4096xf32> to vector<8x4096xf32>
    %max3A_286 = arith.maximumf %max3A_284, %slice3A_285 : vector<8x4096xf32>
    %slice3A_287 = vector.extract_strided_slice %add3A_37 {offsets = [944, 0], sizes = [8, 4096], strides = [1, 1]} : vector<1024x4096xf32> to vector<8x4096xf32>
    %max3A_288 = arith.maximumf %max3A_286, %slice3A_287 : vector<8x4096xf32>
    %slice3A_289 = vector.extract_strided_slice %add3A_37 {offsets = [952, 0], sizes = [8, 4096], strides = [1, 1]} : vector<1024x4096xf32> to vector<8x4096xf32>
    %max3A_290 = arith.maximumf %max3A_288, %slice3A_289 : vector<8x4096xf32>
    %slice3A_291 = vector.extract_strided_slice %add3A_37 {offsets = [960, 0], sizes = [8, 4096], strides = [1, 1]} : vector<1024x4096xf32> to vector<8x4096xf32>
    %max3A_292 = arith.maximumf %max3A_290, %slice3A_291 : vector<8x4096xf32>
    %slice3A_293 = vector.extract_strided_slice %add3A_37 {offsets = [968, 0], sizes = [8, 4096], strides = [1, 1]} : vector<1024x4096xf32> to vector<8x4096xf32>
    %max3A_294 = arith.maximumf %max3A_292, %slice3A_293 : vector<8x4096xf32>
    %slice3A_295 = vector.extract_strided_slice %add3A_37 {offsets = [976, 0], sizes = [8, 4096], strides = [1, 1]} : vector<1024x4096xf32> to vector<8x4096xf32>
    %max3A_296 = arith.maximumf %max3A_294, %slice3A_295 : vector<8x4096xf32>
    %slice3A_297 = vector.extract_strided_slice %add3A_37 {offsets = [984, 0], sizes = [8, 4096], strides = [1, 1]} : vector<1024x4096xf32> to vector<8x4096xf32>
    %max3A_298 = arith.maximumf %max3A_296, %slice3A_297 : vector<8x4096xf32>
    %slice3A_299 = vector.extract_strided_slice %add3A_37 {offsets = [992, 0], sizes = [8, 4096], strides = [1, 1]} : vector<1024x4096xf32> to vector<8x4096xf32>
    %max3A_300 = arith.maximumf %max3A_298, %slice3A_299 : vector<8x4096xf32>
    %slice3A_301 = vector.extract_strided_slice %add3A_37 {offsets = [1000, 0], sizes = [8, 4096], strides = [1, 1]} : vector<1024x4096xf32> to vector<8x4096xf32>
    %max3A_302 = arith.maximumf %max3A_300, %slice3A_301 : vector<8x4096xf32>
    %slice3A_303 = vector.extract_strided_slice %add3A_37 {offsets = [1008, 0], sizes = [8, 4096], strides = [1, 1]} : vector<1024x4096xf32> to vector<8x4096xf32>
    %max3A_304 = arith.maximumf %max3A_302, %slice3A_303 : vector<8x4096xf32>
    %slice3A_305 = vector.extract_strided_slice %add3A_37 {offsets = [1016, 0], sizes = [8, 4096], strides = [1, 1]} : vector<1024x4096xf32> to vector<8x4096xf32>
    %max3A_306 = arith.maximumf %max3A_304, %slice3A_305 : vector<8x4096xf32>
    %swap3A_307 = arith.constant 0 : index
    %swap3A_308 = arith.constant 0 : index
    %swap3A_309 = vector.load %arg5[%swap3A_307, %swap3A_308] : memref<8x4096xf32, #tpu.memory_space<vmem>>, vector<8x4096xf32>
    tpu.vector_store %arg5[%swap3A_307, %swap3A_308], %max3A_306 {strides = array<i32>} : memref<8x4096xf32, #tpu.memory_space<vmem>>, vector<8x4096xf32>,
    %eq3A_310 = arith.constant 3 : i32
    %eq3A_311 = arith.cmpi eq, %arg1, %eq3A_310 : i32
    %convert_element_type3A_312 = arith.extui %eq3A_311 : i1 to i32
    %cond3A_313 = arith.constant 0 : i32
    %cond3A_314 = arith.cmpi ne, %convert_element_type3A_312, %cond3A_313 : i32
    scf.if %cond3A_314 {
      %get3A_315 = arith.constant 0 : index
      %get3A_316 = arith.constant 0 : index
      %get3A_317 = memref.load %arg4[%get3A_315, %get3A_316] : memref<1x1xf32, #tpu.memory_space<smem>>
      %get3A_318 = arith.constant 0 : index
      %get3A_319 = arith.constant 0 : index
      %get3A_320 = vector.load %arg5[%get3A_318, %get3A_319] : memref<8x4096xf32, #tpu.memory_space<vmem>>, vector<8x4096xf32>
      %reduce_max3A_321 = arith.constant dense<0xFF800000> : vector<4096xf32>
      %reduce_max3A_322 = vector.multi_reduction <maximumf>, %get3A_320, %reduce_max3A_321 [0] : vector<8x4096xf32> to vector<4096xf32>
      %reduce_sum3A_323 = vector.shape_cast %reduce_max3A_322 : vector<4096xf32> to vector<1x4096xf32>
      %reduce_sum3A_324 = arith.constant dense<0.000000e+00> : vector<1xf32>
      %reduce_sum3A_325 = vector.multi_reduction <add>, %reduce_sum3A_323, %reduce_sum3A_324 [1] : vector<1x4096xf32> to vector<1xf32>
      %reduce_sum3A_326 = vector.shape_cast %reduce_sum3A_325 : vector<1xf32> to vector<1x1xf32>
      %reduce_sum3A_327 = vector.extract %reduce_sum3A_326[0, 0] : f32 from vector<1x1xf32>
      %add3A_328 = arith.addf %get3A_317, %reduce_sum3A_327 : f32
      %swap3A_329 = arith.constant 0 : index
      %swap3A_330 = arith.constant 0 : index
      %swap3A_331 = memref.load %arg4[%swap3A_329, %swap3A_330] : memref<1x1xf32, #tpu.memory_space<smem>>
      memref.store %add3A_328, %arg4[%swap3A_329, %swap3A_330] : memref<1x1xf32, #tpu.memory_space<smem>>
    } else {
    }
    return
  }
  func.func @transform_0(%arg0: i32, %arg1: i32) -> (i32, i32, i32) {
    %c0_i32 = arith.constant 0 : i32
    %c0_i32_0 = arith.constant 0 : i32
    return %arg0, %arg1, %c0_i32 : i32, i32, i32
  }
  func.func @transform_1(%arg0: i32, %arg1: i32) -> (i32, i32, i32) {
    %c0_i32 = arith.constant 0 : i32
    %c0_i32_0 = arith.constant 0 : i32
    %c0_i32_1 = arith.constant 0 : i32
    return %arg0, %c0_i32, %c0_i32_0 : i32, i32, i32
  }
  func.func @transform_2(%arg0: i32, %arg1: i32) -> (i32, i32) {
    %c0_i32 = arith.constant 0 : i32
    %c0_i32_0 = arith.constant 0 : i32
    %c0_i32_1 = arith.constant 0 : i32
    return %c0_i32, %c0_i32_0 : i32, i32
  }
}

</mosaic_0001>

<sc_bundles>
// kernel: kernel.4.cloned.1.call-start
scs
__scs_entry_jumppad:
0x0: {  	(pc) =	sbr.rel $0x88, $3  }
0x1: {  	(tag) =	ssettag $0x0;
	lr =	simm.s32 $0x1  }
0x2: {  	[smem:$0x3F9F] =	sst lr;
	_ =	strace $0xD0000000  }
0x3: {  	_ = 	snop  }
0x4: {  	_ = 	snop  }
0x5: {  	_ = 	snop  }
0x6: {  	_ = 	snop  }
0x7: {  	_ = 	snop  }
__scs_overlays_trampoline_lowered:
0x8: {  	[smem:$0x3FAE] =	sst s0  }
0x9: {  	[smem:$0x3FAF] =	sst s1  }
0xa: {  	[smem:$0x3FB0] =	sst s2  }
0xb: {  	[smem:$0x3FB1] =	sst s3  }
0xc: {  	[smem:$0x3FB2] =	sst s4  }
0xd: {  	[smem:$0x3FB3] =	sst s5  }
0xe: {  	[smem:$0x3FB4] =	sst s6  }
0xf: {  	[smem:$0x3FB5] =	sst s7  }
0x10: {  	[smem:$0x3FB6] =	sst s8  }
0x11: {  	[smem:$0x3FB7] =	sst s9;
	s0 =	simm.s32 @!p0 $0x0  }
0x12: {  	s1 =	sld [smem:$0x3F9D];
	s0 =	simm.s32 @p0 $0x1  }
0x13: {  	[smem:$0x3FB8] =	sst s0;
	s0 =	simm.s32 @!p1 $0x0  }
0x14: {  	s2 =	sld [smem:$0x3F9C];
	s0 =	simm.s32 @p1 $0x1  }
0x15: {  	[smem:$0x3FB9] =	sst s0;
	s0 =	simm.s32 @!p2 $0x0  }
0x16: {  	s3 =	sld [smem:$0x3FDB];
	s0 =	simm.s32 @p2 $0x1  }
0x17: {  	s4 =	simm.s32 $0x1BF5;
	[smem:$0x3FBB] =	sst s0  }
0x18: {  	s0 =	sld [smem:$0x3F9E];
	_ =	swait.ge [sflag:s4], $0x0  }
0x19: {  	s7 =	sld [smem:$0x3F9F]  }
0x1a: {  	s8 =	sadd.s32 $0xFFFFE003, lr  }
0x1b: {  	s9 =	sadd.s32 $0xFFFFFEF7, lr;
	s5 =	simm.s32 $0xFFFFFFFF;
	p2 =	slt.u32 s8, $0xFFFFF086  }
0x1c: {  	p1 =	slt.u32 s9, $0xF7A;
	s5 =	simm.s32 @!p2 $0x0  }
0x1d: {  	s5 =	simm.s32 @p1 $0x1;
	p0 =	seq.s32 s7, s2  }
0x1e: {  	s7 =	smul.u32 @!p0 $0xF7A, s2;
	p2 =	seq.s32 @!p0 s5, $0x0  }
0x1f: {  	s9 =	smul.u32 $0xF7A, s1;
	s8 =	simm.s32 @!p0 $0x1BF5;
	p2 =	por !p2, p0  }
0x20: {  	[sflag:s8] =	ssyncset.s32 @!p0 $0xFFFFF086;
	s6 =	sadd.s32 @!p0 s3, s7;
	s7 =	simm.s32 @!p0 $0x108  }
0x21: {  	s3 =	sadd.s32 s3, s9;
	s6 =	sadd.s32 @!p0 $0x88, s6;
	s7 =	simm.s32 @p2 $0x1082  }
0x22: {  	[simem:s7], [sflag:s8] =	dma.local @!p0 [hbm:s6], $0xF7A  }
0x23: {  	s9 =	sor.u32 $0xD0000000, s2;
	s6 =	simm.s32 $0x108;
	_ =	swait.ge @!p0 [sflag:s8], $0x0  }
0x24: {  	s3 =	sadd.s32 $0x88, s3;
	s6 =	simm.s32 @!p1 $0x1082;
	[sflag:s4] =	ssyncset.s32 $0xFFFFF086  }
0x25: {  	[simem:s6], [sflag:s4] =	dma.local [hbm:s3], $0xF7A  }
0x26: {  	[smem:$0x3F9F] =	sst s1;
	(tag) =	ssettag s2;
	_ =	strace s9  }
0x27: {  	s1 =	sld [smem:$0x3FAF]  }
0x28: {  	s2 =	sld [smem:$0x3FB0]  }
0x29: {  	s4 =	sld [smem:$0x3FB2]  }
0x2a: {  	p0 =	seq.s32 s5, $0x0;
	s5 =	sld [smem:$0x3FB3]  }
0x2b: {  	s6 =	sld [smem:$0x3FB4]  }
0x2c: {  	s7 =	sld [smem:$0x3FB5]  }
0x2d: {  	s3 =	simm.s32 $0x108;
	s8 =	sld [smem:$0x3FB6]  }
0x2e: {  	s3 =	simm.s32 @!p0 $0x1082;
	s9 =	sld [smem:$0x3FB7]  }
0x2f: {  	lr =	sadd.s32 s0, s3;
	s0 =	sld [smem:$0x3FAE]  }
0x30: {  	s3 =	sld [smem:$0x3FB1]  }
0x31: {  	[smem:$0x3FBA] =	sst s10  }
0x32: {  	s10 =	sld [smem:$0x3FB8];
	_ =	sdelay $0x3  }
0x33: {  	p0 =	seq.s32 s10, $0x1;
	s10 =	sld [smem:$0x3FBA];
	_ =	sdelay $0x3  }
0x34: {  	[smem:$0x3FBA] =	sst s10  }
0x35: {  	s10 =	sld [smem:$0x3FB9];
	_ =	sdelay $0x3  }
0x36: {  	p1 =	seq.s32 s10, $0x1;
	s10 =	sld [smem:$0x3FBA];
	_ =	sdelay $0x3  }
0x37: {  	[smem:$0x3FBA] =	sst s10  }
0x38: {  	s10 =	sld [smem:$0x3FBB]  }
0x39: {  	_ = 	snop;
	(pc) =	sbr.ind lr, $3  }
0x3a: {  	_ = 	snop  }
0x3b: {  	_ = 	snop  }
0x3c: {  	p2 =	seq.s32 s10, $0x1;
	s10 =	sld [smem:$0x3FBA]  }
0x3d: {  	_ =	shalt  }
0x3e: {  	_ =	shalt  }
0x3f: {  	_ =	shalt  }
0x40: {  	_ =	shalt  }
0x41: {  	_ =	shalt  }
0x42: {  	_ =	shalt  }
0x43: {  	_ =	shalt  }
0x44: {  	_ =	shalt  }
0x45: {  	_ =	shalt  }
0x46: {  	_ =	shalt  }
0x47: {  	_ =	shalt  }
0x48: {  	_ =	shalt  }
0x49: {  	_ =	shalt  }
0x4a: {  	_ =	shalt  }
0x4b: {  	_ =	shalt  }
0x4c: {  	_ =	shalt  }
0x4d: {  	_ =	shalt  }
0x4e: {  	_ =	shalt  }
0x4f: {  	_ =	shalt  }
0x50: {  	_ =	shalt  }
0x51: {  	_ =	shalt  }
0x52: {  	_ =	shalt  }
0x53: {  	_ =	shalt  }
0x54: {  	_ =	shalt  }
0x55: {  	_ =	shalt  }
0x56: {  	_ =	shalt  }
0x57: {  	_ =	shalt  }
0x58: {  	_ =	shalt  }
0x59: {  	_ =	shalt  }
0x5a: {  	_ =	shalt  }
0x5b: {  	_ =	shalt  }
0x5c: {  	_ =	shalt  }
0x5d: {  	_ =	shalt  }
0x5e: {  	_ =	shalt  }
0x5f: {  	_ =	shalt  }
0x60: {  	_ =	shalt  }
0x61: {  	_ =	shalt  }
0x62: {  	_ =	shalt  }
0x63: {  	_ =	shalt  }
0x64: {  	_ =	shalt  }
0x65: {  	_ =	shalt  }
0x66: {  	_ =	shalt  }
0x67: {  	_ =	shalt  }
0x68: {  	_ =	shalt  }
0x69: {  	_ =	shalt  }
0x6a: {  	_ =	shalt  }
0x6b: {  	_ =	shalt  }
0x6c: {  	_ =	shalt  }
0x6d: {  	_ =	shalt  }
0x6e: {  	_ =	shalt  }
0x6f: {  	_ =	shalt  }
0x70: {  	_ =	shalt  }
0x71: {  	_ =	shalt  }
0x72: {  	_ =	shalt  }
0x73: {  	_ =	shalt  }
0x74: {  	_ =	shalt  }
0x75: {  	_ =	shalt  }
0x76: {  	_ =	shalt  }
0x77: {  	_ =	shalt  }
0x78: {  	_ =	shalt  }
0x79: {  	_ =	shalt  }
0x7a: {  	_ =	shalt  }
0x7b: {  	_ =	shalt  }
0x7c: {  	_ =	shalt  }
0x7d: {  	_ =	shalt  }
0x7e: {  	_ =	shalt  }
0x7f: {  	_ =	shalt  }
0x80: {  	_ =	shalt  }
0x81: {  	_ =	shalt  }
0x82: {  	_ =	shalt  }
0x83: {  	_ =	shalt  }
0x84: {  	_ =	shalt  }
0x85: {  	_ =	shalt  }
0x86: {  	_ =	shalt  }
0x87: {  	_ =	shalt  }
.Lfunc_end0:
.L_simem_size_0:
called_computation_lowered:
.L_overlay_start_0:
0x88: {  	s2 =	sld [smem:$0x3FD9]  }
0x89: {  	s3 =	sld [smem:$0x3FFE];
	_ =	sdelay $0x1  }
0x8a: {  	s1 =	srdreg.scid  }
0x8b: {  	s0 =	sand.u32 $0x1, s1  }
0x8c: {  	s16 =	sshll.u32 s0, $0xA;
	s2 =	sadd.s32 s3, s2  }
0x8d: {  	s2 =	sadd.s32 s2, s16  }
0x8e: {  	[smem:$0x3FC6] =	sst s2  }
0x8f: {  	_ = 	snop  }
0x90: {  	(tm) =	ssettm $0x1  }
0x91: {  	s17 =	sld [smem:$0x3FFB];
	_ =	sdelay $0x3  }
0x92: {  	_ =	strace s17  }
0x93: {  	s2 =	sld [smem:$0x3FFC];
	_ =	sdelay $0x3  }
0x94: {  	_ =	strace s2  }
0x95: {  	s2 =	sld [smem:$0x3FFD];
	_ =	sdelay $0x3  }
0x96: {  	_ =	strace s2  }
0x97: {  	_ =	strace $0x8FFFFFFF  }
0x98: {  	s18 =	sld [smem:$0x3FDB];
	_ =	sdelay $0x1  }
0x99: {  	s19 =	simm.s32 $_scs_section_size  }
0x9a: {  	s4 =	simm.s32 $_size__tile_overlayer_lowered;
	s5 =	simm.s32 $_tile_overlayer_lowered  }
0x9b: {  	s22 =	simm.s32 $0x1BFF;
	s21 =	sshll.u32 s5, $0x1;
	s2 =	sadd.s32 s19, s18  }
0x9c: {  	s6 =	simm.s32 $0x0;
	s20 =	sshll.u32 s4, $0x1;
	s4 =	sadd.s32 s21, s2  }
0x9d: {  	[timem:s6], [sflag:s22] =	dma.local [hbm:s4], s20  }
0x9e: {  	_ =	swait.ge [sflag:s22], s20  }
0x9f: {  	s3 =	ssub.s32 $0x0, s20;
	[sflag:s22] =	ssyncset.done $0x0  }
0xa0: {  	[sflag:s22] =	ssyncadd.s32 s3;
	_ =	sdelay $0x1  }
0xa1: {  	s23 =	simm.s32 $0x1B8B  }
0xa2: {  	_ =	swait.ge [sflag:s23], $0x1  }
0xa3: {  	[sflag:s23] =	ssyncset.done $0x0  }
0xa4: {  	s25 =	simm.s32 $0x1B8E;
	s24 =	sld [smem:$0x3FFE];
	[sflag:s23] =	ssyncadd.s32 $0xFFFFFFFF  }
0xa5: {  	s26 =	simm.s32 $execute0_lowered;
	[smem:$0x3FD2] =	sst s25  }
0xa6: {  	s4 =	sshll.u32 s26, $0x1;
	_ =	strace $0x80000046;
	[dreg:$0x1] =	wrdreg $0xFFFFFFFF  }
0xa7: {  	s28 =	simm.s32 $_size_execute0_lowered;
	s2 =	sadd.s32 s2, s4;
	[dreg:$0x0] =	wrdreg $0x0  }
0xa8: {  	s4 =	sshll.u32 s28, $0x1;
	[dreg:$0x2] =	wrdreg s2  }
0xa9: {  	[dreg:$0x3] =	wrdreg s4  }
0xaa: {  	[dreg:$0x4] =	wrdreg $0xC0  }
0xab: {  	_ =	task [dreg:s6], $0x5FFFF  }
0xac: {  	[dreg:$0x1] =	wrdreg $0xFFFFFFFF  }
0xad: {  	[dreg:$0x0] =	wrdreg $0x60  }
0xae: {  	[dreg:$0x2] =	wrdreg s24  }
0xaf: {  	[dreg:$0x3] =	wrdreg $0x9  }
0xb0: {  	_ =	task.clear_ibuf [dreg:s6], $0x4FFFF;
	_ =	strace $0x90000046  }
0xb1: {  	s29 =	simm.s32 $0x9;
	_ =	strace $0x80000048  }
0xb2: {  	_ =	swait.ge [sflag:s29], $0x1  }
0xb3: {  	[sflag:s29] =	ssyncadd.s32 $0xFFFFFFFF  }
0xb4: {  	_ =	strace $0x90000048  }
0xb5: {  	_ =	sfence  }
0xb6: {  	s30 =	sld [smem:$0x0];
	_ =	sdelay $0x2  }
0xb7: {  	s31 =	sshll.u32 s1, $0xD;
	s1 =	sshrl.u32 s1, $0x2  }
0xb8: {  	s3 =	sand.u32 $0x4000, s31;
	s1 =	sadd.s32 s1, s30  }
0xb9: {  	s0 =	sor.u32 s3, s0;
	s1 =	sshll.u32 s1, $0x11  }
0xba: {  	s0 =	sor.u32 s1, s0  }
0xbb: {  	s0 =	sadd.s32 $0x8F2B, s0  }
0xbc: {  	[sflag:s0] =	ssyncadd.remote.s32 $0x1  }
0xbd: {  	_ =	sfence.sel $0xFFFF  }
0xbe: {  	[dreg:$0x0] =	wrdreg $0xFFFFFFFF;
	(pc) =	sbr.abs _section_cstart, $3  }
0xbf: {  	[dreg:$0x1] =	wrdreg $0xFFFFFFFF  }
0xc0: {  	_ =	task.clear_ibuf [dreg:s6], $0x2FFFF;
	_ =	strace $0x9FFFFFFF  }
0xc1: {  	(tm) =	ssettm $0x7FFFFFFF  }
tec
execute0_lowered:
.L_overlay_start_1:
0x0: {  	(tag) =	ssettag $0x1  }
0x1: {  	s2 =	rddreg [dreg:$0x0]  }
0x2: {  	s0 =	rddreg [dreg:$0x1];
	s3 =	simm.s32 $0x0;
	s4 =	srdreg.scid  }
0x3: {  	s1 =	stileid.u32;
	s11 =	simm.s32 $0x8000;
	s13 =	simm.s32 $0xA000  }
0x4: {  	[smem:$0x7FF] =	sst s3;
	s7 =	sand.u32 $0x1, s4;
	s31 =	sshll.u32 s1, $0x1  }
0x5: {  	s4 =	sadd.s32 $0xC00, s2;
	s5 =	sadd.s32 $0x400, s2;
	s8 =	sor.u32 s7, s31  }
0x6: {  	s9 =	sshll.u32 s8, $0x4;
	s12 =	sshll.u32 s8, $0x9;
	s8 =	sshll.u32 s8, $0x7  }
0x7: {  	s6 =	sadd.s32 $0x200, s2;
	s7 =	ssub.s32 $0x2, s7;
	s14 =	sor.u32 $0x8000, s8;
	v0 =	vmov s12  }
0x8: {  	_ =	strace $0x80000047;
	s10 =	sshrl.u32 s7, $0x1;
	s15 =	sor.u32 $0x4000, s12;
	[tilespmem:$0x1FFC0] =	vst v0;
	v61 =	vmov s14  }
0x9: {  	s9 =	sadd.s32 s9, s2;
	s10 =	ssub.s32 s7, s10;
	s16 =	sor.u32 $0x9000, s8;
	v62 =	vmov s15;
	[tilespmem:$0x1FFD0] =	vst v61  }
0xa: {  	s12 =	simm.s32 $0x9000;
	s7 =	sadd.s32 $0x1400, s9;
	s8 =	smax.u32 s10, $0x1;
	v63 =	vmov s16;
	[tilespmem:$0x1FFE0] =	vst v62  }
0xb: {  	s9 =	simm.s32 $0x1;
	s10 =	simm.s32 $0x4000;
	s14 =	simm.s32 $0x0;
	[tilespmem:$0x1FFF0] =	vst v63  }
.LBB2_1:
0xc: {  	[tilespmem:s3], [sflag:$0x1] =	stream.linear.gather [hbm4b:s4+s3], $0x4000, $0x38;
	[tilespmem:$0xA080] =	vst v63  }
0xd: {  	_ =	swait.ge [sflag:s9], $0x4000  }
0xe: {  	[sflag:s9] =	ssyncset.done $0x0  }
0xf: {  	[sflag:s9] =	ssyncadd.s32 $0xFFFFC000  }
0x10: {  	[tilespmem:s10], [sflag:$0x1] =	stream.linear.gather [hbm4b:s5+s3], $0x4000, $0x38;
	[tilespmem:$0xA080] =	vst v63  }
0x11: {  	_ =	swait.ge [sflag:s9], $0x4000  }
0x12: {  	[sflag:s9] =	ssyncset.done $0x0  }
0x13: {  	[sflag:s9] =	ssyncadd.s32 $0xFFFFC000  }
0x14: {  	[tilespmem:s11], [sflag:$0x1] =	stream.linear.gather [hbm4b:s2+s3], $0x1000, $0x38;
	[tilespmem:$0xA080] =	vst v63  }
0x15: {  	_ =	swait.ge [sflag:s9], $0x1000  }
0x16: {  	[sflag:s9] =	ssyncset.done $0x0  }
0x17: {  	[sflag:s9] =	ssyncadd.s32 $0xFFFFF000  }
0x18: {  	[tilespmem:s12], [sflag:$0x1] =	stream.linear.gather [hbm4b:s6+s3], $0x1000, $0x38;
	[tilespmem:$0xA080] =	vst v63  }
0x19: {  	_ =	swait.ge [sflag:s9], $0x1000  }
0x1a: {  	[sflag:s9] =	ssyncset.done $0x0  }
0x1b: {  	p2 =	por $0x1, $0x1;
	v0 =	vimm.f32 $0.0e+00;
	s16 =	simm.s32 $0x0;
	[sflag:s9] =	ssyncadd.s32 $0xFFFFF000  }
.LBB2_2:
0x1c: {  	s15 =	simm.s32 $0x0  }
0x1d: {  	s17 =	sand.u32 $0x70, s15;
	s18 =	sand.u32 $0x3E00, s15  }
0x1e: {  	v11 =	vld [tilespmem:$0x1FFC0];
	s20 =	sor.u32 s17, s18  }
0x1f: {  	[tilespmem:$0x1FB40] =	vst v0;
	v0 =	vld [tilespmem:s20+$0x4000]  }
0x20: {  	v1 =	vld [tilespmem:s20+$0x4080];
	_ =	sdelay $0x3  }
0x21: {  	v3 =	vbroadcast v0, $0xF  }
0x22: {  	v17 =	vbroadcast v1, $0xF;
	v24 =	vbroadcast v0, $0xE  }
0x23: {  	v25 =	vbroadcast v1, $0xE;
	v26 =	vbroadcast v0, $0xD  }
0x24: {  	s19 =	sor.u32 $0x10, s16;
	v27 =	vbroadcast v1, $0xD;
	v28 =	vbroadcast v0, $0xC;
	v7 =	vld.idx.msk [tilespmem:v11+s16+$0x0 ss:$0x1], $0xffff  }
0x25: {  	s29 =	sor.u32 $0x20, s16;
	v29 =	vbroadcast v1, $0xC;
	v30 =	vbroadcast v0, $0xB;
	v18 =	vld.idx.msk [tilespmem:v11+s19+$0x0 ss:$0x1], $0xffff  }
0x26: {  	s30 =	sor.u32 $0x30, s16;
	v31 =	vbroadcast v1, $0xB;
	v32 =	vbroadcast v0, $0xA;
	v6 =	vld.idx.msk [tilespmem:v11+s29+$0x0 ss:$0x1], $0xffff  }
0x27: {  	v33 =	vbroadcast v1, $0xA;
	v34 =	vbroadcast v0, $0x9;
	v12 =	vld.idx.msk [tilespmem:v11+s30+$0x0 ss:$0x1], $0xffff  }
0x28: {  	v35 =	vbroadcast v1, $0x9;
	v36 =	vbroadcast v0, $0x8;
	v10 =	vld.idx.msk [tilespmem:v11+s16+$0x80 ss:$0x1], $0xffff  }
0x29: {  	v37 =	vbroadcast v1, $0x8;
	v38 =	vbroadcast v0, $0x7;
	v8 =	vld.idx.msk [tilespmem:v11+s19+$0x80 ss:$0x1], $0xffff  }
0x2a: {  	v39 =	vbroadcast v1, $0x7;
	v19 =	vbroadcast v0, $0x6;
	v9 =	vld.idx.msk [tilespmem:v11+s29+$0x80 ss:$0x1], $0xffff  }
0x2b: {  	v21 =	vbroadcast v1, $0x6;
	v2 =	vld.idx.msk [tilespmem:v11+s30+$0x80 ss:$0x1], $0xffff;
	v40 =	vbroadcast v1, $0x1  }
0x2c: {  	v23 =	vbroadcast v0, $0x5;
	v20 =	vbroadcast v1, $0x5  }
0x2d: {  	[tilespmem:$0x1FB50] =	vst v40;
	v40 =	vmul.f32 v3, v7;
	v41 =	vmul.f32 v17, v10  }
0x2e: {  	v42 =	vmul.f32 v3, v18;
	v43 =	vmul.f32 v17, v8  }
0x2f: {  	v44 =	vmul.f32 v3, v6;
	v45 =	vmul.f32 v17, v9  }
0x30: {  	v3 =	vmul.f32 v3, v12;
	v17 =	vmul.f32 v17, v2  }
0x31: {  	v46 =	vmul.f32 v24, v7;
	v47 =	vmul.f32 v25, v10  }
0x32: {  	v48 =	vmul.f32 v24, v18;
	v49 =	vmul.f32 v25, v8  }
0x33: {  	v50 =	vmul.f32 v24, v6;
	v51 =	vmul.f32 v25, v9  }
0x34: {  	v24 =	vmul.f32 v24, v12;
	v25 =	vmul.f32 v25, v2  }
0x35: {  	v52 =	vmul.f32 v26, v7;
	v53 =	vmul.f32 v27, v10  }
0x36: {  	v54 =	vmul.f32 v26, v18;
	v55 =	vmul.f32 v27, v8  }
0x37: {  	v56 =	vmul.f32 v26, v6;
	v57 =	vmul.f32 v27, v9  }
0x38: {  	v26 =	vmul.f32 v26, v12;
	v27 =	vmul.f32 v27, v2  }
0x39: {  	v58 =	vmul.f32 v28, v7;
	v59 =	vmul.f32 v29, v10  }
0x3a: {  	v60 =	vmul.f32 v28, v18;
	v61 =	vmul.f32 v29, v8  }
0x3b: {  	v62 =	vmul.f32 v28, v6;
	v63 =	vmul.f32 v29, v9  }
0x3c: {  	v28 =	vmul.f32 v28, v12;
	v40 =	vadd.f32 v41, v40;
	v41 =	vadd.f32 v43, v42  }
0x3d: {  	v29 =	vmul.f32 v29, v2;
	v45 =	vadd.f32 v45, v44;
	v3 =	vadd.f32 v17, v3  }
0x3e: {  	v42 =	vmul.f32 v30, v18;
	v17 =	vadd.f32 v47, v46;
	v49 =	vadd.f32 v49, v48  }
0x3f: {  	v43 =	vmul.f32 v31, v9;
	v51 =	vadd.f32 v51, v50;
	v24 =	vadd.f32 v25, v24;
	[tilespmem:$0x1FBE0] =	vst v40  }
0x40: {  	v44 =	vmul.f32 v32, v7;
	v25 =	vadd.f32 v53, v52;
	v48 =	vadd.f32 v55, v54;
	[tilespmem:$0x1FBF0] =	vst v41  }
0x41: {  	v46 =	vmul.f32 v32, v6;
	v54 =	vadd.f32 v27, v26;
	v26 =	vmul.f32 v33, v9;
	[tilespmem:$0x1FC00] =	vst v45  }
0x42: {  	v27 =	vmul.f32 v32, v12;
	v52 =	vadd.f32 v61, v60;
	v53 =	vmul.f32 v35, v10;
	[tilespmem:$0x1FC10] =	vst v3  }
0x43: {  	v55 =	vmul.f32 v34, v18;
	v60 =	vadd.f32 v29, v28;
	v28 =	vmul.f32 v35, v8;
	[tilespmem:$0x1FC20] =	vst v17  }
0x44: {  	v50 =	vadd.f32 v57, v56;
	v29 =	vmul.f32 v34, v6;
	v57 =	vmul.f32 v35, v9;
	[tilespmem:$0x1FC30] =	vst v51  }
0x45: {  	v40 =	vmul.f32 v30, v7;
	v3 =	vmul.f32 v31, v8;
	[tilespmem:$0x1FC40] =	vst v24  }
0x46: {  	v41 =	vmul.f32 v31, v10;
	v17 =	vmul.f32 v30, v6;
	[tilespmem:$0x1FC50] =	vst v25  }
0x47: {  	v25 =	vmul.f32 v32, v18;
	v45 =	vmul.f32 v33, v8;
	[tilespmem:$0x1FC70] =	vst v50;
	v3 =	vadd.f32 v3, v42  }
0x48: {  	v30 =	vmul.f32 v30, v12;
	v24 =	vmul.f32 v33, v10;
	v51 =	vadd.f32 v59, v58;
	[tilespmem:$0x1FC90] =	vst v52  }
0x49: {  	v58 =	vmul.f32 v35, v2;
	v25 =	vadd.f32 v45, v25;
	[tilespmem:$0x1FCA0] =	vst v3;
	v3 =	vmul.f32 v34, v12  }
0x4a: {  	v31 =	vmul.f32 v31, v2;
	v28 =	vadd.f32 v28, v55;
	[tilespmem:$0x1FC80] =	vst v51;
	v61 =	vadd.f32 v24, v44  }
0x4b: {  	v24 =	vmul.f32 v36, v18;
	[tilespmem:$0x1FCC0] =	vst v25;
	v25 =	vmul.f32 v37, v8;
	v3 =	vadd.f32 v58, v3  }
0x4c: {  	v63 =	vadd.f32 v63, v62;
	v50 =	vmul.f32 v37, v2;
	v29 =	vadd.f32 v57, v29;
	[tilespmem:$0x1FCF0] =	vst v28  }
0x4d: {  	v30 =	vadd.f32 v31, v30;
	v31 =	vmul.f32 v36, v12;
	[tilespmem:$0x1FD10] =	vst v3;
	v3 =	vadd.f32 v25, v24  }
0x4e: {  	v32 =	vmul.f32 v33, v2;
	v26 =	vadd.f32 v26, v46;
	v59 =	vadd.f32 v41, v40;
	[tilespmem:$0x1FD00] =	vst v29  }
0x4f: {  	v51 =	vmul.f32 v38, v7;
	v28 =	vmul.f32 v39, v10;
	[tilespmem:$0x1FD20] =	vst v3;
	v3 =	vadd.f32 v50, v31  }
0x50: {  	v40 =	vadd.f32 v43, v17;
	v17 =	vmul.f32 v36, v7;
	[tilespmem:$0x1FCB0] =	vst v30;
	v30 =	vmul.f32 v37, v10  }
0x51: {  	v52 =	vmul.f32 v39, v8;
	v29 =	vmul.f32 v38, v18;
	[tilespmem:$0x1FD30] =	vst v3;
	v3 =	vadd.f32 v28, v51  }
0x52: {  	v33 =	vmul.f32 v34, v7;
	[tilespmem:$0x1FCD0] =	vst v26;
	v26 =	vmul.f32 v36, v6;
	v36 =	vadd.f32 v30, v17  }
0x53: {  	v30 =	vmul.f32 v38, v6;
	v24 =	vmul.f32 v39, v9;
	[tilespmem:$0x1FD50] =	vst v3;
	v3 =	vadd.f32 v52, v29  }
0x54: {  	v62 =	vadd.f32 v32, v27;
	v27 =	vmul.f32 v37, v9;
	v33 =	vadd.f32 v53, v33  }
0x55: {  	v53 =	vmul.f32 v39, v2;
	v25 =	vmul.f32 v38, v12;
	[tilespmem:$0x1FD70] =	vst v3;
	v3 =	vadd.f32 v24, v30  }
0x56: {  	v16 =	vbroadcast v0, $0x4;
	v5 =	vbroadcast v1, $0x4;
	v42 =	vadd.f32 v27, v26  }
0x57: {  	v26 =	vmul.f32 v19, v7;
	v27 =	vmul.f32 v21, v10;
	[tilespmem:$0x1FD90] =	vst v3;
	v3 =	vadd.f32 v53, v25  }
0x58: {  	v15 =	vbroadcast v0, $0x3;
	v14 =	vbroadcast v1, $0x3  }
0x59: {  	v28 =	vmul.f32 v19, v18;
	v29 =	vmul.f32 v21, v8;
	[tilespmem:$0x1FDB0] =	vst v3;
	v3 =	vadd.f32 v27, v26  }
0x5a: {  	v13 =	vbroadcast v0, $0x2;
	v30 =	vmul.f32 v21, v9  }
0x5b: {  	v21 =	vmul.f32 v21, v2;
	v25 =	vmul.f32 v19, v12;
	[tilespmem:$0x1FDD0] =	vst v3;
	v3 =	vadd.f32 v29, v28  }
0x5c: {  	v4 =	vbroadcast v1, $0x2;
	v24 =	vmul.f32 v19, v6  }
0x5d: {  	v26 =	vmul.f32 v23, v7;
	v27 =	vmul.f32 v20, v10;
	[tilespmem:$0x1FDF0] =	vst v3;
	v3 =	vadd.f32 v21, v25  }
0x5e: {  	v44 =	vadd.f32 v30, v24;
	v24 =	vmul.f32 v23, v18;
	v21 =	vmul.f32 v20, v8  }
0x5f: {  	v25 =	vmul.f32 v23, v6;
	[tilespmem:$0x1FE20] =	vst v3;
	v3 =	vadd.f32 v27, v26;
	v26 =	vmul.f32 v20, v9  }
0x60: {  	v23 =	vmul.f32 v23, v12;
	v41 =	vadd.f32 v21, v24;
	v20 =	vmul.f32 v20, v2  }
0x61: {  	v24 =	vmul.f32 v16, v7;
	v21 =	vadd.f32 v26, v25;
	v25 =	vmul.f32 v5, v10  }
0x62: {  	v26 =	vmul.f32 v16, v18;
	v43 =	vadd.f32 v20, v23;
	v20 =	vmul.f32 v5, v8  }
0x63: {  	v23 =	vmul.f32 v16, v6;
	v46 =	vadd.f32 v25, v24;
	v24 =	vmul.f32 v5, v9  }
0x64: {  	v16 =	vmul.f32 v16, v12;
	v45 =	vadd.f32 v20, v26;
	v5 =	vmul.f32 v5, v2  }
0x65: {  	v20 =	vmul.f32 v15, v7;
	v26 =	vadd.f32 v24, v23;
	v23 =	vmul.f32 v14, v10  }
0x66: {  	v22 =	vbroadcast v0, $0x1;
	v24 =	vmul.f32 v15, v18  }
0x67: {  	[tilespmem:$0x1FE40] =	vst v3;
	v35 =	vadd.f32 v5, v16;
	v5 =	vmul.f32 v14, v8;
	v3 =	vadd.f32 v23, v20  }
0x68: {  	v16 =	vmul.f32 v15, v6;
	v20 =	vmul.f32 v14, v9  }
0x69: {  	v15 =	vmul.f32 v15, v12;
	v51 =	vadd.f32 v5, v24;
	v5 =	vmul.f32 v14, v2;
	[tilespmem:$0x1FE50] =	vst v3;
	v3 =	vld [tilespmem:$0x1FB50]  }
0x6a: {  	v14 =	vmul.f32 v13, v7;
	v20 =	vadd.f32 v20, v16;
	v16 =	vmul.f32 v4, v10  }
0x6b: {  	v23 =	vmul.f32 v13, v18;
	v52 =	vadd.f32 v5, v15;
	v5 =	vmul.f32 v4, v8  }
0x6c: {  	v15 =	vmul.f32 v13, v6;
	v28 =	vadd.f32 v16, v14;
	v14 =	vmul.f32 v4, v9  }
0x6d: {  	v55 =	vadd.f32 v5, v23  }
0x6e: {  	v5 =	vmul.f32 v22, v7;
	v56 =	vadd.f32 v14, v15;
	v14 =	vmul.f32 v3, v10  }
0x6f: {  	v0 =	vbroadcast v0, $0x0;
	v1 =	vbroadcast v1, $0x0  }
0x70: {  	v13 =	vmul.f32 v13, v12;
	v4 =	vmul.f32 v4, v2;
	v5 =	vadd.f32 v14, v5  }
0x71: {  	v16 =	vmul.f32 v22, v6;
	v15 =	vmul.f32 v22, v18  }
0x72: {  	v17 =	vld [tilespmem:s20+$0x4100];
	[tilespmem:$0x1FE60] =	vst v5;
	v5 =	vmul.f32 v22, v12;
	v22 =	vmul.f32 v3, v9  }
0x73: {  	[tilespmem:$0x1FB60] =	vst v7;
	v13 =	vadd.f32 v4, v13;
	v4 =	vmul.f32 v3, v8;
	v3 =	vmul.f32 v3, v2  }
0x74: {  	v23 =	vmul.f32 v1, v10;
	v14 =	vld.idx.msk [tilespmem:v11+s16+$0x100 ss:$0x1], $0xffff;
	v53 =	vadd.f32 v22, v16;
	v22 =	vmul.f32 v0, v7  }
0x75: {  	[tilespmem:$0x1FB90] =	vst v8;
	v7 =	vadd.f32 v3, v5;
	v5 =	vmul.f32 v1, v8  }
0x76: {  	[tilespmem:$0x1FBD0] =	vst v2;
	v8 =	vadd.f32 v23, v22;
	v23 =	vmul.f32 v1, v9;
	v1 =	vmul.f32 v1, v2;
	v2 =	vld [tilespmem:$0x1FBE0]  }
0x77: {  	v57 =	vadd.f32 v4, v15;
	v4 =	vbroadcast v17, $0xF;
	v3 =	vmul.f32 v0, v18;
	_ =	sdelay $0x1  }
0x78: {  	v15 =	vld.idx.msk [tilespmem:v11+s19+$0x100 ss:$0x1], $0xffff;
	v3 =	vadd.f32 v5, v3;
	v5 =	vmul.f32 v4, v14;
	_ =	sdelay $0x1  }
0x79: {  	v50 =	vadd.f32 v5, v2;
	v2 =	vld [tilespmem:$0x1FBF0]  }
0x7a: {  	v22 =	vmul.f32 v0, v6;
	_ =	sdelay $0x1  }
0x7b: {  	[tilespmem:$0x1FBC0] =	vst v12;
	v0 =	vmul.f32 v0, v12;
	v12 =	vadd.f32 v23, v22;
	v22 =	vmul.f32 v4, v15;
	_ =	sdelay $0x1  }
0x7c: {  	v16 =	vld.idx.msk [tilespmem:v11+s29+$0x100 ss:$0x1], $0xffff;
	v2 =	vadd.f32 v22, v2;
	_ =	sdelay $0x1  }
0x7d: {  	[tilespmem:$0x1FED0] =	vst v2;
	v2 =	vld [tilespmem:$0x1FC00];
	_ =	sdelay $0x2  }
0x7e: {  	v58 =	vld.idx.msk [tilespmem:v11+s30+$0x100 ss:$0x1], $0xffff;
	[tilespmem:$0x1FEB0] =	vst v8;
	v8 =	vadd.f32 v1, v0;
	v1 =	vmul.f32 v4, v16;
	_ =	sdelay $0x1  }
0x7f: {  	v1 =	vadd.f32 v1, v2;
	v2 =	vld [tilespmem:$0x1FC10];
	_ =	sdelay $0x2  }
0x80: {  	v4 =	vmul.f32 v4, v58;
	_ =	sdelay $0x1  }
0x81: {  	v2 =	vadd.f32 v4, v2;
	_ =	sdelay $0x1  }
0x82: {  	[tilespmem:$0x1FEF0] =	vst v2;
	v2 =	vld [tilespmem:$0x1FC20]  }
0x83: {  	v0 =	vbroadcast v17, $0xE;
	_ =	sdelay $0x1  }
0x84: {  	v5 =	vmul.f32 v0, v15;
	[tilespmem:$0x1FEE0] =	vst v1;
	v1 =	vmul.f32 v0, v14;
	_ =	sdelay $0x1  }
0x85: {  	v25 =	vadd.f32 v1, v2;
	v1 =	vadd.f32 v5, v49  }
0x86: {  	v2 =	vld [tilespmem:$0x1FC40]  }
0x87: {  	[tilespmem:$0x1FF00] =	vst v1;
	v1 =	vld [tilespmem:$0x1FC30];
	_ =	sdelay $0x1  }
0x88: {  	v22 =	vmul.f32 v0, v16;
	v0 =	vmul.f32 v0, v58;
	_ =	sdelay $0x1  }
0x89: {  	v0 =	vadd.f32 v0, v2;
	v2 =	vld [tilespmem:$0x1FC50]  }
0x8a: {  	v4 =	vbroadcast v17, $0xD;
	v1 =	vadd.f32 v22, v1;
	_ =	sdelay $0x1  }
0x8b: {  	[tilespmem:$0x1FF10] =	vst v1;
	v1 =	vmul.f32 v4, v14;
	_ =	sdelay $0x1  }
0x8c: {  	[tilespmem:$0x1FC60] =	vst v48;
	v27 =	vadd.f32 v1, v2;
	v2 =	vld [tilespmem:$0x1FC70]  }
0x8d: {  	v1 =	vld [tilespmem:$0x1FC60];
	_ =	sdelay $0x1  }
0x8e: {  	v22 =	vmul.f32 v4, v16  }
0x8f: {  	v5 =	vmul.f32 v4, v15  }
0x90: {  	[tilespmem:$0x1FB80] =	vst v18;
	v49 =	vadd.f32 v22, v2;
	v2 =	vld [tilespmem:$0x1FC80]  }
0x91: {  	[tilespmem:$0x1FF20] =	vst v0;
	v0 =	vbroadcast v17, $0xC;
	v18 =	vadd.f32 v5, v1;
	v1 =	vmul.f32 v4, v58;
	_ =	sdelay $0x1  }
0x92: {  	v4 =	vmul.f32 v0, v14;
	v11 =	vadd.f32 v1, v54;
	v1 =	vbroadcast v17, $0xB;
	_ =	sdelay $0x1  }
0x93: {  	v29 =	vadd.f32 v4, v2;
	v4 =	vmul.f32 v1, v14;
	_ =	sdelay $0x1  }
0x94: {  	[tilespmem:$0x1FCE0] =	vst v33;
	v23 =	vmul.f32 v0, v16;
	v33 =	vadd.f32 v4, v59;
	v4 =	vld [tilespmem:$0x1FCA0]  }
0x95: {  	v22 =	vmul.f32 v0, v15;
	v0 =	vmul.f32 v0, v58;
	_ =	sdelay $0x1  }
0x96: {  	[tilespmem:$0x1FEC0] =	vst v3;
	v39 =	vadd.f32 v0, v60;
	v0 =	vbroadcast v17, $0xA;
	v3 =	vmul.f32 v1, v15;
	v2 =	vld [tilespmem:$0x1FC90];
	_ =	sdelay $0x1  }
0x97: {  	v38 =	vadd.f32 v3, v4;
	v3 =	vmul.f32 v0, v14;
	_ =	sdelay $0x1  }
0x98: {  	v32 =	vadd.f32 v3, v61;
	v3 =	vld [tilespmem:$0x1FCC0]  }
0x99: {  	v47 =	vadd.f32 v22, v2;
	v2 =	vmul.f32 v1, v16;
	_ =	sdelay $0x1  }
0x9a: {  	v40 =	vadd.f32 v2, v40;
	v4 =	vmul.f32 v0, v15;
	v2 =	vld [tilespmem:$0x1FCB0];
	_ =	sdelay $0x1  }
0x9b: {  	v34 =	vadd.f32 v4, v3;
	v3 =	vld [tilespmem:$0x1FCD0]  }
0x9c: {  	v1 =	vmul.f32 v1, v58  }
0x9d: {  	v5 =	vld [tilespmem:$0x1FCE0]  }
0x9e: {  	v37 =	vadd.f32 v1, v2;
	v1 =	vbroadcast v17, $0x9;
	v2 =	vmul.f32 v0, v16;
	_ =	sdelay $0x1  }
0x9f: {  	v31 =	vadd.f32 v2, v3;
	v3 =	vmul.f32 v1, v14;
	_ =	sdelay $0x1  }
0xa0: {  	v24 =	vadd.f32 v3, v5;
	v3 =	vld [tilespmem:$0x1FCF0];
	_ =	sdelay $0x2  }
0xa1: {  	v4 =	vmul.f32 v1, v15;
	_ =	sdelay $0x1  }
0xa2: {  	v22 =	vadd.f32 v4, v3;
	v3 =	vld [tilespmem:$0x1FD00];
	_ =	sdelay $0x2  }
0xa3: {  	v2 =	vmul.f32 v1, v16;
	_ =	sdelay $0x1  }
0xa4: {  	v48 =	vadd.f32 v23, v63;
	v23 =	vadd.f32 v2, v3;
	v2 =	vld [tilespmem:$0x1FD10]  }
0xa5: {  	v0 =	vmul.f32 v0, v58;
	_ =	sdelay $0x1  }
0xa6: {  	v30 =	vadd.f32 v0, v62;
	v0 =	vbroadcast v17, $0x8;
	v1 =	vmul.f32 v1, v58  }
0xa7: {  	v5 =	vld [tilespmem:$0x1FD50]  }
0xa8: {  	v19 =	vadd.f32 v1, v2;
	v1 =	vbroadcast v17, $0x7;
	v2 =	vmul.f32 v0, v16;
	_ =	sdelay $0x1  }
0xa9: {  	v3 =	vmul.f32 v0, v14;
	v59 =	vadd.f32 v2, v42;
	v2 =	vmul.f32 v1, v14;
	_ =	sdelay $0x1  }
0xaa: {  	v36 =	vadd.f32 v3, v36;
	v3 =	vld [tilespmem:$0x1FD20];
	v2 =	vadd.f32 v2, v5;
	_ =	sdelay $0x1  }
0xab: {  	[tilespmem:$0x1FD60] =	vst v2;
	v2 =	vld [tilespmem:$0x1FD70]  }
0xac: {  	v4 =	vmul.f32 v0, v15;
	_ =	sdelay $0x1  }
0xad: {  	v60 =	vadd.f32 v4, v3;
	v3 =	vmul.f32 v1, v15;
	_ =	sdelay $0x1  }
0xae: {  	v4 =	vld [tilespmem:$0x1FD30];
	v2 =	vadd.f32 v3, v2;
	_ =	sdelay $0x1  }
0xaf: {  	[tilespmem:$0x1FD80] =	vst v2;
	v2 =	vld [tilespmem:$0x1FD90]  }
0xb0: {  	v0 =	vmul.f32 v0, v58;
	_ =	sdelay $0x1  }
0xb1: {  	v0 =	vadd.f32 v0, v4;
	v4 =	vmul.f32 v1, v16  }
0xb2: {  	v5 =	vld [tilespmem:$0x1FDD0]  }
0xb3: {  	[tilespmem:$0x1FD40] =	vst v0;
	v0 =	vbroadcast v17, $0x6;
	v2 =	vadd.f32 v4, v2;
	_ =	sdelay $0x1  }
0xb4: {  	[tilespmem:$0x1FDA0] =	vst v2;
	v2 =	vmul.f32 v0, v14;
	_ =	sdelay $0x1  }
0xb5: {  	v2 =	vadd.f32 v2, v5  }
0xb6: {  	v4 =	vld [tilespmem:$0x1FDB0]  }
0xb7: {  	[tilespmem:$0x1FDE0] =	vst v2;
	v2 =	vld [tilespmem:$0x1FDF0];
	_ =	sdelay $0x2  }
0xb8: {  	v1 =	vmul.f32 v1, v58;
	v3 =	vmul.f32 v0, v15;
	_ =	sdelay $0x1  }
0xb9: {  	v1 =	vadd.f32 v1, v4;
	v4 =	vmul.f32 v0, v16;
	v2 =	vadd.f32 v3, v2;
	_ =	sdelay $0x1  }
0xba: {  	[tilespmem:$0x1FE00] =	vst v2;
	v2 =	vadd.f32 v4, v44;
	v4 =	vld [tilespmem:$0x1FE20];
	_ =	sdelay $0x2  }
0xbb: {  	v0 =	vmul.f32 v0, v58;
	[tilespmem:$0x1FDC0] =	vst v1;
	v1 =	vbroadcast v17, $0x5;
	_ =	sdelay $0x1  }
0xbc: {  	v54 =	vmul.f32 v1, v16;
	v0 =	vadd.f32 v0, v4;
	v4 =	vld [tilespmem:$0x1FE40]  }
0xbd: {  	v3 =	vmul.f32 v1, v15;
	[tilespmem:$0x1FE10] =	vst v2;
	v2 =	vmul.f32 v1, v14  }
0xbe: {  	v1 =	vmul.f32 v1, v58;
	[tilespmem:$0x1FE30] =	vst v0;
	v0 =	vbroadcast v17, $0x4  }
0xbf: {  	v41 =	vadd.f32 v3, v41;
	v44 =	vadd.f32 v54, v21  }
0xc0: {  	v5 =	vld [tilespmem:$0x1FE50];
	v43 =	vadd.f32 v1, v43;
	v21 =	vmul.f32 v0, v14;
	v3 =	vmul.f32 v0, v15  }
0xc1: {  	v1 =	vbroadcast v17, $0x3;
	v4 =	vadd.f32 v2, v4;
	v2 =	vmul.f32 v0, v16  }
0xc2: {  	v0 =	vmul.f32 v0, v58;
	v21 =	vadd.f32 v21, v46;
	v46 =	vadd.f32 v3, v45  }
0xc3: {  	v3 =	vmul.f32 v1, v15;
	v45 =	vadd.f32 v2, v26;
	v26 =	vmul.f32 v1, v14  }
0xc4: {  	v54 =	vadd.f32 v0, v35;
	v0 =	vbroadcast v17, $0x2;
	v2 =	vmul.f32 v1, v16  }
0xc5: {  	[tilespmem:$0x1FBA0] =	vst v6;
	v1 =	vmul.f32 v1, v58;
	v6 =	vadd.f32 v3, v51;
	v26 =	vadd.f32 v26, v5  }
0xc6: {  	[tilespmem:$0x1FBB0] =	vst v9;
	v9 =	vld [tilespmem:$0x1FE60];
	v20 =	vadd.f32 v2, v20;
	v2 =	vmul.f32 v0, v14;
	v3 =	vmul.f32 v0, v15  }
0xc7: {  	v52 =	vadd.f32 v1, v52;
	v1 =	vbroadcast v17, $0x1;
	v5 =	vmul.f32 v0, v16  }
0xc8: {  	v0 =	vmul.f32 v0, v58;
	v28 =	vadd.f32 v2, v28;
	v55 =	vadd.f32 v3, v55  }
0xc9: {  	[tilespmem:$0x1FB70] =	vst v10;
	v10 =	vadd.f32 v5, v56;
	v2 =	vmul.f32 v1, v14;
	v3 =	vmul.f32 v1, v15  }
0xca: {  	v56 =	vadd.f32 v0, v13;
	v0 =	vbroadcast v17, $0x0;
	v13 =	vmul.f32 v1, v16  }
0xcb: {  	v1 =	vmul.f32 v1, v58;
	v35 =	vadd.f32 v2, v9;
	v57 =	vadd.f32 v3, v57  }
0xcc: {  	v53 =	vadd.f32 v13, v53;
	v2 =	vmul.f32 v0, v14;
	v3 =	vmul.f32 v0, v15  }
0xcd: {  	v7 =	vadd.f32 v1, v7;
	v1 =	vmul.f32 v0, v16;
	v13 =	vmul.f32 v0, v58;
	v0 =	vld [tilespmem:$0x1FEB0];
	_ =	sdelay $0x2  }
0xce: {  	s31 =	simm.s32 $0x0  }
0xcf: {  	v5 =	vld [tilespmem:s31+$0x9000]  }
0xd0: {  	v17 =	vadd.f32 v2, v0;
	v0 =	vld [tilespmem:$0x1FEC0];
	_ =	sdelay $0x1  }
0xd1: {  	v9 =	vadd.f32 v13, v8;
	v8 =	vld [tilespmem:$0x1FEE0];
	_ =	sdelay $0x2  }
0xd2: {  	v0 =	vadd.f32 v3, v0;
	v3 =	vbroadcast v5, $0xF;
	_ =	sdelay $0x1  }
0xd3: {  	v62 =	vsub.f32 v8, v3;
	v8 =	vld [tilespmem:$0x1FEF0];
	_ =	sdelay $0x2  }
0xd4: {  	v2 =	vadd.f32 v1, v12;
	v1 =	vld [tilespmem:$0x1FED0];
	_ =	sdelay $0x1  }
0xd5: {  	v61 =	vsub.f32 v8, v3;
	v8 =	vld [tilespmem:$0x1FF10];
	_ =	sdelay $0x2  }
0xd6: {  	v51 =	vsub.f32 v50, v3;
	v63 =	vsub.f32 v1, v3;
	v1 =	vbroadcast v5, $0xE;
	v3 =	vld [tilespmem:$0x1FF00];
	_ =	sdelay $0x1  }
0xd7: {  	[tilespmem:$0x1FE80] =	vst v15;
	v15 =	vsub.f32 v8, v1;
	v8 =	vld [tilespmem:$0x1FF20];
	_ =	sdelay $0x1  }
0xd8: {  	[tilespmem:$0x1FEA0] =	vst v58  }
0xd9: {  	[tilespmem:$0x1FE90] =	vst v16;
	v58 =	vld [tilespmem:$0x1FFD0];
	v16 =	vsub.f32 v3, v1;
	v3 =	vbroadcast v5, $0xD  }
0xda: {  	v25 =	vsub.f32 v25, v1  }
0xdb: {  	[tilespmem:$0x1FE70] =	vst v14;
	v14 =	vsub.f32 v8, v1;
	v1 =	vsub.f32 v18, v3;
	_ =	sdelay $0x1  }
0xdc: {  	v8 =	vsub.f32 v49, v3;
	[tilespmem:$0x1FF30] =	vst v1;
	v1 =	vbroadcast v5, $0xC;
	_ =	sdelay $0x1  }
0xdd: {  	[tilespmem:$0x1FF40] =	vst v8;
	v8 =	vsub.f32 v48, v1;
	_ =	sdelay $0x1  }
0xde: {  	[tilespmem:$0x1FF70] =	vst v8;
	v8 =	vld.idx.msk [tilespmem:v58+s19+$0x0 ss:$0x1], $0xffff;
	_ =	sdelay $0x1  }
0xdf: {  	v27 =	vsub.f32 v27, v3;
	v3 =	vsub.f32 v11, v3  }
0xe0: {  	v29 =	vsub.f32 v29, v1  }
0xe1: {  	[tilespmem:$0x1FF50] =	vst v3;
	v3 =	vsub.f32 v47, v1;
	v49 =	vsub.f32 v39, v1;
	v1 =	vbroadcast v5, $0xA  }
0xe2: {  	v12 =	vimm.f32 $-3.399999950e+38;
	[tilespmem:$0x1FF90] =	vst v8;
	v8 =	vld.idx.msk [tilespmem:v58+s29+$0x0 ss:$0x1], $0xffff  }
0xe3: {  	[tilespmem:$0x1FF60] =	vst v3;
	v3 =	vbroadcast v5, $0xB;
	v32 =	vsub.f32 v32, v1;
	v13 =	vsub.f32 v34, v1  }
0xe4: {  	v18 =	vsub.f32 v31, v1;
	v50 =	vsub.f32 v30, v1;
	v31 =	vbroadcast v5, $0x0  }
0xe5: {  	v30 =	vbroadcast v5, $0x1;
	v1 =	vld.idx.msk [tilespmem:v58+s16+$0x0 ss:$0x1], $0xffff;
	v33 =	vsub.f32 v33, v3;
	v47 =	vsub.f32 v38, v3  }
0xe6: {  	v48 =	vsub.f32 v40, v3;
	v11 =	vsub.f32 v37, v3;
	v3 =	vbroadcast v5, $0x9  }
0xe7: {  	v39 =	vsub.f32 v17, v31;
	v38 =	vbroadcast v5, $0x6;
	v40 =	vsub.f32 v35, v30;
	[tilespmem:$0x1FFA0] =	vst v8;
	v8 =	vld.idx.msk [tilespmem:v58+s30+$0x0 ss:$0x1], $0xffff  }
0xe8: {  	v35 =	vbroadcast v5, $0x2;
	v37 =	vbroadcast v5, $0x3;
	v34 =	vsub.f32 v24, v3  }
0xe9: {  	v22 =	vsub.f32 v22, v3;
	v24 =	vsub.f32 v19, v3;
	v19 =	vbroadcast v5, $0x8  }
0xea: {  	v23 =	vsub.f32 v23, v3;
	v3 =	vbroadcast v5, $0x7;
	[tilespmem:$0x1FF80] =	vst v1;
	v1 =	vbroadcast v5, $0x5  }
0xeb: {  	v17 =	vsub.f32 v36, v19;
	v36 =	vbroadcast v5, $0x4;
	v5 =	vsub.f32 v60, v19  }
0xec: {  	p0 =	por p2, p2;
	s16 =	simm.s32 $0x10;
	v60 =	vimm.f32 $-3.399999950e+38;
	v58 =	vimm.f32 $-3.399999950e+38;
	[tilespmem:$0x1FFB0] =	vst v8;
	v8 =	vmovc v49;
	v49 =	vimm.f32 $-3.399999950e+38  }
.LBB2_3:
0xed: {  	_ = 	snop  }
0xee: {  	v39 =	vmax.f32 v12, v39;
	v12 =	vld [tilespmem:$0x1FD40];
	_ =	sdelay $0x4  }
0xef: {  	v42 =	vsub.f32 v59, v19;
	v19 =	vsub.f32 v12, v19;
	v12 =	vld [tilespmem:$0x1FD60];
	_ =	sdelay $0x4  }
0xf0: {  	v59 =	vsub.f32 v12, v3;
	v12 =	vld [tilespmem:$0x1FD80];
	_ =	sdelay $0x1  }
0xf1: {  	v28 =	vsub.f32 v28, v35  }
0xf2: {  	v26 =	vsub.f32 v26, v37;
	v39 =	vmax.f32 v39, v40  }
0xf3: {  	v28 =	vmax.f32 v39, v28  }
0xf4: {  	v26 =	vmax.f32 v28, v26;
	v28 =	vsub.f32 v12, v3;
	v12 =	vld [tilespmem:$0x1FDE0];
	_ =	sdelay $0x2  }
0xf5: {  	v21 =	vsub.f32 v21, v36;
	_ =	sdelay $0x1  }
0xf6: {  	v21 =	vmax.f32 v26, v21;
	v26 =	vsub.f32 v12, v38;
	v12 =	vld [tilespmem:$0x1FDA0];
	_ =	sdelay $0x4  }
0xf7: {  	v40 =	vsub.f32 v12, v3;
	v12 =	vld [tilespmem:$0x1FE00];
	_ =	sdelay $0x2  }
0xf8: {  	v4 =	vsub.f32 v4, v1;
	_ =	sdelay $0x1  }
0xf9: {  	v4 =	vmax.f32 v21, v4;
	v21 =	vsub.f32 v12, v38;
	v12 =	vld [tilespmem:$0x1FDC0]  }
0xfa: {  	v4 =	vmax.f32 v4, v26  }
0xfb: {  	v4 =	vmax.f32 v4, v59  }
0xfc: {  	v0 =	vsub.f32 v0, v31;
	v2 =	vsub.f32 v2, v31;
	v4 =	vmax.f32 v4, v17  }
0xfd: {  	v41 =	vsub.f32 v41, v1;
	v44 =	vsub.f32 v44, v1;
	v4 =	vmax.f32 v4, v34  }
0xfe: {  	v1 =	vsub.f32 v43, v1;
	v4 =	vmax.f32 v4, v32;
	v3 =	vsub.f32 v12, v3;
	v12 =	vld [tilespmem:$0x1FE10]  }
0xff: {  	v43 =	vsub.f32 v54, v36;
	v54 =	vsub.f32 v52, v37;
	v4 =	vmax.f32 v4, v33  }
0x100: {  	v0 =	vmax.f32 v60, v0;
	v39 =	vsub.f32 v46, v36;
	v4 =	vmax.f32 v4, v29  }
0x101: {  	v46 =	vsub.f32 v55, v35;
	v29 =	vsub.f32 v57, v30;
	v4 =	vmax.f32 v4, v27  }
0x102: {  	v27 =	vsub.f32 v9, v31;
	v4 =	vmax.f32 v4, v25;
	v25 =	vsub.f32 v53, v30  }
0x103: {  	v30 =	vsub.f32 v7, v30;
	v4 =	vmax.f32 v4, v51;
	v26 =	vsub.f32 v12, v38;
	v12 =	vld [tilespmem:$0x1FE30]  }
0x104: {  	v59 =	vsub.f32 v56, v35;
	v17 =	vsub.f32 v45, v36;
	[tilespmem:$0x1F4B0] =	vst v4;
	v4 =	vmax.f32 v58, v27  }
0x105: {  	v45 =	vsub.f32 v6, v37;
	v0 =	vmax.f32 v0, v29;
	v4 =	vmax.f32 v4, v30  }
0x106: {  	v20 =	vsub.f32 v20, v37;
	v0 =	vmax.f32 v0, v46;
	v4 =	vmax.f32 v4, v59  }
0x107: {  	v2 =	vmax.f32 v49, v2;
	v0 =	vmax.f32 v0, v45;
	v4 =	vmax.f32 v4, v54  }
0x108: {  	v0 =	vmax.f32 v0, v39;
	v4 =	vmax.f32 v4, v43;
	v38 =	vsub.f32 v12, v38  }
0x109: {  	v55 =	vsub.f32 v10, v35;
	v0 =	vmax.f32 v0, v41;
	v1 =	vmax.f32 v4, v1  }
0x10a: {  	v2 =	vmax.f32 v2, v25;
	v0 =	vmax.f32 v0, v21;
	v1 =	vmax.f32 v1, v38  }
0x10b: {  	v2 =	vmax.f32 v2, v55;
	v0 =	vmax.f32 v0, v28;
	v1 =	vmax.f32 v1, v3;
	v3 =	vld [tilespmem:$0x1FF60]  }
0x10c: {  	v2 =	vmax.f32 v2, v20;
	v0 =	vmax.f32 v0, v5  }
0x10d: {  	v2 =	vmax.f32 v2, v17;
	v0 =	vmax.f32 v0, v22  }
0x10e: {  	v2 =	vmax.f32 v2, v44;
	v0 =	vmax.f32 v0, v13  }
0x10f: {  	v0 =	vmax.f32 v0, v47;
	v2 =	vmax.f32 v2, v26  }
0x110: {  	v2 =	vmax.f32 v2, v40;
	v0 =	vmax.f32 v0, v3;
	v3 =	vld [tilespmem:$0x1FF70]  }
0x111: {  	v2 =	vmax.f32 v2, v42  }
0x112: {  	v2 =	vmax.f32 v2, v23  }
0x113: {  	v2 =	vmax.f32 v2, v18  }
0x114: {  	v2 =	vmax.f32 v2, v48  }
0x115: {  	v2 =	vmax.f32 v2, v3;
	v3 =	vld [tilespmem:$0x1FF30];
	_ =	sdelay $0x4  }
0x116: {  	v0 =	vmax.f32 v0, v3;
	v3 =	vld [tilespmem:$0x1FF40];
	_ =	sdelay $0x4  }
0x117: {  	s15 =	sadd.s32 $0x40, s15;
	v1 =	vmax.f32 v1, v19;
	v2 =	vmax.f32 v2, v3;
	v3 =	vld [tilespmem:$0x1FF50]  }
0x118: {  	s17 =	sand.u32 $0x70, s16;
	s18 =	sand.u32 $0x3E00, s15;
	v1 =	vmax.f32 v1, v24  }
0x119: {  	s17 =	sor.u32 s17, s18;
	v1 =	vmax.f32 v1, v50  }
0x11a: {  	v60 =	vld [tilespmem:s17+$0x4080];
	v1 =	vmax.f32 v1, v11  }
0x11b: {  	v4 =	vld [tilespmem:s17+$0x4100];
	v1 =	vmax.f32 v1, v8  }
0x11c: {  	v1 =	vmax.f32 v1, v3  }
0x11d: {  	v0 =	vmax.f32 v0, v16;
	v1 =	vmax.f32 v1, v14;
	v14 =	vld [tilespmem:$0x1FE70]  }
0x11e: {  	v0 =	vmax.f32 v0, v63;
	v2 =	vmax.f32 v2, v15  }
0x11f: {  	[tilespmem:$0x1F9B0] =	vst v0;
	v15 =	vld [tilespmem:$0x1FE80];
	v0 =	vmax.f32 v2, v62  }
0x120: {  	v62 =	vbroadcast v4, $0xF;
	[tilespmem:$0x1FB10] =	vst v0;
	v0 =	vmax.f32 v1, v61;
	v1 =	vbroadcast v60, $0x0  }
0x121: {  	v16 =	vld [tilespmem:$0x1FE90]  }
0x122: {  	[tilespmem:$0x1F4A0] =	vst v1;
	v1 =	vmul.f32 v62, v14;
	_ =	sdelay $0x1  }
0x123: {  	[tilespmem:$0x1F4D0] =	vst v1;
	v1 =	vmul.f32 v62, v15;
	_ =	sdelay $0x1  }
0x124: {  	[tilespmem:$0x1F4F0] =	vst v1;
	v1 =	vmul.f32 v62, v16;
	_ =	sdelay $0x1  }
0x125: {  	[tilespmem:$0x1F510] =	vst v1;
	v1 =	vld [tilespmem:$0x1FEA0];
	_ =	sdelay $0x4  }
0x126: {  	v61 =	vbroadcast v4, $0xE;
	v8 =	vmul.f32 v62, v1;
	_ =	sdelay $0x1  }
0x127: {  	[tilespmem:$0x1F530] =	vst v8;
	v8 =	vmul.f32 v61, v14;
	_ =	sdelay $0x1  }
0x128: {  	[tilespmem:$0x1F560] =	vst v8;
	v8 =	vmul.f32 v61, v15;
	_ =	sdelay $0x1  }
0x129: {  	[tilespmem:$0x1F580] =	vst v8;
	v8 =	vmul.f32 v61, v16;
	_ =	sdelay $0x1  }
0x12a: {  	v63 =	vbroadcast v4, $0xD;
	[tilespmem:$0x1F5A0] =	vst v8;
	v8 =	vmul.f32 v61, v1  }
0x12b: {  	[tilespmem:$0x1F970] =	vst v0;
	v0 =	vbroadcast v4, $0x7  }
0x12c: {  	[tilespmem:$0x1F5C0] =	vst v8;
	v8 =	vmul.f32 v63, v14  }
0x12d: {  	[tilespmem:$0x1F4C0] =	vst v0;
	v0 =	vbroadcast v4, $0x6  }
0x12e: {  	[tilespmem:$0x1F5E0] =	vst v8;
	v8 =	vmul.f32 v63, v15  }
0x12f: {  	[tilespmem:$0x1F550] =	vst v0;
	v0 =	vbroadcast v4, $0x5  }
0x130: {  	v52 =	vbroadcast v60, $0xE;
	[tilespmem:$0x1F600] =	vst v8;
	v8 =	vmul.f32 v63, v16  }
0x131: {  	v6 =	vbroadcast v60, $0xD;
	v36 =	vbroadcast v60, $0xA;
	[tilespmem:$0x1F660] =	vst v0  }
0x132: {  	v0 =	vbroadcast v4, $0x4;
	[tilespmem:$0x1F620] =	vst v8;
	v8 =	vmul.f32 v63, v1;
	v63 =	vld [tilespmem:$0x1FBD0]  }
0x133: {  	v34 =	vbroadcast v60, $0x9;
	v31 =	vbroadcast v60, $0x8  }
0x134: {  	v25 =	vbroadcast v60, $0xC;
	[tilespmem:$0x1F770] =	vst v0;
	v0 =	vbroadcast v4, $0x3  }
0x135: {  	v30 =	vbroadcast v60, $0x7;
	v47 =	vbroadcast v60, $0xF  }
0x136: {  	v20 =	vbroadcast v60, $0x2;
	[tilespmem:$0x1F880] =	vst v0;
	v0 =	vbroadcast v4, $0x2  }
0x137: {  	v46 =	vbroadcast v4, $0xC;
	v13 =	vmul.f32 v47, v63  }
0x138: {  	v28 =	vbroadcast v60, $0x6;
	[tilespmem:$0x1F950] =	vst v0;
	v0 =	vbroadcast v4, $0x1  }
0x139: {  	v22 =	vbroadcast v60, $0x4;
	[tilespmem:$0x1F100] =	vst v13;
	v13 =	vmul.f32 v46, v14  }
0x13a: {  	v27 =	vld [tilespmem:s17+$0x4000];
	v26 =	vbroadcast v60, $0x5;
	[tilespmem:$0x1F9A0] =	vst v0;
	v0 =	vbroadcast v4, $0x0  }
0x13b: {  	v11 =	vbroadcast v60, $0x1;
	[tilespmem:$0x1F670] =	vst v13;
	v13 =	vmul.f32 v46, v15  }
0x13c: {  	v3 =	vbroadcast v60, $0xB;
	[tilespmem:$0x1F9E0] =	vst v0;
	v0 =	vbroadcast v60, $0x3;
	v60 =	vld [tilespmem:$0x1FB60]  }
0x13d: {  	[tilespmem:$0x1F690] =	vst v13;
	v13 =	vmul.f32 v46, v16  }
0x13e: {  	v10 =	vld [tilespmem:$0x1FB70]  }
0x13f: {  	v48 =	vbroadcast v27, $0xE;
	[tilespmem:$0x1F6B0] =	vst v13;
	v13 =	vmul.f32 v46, v1  }
0x140: {  	v61 =	vld [tilespmem:$0x1FB80]  }
0x141: {  	[tilespmem:$0x1F6D0] =	vst v13;
	v13 =	vmul.f32 v48, v60  }
0x142: {  	[tilespmem:$0x1F640] =	vst v8;
	v8 =	vld [tilespmem:$0x1FB90]  }
0x143: {  	[tilespmem:$0x1F110] =	vst v13;
	v13 =	vmul.f32 v52, v10  }
0x144: {  	v62 =	vld [tilespmem:$0x1FBA0]  }
0x145: {  	[tilespmem:$0x1F120] =	vst v13;
	v13 =	vmul.f32 v48, v61  }
0x146: {  	v9 =	vld [tilespmem:$0x1FBB0]  }
0x147: {  	[tilespmem:$0x1F130] =	vst v13;
	v13 =	vmul.f32 v52, v8  }
0x148: {  	v12 =	vld [tilespmem:$0x1FBC0]  }
0x149: {  	[tilespmem:$0x1F140] =	vst v13;
	v13 =	vmul.f32 v48, v62;
	_ =	sdelay $0x1  }
0x14a: {  	[tilespmem:$0x1F150] =	vst v13;
	v13 =	vmul.f32 v52, v9;
	_ =	sdelay $0x1  }
0x14b: {  	[tilespmem:$0x1F160] =	vst v13;
	v13 =	vmul.f32 v48, v12;
	_ =	sdelay $0x1  }
0x14c: {  	v53 =	vbroadcast v4, $0xB;
	[tilespmem:$0x1F170] =	vst v13;
	v13 =	vmul.f32 v52, v63;
	_ =	sdelay $0x1  }
0x14d: {  	[tilespmem:$0x1F180] =	vst v13;
	v13 =	vmul.f32 v53, v14;
	_ =	sdelay $0x1  }
0x14e: {  	[tilespmem:$0x1F6F0] =	vst v13;
	v13 =	vmul.f32 v53, v15;
	_ =	sdelay $0x1  }
0x14f: {  	[tilespmem:$0x1F710] =	vst v13;
	v13 =	vmul.f32 v53, v16;
	_ =	sdelay $0x1  }
0x150: {  	v55 =	vbroadcast v27, $0xD;
	[tilespmem:$0x1F730] =	vst v13;
	v13 =	vmul.f32 v53, v1;
	_ =	sdelay $0x1  }
0x151: {  	[tilespmem:$0x1F750] =	vst v13;
	v13 =	vmul.f32 v55, v60;
	_ =	sdelay $0x1  }
0x152: {  	[tilespmem:$0x1F190] =	vst v13;
	v13 =	vmul.f32 v6, v10;
	_ =	sdelay $0x1  }
0x153: {  	[tilespmem:$0x1F1A0] =	vst v13;
	v13 =	vmul.f32 v55, v61;
	_ =	sdelay $0x1  }
0x154: {  	[tilespmem:$0x1F1B0] =	vst v13;
	v13 =	vmul.f32 v6, v8;
	_ =	sdelay $0x1  }
0x155: {  	[tilespmem:$0x1F1C0] =	vst v13;
	v13 =	vmul.f32 v55, v62  }
0x156: {  	v18 =	vbroadcast v4, $0xA  }
0x157: {  	[tilespmem:$0x1F1D0] =	vst v13;
	v13 =	vmul.f32 v6, v9;
	v6 =	vmul.f32 v6, v63;
	_ =	sdelay $0x1  }
0x158: {  	[tilespmem:$0x1F200] =	vst v6;
	v6 =	vmul.f32 v18, v14;
	_ =	sdelay $0x1  }
0x159: {  	[tilespmem:$0x1F780] =	vst v6;
	v6 =	vmul.f32 v18, v15;
	_ =	sdelay $0x1  }
0x15a: {  	[tilespmem:$0x1F7A0] =	vst v6;
	v6 =	vmul.f32 v18, v16;
	_ =	sdelay $0x1  }
0x15b: {  	v24 =	vbroadcast v27, $0xC;
	[tilespmem:$0x1F7C0] =	vst v6;
	v6 =	vmul.f32 v18, v1;
	_ =	sdelay $0x1  }
0x15c: {  	[tilespmem:$0x1F7E0] =	vst v6;
	v6 =	vmul.f32 v24, v60;
	_ =	sdelay $0x1  }
0x15d: {  	[tilespmem:$0x1F210] =	vst v6;
	v6 =	vmul.f32 v25, v10;
	_ =	sdelay $0x1  }
0x15e: {  	[tilespmem:$0x1F220] =	vst v6;
	v6 =	vmul.f32 v24, v61;
	_ =	sdelay $0x1  }
0x15f: {  	[tilespmem:$0x1F230] =	vst v6;
	v6 =	vmul.f32 v25, v8;
	_ =	sdelay $0x1  }
0x160: {  	[tilespmem:$0x1F240] =	vst v6;
	v6 =	vmul.f32 v24, v62;
	_ =	sdelay $0x1  }
0x161: {  	[tilespmem:$0x1F250] =	vst v6;
	v6 =	vmul.f32 v25, v9;
	_ =	sdelay $0x1  }
0x162: {  	[tilespmem:$0x1F260] =	vst v6;
	v6 =	vmul.f32 v24, v12;
	_ =	sdelay $0x1  }
0x163: {  	v17 =	vbroadcast v4, $0x9;
	[tilespmem:$0x1F270] =	vst v6;
	v6 =	vmul.f32 v25, v63;
	_ =	sdelay $0x1  }
0x164: {  	[tilespmem:$0x1F280] =	vst v6;
	v6 =	vmul.f32 v17, v14;
	_ =	sdelay $0x1  }
0x165: {  	[tilespmem:$0x1F800] =	vst v6;
	v6 =	vmul.f32 v17, v15;
	_ =	sdelay $0x1  }
0x166: {  	[tilespmem:$0x1F820] =	vst v6;
	v6 =	vmul.f32 v17, v16;
	_ =	sdelay $0x1  }
0x167: {  	v38 =	vbroadcast v27, $0xB;
	[tilespmem:$0x1F840] =	vst v6;
	v6 =	vmul.f32 v17, v1;
	_ =	sdelay $0x1  }
0x168: {  	[tilespmem:$0x1F860] =	vst v6;
	v6 =	vmul.f32 v38, v60;
	_ =	sdelay $0x1  }
0x169: {  	[tilespmem:$0x1F290] =	vst v6;
	v6 =	vmul.f32 v3, v10;
	_ =	sdelay $0x1  }
0x16a: {  	[tilespmem:$0x1F2A0] =	vst v6;
	v6 =	vmul.f32 v38, v61;
	_ =	sdelay $0x1  }
0x16b: {  	[tilespmem:$0x1F2B0] =	vst v6;
	v6 =	vmul.f32 v3, v8;
	_ =	sdelay $0x1  }
0x16c: {  	[tilespmem:$0x1F2C0] =	vst v6;
	v6 =	vmul.f32 v38, v62  }
0x16d: {  	v37 =	vbroadcast v4, $0x8  }
0x16e: {  	[tilespmem:$0x1F2D0] =	vst v6;
	v6 =	vmul.f32 v3, v9;
	v3 =	vmul.f32 v3, v63;
	_ =	sdelay $0x1  }
0x16f: {  	[tilespmem:$0x1F300] =	vst v3;
	v3 =	vmul.f32 v37, v14;
	_ =	sdelay $0x1  }
0x170: {  	[tilespmem:$0x1F890] =	vst v3;
	v3 =	vmul.f32 v37, v15;
	_ =	sdelay $0x1  }
0x171: {  	[tilespmem:$0x1F8B0] =	vst v3;
	v3 =	vmul.f32 v37, v16;
	_ =	sdelay $0x1  }
0x172: {  	[tilespmem:$0x1F8D0] =	vst v3;
	v3 =	vmul.f32 v37, v1;
	_ =	sdelay $0x1  }
0x173: {  	v35 =	vbroadcast v27, $0xA;
	[tilespmem:$0x1F8F0] =	vst v3;
	v3 =	vmul.f32 v36, v10;
	_ =	sdelay $0x1  }
0x174: {  	[tilespmem:$0x1F310] =	vst v3;
	v3 =	vmul.f32 v35, v61;
	_ =	sdelay $0x1  }
0x175: {  	[tilespmem:$0x1F320] =	vst v3;
	v3 =	vmul.f32 v36, v8;
	_ =	sdelay $0x1  }
0x176: {  	[tilespmem:$0x1F330] =	vst v3;
	v3 =	vmul.f32 v35, v62;
	_ =	sdelay $0x1  }
0x177: {  	[tilespmem:$0x1F340] =	vst v3;
	v3 =	vmul.f32 v36, v9;
	_ =	sdelay $0x1  }
0x178: {  	[tilespmem:$0x1F350] =	vst v3;
	v3 =	vmul.f32 v35, v12;
	_ =	sdelay $0x1  }
0x179: {  	v32 =	vbroadcast v27, $0x9;
	[tilespmem:$0x1F360] =	vst v3;
	v3 =	vmul.f32 v36, v63;
	_ =	sdelay $0x1  }
0x17a: {  	[tilespmem:$0x1F370] =	vst v3;
	v3 =	vmul.f32 v32, v60;
	_ =	sdelay $0x1  }
0x17b: {  	[tilespmem:$0x1F380] =	vst v3;
	v3 =	vmul.f32 v34, v10;
	_ =	sdelay $0x1  }
0x17c: {  	[tilespmem:$0x1F390] =	vst v3;
	v3 =	vmul.f32 v32, v61;
	_ =	sdelay $0x1  }
0x17d: {  	[tilespmem:$0x1F3A0] =	vst v3;
	v3 =	vmul.f32 v34, v8;
	_ =	sdelay $0x1  }
0x17e: {  	[tilespmem:$0x1F3B0] =	vst v3;
	v3 =	vmul.f32 v32, v62;
	_ =	sdelay $0x1  }
0x17f: {  	[tilespmem:$0x1F3C0] =	vst v3;
	v3 =	vmul.f32 v34, v9;
	_ =	sdelay $0x1  }
0x180: {  	v33 =	vbroadcast v27, $0x8;
	[tilespmem:$0x1F3D0] =	vst v3;
	v3 =	vmul.f32 v32, v12;
	_ =	sdelay $0x1  }
0x181: {  	[tilespmem:$0x1F3E0] =	vst v3;
	v3 =	vmul.f32 v33, v60;
	_ =	sdelay $0x1  }
0x182: {  	[tilespmem:$0x1F3F0] =	vst v3;
	v3 =	vmul.f32 v31, v10;
	_ =	sdelay $0x1  }
0x183: {  	[tilespmem:$0x1F400] =	vst v3;
	v3 =	vmul.f32 v33, v61;
	_ =	sdelay $0x1  }
0x184: {  	[tilespmem:$0x1F410] =	vst v3;
	v3 =	vmul.f32 v31, v8;
	_ =	sdelay $0x1  }
0x185: {  	[tilespmem:$0x1F420] =	vst v3;
	v3 =	vmul.f32 v33, v62;
	_ =	sdelay $0x1  }
0x186: {  	[tilespmem:$0x1F430] =	vst v3;
	v3 =	vmul.f32 v31, v9;
	_ =	sdelay $0x1  }
0x187: {  	v29 =	vbroadcast v27, $0x7;
	[tilespmem:$0x1F440] =	vst v3;
	v3 =	vmul.f32 v33, v12;
	_ =	sdelay $0x1  }
0x188: {  	[tilespmem:$0x1F450] =	vst v3;
	v3 =	vmul.f32 v29, v60  }
0x189: {  	v45 =	vbroadcast v27, $0xF  }
0x18a: {  	v57 =	vmul.f32 v47, v9;
	[tilespmem:$0x1F460] =	vst v3;
	v3 =	vmul.f32 v30, v10  }
0x18b: {  	v54 =	vmul.f32 v45, v62;
	[tilespmem:$0x1F1E0] =	vst v13;
	v13 =	vmul.f32 v55, v12  }
0x18c: {  	[tilespmem:$0x1F470] =	vst v3;
	v3 =	vmul.f32 v29, v61  }
0x18d: {  	v50 =	vmul.f32 v47, v10;
	[tilespmem:$0x1F1F0] =	vst v13;
	v13 =	vadd.f32 v57, v54  }
0x18e: {  	v49 =	vmul.f32 v45, v60;
	[tilespmem:$0x1F480] =	vst v3;
	v3 =	vmul.f32 v29, v62  }
0x18f: {  	[tilespmem:$0x1F520] =	vst v13;
	v13 =	vld [tilespmem:$0x1F100]  }
0x190: {  	v51 =	vmul.f32 v45, v61;
	v56 =	vmul.f32 v47, v8;
	[tilespmem:$0x1F490] =	vst v3;
	v3 =	vadd.f32 v50, v49  }
0x191: {  	v54 =	vld [tilespmem:$0x1F110]  }
0x192: {  	v58 =	vmul.f32 v45, v12;
	[tilespmem:$0x1F4E0] =	vst v3;
	v3 =	vadd.f32 v56, v51;
	v56 =	vld [tilespmem:$0x1F120]  }
0x193: {  	v57 =	vld [tilespmem:$0x1F130]  }
0x194: {  	v13 =	vadd.f32 v13, v58;
	v58 =	vld [tilespmem:$0x1F140]  }
0x195: {  	v59 =	vld [tilespmem:$0x1F150]  }
0x196: {  	v47 =	vld [tilespmem:$0x1F160]  }
0x197: {  	v49 =	vadd.f32 v56, v54;
	v54 =	vld [tilespmem:$0x1F170]  }
0x198: {  	v56 =	vld [tilespmem:$0x1F180]  }
0x199: {  	[tilespmem:$0x1F570] =	vst v49;
	v49 =	vadd.f32 v58, v57;
	v57 =	vld [tilespmem:$0x1F190]  }
0x19a: {  	v58 =	vld [tilespmem:$0x1F1A0]  }
0x19b: {  	[tilespmem:$0x1F590] =	vst v49;
	v49 =	vadd.f32 v47, v59;
	v59 =	vld [tilespmem:$0x1F1B0]  }
0x19c: {  	v47 =	vld [tilespmem:$0x1F1C0]  }
0x19d: {  	[tilespmem:$0x1F5B0] =	vst v49;
	v49 =	vadd.f32 v56, v54;
	v54 =	vld [tilespmem:$0x1F1D0]  }
0x19e: {  	v56 =	vld [tilespmem:$0x1F1E0]  }
0x19f: {  	[tilespmem:$0x1F5D0] =	vst v49;
	v49 =	vadd.f32 v58, v57;
	v57 =	vld [tilespmem:$0x1F1F0]  }
0x1a0: {  	v58 =	vld [tilespmem:$0x1F200]  }
0x1a1: {  	[tilespmem:$0x1F5F0] =	vst v49;
	v49 =	vadd.f32 v47, v59;
	v59 =	vld [tilespmem:$0x1F210]  }
0x1a2: {  	v47 =	vld [tilespmem:$0x1F220]  }
0x1a3: {  	[tilespmem:$0x1F610] =	vst v49;
	v49 =	vadd.f32 v56, v54  }
0x1a4: {  	v56 =	vld [tilespmem:$0x1F230]  }
0x1a5: {  	[tilespmem:$0x1F630] =	vst v49;
	v49 =	vadd.f32 v58, v57;
	v57 =	vld [tilespmem:$0x1F240]  }
0x1a6: {  	v58 =	vld [tilespmem:$0x1F250]  }
0x1a7: {  	[tilespmem:$0x1F650] =	vst v49;
	v49 =	vadd.f32 v47, v59;
	v59 =	vld [tilespmem:$0x1F260];
	_ =	sdelay $0x2  }
0x1a8: {  	v47 =	vld [tilespmem:$0x1F270];
	[tilespmem:$0x1F680] =	vst v49;
	v49 =	vadd.f32 v57, v56  }
0x1a9: {  	v57 =	vld [tilespmem:$0x1F280]  }
0x1aa: {  	[tilespmem:$0x1F6A0] =	vst v49;
	v49 =	vadd.f32 v59, v58;
	v58 =	vld [tilespmem:$0x1F290]  }
0x1ab: {  	v59 =	vld [tilespmem:$0x1F2A0];
	_ =	sdelay $0x2  }
0x1ac: {  	[tilespmem:$0x1F6C0] =	vst v49;
	v49 =	vadd.f32 v57, v47  }
0x1ad: {  	v47 =	vld [tilespmem:$0x1F2B0]  }
0x1ae: {  	[tilespmem:$0x1F6E0] =	vst v49;
	v49 =	vadd.f32 v59, v58;
	v58 =	vld [tilespmem:$0x1F2C0];
	_ =	sdelay $0x3  }
0x1af: {  	[tilespmem:$0x1F2E0] =	vst v6;
	v59 =	vld [tilespmem:$0x1F2D0]  }
0x1b0: {  	[tilespmem:$0x1F700] =	vst v49;
	v49 =	vadd.f32 v58, v47;
	v47 =	vld [tilespmem:$0x1F2E0];
	_ =	sdelay $0x1  }
0x1b1: {  	v6 =	vmul.f32 v38, v12;
	_ =	sdelay $0x1  }
0x1b2: {  	[tilespmem:$0x1F2F0] =	vst v6  }
0x1b3: {  	[tilespmem:$0x1F720] =	vst v49;
	v49 =	vadd.f32 v47, v59;
	v59 =	vld [tilespmem:$0x1F2F0]  }
0x1b4: {  	v47 =	vld [tilespmem:$0x1F300];
	_ =	sdelay $0x4  }
0x1b5: {  	[tilespmem:$0x1F740] =	vst v49;
	v49 =	vadd.f32 v47, v59;
	v59 =	vld [tilespmem:$0x1F310];
	_ =	sdelay $0x2  }
0x1b6: {  	v52 =	vmul.f32 v35, v60  }
0x1b7: {  	v47 =	vld [tilespmem:$0x1F320]  }
0x1b8: {  	v50 =	vadd.f32 v59, v52;
	v59 =	vld [tilespmem:$0x1F330];
	_ =	sdelay $0x3  }
0x1b9: {  	v52 =	vld [tilespmem:$0x1F340]  }
0x1ba: {  	[tilespmem:$0x1F790] =	vst v50;
	v50 =	vadd.f32 v59, v47;
	v47 =	vld [tilespmem:$0x1F350];
	_ =	sdelay $0x4  }
0x1bb: {  	v52 =	vadd.f32 v47, v52  }
0x1bc: {  	v47 =	vld [tilespmem:$0x1F370]  }
0x1bd: {  	[tilespmem:$0x1F7D0] =	vst v52;
	v52 =	vld [tilespmem:$0x1F360];
	_ =	sdelay $0x4  }
0x1be: {  	v52 =	vadd.f32 v47, v52  }
0x1bf: {  	v47 =	vld [tilespmem:$0x1F390]  }
0x1c0: {  	[tilespmem:$0x1F7F0] =	vst v52;
	v52 =	vld [tilespmem:$0x1F380];
	_ =	sdelay $0x4  }
0x1c1: {  	v52 =	vadd.f32 v47, v52  }
0x1c2: {  	v47 =	vld [tilespmem:$0x1F3B0]  }
0x1c3: {  	[tilespmem:$0x1F810] =	vst v52;
	v52 =	vld [tilespmem:$0x1F3A0];
	_ =	sdelay $0x4  }
0x1c4: {  	v52 =	vadd.f32 v47, v52  }
0x1c5: {  	v47 =	vld [tilespmem:$0x1F3D0]  }
0x1c6: {  	[tilespmem:$0x1F830] =	vst v52;
	v52 =	vld [tilespmem:$0x1F3C0];
	_ =	sdelay $0x1  }
0x1c7: {  	v59 =	vld [tilespmem:$0x1F3E0];
	_ =	sdelay $0x2  }
0x1c8: {  	v55 =	vmul.f32 v34, v63;
	v52 =	vadd.f32 v47, v52;
	_ =	sdelay $0x1  }
0x1c9: {  	[tilespmem:$0x1F850] =	vst v52;
	v52 =	vadd.f32 v55, v59  }
0x1ca: {  	v47 =	vld [tilespmem:$0x1F400]  }
0x1cb: {  	[tilespmem:$0x1F870] =	vst v52;
	v52 =	vld [tilespmem:$0x1F3F0];
	_ =	sdelay $0x4  }
0x1cc: {  	v52 =	vadd.f32 v47, v52  }
0x1cd: {  	v47 =	vld [tilespmem:$0x1F420]  }
0x1ce: {  	[tilespmem:$0x1F8A0] =	vst v52;
	v52 =	vld [tilespmem:$0x1F410];
	_ =	sdelay $0x4  }
0x1cf: {  	v52 =	vadd.f32 v47, v52  }
0x1d0: {  	v47 =	vld [tilespmem:$0x1F440]  }
0x1d1: {  	[tilespmem:$0x1F8C0] =	vst v52;
	v52 =	vld [tilespmem:$0x1F430];
	_ =	sdelay $0x4  }
0x1d2: {  	v52 =	vadd.f32 v47, v52  }
0x1d3: {  	v5 =	vbroadcast v27, $0x6;
	v21 =	vbroadcast v27, $0x4  }
0x1d4: {  	v7 =	vbroadcast v27, $0x1;
	v43 =	vmul.f32 v28, v10;
	[tilespmem:$0x1F8E0] =	vst v52;
	v52 =	vld [tilespmem:$0x1F450]  }
0x1d5: {  	v39 =	vmul.f32 v28, v9;
	v40 =	vbroadcast v27, $0x0  }
0x1d6: {  	v23 =	vbroadcast v27, $0x5;
	v19 =	vmul.f32 v22, v9  }
0x1d7: {  	v2 =	vbroadcast v27, $0x3;
	v53 =	vmul.f32 v31, v63  }
0x1d8: {  	v4 =	vbroadcast v27, $0x2;
	v27 =	vmul.f32 v22, v10  }
0x1d9: {  	v42 =	vmul.f32 v5, v62;
	v45 =	vmul.f32 v5, v60;
	v47 =	vadd.f32 v53, v52;
	v52 =	vld [tilespmem:$0x1F460]  }
0x1da: {  	v41 =	vmul.f32 v5, v61;
	v44 =	vmul.f32 v30, v8;
	v53 =	vld [tilespmem:$0x1F470]  }
0x1db: {  	v46 =	vmul.f32 v29, v12;
	v48 =	vmul.f32 v30, v9  }
0x1dc: {  	v18 =	vmul.f32 v2, v60;
	[tilespmem:$0x1F540] =	vst v13;
	v13 =	vmul.f32 v2, v62  }
0x1dd: {  	v38 =	vmul.f32 v30, v63;
	v6 =	vmul.f32 v0, v10  }
0x1de: {  	v36 =	vmul.f32 v5, v12;
	v5 =	vmul.f32 v2, v61  }
0x1df: {  	v2 =	vmul.f32 v2, v12;
	v51 =	vmul.f32 v0, v9;
	v52 =	vadd.f32 v53, v52  }
0x1e0: {  	[tilespmem:$0x1F500] =	vst v3;
	v3 =	vmul.f32 v0, v8;
	v0 =	vmul.f32 v0, v63  }
0x1e1: {  	v37 =	vmul.f32 v23, v60;
	v34 =	vmul.f32 v26, v10;
	[tilespmem:$0x1F910] =	vst v52;
	v52 =	vld [tilespmem:$0x1F480]  }
0x1e2: {  	v0 =	vadd.f32 v0, v2;
	v54 =	vmul.f32 v4, v60;
	v56 =	vmul.f32 v20, v10  }
0x1e3: {  	v43 =	vadd.f32 v43, v45;
	v31 =	vmul.f32 v23, v61;
	v29 =	vmul.f32 v26, v8  }
0x1e4: {  	v32 =	vmul.f32 v23, v62;
	v23 =	vmul.f32 v23, v12;
	[tilespmem:$0x1F9D0] =	vst v0;
	v0 =	vadd.f32 v56, v54  }
0x1e5: {  	v30 =	vmul.f32 v26, v9;
	v26 =	vmul.f32 v26, v63;
	v45 =	vadd.f32 v29, v31  }
0x1e6: {  	v29 =	vmul.f32 v11, v63;
	[tilespmem:$0x1F9F0] =	vst v0;
	v57 =	vmul.f32 v4, v61;
	v44 =	vadd.f32 v44, v52  }
0x1e7: {  	v58 =	vmul.f32 v20, v8;
	[tilespmem:$0x1F760] =	vst v49;
	v55 =	vmul.f32 v11, v10  }
0x1e8: {  	v53 =	vmul.f32 v11, v9;
	[tilespmem:$0x1F920] =	vst v44;
	v44 =	vmul.f32 v11, v8;
	v11 =	vadd.f32 v30, v32  }
0x1e9: {  	v0 =	vadd.f32 v58, v57;
	v49 =	vmul.f32 v4, v62;
	[tilespmem:$0x1F7B0] =	vst v50;
	v50 =	vmul.f32 v20, v9  }
0x1ea: {  	v24 =	vmul.f32 v21, v61;
	v25 =	vmul.f32 v21, v62;
	[tilespmem:$0x1F980] =	vst v11;
	v11 =	vadd.f32 v26, v23  }
0x1eb: {  	[tilespmem:$0x1FA00] =	vst v0;
	v4 =	vmul.f32 v4, v12;
	v20 =	vmul.f32 v20, v63;
	v0 =	vadd.f32 v50, v49  }
0x1ec: {  	v17 =	vmul.f32 v22, v8;
	v22 =	vmul.f32 v22, v63;
	[tilespmem:$0x1F990] =	vst v11;
	v11 =	vld [tilespmem:$0x1F4A0]  }
0x1ed: {  	v35 =	vmul.f32 v28, v8;
	v33 =	vmul.f32 v28, v63;
	[tilespmem:$0x1FA10] =	vst v0;
	v0 =	vadd.f32 v20, v4  }
0x1ee: {  	v28 =	vmul.f32 v21, v60;
	v59 =	vmul.f32 v7, v60  }
0x1ef: {  	v21 =	vmul.f32 v21, v12;
	v4 =	vmul.f32 v40, v12;
	[tilespmem:$0x1FA20] =	vst v0;
	v52 =	vld [tilespmem:$0x1F490]  }
0x1f0: {  	v0 =	vadd.f32 v55, v59;
	[tilespmem:$0x1F900] =	vst v47;
	v47 =	vmul.f32 v7, v61;
	v23 =	vmul.f32 v40, v60  }
0x1f1: {  	v60 =	vadd.f32 v3, v5;
	v3 =	vadd.f32 v51, v13;
	v20 =	vmul.f32 v11, v63  }
0x1f2: {  	[tilespmem:$0x1FA30] =	vst v0;
	v26 =	vadd.f32 v22, v21;
	v21 =	vmul.f32 v40, v61;
	v5 =	vmul.f32 v11, v8  }
0x1f3: {  	v0 =	vadd.f32 v44, v47;
	[tilespmem:$0x1F9C0] =	vst v3;
	v3 =	vadd.f32 v20, v4  }
0x1f4: {  	v48 =	vadd.f32 v48, v52;
	v52 =	vmul.f32 v7, v62;
	v2 =	vadd.f32 v5, v21;
	v5 =	vld [tilespmem:$0x1F4E0]  }
0x1f5: {  	[tilespmem:$0x1FA70] =	vst v3;
	v3 =	vld [tilespmem:$0x1F4D0]  }
0x1f6: {  	v7 =	vmul.f32 v7, v12;
	[tilespmem:$0x1FA40] =	vst v0;
	v0 =	vadd.f32 v53, v52;
	_ =	sdelay $0x1  }
0x1f7: {  	[tilespmem:$0x1FA50] =	vst v0;
	v0 =	vadd.f32 v29, v7;
	_ =	sdelay $0x1  }
0x1f8: {  	[tilespmem:$0x1FA60] =	vst v0;
	v0 =	vld [tilespmem:$0x1F4C0];
	v3 =	vadd.f32 v3, v5  }
0x1f9: {  	v5 =	vld [tilespmem:$0x1F500]  }
0x1fa: {  	[tilespmem:$0x1FA80] =	vst v3;
	v3 =	vld [tilespmem:$0x1F4F0];
	_ =	sdelay $0x3  }
0x1fb: {  	v61 =	vadd.f32 v6, v18;
	v6 =	vmul.f32 v40, v62;
	v13 =	vmul.f32 v11, v9  }
0x1fc: {  	v7 =	vmul.f32 v0, v14;
	v4 =	vmul.f32 v0, v15;
	v3 =	vadd.f32 v3, v5  }
0x1fd: {  	v63 =	vadd.f32 v13, v6;
	v6 =	vmul.f32 v0, v16;
	v13 =	vmul.f32 v0, v1;
	v0 =	vld [tilespmem:$0x1F510]  }
0x1fe: {  	[tilespmem:$0x1FA90] =	vst v3;
	v3 =	vld [tilespmem:$0x1F520];
	_ =	sdelay $0x2  }
0x1ff: {  	v27 =	vadd.f32 v27, v28;
	v28 =	vadd.f32 v17, v24;
	v17 =	vmul.f32 v11, v10;
	_ =	sdelay $0x1  }
0x200: {  	v62 =	vadd.f32 v17, v23;
	v17 =	vadd.f32 v0, v3;
	v0 =	vld [tilespmem:$0x1F530]  }
0x201: {  	v3 =	vld [tilespmem:$0x1F540];
	_ =	sdelay $0x2  }
0x202: {  	v38 =	vadd.f32 v38, v46  }
0x203: {  	v5 =	vld [tilespmem:$0x1F570]  }
0x204: {  	[tilespmem:$0x1F940] =	vst v38;
	v38 =	vadd.f32 v0, v3;
	v3 =	vld [tilespmem:$0x1F560];
	_ =	sdelay $0x2  }
0x205: {  	v39 =	vadd.f32 v39, v42;
	_ =	sdelay $0x1  }
0x206: {  	[tilespmem:$0x1F960] =	vst v39;
	v39 =	vadd.f32 v3, v5;
	v3 =	vld [tilespmem:$0x1F580]  }
0x207: {  	v5 =	vld [tilespmem:$0x1F590];
	_ =	sdelay $0x4  }
0x208: {  	v40 =	vadd.f32 v3, v5;
	v3 =	vld [tilespmem:$0x1F5A0]  }
0x209: {  	v5 =	vld [tilespmem:$0x1F5B0];
	_ =	sdelay $0x4  }
0x20a: {  	v11 =	vadd.f32 v3, v5;
	v3 =	vld [tilespmem:$0x1F5C0]  }
0x20b: {  	v5 =	vld [tilespmem:$0x1F5D0];
	_ =	sdelay $0x4  }
0x20c: {  	v24 =	vadd.f32 v3, v5;
	v3 =	vld [tilespmem:$0x1F5E0]  }
0x20d: {  	v5 =	vld [tilespmem:$0x1F5F0];
	_ =	sdelay $0x3  }
0x20e: {  	v0 =	vld [tilespmem:$0x1F550]  }
0x20f: {  	v29 =	vadd.f32 v3, v5;
	v3 =	vld [tilespmem:$0x1F600]  }
0x210: {  	v5 =	vld [tilespmem:$0x1F610];
	_ =	sdelay $0x2  }
0x211: {  	v20 =	vmul.f32 v0, v14;
	v21 =	vmul.f32 v0, v15  }
0x212: {  	v44 =	vmul.f32 v0, v16;
	v55 =	vmul.f32 v0, v1;
	v0 =	vld [tilespmem:$0x1F620]  }
0x213: {  	v46 =	vadd.f32 v33, v36;
	v33 =	vadd.f32 v3, v5;
	v3 =	vld [tilespmem:$0x1F630];
	_ =	sdelay $0x4  }
0x214: {  	v47 =	vadd.f32 v0, v3;
	v0 =	vld [tilespmem:$0x1F640]  }
0x215: {  	v3 =	vld [tilespmem:$0x1F650];
	_ =	sdelay $0x4  }
0x216: {  	v0 =	vadd.f32 v0, v3  }
0x217: {  	v3 =	vld [tilespmem:$0x1F680]  }
0x218: {  	[tilespmem:$0x1FAA0] =	vst v0;
	v0 =	vld [tilespmem:$0x1F670];
	_ =	sdelay $0x4  }
0x219: {  	v0 =	vadd.f32 v0, v3  }
0x21a: {  	v3 =	vld [tilespmem:$0x1F6A0]  }
0x21b: {  	[tilespmem:$0x1FAB0] =	vst v0;
	v0 =	vld [tilespmem:$0x1F690];
	_ =	sdelay $0x3  }
0x21c: {  	v5 =	vld [tilespmem:$0x1F6C0]  }
0x21d: {  	v8 =	vadd.f32 v0, v3;
	v3 =	vld [tilespmem:$0x1F6B0];
	_ =	sdelay $0x3  }
0x21e: {  	v18 =	vld [tilespmem:$0x1F6E0]  }
0x21f: {  	v3 =	vadd.f32 v3, v5;
	v5 =	vld [tilespmem:$0x1F6D0];
	_ =	sdelay $0x3  }
0x220: {  	v10 =	vadd.f32 v19, v25;
	v19 =	vld [tilespmem:$0x1F700]  }
0x221: {  	v5 =	vadd.f32 v5, v18;
	v18 =	vld [tilespmem:$0x1F6F0];
	_ =	sdelay $0x3  }
0x222: {  	v9 =	vld [tilespmem:$0x1F660]  }
0x223: {  	v22 =	vadd.f32 v18, v19;
	v18 =	vld [tilespmem:$0x1F710]  }
0x224: {  	v19 =	vld [tilespmem:$0x1F720];
	_ =	sdelay $0x2  }
0x225: {  	v58 =	vmul.f32 v9, v14;
	v42 =	vmul.f32 v9, v16  }
0x226: {  	v49 =	vmul.f32 v9, v1;
	v0 =	vmul.f32 v9, v15;
	v9 =	vld [tilespmem:$0x1F730]  }
0x227: {  	v23 =	vadd.f32 v18, v19;
	v18 =	vld [tilespmem:$0x1F740];
	_ =	sdelay $0x4  }
0x228: {  	v30 =	vadd.f32 v9, v18;
	v9 =	vld [tilespmem:$0x1F750]  }
0x229: {  	v18 =	vld [tilespmem:$0x1F760];
	_ =	sdelay $0x3  }
0x22a: {  	v19 =	vld [tilespmem:$0x1F790]  }
0x22b: {  	v31 =	vadd.f32 v9, v18;
	v18 =	vld [tilespmem:$0x1F780];
	_ =	sdelay $0x4  }
0x22c: {  	v32 =	vadd.f32 v18, v19;
	v18 =	vld [tilespmem:$0x1F7A0]  }
0x22d: {  	v19 =	vld [tilespmem:$0x1F7B0];
	_ =	sdelay $0x3  }
0x22e: {  	[tilespmem:$0x1F930] =	vst v48;
	v48 =	vadd.f32 v35, v41  }
0x22f: {  	v41 =	vadd.f32 v34, v37;
	v34 =	vadd.f32 v18, v19;
	v18 =	vld [tilespmem:$0x1F7C0]  }
0x230: {  	v19 =	vld [tilespmem:$0x1F7D0];
	_ =	sdelay $0x4  }
0x231: {  	v35 =	vadd.f32 v18, v19;
	v18 =	vld [tilespmem:$0x1F7E0]  }
0x232: {  	v19 =	vld [tilespmem:$0x1F7F0];
	_ =	sdelay $0x4  }
0x233: {  	v18 =	vadd.f32 v18, v19  }
0x234: {  	v19 =	vld [tilespmem:$0x1F810]  }
0x235: {  	[tilespmem:$0x1FAC0] =	vst v18;
	v18 =	vld [tilespmem:$0x1F800];
	_ =	sdelay $0x4  }
0x236: {  	v9 =	vld [tilespmem:$0x1F770];
	v18 =	vadd.f32 v18, v19  }
0x237: {  	v19 =	vld [tilespmem:$0x1F830]  }
0x238: {  	[tilespmem:$0x1FAD0] =	vst v18;
	v18 =	vld [tilespmem:$0x1F820];
	_ =	sdelay $0x4  }
0x239: {  	v50 =	vmul.f32 v9, v14;
	v51 =	vmul.f32 v9, v15;
	v18 =	vadd.f32 v18, v19  }
0x23a: {  	v54 =	vmul.f32 v9, v16;
	v56 =	vmul.f32 v9, v1;
	v9 =	vld [tilespmem:$0x1F840]  }
0x23b: {  	[tilespmem:$0x1FAE0] =	vst v18;
	v18 =	vld [tilespmem:$0x1F850];
	_ =	sdelay $0x4  }
0x23c: {  	v9 =	vadd.f32 v9, v18  }
0x23d: {  	v18 =	vld [tilespmem:$0x1F870]  }
0x23e: {  	[tilespmem:$0x1FAF0] =	vst v9;
	v9 =	vld [tilespmem:$0x1F860];
	_ =	sdelay $0x3  }
0x23f: {  	v19 =	vld [tilespmem:$0x1F8A0]  }
0x240: {  	v9 =	vadd.f32 v9, v18;
	v18 =	vld [tilespmem:$0x1F890];
	_ =	sdelay $0x4  }
0x241: {  	v18 =	vadd.f32 v18, v19  }
0x242: {  	v19 =	vld [tilespmem:$0x1F8C0]  }
0x243: {  	[tilespmem:$0x1FB20] =	vst v18;
	v18 =	vld [tilespmem:$0x1F8B0];
	_ =	sdelay $0x4  }
0x244: {  	v18 =	vadd.f32 v18, v19  }
0x245: {  	v19 =	vld [tilespmem:$0x1F8E0]  }
0x246: {  	[tilespmem:$0x1FB30] =	vst v18;
	v18 =	vld [tilespmem:$0x1F8D0];
	_ =	sdelay $0x4  }
0x247: {  	v59 =	vadd.f32 v18, v19;
	v18 =	vld [tilespmem:$0x1F8F0]  }
0x248: {  	v19 =	vld [tilespmem:$0x1F900];
	_ =	sdelay $0x4  }
0x249: {  	v18 =	vadd.f32 v18, v19;
	_ =	sdelay $0x1  }
0x24a: {  	[tilespmem:$0x1FD40] =	vst v18;
	v18 =	vld [tilespmem:$0x1F910];
	_ =	sdelay $0x4  }
0x24b: {  	v7 =	vadd.f32 v7, v18;
	_ =	sdelay $0x1  }
0x24c: {  	[tilespmem:$0x1FD60] =	vst v7;
	v7 =	vld [tilespmem:$0x1F920];
	_ =	sdelay $0x4  }
0x24d: {  	v4 =	vadd.f32 v4, v7;
	_ =	sdelay $0x1  }
0x24e: {  	[tilespmem:$0x1FD80] =	vst v4;
	v4 =	vld [tilespmem:$0x1F930];
	_ =	sdelay $0x3  }
0x24f: {  	[tilespmem:$0x1FB00] =	vst v9;
	v9 =	vld [tilespmem:$0x1F880]  }
0x250: {  	v4 =	vadd.f32 v6, v4;
	_ =	sdelay $0x1  }
0x251: {  	[tilespmem:$0x1FDA0] =	vst v4;
	v4 =	vld [tilespmem:$0x1F940];
	_ =	sdelay $0x1  }
0x252: {  	v57 =	vmul.f32 v9, v14;
	v52 =	vmul.f32 v9, v15  }
0x253: {  	v53 =	vmul.f32 v9, v16;
	v7 =	vmul.f32 v9, v1;
	v9 =	vadd.f32 v55, v46  }
0x254: {  	v6 =	vadd.f32 v20, v43  }
0x255: {  	[tilespmem:$0x1FE30] =	vst v9;
	v4 =	vadd.f32 v13, v4  }
0x256: {  	v9 =	vld [tilespmem:$0x1F9A0];
	[tilespmem:$0x1FDE0] =	vst v6;
	v6 =	vadd.f32 v21, v48  }
0x257: {  	[tilespmem:$0x1FDC0] =	vst v4;
	v4 =	vld [tilespmem:$0x1F950]  }
0x258: {  	[tilespmem:$0x1FE00] =	vst v6;
	v6 =	vld [tilespmem:$0x1F960];
	_ =	sdelay $0x2  }
0x259: {  	v19 =	vmul.f32 v9, v15  }
0x25a: {  	v25 =	vmul.f32 v9, v1;
	v13 =	vmul.f32 v4, v14  }
0x25b: {  	v18 =	vadd.f32 v44, v6;
	v36 =	vmul.f32 v4, v15;
	v37 =	vmul.f32 v4, v16;
	v6 =	vmovc v4  }
0x25c: {  	v4 =	vadd.f32 v58, v41;
	v41 =	vadd.f32 v0, v45;
	v0 =	vmul.f32 v6, v1;
	v6 =	vld [tilespmem:$0x1F980]  }
0x25d: {  	v21 =	vadd.f32 v50, v27;
	v27 =	vmul.f32 v9, v16;
	[tilespmem:$0x1FE10] =	vst v18;
	v18 =	vmul.f32 v9, v14;
	v9 =	vld [tilespmem:$0x1F9C0];
	_ =	sdelay $0x3  }
0x25e: {  	v44 =	vadd.f32 v42, v6;
	v6 =	vld [tilespmem:$0x1F990]  }
0x25f: {  	v20 =	vadd.f32 v53, v9;
	v9 =	vld [tilespmem:$0x1F9D0];
	_ =	sdelay $0x3  }
0x260: {  	v43 =	vadd.f32 v49, v6  }
0x261: {  	v6 =	vadd.f32 v52, v60;
	v52 =	vadd.f32 v7, v9;
	v9 =	vld [tilespmem:$0x1F9F0];
	_ =	sdelay $0x4  }
0x262: {  	v46 =	vadd.f32 v51, v28;
	v28 =	vadd.f32 v13, v9;
	v9 =	vld [tilespmem:$0x1FA00];
	_ =	sdelay $0x4  }
0x263: {  	v55 =	vadd.f32 v36, v9;
	v9 =	vld [tilespmem:$0x1FA10];
	_ =	sdelay $0x4  }
0x264: {  	v45 =	vadd.f32 v54, v10;
	v10 =	vadd.f32 v37, v9;
	v9 =	vld [tilespmem:$0x1FA20];
	_ =	sdelay $0x4  }
0x265: {  	v54 =	vadd.f32 v56, v26;
	v56 =	vadd.f32 v0, v9;
	v0 =	vld [tilespmem:$0x1FA30];
	_ =	sdelay $0x4  }
0x266: {  	v37 =	vadd.f32 v18, v0;
	v0 =	vld [tilespmem:$0x1FA40];
	_ =	sdelay $0x1  }
0x267: {  	v7 =	vld [tilespmem:$0x1F9E0];
	_ =	sdelay $0x2  }
0x268: {  	v26 =	vadd.f32 v57, v61;
	v57 =	vadd.f32 v19, v0;
	v0 =	vld [tilespmem:$0x1FA50];
	_ =	sdelay $0x1  }
0x269: {  	v18 =	vmul.f32 v7, v1;
	v1 =	vld [tilespmem:$0x1FA70]  }
0x26a: {  	s31 =	sshra.s32 s15, $0x2  }
0x26b: {  	v42 =	vld [tilespmem:s31+$0x9000]  }
0x26c: {  	v53 =	vadd.f32 v27, v0;
	v0 =	vld [tilespmem:$0x1FA60];
	_ =	sdelay $0x1  }
0x26d: {  	v9 =	vadd.f32 v18, v1;
	v1 =	vld [tilespmem:$0x1FA80]  }
0x26e: {  	v13 =	vmul.f32 v7, v15  }
0x26f: {  	v48 =	vmul.f32 v7, v14;
	v61 =	vmul.f32 v7, v16  }
0x270: {  	v7 =	vadd.f32 v25, v0;
	v0 =	vadd.f32 v13, v2;
	v13 =	vbroadcast v42, $0xF;
	_ =	sdelay $0x1  }
0x271: {  	v51 =	vsub.f32 v1, v13;
	v1 =	vld [tilespmem:$0x1FA90];
	_ =	sdelay $0x2  }
0x272: {  	v49 =	vadd.f32 v48, v62  }
0x273: {  	v2 =	vadd.f32 v61, v63;
	v62 =	vsub.f32 v17, v13  }
0x274: {  	v61 =	vsub.f32 v38, v13;
	v63 =	vsub.f32 v1, v13;
	v13 =	vbroadcast v42, $0xD;
	_ =	sdelay $0x1  }
0x275: {  	v1 =	vsub.f32 v33, v13;
	_ =	sdelay $0x1  }
0x276: {  	[tilespmem:$0x1FF30] =	vst v1;
	v1 =	vsub.f32 v47, v13;
	_ =	sdelay $0x1  }
0x277: {  	[tilespmem:$0x1FF40] =	vst v1;
	v1 =	vld [tilespmem:$0x1FAA0];
	_ =	sdelay $0x4  }
0x278: {  	v1 =	vsub.f32 v1, v13;
	_ =	sdelay $0x1  }
0x279: {  	[tilespmem:$0x1FF50] =	vst v1;
	v1 =	vld [tilespmem:$0x1FAB0];
	_ =	sdelay $0x2  }
0x27a: {  	v17 =	vbroadcast v42, $0xC;
	_ =	sdelay $0x1  }
0x27b: {  	v27 =	vsub.f32 v29, v13;
	v29 =	vsub.f32 v1, v17  }
0x27c: {  	v1 =	vsub.f32 v8, v17;
	v8 =	vsub.f32 v5, v17;
	v5 =	vld [tilespmem:$0x1FAC0]  }
0x27d: {  	v18 =	vbroadcast v42, $0xE;
	_ =	sdelay $0x1  }
0x27e: {  	v14 =	vsub.f32 v24, v18;
	v24 =	vbroadcast v42, $0xA;
	_ =	sdelay $0x1  }
0x27f: {  	v50 =	vsub.f32 v5, v24;
	v5 =	vld [tilespmem:$0x1FAD0];
	_ =	sdelay $0x2  }
0x280: {  	v25 =	vsub.f32 v39, v18;
	v39 =	vbroadcast v42, $0x9;
	_ =	sdelay $0x1  }
0x281: {  	v13 =	vsub.f32 v34, v24;
	v34 =	vsub.f32 v5, v39;
	v5 =	vld [tilespmem:$0x1FAE0];
	_ =	sdelay $0x2  }
0x282: {  	v15 =	vsub.f32 v11, v18;
	v11 =	vbroadcast v42, $0xB;
	_ =	sdelay $0x1  }
0x283: {  	v33 =	vsub.f32 v22, v11;
	v22 =	vsub.f32 v5, v39;
	v5 =	vld [tilespmem:$0x1FAF0];
	_ =	sdelay $0x4  }
0x284: {  	v47 =	vsub.f32 v23, v11;
	v23 =	vsub.f32 v5, v39;
	v5 =	vld [tilespmem:$0x1FB00];
	_ =	sdelay $0x3  }
0x285: {  	v16 =	vsub.f32 v40, v18;
	v32 =	vsub.f32 v32, v24  }
0x286: {  	v18 =	vsub.f32 v35, v24;
	v24 =	vsub.f32 v5, v39;
	v5 =	vld [tilespmem:$0x1FB20];
	_ =	sdelay $0x2  }
0x287: {  	v19 =	vbroadcast v42, $0x8  }
0x288: {  	v48 =	vsub.f32 v30, v11  }
0x289: {  	p1 =	sne.s32 s16, $0xFF0;
	v30 =	vbroadcast v42, $0x1;
	[tilespmem:$0x1FF60] =	vst v1;
	v1 =	vsub.f32 v3, v17;
	v17 =	vsub.f32 v5, v19;
	v5 =	vld [tilespmem:$0x1FB30]  }
.Ltmp0:
0x28a: {  	_ = 	snop;
	(pc) =	sbr.rel @p1 .LBB2_3-.Ltmp0, $4  }
0x28b: {  	v12 =	vld [tilespmem:$0x1F4B0];
	v36 =	vbroadcast v42, $0x4;
	v40 =	vsub.f32 v37, v30;
	v37 =	vbroadcast v42, $0x3  }
0x28c: {  	v58 =	vld [tilespmem:$0x1F970];
	v35 =	vbroadcast v42, $0x2;
	v11 =	vsub.f32 v31, v11;
	v31 =	vbroadcast v42, $0x0  }
0x28d: {  	v60 =	vld [tilespmem:$0x1F9B0];
	v38 =	vbroadcast v42, $0x6;
	v3 =	vbroadcast v42, $0x7  }
0x28e: {  	s16 =	sadd.s32 $0x10, s16;
	[tilespmem:$0x1FF70] =	vst v1;
	v1 =	vbroadcast v42, $0x5;
	v39 =	vsub.f32 v49, v31;
	v49 =	vld [tilespmem:$0x1FB10];
	v5 =	vsub.f32 v5, v19  }
0x28f: {  	v42 =	vld [tilespmem:$0x1FD40];
	_ =	sdelay $0x3  }
0x290: {  	[tilespmem:$0x1F0F0] =	vst v14;
	v14 =	vsub.f32 v59, v19;
	v12 =	vmax.f32 v12, v39  }
0x291: {  	v59 =	vmovc v15;
	v15 =	vsub.f32 v42, v19;
	v42 =	vmov v16;
	v16 =	vmax.f32 v12, v40;
	v40 =	vld [tilespmem:$0x1FD60];
	_ =	sdelay $0x1  }
0x292: {  	v39 =	vsub.f32 v28, v35  }
0x293: {  	v19 =	vld [tilespmem:$0x1FD80]  }
0x294: {  	v16 =	vmax.f32 v16, v39;
	v39 =	vld [tilespmem:$0x1FDA0]  }
0x295: {  	v26 =	vsub.f32 v26, v37;
	v28 =	vsub.f32 v40, v3;
	v40 =	vld [tilespmem:$0x1FDC0]  }
0x296: {  	v21 =	vsub.f32 v21, v36  }
0x297: {  	v4 =	vsub.f32 v4, v1;
	v16 =	vmax.f32 v16, v26  }
0x298: {  	v26 =	vld [tilespmem:$0x1FDE0];
	v16 =	vmax.f32 v16, v21  }
0x299: {  	v6 =	vsub.f32 v6, v37;
	v4 =	vmax.f32 v16, v4;
	v16 =	vld [tilespmem:$0x1FE10];
	v19 =	vsub.f32 v19, v3  }
0x29a: {  	v39 =	vsub.f32 v39, v3;
	v3 =	vsub.f32 v40, v3;
	v40 =	vld [tilespmem:$0x1FE00]  }
0x29b: {  	v20 =	vsub.f32 v20, v37;
	v0 =	vsub.f32 v0, v31  }
0x29c: {  	v37 =	vsub.f32 v52, v37;
	v52 =	vsub.f32 v57, v30  }
0x29d: {  	v0 =	vmax.f32 v60, v0;
	v21 =	vsub.f32 v26, v38  }
0x29e: {  	v7 =	vsub.f32 v7, v30;
	v0 =	vmax.f32 v0, v52  }
0x29f: {  	v16 =	vsub.f32 v16, v38;
	v4 =	vmax.f32 v4, v21;
	v26 =	vsub.f32 v40, v38;
	v40 =	vld [tilespmem:$0x1FE30]  }
0x2a0: {  	v4 =	vmax.f32 v4, v28;
	v28 =	vsub.f32 v46, v36;
	v46 =	vsub.f32 v9, v31  }
0x2a1: {  	v21 =	vsub.f32 v41, v1;
	v41 =	vsub.f32 v55, v35;
	v4 =	vmax.f32 v4, v17  }
0x2a2: {  	v17 =	vsub.f32 v45, v36;
	v45 =	vsub.f32 v56, v35;
	v55 =	vmax.f32 v58, v46  }
0x2a3: {  	v36 =	vsub.f32 v54, v36;
	v0 =	vmax.f32 v0, v41;
	v7 =	vmax.f32 v55, v7  }
0x2a4: {  	v0 =	vmax.f32 v0, v6;
	v56 =	vmax.f32 v7, v45;
	v38 =	vsub.f32 v40, v38  }
0x2a5: {  	v6 =	vmax.f32 v56, v37;
	v40 =	vsub.f32 v44, v1;
	v1 =	vsub.f32 v43, v1  }
0x2a6: {  	v0 =	vmax.f32 v0, v28;
	v6 =	vmax.f32 v6, v36  }
0x2a7: {  	v0 =	vmax.f32 v0, v21;
	v1 =	vmax.f32 v6, v1  }
0x2a8: {  	v0 =	vmax.f32 v0, v26;
	v1 =	vmax.f32 v1, v38  }
0x2a9: {  	v0 =	vmax.f32 v0, v19;
	v1 =	vmax.f32 v1, v3;
	v3 =	vld [tilespmem:$0x1FF60]  }
0x2aa: {  	v2 =	vsub.f32 v2, v31;
	v0 =	vmax.f32 v0, v5  }
0x2ab: {  	v54 =	vsub.f32 v53, v30;
	v0 =	vmax.f32 v0, v22  }
0x2ac: {  	v2 =	vmax.f32 v49, v2;
	v44 =	vsub.f32 v10, v35;
	v0 =	vmax.f32 v0, v13  }
0x2ad: {  	v2 =	vmax.f32 v2, v54;
	v0 =	vmax.f32 v0, v47  }
0x2ae: {  	v2 =	vmax.f32 v2, v44;
	v0 =	vmax.f32 v0, v3;
	v3 =	vld [tilespmem:$0x1FF30]  }
0x2af: {  	v2 =	vmax.f32 v2, v20  }
0x2b0: {  	v2 =	vmax.f32 v2, v17  }
0x2b1: {  	v2 =	vmax.f32 v2, v40  }
0x2b2: {  	v2 =	vmax.f32 v2, v16  }
0x2b3: {  	v2 =	vmax.f32 v2, v39;
	v0 =	vmax.f32 v0, v3;
	v3 =	vld [tilespmem:$0x1FF70]  }
0x2b4: {  	v57 =	vld [tilespmem:$0x1FF40];
	v2 =	vmax.f32 v2, v14  }
0x2b5: {  	v2 =	vmax.f32 v2, v23  }
0x2b6: {  	v4 =	vmax.f32 v4, v34;
	v2 =	vmax.f32 v2, v18  }
0x2b7: {  	v4 =	vmax.f32 v4, v32;
	v2 =	vmax.f32 v2, v48  }
0x2b8: {  	v4 =	vmax.f32 v4, v33;
	v2 =	vmax.f32 v2, v3;
	v3 =	vld [tilespmem:$0x1FF80]  }
0x2b9: {  	v58 =	vld [tilespmem:$0x1FB40];
	v4 =	vmax.f32 v4, v29;
	v2 =	vmax.f32 v2, v57  }
0x2ba: {  	v4 =	vmax.f32 v4, v27;
	v2 =	vmax.f32 v2, v59;
	v59 =	vld [tilespmem:$0x1FF90]  }
0x2bb: {  	v4 =	vmax.f32 v4, v25  }
0x2bc: {  	v4 =	vmax.f32 v4, v51  }
0x2bd: {  	v0 =	vmax.f32 v0, v42;
	v3 =	vsub.f32 v3, v4  }
0x2be: {  	v0 =	vmax.f32 v0, v63  }
0x2bf: {  	v3 =	vadd.f32 v3, v58;
	v0 =	vsub.f32 v59, v0;
	_ =	sdelay $0x1  }
0x2c0: {  	v0 =	vadd.f32 v0, v3;
	v3 =	vld [tilespmem:$0x1FFA0];
	_ =	sdelay $0x3  }
0x2c1: {  	v60 =	vld [tilespmem:$0x1FF50];
	v1 =	vmax.f32 v1, v15;
	v2 =	vmax.f32 v2, v62  }
0x2c2: {  	v1 =	vmax.f32 v1, v24;
	v63 =	vld [tilespmem:$0x1F0F0];
	v2 =	vsub.f32 v3, v2  }
0x2c3: {  	v1 =	vmax.f32 v1, v50  }
0x2c4: {  	v43 =	vmov v8;
	v1 =	vmax.f32 v1, v11;
	v0 =	vadd.f32 v2, v0;
	v2 =	vld [tilespmem:$0x1FFB0]  }
0x2c5: {  	v1 =	vmax.f32 v1, v43  }
0x2c6: {  	v1 =	vmax.f32 v1, v60  }
.Ltmp1:
0x2c7: {  	v1 =	vmax.f32 v1, v63;
	(pc) =	sbr.rel @p0 .LBB2_2-.Ltmp1, $4  }
0x2c8: {  	v1 =	vmax.f32 v1, v61  }
0x2c9: {  	v1 =	vsub.f32 v2, v1  }
0x2ca: {  	s15 =	simm.s32 $0x0  }
0x2cb: {  	p1 =	por $0x1, $0x1;
	s16 =	simm.s32 $0x40;
	p2 =	por $0x0, $0x0;
	v0 =	vadd.f32 v1, v0  }
0x2cc: {  	s16 =	simm.s32 $0x0  }
.LBB2_6:
0x2cd: {  	s17 =	sand.u32 $0x70, s15;
	s18 =	sand.u32 $0x3E00, s15  }
0x2ce: {  	v10 =	vld [tilespmem:$0x1FFE0];
	s20 =	sor.u32 s17, s18  }
0x2cf: {  	[tilespmem:$0x1FB40] =	vst v0;
	v0 =	vld [tilespmem:s20+$0x0]  }
0x2d0: {  	v1 =	vld [tilespmem:s20+$0x80];
	_ =	sdelay $0x4  }
0x2d1: {  	v3 =	vbroadcast v0, $0xF;
	v19 =	vbroadcast v1, $0xF  }
0x2d2: {  	v24 =	vbroadcast v0, $0xE;
	v25 =	vbroadcast v1, $0xE  }
0x2d3: {  	v26 =	vbroadcast v0, $0xD;
	v27 =	vbroadcast v1, $0xD  }
0x2d4: {  	s19 =	sor.u32 $0x10, s16;
	v28 =	vbroadcast v0, $0xC;
	v29 =	vbroadcast v1, $0xC;
	v12 =	vld.idx.msk [tilespmem:v10+s16+$0x0 ss:$0x1], $0xffff  }
0x2d5: {  	s29 =	sor.u32 $0x20, s16;
	v30 =	vbroadcast v0, $0xB;
	v31 =	vbroadcast v1, $0xB;
	v9 =	vld.idx.msk [tilespmem:v10+s19+$0x0 ss:$0x1], $0xffff  }
0x2d6: {  	s30 =	sor.u32 $0x30, s16;
	v32 =	vbroadcast v0, $0xA;
	v33 =	vbroadcast v1, $0xA;
	v17 =	vld.idx.msk [tilespmem:v10+s29+$0x0 ss:$0x1], $0xffff  }
0x2d7: {  	v34 =	vbroadcast v0, $0x9;
	v35 =	vbroadcast v1, $0x9;
	v6 =	vld.idx.msk [tilespmem:v10+s30+$0x0 ss:$0x1], $0xffff  }
0x2d8: {  	v36 =	vbroadcast v0, $0x8;
	v37 =	vbroadcast v1, $0x8;
	v7 =	vld.idx.msk [tilespmem:v10+s16+$0x80 ss:$0x1], $0xffff  }
0x2d9: {  	v38 =	vbroadcast v0, $0x7;
	v39 =	vbroadcast v1, $0x7;
	v8 =	vld.idx.msk [tilespmem:v10+s19+$0x80 ss:$0x1], $0xffff  }
0x2da: {  	v11 =	vbroadcast v0, $0x6;
	v21 =	vbroadcast v1, $0x6;
	v18 =	vld.idx.msk [tilespmem:v10+s29+$0x80 ss:$0x1], $0xffff  }
0x2db: {  	v23 =	vbroadcast v0, $0x5;
	v40 =	vbroadcast v1, $0x1;
	v2 =	vld.idx.msk [tilespmem:v10+s30+$0x80 ss:$0x1], $0xffff  }
0x2dc: {  	v22 =	vbroadcast v1, $0x5;
	v16 =	vbroadcast v0, $0x4  }
0x2dd: {  	[tilespmem:$0x1EC60] =	vst v40;
	v40 =	vmul.f32 v3, v12;
	v41 =	vmul.f32 v19, v7  }
0x2de: {  	v42 =	vmul.f32 v3, v9;
	v43 =	vmul.f32 v19, v8  }
0x2df: {  	v44 =	vmul.f32 v3, v17;
	v45 =	vmul.f32 v19, v18  }
0x2e0: {  	v3 =	vmul.f32 v3, v6;
	v19 =	vmul.f32 v19, v2  }
0x2e1: {  	v46 =	vmul.f32 v24, v12;
	v47 =	vmul.f32 v25, v7  }
0x2e2: {  	v48 =	vmul.f32 v24, v9;
	v49 =	vmul.f32 v25, v8  }
0x2e3: {  	v50 =	vmul.f32 v24, v17;
	v51 =	vmul.f32 v25, v18  }
0x2e4: {  	v24 =	vmul.f32 v24, v6;
	v25 =	vmul.f32 v25, v2  }
0x2e5: {  	v52 =	vmul.f32 v26, v12;
	v53 =	vmul.f32 v27, v7  }
0x2e6: {  	v54 =	vmul.f32 v26, v9;
	v55 =	vmul.f32 v27, v8  }
0x2e7: {  	v56 =	vmul.f32 v26, v17;
	v57 =	vmul.f32 v27, v18  }
0x2e8: {  	v26 =	vmul.f32 v26, v6;
	v27 =	vmul.f32 v27, v2  }
0x2e9: {  	v58 =	vmul.f32 v28, v12;
	v59 =	vmul.f32 v29, v7  }
0x2ea: {  	v60 =	vmul.f32 v28, v9;
	v61 =	vmul.f32 v29, v8  }
0x2eb: {  	v62 =	vmul.f32 v28, v17;
	v63 =	vmul.f32 v29, v18  }
0x2ec: {  	v28 =	vmul.f32 v28, v6;
	v40 =	vadd.f32 v41, v40;
	v41 =	vadd.f32 v43, v42  }
0x2ed: {  	v29 =	vmul.f32 v29, v2;
	v45 =	vadd.f32 v45, v44;
	v3 =	vadd.f32 v19, v3  }
0x2ee: {  	v42 =	vmul.f32 v30, v9;
	v19 =	vadd.f32 v47, v46;
	v48 =	vadd.f32 v49, v48  }
0x2ef: {  	v43 =	vmul.f32 v31, v18;
	v49 =	vadd.f32 v51, v50;
	v24 =	vadd.f32 v25, v24;
	[tilespmem:$0x1ECF0] =	vst v40  }
0x2f0: {  	v44 =	vmul.f32 v32, v12;
	v25 =	vadd.f32 v53, v52;
	v51 =	vadd.f32 v57, v56;
	[tilespmem:$0x1ED00] =	vst v41  }
0x2f1: {  	v46 =	vmul.f32 v32, v17;
	v56 =	vadd.f32 v27, v26;
	v26 =	vmul.f32 v33, v18;
	[tilespmem:$0x1ED10] =	vst v45  }
0x2f2: {  	v50 =	vadd.f32 v55, v54;
	v27 =	vmul.f32 v32, v6;
	v52 =	vmul.f32 v33, v2;
	[tilespmem:$0x1ED20] =	vst v3  }
0x2f3: {  	v58 =	vadd.f32 v59, v58;
	v54 =	vmul.f32 v35, v7;
	v55 =	vmul.f32 v34, v9;
	[tilespmem:$0x1ED30] =	vst v19  }
0x2f4: {  	v59 =	vadd.f32 v29, v28;
	v28 =	vmul.f32 v35, v8;
	v29 =	vmul.f32 v34, v17;
	[tilespmem:$0x1ED60] =	vst v24  }
0x2f5: {  	v40 =	vmul.f32 v30, v12;
	v3 =	vmul.f32 v31, v8;
	[tilespmem:$0x1ED70] =	vst v25  }
0x2f6: {  	v53 =	vadd.f32 v61, v60;
	v41 =	vmul.f32 v31, v7;
	v19 =	vmul.f32 v30, v17;
	[tilespmem:$0x1ED80] =	vst v50  }
0x2f7: {  	v25 =	vmul.f32 v32, v9;
	v45 =	vmul.f32 v33, v8;
	[tilespmem:$0x1ED90] =	vst v51;
	v3 =	vadd.f32 v3, v42  }
0x2f8: {  	v30 =	vmul.f32 v30, v6;
	v24 =	vmul.f32 v33, v7;
	[tilespmem:$0x1EDA0] =	vst v53;
	v28 =	vadd.f32 v28, v55  }
0x2f9: {  	v51 =	vmul.f32 v35, v2;
	v25 =	vadd.f32 v45, v25;
	[tilespmem:$0x1EDB0] =	vst v3;
	v3 =	vmul.f32 v34, v6  }
0x2fa: {  	v31 =	vmul.f32 v31, v2;
	v19 =	vadd.f32 v43, v19;
	v60 =	vadd.f32 v24, v44;
	[tilespmem:$0x1EE10] =	vst v28  }
0x2fb: {  	v24 =	vmul.f32 v36, v9;
	[tilespmem:$0x1EDE0] =	vst v25;
	v25 =	vmul.f32 v37, v8;
	v3 =	vadd.f32 v51, v3  }
0x2fc: {  	v50 =	vmul.f32 v35, v18;
	v61 =	vadd.f32 v52, v27;
	v30 =	vadd.f32 v31, v30;
	[tilespmem:$0x1EDC0] =	vst v19  }
0x2fd: {  	v52 =	vmul.f32 v37, v2;
	v31 =	vmul.f32 v36, v6;
	[tilespmem:$0x1EE30] =	vst v3;
	v3 =	vadd.f32 v25, v24  }
0x2fe: {  	v33 =	vmul.f32 v34, v12;
	v26 =	vadd.f32 v26, v46;
	v29 =	vadd.f32 v50, v29;
	[tilespmem:$0x1EDD0] =	vst v30  }
0x2ff: {  	v53 =	vmul.f32 v38, v12;
	v28 =	vmul.f32 v39, v7;
	[tilespmem:$0x1EE40] =	vst v3;
	v3 =	vadd.f32 v52, v31  }
0x300: {  	v33 =	vadd.f32 v54, v33;
	v19 =	vmul.f32 v36, v12;
	v30 =	vmul.f32 v37, v7;
	[tilespmem:$0x1EE20] =	vst v29  }
0x301: {  	v54 =	vmul.f32 v39, v8;
	v29 =	vmul.f32 v38, v9;
	[tilespmem:$0x1EE50] =	vst v3;
	v3 =	vadd.f32 v28, v53  }
0x302: {  	v5 =	vbroadcast v1, $0x4;
	[tilespmem:$0x1EDF0] =	vst v26;
	v26 =	vmul.f32 v36, v17;
	v36 =	vadd.f32 v30, v19  }
0x303: {  	v30 =	vmul.f32 v38, v17;
	v24 =	vmul.f32 v39, v18;
	[tilespmem:$0x1EE70] =	vst v3;
	v3 =	vadd.f32 v54, v29  }
0x304: {  	v15 =	vbroadcast v0, $0x3;
	v27 =	vmul.f32 v37, v18  }
0x305: {  	v55 =	vmul.f32 v39, v2;
	v25 =	vmul.f32 v38, v6;
	[tilespmem:$0x1EE90] =	vst v3;
	v3 =	vadd.f32 v24, v30  }
0x306: {  	v14 =	vbroadcast v1, $0x3;
	v13 =	vbroadcast v0, $0x2;
	v42 =	vadd.f32 v27, v26  }
0x307: {  	v26 =	vmul.f32 v11, v12;
	v27 =	vmul.f32 v21, v7;
	[tilespmem:$0x1EEB0] =	vst v3;
	v3 =	vadd.f32 v55, v25  }
0x308: {  	v29 =	vmul.f32 v21, v8;
	v30 =	vmul.f32 v21, v18  }
0x309: {  	v21 =	vmul.f32 v21, v2;
	v25 =	vmul.f32 v11, v6;
	[tilespmem:$0x1EED0] =	vst v3;
	v3 =	vadd.f32 v27, v26  }
0x30a: {  	v4 =	vbroadcast v1, $0x2;
	v57 =	vadd.f32 v41, v40;
	v24 =	vmul.f32 v11, v17  }
0x30b: {  	v26 =	vmul.f32 v23, v12;
	v27 =	vmul.f32 v22, v7;
	[tilespmem:$0x1EEF0] =	vst v3;
	v3 =	vadd.f32 v21, v25  }
0x30c: {  	v44 =	vadd.f32 v30, v24;
	v24 =	vmul.f32 v23, v9;
	v21 =	vmul.f32 v22, v8  }
0x30d: {  	v25 =	vmul.f32 v23, v17;
	[tilespmem:$0x1EF30] =	vst v3;
	v3 =	vadd.f32 v27, v26;
	v26 =	vmul.f32 v22, v18  }
0x30e: {  	v23 =	vmul.f32 v23, v6;
	v41 =	vadd.f32 v21, v24;
	v22 =	vmul.f32 v22, v2  }
0x30f: {  	v24 =	vmul.f32 v16, v12;
	v21 =	vadd.f32 v26, v25;
	v25 =	vmul.f32 v5, v7  }
0x310: {  	v26 =	vmul.f32 v16, v9;
	v43 =	vadd.f32 v22, v23;
	v22 =	vmul.f32 v5, v8  }
0x311: {  	v23 =	vmul.f32 v16, v17;
	v46 =	vadd.f32 v25, v24;
	v24 =	vmul.f32 v5, v18  }
0x312: {  	v16 =	vmul.f32 v16, v6;
	v45 =	vadd.f32 v22, v26;
	v5 =	vmul.f32 v5, v2  }
0x313: {  	v22 =	vmul.f32 v15, v12;
	v26 =	vadd.f32 v24, v23;
	v23 =	vmul.f32 v14, v7  }
0x314: {  	v24 =	vmul.f32 v15, v9;
	v35 =	vadd.f32 v5, v16;
	v5 =	vmul.f32 v14, v8  }
0x315: {  	v16 =	vmul.f32 v15, v17;
	v53 =	vadd.f32 v23, v22;
	v22 =	vmul.f32 v14, v18  }
0x316: {  	[tilespmem:$0x1ED50] =	vst v49;
	v49 =	vadd.f32 v5, v24;
	v5 =	vmul.f32 v14, v2  }
0x317: {  	v14 =	vmul.f32 v13, v12;
	v52 =	vadd.f32 v22, v16;
	v16 =	vmul.f32 v4, v7;
	_ =	sdelay $0x1  }
0x318: {  	[tilespmem:$0x1EF50] =	vst v3;
	v3 =	vadd.f32 v16, v14  }
0x319: {  	v28 =	vmul.f32 v11, v9  }
0x31a: {  	v15 =	vmul.f32 v15, v6;
	[tilespmem:$0x1EF60] =	vst v3;
	v3 =	vld [tilespmem:$0x1EC60]  }
0x31b: {  	v20 =	vbroadcast v0, $0x1;
	v54 =	vadd.f32 v29, v28  }
0x31c: {  	v22 =	vmul.f32 v13, v9;
	v28 =	vadd.f32 v5, v15;
	v5 =	vmul.f32 v4, v8  }
0x31d: {  	v15 =	vmul.f32 v13, v17;
	v14 =	vmul.f32 v4, v18  }
0x31e: {  	v0 =	vbroadcast v0, $0x0;
	v1 =	vbroadcast v1, $0x0;
	v55 =	vadd.f32 v5, v22  }
0x31f: {  	v5 =	vmul.f32 v20, v12;
	v50 =	vadd.f32 v14, v15;
	v14 =	vmul.f32 v3, v7  }
0x320: {  	v13 =	vmul.f32 v13, v6;
	v4 =	vmul.f32 v4, v2  }
0x321: {  	v23 =	vmul.f32 v0, v12;
	v24 =	vmul.f32 v1, v7;
	v5 =	vadd.f32 v14, v5  }
0x322: {  	v15 =	vmul.f32 v20, v9;
	v19 =	vadd.f32 v4, v13;
	v4 =	vmul.f32 v3, v8  }
0x323: {  	v16 =	vmul.f32 v20, v17;
	[tilespmem:$0x1EF70] =	vst v5;
	v5 =	vmul.f32 v20, v6  }
0x324: {  	v14 =	vadd.f32 v4, v15;
	v20 =	vmul.f32 v3, v18;
	v3 =	vmul.f32 v3, v2  }
0x325: {  	v11 =	vld [tilespmem:s20+$0x100];
	v4 =	vadd.f32 v24, v23;
	v23 =	vmul.f32 v0, v17;
	v24 =	vmul.f32 v1, v18  }
0x326: {  	[tilespmem:$0x1ECE0] =	vst v2;
	v3 =	vadd.f32 v3, v5  }
0x327: {  	v51 =	vld.idx.msk [tilespmem:v10+s16+$0x100 ss:$0x1], $0xffff;
	v5 =	vmul.f32 v1, v8;
	v1 =	vmul.f32 v1, v2;
	v2 =	vadd.f32 v24, v23;
	_ =	sdelay $0x1  }
0x328: {  	[tilespmem:$0x1EFF0] =	vst v2;
	v2 =	vld [tilespmem:$0x1ECF0]  }
0x329: {  	v22 =	vbroadcast v11, $0xF;
	[tilespmem:$0x1EFA0] =	vst v3;
	v3 =	vmul.f32 v0, v9;
	_ =	sdelay $0x1  }
0x32a: {  	v15 =	vld.idx.msk [tilespmem:v10+s19+$0x100 ss:$0x1], $0xffff;
	v3 =	vadd.f32 v5, v3;
	v5 =	vmul.f32 v22, v51;
	_ =	sdelay $0x1  }
0x32b: {  	v63 =	vadd.f32 v63, v62;
	v62 =	vadd.f32 v5, v2;
	v2 =	vld [tilespmem:$0x1ED00];
	_ =	sdelay $0x2  }
0x32c: {  	v23 =	vmul.f32 v22, v15;
	_ =	sdelay $0x1  }
0x32d: {  	v20 =	vadd.f32 v20, v16;
	v16 =	vld.idx.msk [tilespmem:v10+s29+$0x100 ss:$0x1], $0xffff;
	v2 =	vadd.f32 v23, v2;
	_ =	sdelay $0x1  }
0x32e: {  	[tilespmem:$0x1F000] =	vst v2;
	v2 =	vld [tilespmem:$0x1ED10]  }
0x32f: {  	v0 =	vmul.f32 v0, v6  }
0x330: {  	[tilespmem:$0x1EC80] =	vst v7  }
0x331: {  	[tilespmem:$0x1EC90] =	vst v9;
	v7 =	vld.idx.msk [tilespmem:v10+s30+$0x100 ss:$0x1], $0xffff;
	v9 =	vadd.f32 v1, v0;
	v1 =	vmul.f32 v22, v16;
	_ =	sdelay $0x1  }
0x332: {  	v1 =	vadd.f32 v1, v2;
	v2 =	vld [tilespmem:$0x1ED20];
	_ =	sdelay $0x2  }
0x333: {  	v5 =	vmul.f32 v22, v7;
	_ =	sdelay $0x1  }
0x334: {  	v2 =	vadd.f32 v5, v2;
	_ =	sdelay $0x1  }
0x335: {  	[tilespmem:$0x1F020] =	vst v2;
	v2 =	vld [tilespmem:$0x1ED30]  }
0x336: {  	v0 =	vbroadcast v11, $0xE;
	_ =	sdelay $0x1  }
0x337: {  	[tilespmem:$0x1F010] =	vst v1;
	v1 =	vmul.f32 v0, v51  }
0x338: {  	[tilespmem:$0x1ED40] =	vst v48  }
0x339: {  	v25 =	vadd.f32 v1, v2;
	v1 =	vld [tilespmem:$0x1ED40];
	_ =	sdelay $0x2  }
0x33a: {  	v22 =	vmul.f32 v0, v15;
	_ =	sdelay $0x1  }
0x33b: {  	v1 =	vadd.f32 v22, v1  }
0x33c: {  	v2 =	vld [tilespmem:$0x1ED60]  }
0x33d: {  	[tilespmem:$0x1F030] =	vst v1;
	v1 =	vld [tilespmem:$0x1ED50];
	_ =	sdelay $0x1  }
0x33e: {  	v23 =	vmul.f32 v0, v16;
	v0 =	vmul.f32 v0, v7;
	_ =	sdelay $0x1  }
0x33f: {  	v0 =	vadd.f32 v0, v2;
	v2 =	vld [tilespmem:$0x1ED70]  }
0x340: {  	v5 =	vbroadcast v11, $0xD;
	v1 =	vadd.f32 v23, v1;
	_ =	sdelay $0x1  }
0x341: {  	[tilespmem:$0x1F040] =	vst v1;
	v1 =	vmul.f32 v5, v51;
	_ =	sdelay $0x1  }
0x342: {  	v27 =	vadd.f32 v1, v2;
	v1 =	vld [tilespmem:$0x1ED80];
	_ =	sdelay $0x2  }
0x343: {  	v22 =	vmul.f32 v5, v15;
	_ =	sdelay $0x1  }
0x344: {  	v13 =	vadd.f32 v22, v1;
	v1 =	vmul.f32 v5, v7;
	_ =	sdelay $0x1  }
0x345: {  	v10 =	vadd.f32 v1, v56;
	v1 =	vbroadcast v11, $0xB;
	_ =	sdelay $0x1  }
0x346: {  	[tilespmem:$0x1EFD0] =	vst v4;
	v2 =	vld [tilespmem:$0x1ED90];
	v4 =	vmul.f32 v1, v51;
	_ =	sdelay $0x1  }
0x347: {  	[tilespmem:$0x1EE00] =	vst v33;
	v33 =	vadd.f32 v4, v57;
	v4 =	vld [tilespmem:$0x1EDB0]  }
0x348: {  	[tilespmem:$0x1EC70] =	vst v12;
	v23 =	vmul.f32 v5, v16  }
0x349: {  	[tilespmem:$0x1F050] =	vst v0;
	v0 =	vbroadcast v11, $0xC  }
0x34a: {  	[tilespmem:$0x1EFE0] =	vst v3;
	v12 =	vadd.f32 v23, v2;
	v2 =	vld [tilespmem:$0x1EDA0];
	v3 =	vmul.f32 v1, v15  }
0x34b: {  	v5 =	vmul.f32 v0, v51;
	v22 =	vmul.f32 v0, v15  }
0x34c: {  	v23 =	vmul.f32 v0, v16;
	v0 =	vmul.f32 v0, v7;
	v38 =	vadd.f32 v3, v4;
	v3 =	vld [tilespmem:$0x1EDC0];
	_ =	sdelay $0x1  }
0x34d: {  	v40 =	vadd.f32 v0, v59  }
0x34e: {  	v0 =	vbroadcast v11, $0xA;
	v48 =	vadd.f32 v22, v2;
	v2 =	vmul.f32 v1, v16;
	_ =	sdelay $0x1  }
0x34f: {  	v39 =	vadd.f32 v2, v3;
	v3 =	vmul.f32 v0, v51;
	_ =	sdelay $0x1  }
0x350: {  	v32 =	vadd.f32 v3, v60;
	v3 =	vld [tilespmem:$0x1EDE0];
	_ =	sdelay $0x2  }
0x351: {  	v4 =	vmul.f32 v0, v15;
	v2 =	vld [tilespmem:$0x1EDD0];
	_ =	sdelay $0x1  }
0x352: {  	v34 =	vadd.f32 v4, v3;
	v3 =	vld [tilespmem:$0x1EDF0]  }
0x353: {  	v1 =	vmul.f32 v1, v7  }
0x354: {  	v29 =	vadd.f32 v5, v58;
	v5 =	vld [tilespmem:$0x1EE00]  }
0x355: {  	v37 =	vadd.f32 v1, v2;
	v1 =	vbroadcast v11, $0x9;
	v2 =	vmul.f32 v0, v16;
	_ =	sdelay $0x1  }
0x356: {  	v31 =	vadd.f32 v2, v3;
	v3 =	vmul.f32 v1, v51;
	_ =	sdelay $0x1  }
0x357: {  	v24 =	vadd.f32 v3, v5;
	v3 =	vld [tilespmem:$0x1EE10];
	_ =	sdelay $0x2  }
0x358: {  	v4 =	vmul.f32 v1, v15;
	_ =	sdelay $0x1  }
0x359: {  	v22 =	vadd.f32 v4, v3;
	v3 =	vld [tilespmem:$0x1EE20]  }
0x35a: {  	v0 =	vmul.f32 v0, v7;
	_ =	sdelay $0x1  }
0x35b: {  	v30 =	vadd.f32 v0, v61;
	v0 =	vbroadcast v11, $0x8;
	v2 =	vmul.f32 v1, v16;
	_ =	sdelay $0x1  }
0x35c: {  	v47 =	vadd.f32 v23, v63;
	v23 =	vadd.f32 v2, v3;
	v3 =	vmul.f32 v0, v51;
	v2 =	vld [tilespmem:$0x1EE30];
	_ =	sdelay $0x1  }
0x35d: {  	v36 =	vadd.f32 v3, v36;
	v3 =	vld [tilespmem:$0x1EE40]  }
0x35e: {  	v1 =	vmul.f32 v1, v7  }
0x35f: {  	v5 =	vld [tilespmem:$0x1EE70]  }
0x360: {  	[tilespmem:$0x1ECC0] =	vst v18;
	v4 =	vmul.f32 v0, v15;
	v18 =	vadd.f32 v1, v2;
	v1 =	vbroadcast v11, $0x7;
	_ =	sdelay $0x1  }
0x361: {  	v57 =	vadd.f32 v4, v3;
	v3 =	vmul.f32 v1, v51;
	_ =	sdelay $0x1  }
0x362: {  	v3 =	vadd.f32 v3, v5;
	_ =	sdelay $0x1  }
0x363: {  	[tilespmem:$0x1EE80] =	vst v3;
	v3 =	vld [tilespmem:$0x1EE90];
	_ =	sdelay $0x2  }
0x364: {  	v2 =	vmul.f32 v0, v16;
	v4 =	vmul.f32 v1, v15;
	_ =	sdelay $0x1  }
0x365: {  	v59 =	vadd.f32 v2, v42;
	v2 =	vld [tilespmem:$0x1EE50];
	v3 =	vadd.f32 v4, v3;
	_ =	sdelay $0x1  }
0x366: {  	[tilespmem:$0x1EEA0] =	vst v3;
	v3 =	vld [tilespmem:$0x1EEB0]  }
0x367: {  	v0 =	vmul.f32 v0, v7;
	_ =	sdelay $0x1  }
0x368: {  	v0 =	vadd.f32 v0, v2;
	v2 =	vmul.f32 v1, v16  }
0x369: {  	v5 =	vld [tilespmem:$0x1EEF0]  }
0x36a: {  	[tilespmem:$0x1EE60] =	vst v0;
	v0 =	vbroadcast v11, $0x6;
	v2 =	vadd.f32 v2, v3  }
0x36b: {  	v4 =	vld [tilespmem:$0x1EED0]  }
0x36c: {  	[tilespmem:$0x1EEC0] =	vst v2;
	v2 =	vmul.f32 v0, v51;
	_ =	sdelay $0x1  }
0x36d: {  	v1 =	vmul.f32 v1, v7;
	v3 =	vmul.f32 v0, v15;
	v2 =	vadd.f32 v2, v5;
	_ =	sdelay $0x1  }
0x36e: {  	v1 =	vadd.f32 v1, v4;
	v4 =	vmul.f32 v0, v16;
	[tilespmem:$0x1EF00] =	vst v2;
	v2 =	vadd.f32 v3, v54;
	_ =	sdelay $0x1  }
0x36f: {  	[tilespmem:$0x1EF10] =	vst v2;
	v2 =	vadd.f32 v4, v44;
	v4 =	vld [tilespmem:$0x1EF30];
	_ =	sdelay $0x2  }
0x370: {  	[tilespmem:$0x1EEE0] =	vst v1;
	v1 =	vbroadcast v11, $0x5;
	v0 =	vmul.f32 v0, v7  }
0x371: {  	v5 =	vld [tilespmem:$0x1EF50]  }
0x372: {  	v3 =	vmul.f32 v1, v15;
	[tilespmem:$0x1EF20] =	vst v2;
	v2 =	vmul.f32 v1, v51;
	v0 =	vadd.f32 v0, v4  }
0x373: {  	v4 =	vmul.f32 v1, v16;
	v1 =	vmul.f32 v1, v7  }
0x374: {  	[tilespmem:$0x1EF40] =	vst v0;
	v0 =	vbroadcast v11, $0x4  }
0x375: {  	v41 =	vadd.f32 v3, v41;
	v43 =	vadd.f32 v1, v43;
	v1 =	vbroadcast v11, $0x3  }
0x376: {  	v54 =	vadd.f32 v2, v5;
	v2 =	vmul.f32 v0, v51;
	v3 =	vmul.f32 v0, v15  }
0x377: {  	v44 =	vadd.f32 v4, v21;
	v4 =	vmul.f32 v0, v16;
	v0 =	vmul.f32 v0, v7  }
0x378: {  	v21 =	vadd.f32 v2, v46;
	v46 =	vadd.f32 v3, v45;
	v2 =	vmul.f32 v1, v51  }
0x379: {  	v45 =	vadd.f32 v4, v26;
	v3 =	vmul.f32 v1, v15;
	v4 =	vmul.f32 v1, v16  }
0x37a: {  	[tilespmem:$0x1ECB0] =	vst v17;
	v17 =	vadd.f32 v0, v35;
	v0 =	vbroadcast v11, $0x2;
	v1 =	vmul.f32 v1, v7  }
0x37b: {  	v26 =	vadd.f32 v2, v53;
	v53 =	vadd.f32 v4, v52  }
0x37c: {  	v5 =	vld [tilespmem:$0x1EF60];
	v52 =	vadd.f32 v1, v28;
	v1 =	vbroadcast v11, $0x1;
	v4 =	vmul.f32 v0, v16;
	_ =	sdelay $0x1  }
0x37d: {  	[tilespmem:$0x1ECA0] =	vst v8;
	v8 =	vld [tilespmem:$0x1EF70];
	v56 =	vadd.f32 v4, v50;
	v4 =	vmul.f32 v1, v16  }
0x37e: {  	[tilespmem:$0x1ECD0] =	vst v6;
	v6 =	vadd.f32 v3, v49;
	v2 =	vmul.f32 v0, v51;
	v3 =	vmul.f32 v0, v15  }
0x37f: {  	v0 =	vmul.f32 v0, v7;
	v20 =	vadd.f32 v4, v20;
	v4 =	vld [tilespmem:$0x1EFA0]  }
0x380: {  	v28 =	vadd.f32 v2, v5;
	v55 =	vadd.f32 v3, v55;
	v2 =	vmul.f32 v1, v51  }
0x381: {  	v3 =	vmul.f32 v1, v15;
	v50 =	vadd.f32 v0, v19;
	v0 =	vbroadcast v11, $0x0  }
0x382: {  	v1 =	vmul.f32 v1, v7;
	v35 =	vadd.f32 v2, v8  }
0x383: {  	v8 =	vadd.f32 v3, v14;
	v2 =	vmul.f32 v0, v51;
	v3 =	vmul.f32 v0, v15  }
0x384: {  	v11 =	vmul.f32 v0, v7;
	v4 =	vadd.f32 v1, v4;
	v1 =	vmul.f32 v0, v16;
	v0 =	vld [tilespmem:$0x1EFD0];
	_ =	sdelay $0x2  }
0x385: {  	s31 =	simm.s32 $0x0  }
0x386: {  	v5 =	vld [tilespmem:s31+$0x8000]  }
0x387: {  	v19 =	vadd.f32 v2, v0;
	v0 =	vld [tilespmem:$0x1EFE0];
	_ =	sdelay $0x1  }
0x388: {  	[tilespmem:$0x1EFC0] =	vst v7;
	v7 =	vld [tilespmem:$0x1F010];
	_ =	sdelay $0x2  }
0x389: {  	v2 =	vld [tilespmem:$0x1EFF0];
	v0 =	vadd.f32 v3, v0;
	v3 =	vbroadcast v5, $0xF;
	_ =	sdelay $0x1  }
0x38a: {  	v63 =	vsub.f32 v7, v3;
	v7 =	vld [tilespmem:$0x1F020];
	_ =	sdelay $0x2  }
0x38b: {  	v2 =	vadd.f32 v1, v2;
	v1 =	vld [tilespmem:$0x1F000];
	_ =	sdelay $0x1  }
0x38c: {  	v60 =	vsub.f32 v7, v3;
	v7 =	vld [tilespmem:$0x1F040];
	_ =	sdelay $0x2  }
0x38d: {  	v62 =	vsub.f32 v62, v3;
	v14 =	vsub.f32 v1, v3;
	v1 =	vbroadcast v5, $0xE;
	v3 =	vld [tilespmem:$0x1F030];
	_ =	sdelay $0x1  }
0x38e: {  	[tilespmem:$0x1EFB0] =	vst v16;
	v16 =	vsub.f32 v7, v1;
	v7 =	vld [tilespmem:$0x1F050];
	_ =	sdelay $0x2  }
0x38f: {  	v58 =	vld [tilespmem:$0x1FFF0];
	v49 =	vsub.f32 v3, v1;
	v3 =	vbroadcast v5, $0xD  }
0x390: {  	v25 =	vsub.f32 v25, v1  }
0x391: {  	[tilespmem:$0x1EF90] =	vst v15;
	v15 =	vsub.f32 v7, v1;
	v1 =	vsub.f32 v13, v3;
	_ =	sdelay $0x1  }
0x392: {  	v7 =	vsub.f32 v12, v3;
	[tilespmem:$0x1F060] =	vst v1;
	v1 =	vbroadcast v5, $0xC;
	_ =	sdelay $0x1  }
0x393: {  	[tilespmem:$0x1F070] =	vst v7;
	v7 =	vsub.f32 v47, v1;
	_ =	sdelay $0x1  }
0x394: {  	[tilespmem:$0x1F0A0] =	vst v7;
	v7 =	vld.idx.msk [tilespmem:v58+s19+$0x0 ss:$0x1], $0xffff;
	_ =	sdelay $0x1  }
0x395: {  	v27 =	vsub.f32 v27, v3;
	v3 =	vsub.f32 v10, v3  }
0x396: {  	[tilespmem:$0x1EF80] =	vst v51;
	v29 =	vsub.f32 v29, v1  }
0x397: {  	[tilespmem:$0x1F080] =	vst v3;
	v3 =	vsub.f32 v48, v1;
	v61 =	vsub.f32 v40, v1;
	v1 =	vbroadcast v5, $0xA  }
0x398: {  	v51 =	vadd.f32 v11, v9;
	v9 =	vimm.f32 $-3.399999950e+38;
	[tilespmem:$0x1F0C0] =	vst v7;
	v7 =	vld.idx.msk [tilespmem:v58+s29+$0x0 ss:$0x1], $0xffff  }
0x399: {  	[tilespmem:$0x1F090] =	vst v3;
	v3 =	vbroadcast v5, $0xB;
	v32 =	vsub.f32 v32, v1;
	v11 =	vsub.f32 v34, v1  }
0x39a: {  	v12 =	vsub.f32 v31, v1;
	v13 =	vsub.f32 v30, v1;
	v31 =	vbroadcast v5, $0x0  }
0x39b: {  	v30 =	vbroadcast v5, $0x1;
	v1 =	vld.idx.msk [tilespmem:v58+s16+$0x0 ss:$0x1], $0xffff;
	v33 =	vsub.f32 v33, v3;
	v47 =	vsub.f32 v38, v3  }
0x39c: {  	v48 =	vsub.f32 v39, v3;
	v10 =	vsub.f32 v37, v3;
	v3 =	vbroadcast v5, $0x9  }
0x39d: {  	v19 =	vsub.f32 v19, v31;
	v39 =	vbroadcast v5, $0x7;
	v37 =	vbroadcast v5, $0x5;
	[tilespmem:$0x1F0D0] =	vst v7;
	v7 =	vld.idx.msk [tilespmem:v58+s30+$0x0 ss:$0x1], $0xffff  }
0x39e: {  	v40 =	vsub.f32 v35, v30;
	v35 =	vbroadcast v5, $0x2;
	v38 =	vbroadcast v5, $0x3  }
0x39f: {  	v34 =	vsub.f32 v24, v3;
	v24 =	vsub.f32 v18, v3;
	v18 =	vbroadcast v5, $0x8  }
0x3a0: {  	v22 =	vsub.f32 v22, v3;
	v23 =	vsub.f32 v23, v3;
	[tilespmem:$0x1F0B0] =	vst v1;
	v1 =	vbroadcast v5, $0x6  }
0x3a1: {  	v3 =	vsub.f32 v36, v18;
	v36 =	vbroadcast v5, $0x4;
	v5 =	vsub.f32 v57, v18  }
0x3a2: {  	p0 =	por p1, p1;
	s17 =	simm.s32 $0x0;
	s16 =	simm.s32 $0x10;
	v57 =	vimm.f32 $-3.399999950e+38;
	v58 =	vimm.f32 $-3.399999950e+38;
	[tilespmem:$0x1F0E0] =	vst v7;
	v7 =	vmovc v49;
	v49 =	vimm.f32 $-3.399999950e+38  }
.LBB2_7:
0x3a3: {  	_ =	sdelay $0x2  }
0x3a4: {  	v19 =	vmax.f32 v9, v19;
	v9 =	vld [tilespmem:$0x1EE60];
	_ =	sdelay $0x4  }
0x3a5: {  	v42 =	vsub.f32 v59, v18;
	v18 =	vsub.f32 v9, v18;
	v9 =	vld [tilespmem:$0x1EE80];
	_ =	sdelay $0x2  }
0x3a6: {  	v28 =	vsub.f32 v28, v35  }
0x3a7: {  	v19 =	vmax.f32 v19, v40  }
0x3a8: {  	v19 =	vmax.f32 v19, v28;
	v28 =	vsub.f32 v9, v39;
	v9 =	vld [tilespmem:$0x1EEA0];
	_ =	sdelay $0x4  }
0x3a9: {  	v40 =	vsub.f32 v9, v39;
	v9 =	vld [tilespmem:$0x1EF00];
	_ =	sdelay $0x1  }
0x3aa: {  	v26 =	vsub.f32 v26, v38  }
0x3ab: {  	v21 =	vsub.f32 v21, v36  }
0x3ac: {  	v19 =	vmax.f32 v19, v26  }
0x3ad: {  	v19 =	vmax.f32 v19, v21;
	v21 =	vsub.f32 v9, v1;
	v9 =	vld [tilespmem:$0x1EEC0];
	_ =	sdelay $0x4  }
0x3ae: {  	v26 =	vsub.f32 v54, v37;
	v54 =	vsub.f32 v9, v39;
	v9 =	vld [tilespmem:$0x1EF10];
	_ =	sdelay $0x4  }
0x3af: {  	v19 =	vmax.f32 v19, v26;
	v26 =	vsub.f32 v9, v1;
	v9 =	vld [tilespmem:$0x1EEE0]  }
0x3b0: {  	v19 =	vmax.f32 v19, v21  }
0x3b1: {  	v0 =	vsub.f32 v0, v31;
	v2 =	vsub.f32 v2, v31;
	v19 =	vmax.f32 v19, v28  }
0x3b2: {  	v20 =	vsub.f32 v20, v30;
	v4 =	vsub.f32 v4, v30;
	v3 =	vmax.f32 v19, v3  }
0x3b3: {  	v41 =	vsub.f32 v41, v37;
	v44 =	vsub.f32 v44, v37;
	v3 =	vmax.f32 v3, v34  }
0x3b4: {  	v56 =	vsub.f32 v56, v35;
	v3 =	vmax.f32 v3, v32;
	v39 =	vsub.f32 v9, v39;
	v9 =	vld [tilespmem:$0x1EF20]  }
0x3b5: {  	v59 =	vsub.f32 v50, v35;
	v0 =	vmax.f32 v58, v0;
	v3 =	vmax.f32 v3, v33  }
0x3b6: {  	v2 =	vmax.f32 v49, v2;
	v28 =	vsub.f32 v46, v36;
	v3 =	vmax.f32 v3, v29  }
0x3b7: {  	v46 =	vsub.f32 v53, v38;
	v53 =	vsub.f32 v55, v35;
	v3 =	vmax.f32 v3, v27  }
0x3b8: {  	v29 =	vsub.f32 v8, v30;
	v27 =	vsub.f32 v51, v31;
	v3 =	vmax.f32 v3, v25  }
0x3b9: {  	v19 =	vsub.f32 v45, v36;
	v3 =	vmax.f32 v3, v62;
	v21 =	vsub.f32 v9, v1;
	v9 =	vld [tilespmem:$0x1EF40]  }
0x3ba: {  	v45 =	vsub.f32 v6, v38;
	v0 =	vmax.f32 v0, v29;
	[tilespmem:$0x1EAD0] =	vst v3;
	v3 =	vmax.f32 v57, v27  }
0x3bb: {  	v55 =	vsub.f32 v52, v38;
	v0 =	vmax.f32 v0, v53;
	v3 =	vmax.f32 v3, v4  }
0x3bc: {  	v36 =	vsub.f32 v17, v36;
	v0 =	vmax.f32 v0, v45;
	v3 =	vmax.f32 v3, v59  }
0x3bd: {  	v37 =	vsub.f32 v43, v37;
	v0 =	vmax.f32 v0, v28;
	v3 =	vmax.f32 v3, v55  }
0x3be: {  	v0 =	vmax.f32 v0, v41;
	v3 =	vmax.f32 v3, v36;
	v1 =	vsub.f32 v9, v1  }
0x3bf: {  	v2 =	vmax.f32 v2, v20;
	v0 =	vmax.f32 v0, v26;
	v3 =	vmax.f32 v3, v37  }
0x3c0: {  	v2 =	vmax.f32 v2, v56;
	v0 =	vmax.f32 v0, v40;
	v1 =	vmax.f32 v3, v1;
	v3 =	vld [tilespmem:$0x1F090]  }
0x3c1: {  	v2 =	vmax.f32 v2, v46;
	v0 =	vmax.f32 v0, v5  }
0x3c2: {  	v2 =	vmax.f32 v2, v19;
	v0 =	vmax.f32 v0, v22  }
0x3c3: {  	v2 =	vmax.f32 v2, v44;
	v0 =	vmax.f32 v0, v11  }
0x3c4: {  	v0 =	vmax.f32 v0, v47;
	v2 =	vmax.f32 v2, v21  }
0x3c5: {  	v2 =	vmax.f32 v2, v54;
	v0 =	vmax.f32 v0, v3;
	v3 =	vld [tilespmem:$0x1F0A0]  }
0x3c6: {  	v2 =	vmax.f32 v2, v42  }
0x3c7: {  	v2 =	vmax.f32 v2, v23  }
0x3c8: {  	v2 =	vmax.f32 v2, v12  }
0x3c9: {  	v2 =	vmax.f32 v2, v48  }
0x3ca: {  	v2 =	vmax.f32 v2, v3;
	v3 =	vld [tilespmem:$0x1F060];
	_ =	sdelay $0x4  }
0x3cb: {  	v0 =	vmax.f32 v0, v3;
	v3 =	vld [tilespmem:$0x1F070];
	_ =	sdelay $0x3  }
0x3cc: {  	v1 =	vmax.f32 v1, v39  }
0x3cd: {  	s17 =	sadd.s32 $0x40, s17;
	v1 =	vmax.f32 v1, v18;
	v2 =	vmax.f32 v2, v3;
	v3 =	vld [tilespmem:$0x1F080]  }
0x3ce: {  	s18 =	sand.u32 $0x70, s16;
	s19 =	sand.u32 $0x3E00, s17;
	v1 =	vmax.f32 v1, v24  }
0x3cf: {  	s18 =	sor.u32 s18, s19;
	v1 =	vmax.f32 v1, v13  }
0x3d0: {  	v4 =	vld [tilespmem:s18+$0x100];
	v1 =	vmax.f32 v1, v10  }
0x3d1: {  	v1 =	vmax.f32 v1, v61;
	v0 =	vmax.f32 v0, v7  }
0x3d2: {  	v0 =	vmax.f32 v0, v14;
	v2 =	vmax.f32 v2, v16;
	v1 =	vmax.f32 v1, v3  }
0x3d3: {  	[tilespmem:$0x1EAC0] =	vst v0;
	v0 =	vmax.f32 v2, v63;
	v1 =	vmax.f32 v1, v15  }
0x3d4: {  	[tilespmem:$0x1EC40] =	vst v0;
	v0 =	vmax.f32 v1, v60  }
0x3d5: {  	[tilespmem:$0x1EAB0] =	vst v0;
	v0 =	vbroadcast v4, $0x7;
	_ =	sdelay $0x1  }
0x3d6: {  	[tilespmem:$0x1E5F0] =	vst v0;
	v0 =	vbroadcast v4, $0x6;
	_ =	sdelay $0x1  }
0x3d7: {  	[tilespmem:$0x1E680] =	vst v0;
	v0 =	vbroadcast v4, $0x5;
	_ =	sdelay $0x1  }
0x3d8: {  	[tilespmem:$0x1E790] =	vst v0;
	v0 =	vbroadcast v4, $0x4;
	_ =	sdelay $0x1  }
0x3d9: {  	[tilespmem:$0x1E8A0] =	vst v0;
	v0 =	vbroadcast v4, $0x3;
	_ =	sdelay $0x1  }
0x3da: {  	[tilespmem:$0x1E9B0] =	vst v0;
	v0 =	vbroadcast v4, $0x2  }
0x3db: {  	v25 =	vld [tilespmem:s18+$0x0];
	v41 =	vbroadcast v4, $0xE;
	v43 =	vbroadcast v4, $0xF  }
0x3dc: {  	v44 =	vbroadcast v4, $0xD;
	[tilespmem:$0x1EA80] =	vst v0;
	v0 =	vbroadcast v4, $0x1  }
0x3dd: {  	v46 =	vbroadcast v4, $0xC;
	v53 =	vbroadcast v4, $0xB;
	v2 =	vld [tilespmem:$0x1EF80]  }
0x3de: {  	v17 =	vbroadcast v4, $0xA;
	[tilespmem:$0x1EAA0] =	vst v0;
	v0 =	vbroadcast v4, $0x0  }
0x3df: {  	v37 =	vbroadcast v4, $0x8;
	v3 =	vbroadcast v4, $0x9;
	v4 =	vld [tilespmem:$0x1EF90]  }
0x3e0: {  	[tilespmem:$0x1EB00] =	vst v0;
	v0 =	vbroadcast v25, $0x0  }
0x3e1: {  	v7 =	vld [tilespmem:$0x1EFB0]  }
0x3e2: {  	[tilespmem:$0x1E5E0] =	vst v0;
	v0 =	vmul.f32 v43, v2  }
0x3e3: {  	v20 =	vld [tilespmem:$0x1EFC0]  }
0x3e4: {  	[tilespmem:$0x1E600] =	vst v0;
	v0 =	vmul.f32 v43, v4;
	_ =	sdelay $0x1  }
0x3e5: {  	[tilespmem:$0x1E620] =	vst v0;
	v0 =	vmul.f32 v43, v7;
	_ =	sdelay $0x1  }
0x3e6: {  	[tilespmem:$0x1E640] =	vst v0;
	v0 =	vmul.f32 v43, v20;
	_ =	sdelay $0x1  }
0x3e7: {  	[tilespmem:$0x1E660] =	vst v0;
	v0 =	vmul.f32 v41, v2;
	_ =	sdelay $0x1  }
0x3e8: {  	[tilespmem:$0x1E690] =	vst v0;
	v0 =	vmul.f32 v41, v4;
	_ =	sdelay $0x1  }
0x3e9: {  	[tilespmem:$0x1E6B0] =	vst v0;
	v0 =	vmul.f32 v41, v7;
	_ =	sdelay $0x1  }
0x3ea: {  	[tilespmem:$0x1E6D0] =	vst v0;
	v0 =	vmul.f32 v41, v20;
	_ =	sdelay $0x1  }
0x3eb: {  	[tilespmem:$0x1E6F0] =	vst v0;
	v0 =	vmul.f32 v44, v2;
	_ =	sdelay $0x1  }
0x3ec: {  	[tilespmem:$0x1E710] =	vst v0;
	v0 =	vmul.f32 v44, v4;
	_ =	sdelay $0x1  }
0x3ed: {  	[tilespmem:$0x1E730] =	vst v0;
	v0 =	vmul.f32 v44, v7;
	_ =	sdelay $0x1  }
0x3ee: {  	v27 =	vld [tilespmem:s18+$0x80];
	[tilespmem:$0x1E750] =	vst v0;
	v0 =	vmul.f32 v44, v20;
	_ =	sdelay $0x1  }
0x3ef: {  	[tilespmem:$0x1E770] =	vst v0;
	v0 =	vld [tilespmem:$0x1ECC0];
	_ =	sdelay $0x1  }
0x3f0: {  	v14 =	vld [tilespmem:$0x1ECD0]  }
0x3f1: {  	v47 =	vbroadcast v27, $0xF;
	_ =	sdelay $0x1  }
0x3f2: {  	v45 =	vbroadcast v25, $0xF;
	v1 =	vmul.f32 v47, v0;
	_ =	sdelay $0x1  }
0x3f3: {  	[tilespmem:$0x1E220] =	vst v1;
	v1 =	vmul.f32 v45, v14;
	_ =	sdelay $0x1  }
0x3f4: {  	[tilespmem:$0x1E230] =	vst v1;
	v1 =	vld [tilespmem:$0x1ECE0];
	_ =	sdelay $0x4  }
0x3f5: {  	v13 =	vmul.f32 v47, v1;
	_ =	sdelay $0x1  }
0x3f6: {  	[tilespmem:$0x1E240] =	vst v13;
	v13 =	vmul.f32 v46, v2;
	_ =	sdelay $0x1  }
0x3f7: {  	[tilespmem:$0x1E7A0] =	vst v13;
	v13 =	vmul.f32 v46, v4  }
0x3f8: {  	v50 =	vld [tilespmem:$0x1EC70]  }
0x3f9: {  	[tilespmem:$0x1E7C0] =	vst v13;
	v13 =	vmul.f32 v46, v7  }
0x3fa: {  	v15 =	vld [tilespmem:$0x1EC80]  }
0x3fb: {  	v48 =	vbroadcast v25, $0xE;
	[tilespmem:$0x1E7E0] =	vst v13;
	v13 =	vmul.f32 v46, v20  }
0x3fc: {  	v9 =	vld [tilespmem:$0x1EC90]  }
0x3fd: {  	v52 =	vbroadcast v27, $0xE;
	[tilespmem:$0x1E800] =	vst v13;
	v13 =	vmul.f32 v48, v50  }
0x3fe: {  	v16 =	vld [tilespmem:$0x1ECA0]  }
0x3ff: {  	[tilespmem:$0x1E250] =	vst v13;
	v13 =	vmul.f32 v52, v15  }
0x400: {  	v63 =	vld [tilespmem:$0x1ECB0]  }
0x401: {  	[tilespmem:$0x1E260] =	vst v13;
	v13 =	vmul.f32 v48, v9;
	_ =	sdelay $0x1  }
0x402: {  	[tilespmem:$0x1E270] =	vst v13;
	v13 =	vmul.f32 v52, v16;
	_ =	sdelay $0x1  }
0x403: {  	[tilespmem:$0x1E280] =	vst v13;
	v13 =	vmul.f32 v48, v63;
	_ =	sdelay $0x1  }
0x404: {  	[tilespmem:$0x1E290] =	vst v13;
	v13 =	vmul.f32 v52, v0;
	_ =	sdelay $0x1  }
0x405: {  	[tilespmem:$0x1E2A0] =	vst v13;
	v13 =	vmul.f32 v48, v14;
	_ =	sdelay $0x1  }
0x406: {  	[tilespmem:$0x1E2B0] =	vst v13;
	v13 =	vmul.f32 v52, v1;
	_ =	sdelay $0x1  }
0x407: {  	[tilespmem:$0x1E2C0] =	vst v13;
	v13 =	vmul.f32 v53, v2;
	_ =	sdelay $0x1  }
0x408: {  	[tilespmem:$0x1E820] =	vst v13;
	v13 =	vmul.f32 v53, v4;
	_ =	sdelay $0x1  }
0x409: {  	[tilespmem:$0x1E840] =	vst v13;
	v13 =	vmul.f32 v53, v7;
	_ =	sdelay $0x1  }
0x40a: {  	v55 =	vbroadcast v25, $0xD;
	[tilespmem:$0x1E860] =	vst v13;
	v13 =	vmul.f32 v53, v20;
	_ =	sdelay $0x1  }
0x40b: {  	v6 =	vbroadcast v27, $0xD;
	[tilespmem:$0x1E880] =	vst v13;
	v13 =	vmul.f32 v55, v50;
	_ =	sdelay $0x1  }
0x40c: {  	[tilespmem:$0x1E2D0] =	vst v13;
	v13 =	vmul.f32 v6, v15;
	_ =	sdelay $0x1  }
0x40d: {  	[tilespmem:$0x1E2E0] =	vst v13;
	v13 =	vmul.f32 v55, v9;
	_ =	sdelay $0x1  }
0x40e: {  	[tilespmem:$0x1E2F0] =	vst v13;
	v13 =	vmul.f32 v6, v16;
	_ =	sdelay $0x1  }
0x40f: {  	[tilespmem:$0x1E300] =	vst v13;
	v13 =	vmul.f32 v55, v63;
	_ =	sdelay $0x1  }
0x410: {  	[tilespmem:$0x1E310] =	vst v13;
	v13 =	vmul.f32 v6, v0;
	v6 =	vmul.f32 v6, v1;
	_ =	sdelay $0x1  }
0x411: {  	[tilespmem:$0x1E340] =	vst v6;
	v6 =	vmul.f32 v17, v2;
	_ =	sdelay $0x1  }
0x412: {  	[tilespmem:$0x1E8B0] =	vst v6;
	v6 =	vmul.f32 v17, v4;
	_ =	sdelay $0x1  }
0x413: {  	[tilespmem:$0x1E8D0] =	vst v6;
	v6 =	vmul.f32 v17, v7;
	_ =	sdelay $0x1  }
0x414: {  	v19 =	vbroadcast v25, $0xC;
	[tilespmem:$0x1E8F0] =	vst v6;
	v6 =	vmul.f32 v17, v20;
	_ =	sdelay $0x1  }
0x415: {  	v23 =	vbroadcast v27, $0xC;
	[tilespmem:$0x1E910] =	vst v6;
	v6 =	vmul.f32 v19, v50;
	_ =	sdelay $0x1  }
0x416: {  	[tilespmem:$0x1E350] =	vst v6;
	v6 =	vmul.f32 v23, v15;
	_ =	sdelay $0x1  }
0x417: {  	[tilespmem:$0x1E360] =	vst v6;
	v6 =	vmul.f32 v19, v9;
	_ =	sdelay $0x1  }
0x418: {  	[tilespmem:$0x1E370] =	vst v6;
	v6 =	vmul.f32 v23, v16;
	_ =	sdelay $0x1  }
0x419: {  	[tilespmem:$0x1E380] =	vst v6;
	v6 =	vmul.f32 v19, v63;
	_ =	sdelay $0x1  }
0x41a: {  	[tilespmem:$0x1E390] =	vst v6;
	v6 =	vmul.f32 v23, v0;
	_ =	sdelay $0x1  }
0x41b: {  	[tilespmem:$0x1E3A0] =	vst v6;
	v6 =	vmul.f32 v19, v14;
	_ =	sdelay $0x1  }
0x41c: {  	[tilespmem:$0x1E3B0] =	vst v6;
	v6 =	vmul.f32 v23, v1;
	_ =	sdelay $0x1  }
0x41d: {  	[tilespmem:$0x1E3C0] =	vst v6;
	v6 =	vmul.f32 v3, v2;
	_ =	sdelay $0x1  }
0x41e: {  	[tilespmem:$0x1E930] =	vst v6;
	v6 =	vmul.f32 v3, v4  }
0x41f: {  	v38 =	vbroadcast v25, $0xB  }
0x420: {  	[tilespmem:$0x1E950] =	vst v6;
	v6 =	vmul.f32 v3, v7;
	v3 =	vmul.f32 v3, v20;
	_ =	sdelay $0x1  }
0x421: {  	v39 =	vbroadcast v27, $0xB;
	[tilespmem:$0x1E990] =	vst v3;
	v3 =	vmul.f32 v38, v50;
	_ =	sdelay $0x1  }
0x422: {  	[tilespmem:$0x1E3D0] =	vst v3;
	v3 =	vmul.f32 v39, v15;
	_ =	sdelay $0x1  }
0x423: {  	[tilespmem:$0x1E3E0] =	vst v3;
	v3 =	vmul.f32 v38, v9;
	_ =	sdelay $0x1  }
0x424: {  	[tilespmem:$0x1E3F0] =	vst v3;
	v3 =	vmul.f32 v39, v16;
	_ =	sdelay $0x1  }
0x425: {  	[tilespmem:$0x1E400] =	vst v3;
	v3 =	vmul.f32 v38, v63;
	_ =	sdelay $0x1  }
0x426: {  	[tilespmem:$0x1E410] =	vst v3;
	v3 =	vmul.f32 v39, v0;
	_ =	sdelay $0x1  }
0x427: {  	[tilespmem:$0x1E420] =	vst v3;
	v3 =	vmul.f32 v38, v14;
	_ =	sdelay $0x1  }
0x428: {  	[tilespmem:$0x1E430] =	vst v3;
	v3 =	vmul.f32 v39, v1;
	_ =	sdelay $0x1  }
0x429: {  	[tilespmem:$0x1E440] =	vst v3;
	v3 =	vmul.f32 v37, v2;
	_ =	sdelay $0x1  }
0x42a: {  	[tilespmem:$0x1E9C0] =	vst v3;
	v3 =	vmul.f32 v37, v4;
	_ =	sdelay $0x1  }
0x42b: {  	[tilespmem:$0x1E9E0] =	vst v3;
	v3 =	vmul.f32 v37, v7;
	_ =	sdelay $0x1  }
0x42c: {  	v36 =	vbroadcast v27, $0xA;
	[tilespmem:$0x1EA00] =	vst v3;
	v3 =	vmul.f32 v37, v20;
	_ =	sdelay $0x1  }
0x42d: {  	v35 =	vbroadcast v25, $0xA;
	[tilespmem:$0x1EA20] =	vst v3;
	v3 =	vmul.f32 v36, v15;
	_ =	sdelay $0x1  }
0x42e: {  	[tilespmem:$0x1E450] =	vst v3;
	v3 =	vmul.f32 v35, v9;
	_ =	sdelay $0x1  }
0x42f: {  	[tilespmem:$0x1E460] =	vst v3;
	v3 =	vmul.f32 v36, v16;
	_ =	sdelay $0x1  }
0x430: {  	[tilespmem:$0x1E470] =	vst v3;
	v3 =	vmul.f32 v35, v63;
	_ =	sdelay $0x1  }
0x431: {  	[tilespmem:$0x1E480] =	vst v3;
	v3 =	vmul.f32 v36, v0;
	_ =	sdelay $0x1  }
0x432: {  	[tilespmem:$0x1E490] =	vst v3;
	v3 =	vmul.f32 v35, v14;
	_ =	sdelay $0x1  }
0x433: {  	v32 =	vbroadcast v25, $0x9;
	[tilespmem:$0x1E4A0] =	vst v3;
	v3 =	vmul.f32 v36, v1;
	_ =	sdelay $0x1  }
0x434: {  	v40 =	vbroadcast v27, $0x9;
	[tilespmem:$0x1E4B0] =	vst v3;
	v3 =	vmul.f32 v32, v50;
	_ =	sdelay $0x1  }
0x435: {  	[tilespmem:$0x1E4C0] =	vst v3;
	v3 =	vmul.f32 v40, v15;
	_ =	sdelay $0x1  }
0x436: {  	[tilespmem:$0x1E4D0] =	vst v3;
	v3 =	vmul.f32 v32, v9;
	_ =	sdelay $0x1  }
0x437: {  	[tilespmem:$0x1E4E0] =	vst v3;
	v3 =	vmul.f32 v40, v16;
	_ =	sdelay $0x1  }
0x438: {  	[tilespmem:$0x1E4F0] =	vst v3;
	v3 =	vmul.f32 v32, v63;
	_ =	sdelay $0x1  }
0x439: {  	[tilespmem:$0x1E500] =	vst v3;
	v3 =	vmul.f32 v40, v0;
	_ =	sdelay $0x1  }
0x43a: {  	v42 =	vbroadcast v25, $0x8;
	[tilespmem:$0x1E510] =	vst v3;
	v3 =	vmul.f32 v32, v14;
	_ =	sdelay $0x1  }
0x43b: {  	v31 =	vbroadcast v27, $0x8;
	[tilespmem:$0x1E520] =	vst v3;
	v3 =	vmul.f32 v42, v50;
	_ =	sdelay $0x1  }
0x43c: {  	[tilespmem:$0x1E530] =	vst v3;
	v3 =	vmul.f32 v31, v15;
	_ =	sdelay $0x1  }
0x43d: {  	[tilespmem:$0x1E540] =	vst v3;
	v3 =	vmul.f32 v42, v9;
	_ =	sdelay $0x1  }
0x43e: {  	[tilespmem:$0x1E550] =	vst v3;
	v3 =	vmul.f32 v31, v16  }
0x43f: {  	v5 =	vbroadcast v25, $0x6  }
0x440: {  	[tilespmem:$0x1E560] =	vst v3;
	v3 =	vmul.f32 v42, v63  }
0x441: {  	v44 =	vmul.f32 v5, v9  }
0x442: {  	v54 =	vmul.f32 v40, v1;
	[tilespmem:$0x1E570] =	vst v3;
	v3 =	vmul.f32 v31, v0  }
0x443: {  	v46 =	vmul.f32 v5, v50;
	v40 =	vmul.f32 v5, v14  }
0x444: {  	[tilespmem:$0x1E580] =	vst v3;
	v3 =	vmul.f32 v42, v14;
	v42 =	vmul.f32 v5, v63;
	v5 =	vld [tilespmem:$0x1E220];
	_ =	sdelay $0x2  }
0x445: {  	v61 =	vmul.f32 v45, v63;
	_ =	sdelay $0x1  }
0x446: {  	v5 =	vadd.f32 v5, v61  }
0x447: {  	[tilespmem:$0x1E970] =	vst v6;
	v6 =	vld [tilespmem:$0x1E240]  }
0x448: {  	[tilespmem:$0x1E650] =	vst v5;
	v5 =	vld [tilespmem:$0x1E230];
	_ =	sdelay $0x4  }
0x449: {  	v5 =	vadd.f32 v6, v5  }
0x44a: {  	v6 =	vld [tilespmem:$0x1E260]  }
0x44b: {  	[tilespmem:$0x1E670] =	vst v5;
	v5 =	vld [tilespmem:$0x1E250];
	_ =	sdelay $0x4  }
0x44c: {  	v5 =	vadd.f32 v6, v5  }
0x44d: {  	v6 =	vld [tilespmem:$0x1E280]  }
0x44e: {  	[tilespmem:$0x1E6A0] =	vst v5;
	v5 =	vld [tilespmem:$0x1E270];
	_ =	sdelay $0x4  }
0x44f: {  	v5 =	vadd.f32 v6, v5  }
0x450: {  	v6 =	vld [tilespmem:$0x1E2A0]  }
0x451: {  	[tilespmem:$0x1E6C0] =	vst v5;
	v5 =	vld [tilespmem:$0x1E290];
	_ =	sdelay $0x4  }
0x452: {  	v5 =	vadd.f32 v6, v5  }
0x453: {  	v6 =	vld [tilespmem:$0x1E2C0]  }
0x454: {  	v29 =	vbroadcast v25, $0x7;
	[tilespmem:$0x1E6E0] =	vst v5;
	v5 =	vld [tilespmem:$0x1E2B0];
	_ =	sdelay $0x1  }
0x455: {  	v30 =	vbroadcast v27, $0x7;
	[tilespmem:$0x1E590] =	vst v3;
	v3 =	vmul.f32 v29, v50;
	_ =	sdelay $0x1  }
0x456: {  	[tilespmem:$0x1E5A0] =	vst v3;
	v3 =	vmul.f32 v30, v15  }
0x457: {  	v5 =	vadd.f32 v6, v5  }
0x458: {  	v60 =	vmul.f32 v47, v16;
	v57 =	vmul.f32 v47, v15;
	v47 =	vld [tilespmem:$0x1E2E0];
	[tilespmem:$0x1E5B0] =	vst v3  }
0x459: {  	v3 =	vmul.f32 v29, v9;
	[tilespmem:$0x1E700] =	vst v5;
	v5 =	vld [tilespmem:$0x1E2D0];
	_ =	sdelay $0x1  }
0x45a: {  	v51 =	vmul.f32 v45, v50;
	[tilespmem:$0x1E5C0] =	vst v3;
	v3 =	vmul.f32 v29, v63;
	_ =	sdelay $0x1  }
0x45b: {  	v58 =	vmul.f32 v45, v9;
	[tilespmem:$0x1E5D0] =	vst v3;
	v3 =	vadd.f32 v57, v51  }
0x45c: {  	v5 =	vadd.f32 v47, v5  }
0x45d: {  	[tilespmem:$0x1E610] =	vst v3;
	v3 =	vadd.f32 v60, v58;
	v60 =	vld [tilespmem:$0x1E300]  }
0x45e: {  	[tilespmem:$0x1E720] =	vst v5;
	v5 =	vld [tilespmem:$0x1E2F0]  }
0x45f: {  	[tilespmem:$0x1E320] =	vst v13;
	v61 =	vld [tilespmem:$0x1E310]  }
0x460: {  	v47 =	vld [tilespmem:$0x1E320]  }
0x461: {  	v13 =	vmul.f32 v55, v14  }
0x462: {  	v49 =	vbroadcast v27, $0x3  }
0x463: {  	[tilespmem:$0x1E330] =	vst v13;
	v5 =	vadd.f32 v60, v5  }
0x464: {  	v19 =	vmul.f32 v49, v15;
	v51 =	vmul.f32 v49, v0;
	[tilespmem:$0x1E630] =	vst v3;
	v60 =	vld [tilespmem:$0x1E330]  }
0x465: {  	v3 =	vmul.f32 v49, v16;
	[tilespmem:$0x1E740] =	vst v5;
	v5 =	vmul.f32 v49, v1;
	v49 =	vadd.f32 v47, v61;
	v61 =	vld [tilespmem:$0x1E340];
	_ =	sdelay $0x3  }
0x466: {  	v47 =	vld [tilespmem:$0x1E350]  }
0x467: {  	[tilespmem:$0x1E760] =	vst v49;
	v49 =	vadd.f32 v61, v60;
	v60 =	vld [tilespmem:$0x1E360];
	_ =	sdelay $0x3  }
0x468: {  	v61 =	vld [tilespmem:$0x1E370]  }
0x469: {  	[tilespmem:$0x1E780] =	vst v49;
	v49 =	vadd.f32 v60, v47;
	v47 =	vld [tilespmem:$0x1E380];
	_ =	sdelay $0x3  }
0x46a: {  	v60 =	vld [tilespmem:$0x1E390]  }
0x46b: {  	[tilespmem:$0x1E7B0] =	vst v49;
	v49 =	vadd.f32 v47, v61;
	v61 =	vld [tilespmem:$0x1E3A0];
	_ =	sdelay $0x3  }
0x46c: {  	v47 =	vld [tilespmem:$0x1E3B0]  }
0x46d: {  	[tilespmem:$0x1E7D0] =	vst v49;
	v49 =	vadd.f32 v61, v60;
	v60 =	vld [tilespmem:$0x1E3C0];
	_ =	sdelay $0x3  }
0x46e: {  	v61 =	vld [tilespmem:$0x1E3D0]  }
0x46f: {  	[tilespmem:$0x1E7F0] =	vst v49;
	v49 =	vadd.f32 v60, v47;
	v47 =	vld [tilespmem:$0x1E3E0];
	_ =	sdelay $0x3  }
0x470: {  	v59 =	vld [tilespmem:$0x1E410]  }
0x471: {  	[tilespmem:$0x1E810] =	vst v49;
	v49 =	vadd.f32 v47, v61;
	v47 =	vld [tilespmem:$0x1E420];
	_ =	sdelay $0x4  }
0x472: {  	v59 =	vadd.f32 v47, v59  }
0x473: {  	v47 =	vld [tilespmem:$0x1E440]  }
0x474: {  	[tilespmem:$0x1E870] =	vst v59;
	v59 =	vld [tilespmem:$0x1E430];
	_ =	sdelay $0x4  }
0x475: {  	v59 =	vadd.f32 v47, v59;
	v47 =	vld [tilespmem:$0x1E450];
	_ =	sdelay $0x2  }
0x476: {  	v53 =	vmul.f32 v35, v50;
	_ =	sdelay $0x1  }
0x477: {  	v53 =	vadd.f32 v47, v53  }
0x478: {  	v47 =	vld [tilespmem:$0x1E470]  }
0x479: {  	[tilespmem:$0x1E8C0] =	vst v53;
	v53 =	vld [tilespmem:$0x1E460];
	_ =	sdelay $0x4  }
0x47a: {  	v53 =	vadd.f32 v47, v53  }
0x47b: {  	v47 =	vld [tilespmem:$0x1E490]  }
0x47c: {  	[tilespmem:$0x1E8E0] =	vst v53;
	v53 =	vld [tilespmem:$0x1E480];
	_ =	sdelay $0x4  }
0x47d: {  	v53 =	vadd.f32 v47, v53  }
0x47e: {  	v47 =	vld [tilespmem:$0x1E4B0]  }
0x47f: {  	[tilespmem:$0x1E900] =	vst v53;
	v53 =	vld [tilespmem:$0x1E4A0];
	_ =	sdelay $0x4  }
0x480: {  	v53 =	vadd.f32 v47, v53  }
0x481: {  	v47 =	vld [tilespmem:$0x1E4D0]  }
0x482: {  	[tilespmem:$0x1E920] =	vst v53;
	v53 =	vld [tilespmem:$0x1E4C0];
	_ =	sdelay $0x4  }
0x483: {  	v53 =	vadd.f32 v47, v53  }
0x484: {  	v47 =	vld [tilespmem:$0x1E4F0]  }
0x485: {  	[tilespmem:$0x1E940] =	vst v53;
	v53 =	vld [tilespmem:$0x1E4E0];
	_ =	sdelay $0x2  }
0x486: {  	v60 =	vld [tilespmem:$0x1E3F0]  }
0x487: {  	v61 =	vld [tilespmem:$0x1E400]  }
0x488: {  	v53 =	vadd.f32 v47, v53  }
0x489: {  	v47 =	vld [tilespmem:$0x1E510]  }
0x48a: {  	[tilespmem:$0x1E960] =	vst v53;
	v53 =	vld [tilespmem:$0x1E500];
	_ =	sdelay $0x1  }
0x48b: {  	[tilespmem:$0x1E830] =	vst v49;
	v49 =	vadd.f32 v61, v60;
	v61 =	vld [tilespmem:$0x1E520];
	_ =	sdelay $0x2  }
0x48c: {  	v53 =	vadd.f32 v47, v53;
	_ =	sdelay $0x1  }
0x48d: {  	[tilespmem:$0x1E980] =	vst v53;
	v53 =	vadd.f32 v54, v61  }
0x48e: {  	v47 =	vld [tilespmem:$0x1E540]  }
0x48f: {  	[tilespmem:$0x1E9A0] =	vst v53;
	v53 =	vld [tilespmem:$0x1E530];
	_ =	sdelay $0x4  }
0x490: {  	v53 =	vadd.f32 v47, v53  }
0x491: {  	v47 =	vld [tilespmem:$0x1E560]  }
0x492: {  	[tilespmem:$0x1E9D0] =	vst v53;
	v53 =	vld [tilespmem:$0x1E550];
	_ =	sdelay $0x4  }
0x493: {  	v53 =	vadd.f32 v47, v53  }
0x494: {  	v47 =	vld [tilespmem:$0x1E580]  }
0x495: {  	[tilespmem:$0x1E9F0] =	vst v53;
	v53 =	vld [tilespmem:$0x1E570];
	_ =	sdelay $0x4  }
0x496: {  	v53 =	vadd.f32 v47, v53;
	_ =	sdelay $0x1  }
0x497: {  	[tilespmem:$0x1EA10] =	vst v53;
	v53 =	vld [tilespmem:$0x1E590]  }
0x498: {  	v56 =	vbroadcast v25, $0x3  }
0x499: {  	v28 =	vbroadcast v27, $0x6;
	v26 =	vbroadcast v27, $0x5  }
0x49a: {  	v8 =	vbroadcast v27, $0x2;
	v55 =	vmul.f32 v31, v1  }
0x49b: {  	v62 =	vbroadcast v27, $0x0;
	v22 =	vbroadcast v27, $0x4  }
0x49c: {  	v11 =	vbroadcast v27, $0x1;
	v21 =	vbroadcast v25, $0x4;
	v47 =	vadd.f32 v55, v53;
	v53 =	vld [tilespmem:$0x1E5A0]  }
0x49d: {  	v12 =	vbroadcast v25, $0x2;
	v24 =	vbroadcast v25, $0x5;
	v55 =	vld [tilespmem:$0x1E5B0]  }
0x49e: {  	v18 =	vmul.f32 v56, v9;
	v10 =	vbroadcast v25, $0x1  }
0x49f: {  	v34 =	vmul.f32 v28, v16;
	v33 =	vmul.f32 v24, v63  }
0x4a0: {  	v27 =	vmul.f32 v21, v63;
	v25 =	vmul.f32 v26, v16  }
0x4a1: {  	v43 =	vmul.f32 v30, v16;
	v41 =	vmul.f32 v28, v0  }
0x4a2: {  	v48 =	vmul.f32 v29, v14;
	v38 =	vmul.f32 v30, v1;
	v53 =	vadd.f32 v55, v53  }
0x4a3: {  	v44 =	vadd.f32 v34, v44;
	v34 =	vmul.f32 v11, v0;
	v45 =	vmul.f32 v28, v15  }
0x4a4: {  	v52 =	vmul.f32 v30, v0;
	v13 =	vmul.f32 v56, v63;
	v38 =	vadd.f32 v38, v48;
	[tilespmem:$0x1EA40] =	vst v53;
	v53 =	vld [tilespmem:$0x1E5C0]  }
0x4a5: {  	v17 =	vmul.f32 v22, v0;
	v23 =	vmul.f32 v26, v1  }
0x4a6: {  	v39 =	vmul.f32 v24, v50;
	[tilespmem:$0x1EA70] =	vst v38;
	v38 =	vmul.f32 v10, v63  }
0x4a7: {  	v37 =	vmul.f32 v26, v15;
	v35 =	vmul.f32 v28, v1  }
0x4a8: {  	v28 =	vmul.f32 v21, v9;
	v36 =	vmul.f32 v24, v9  }
0x4a9: {  	v32 =	vmul.f32 v26, v0;
	v26 =	vmul.f32 v22, v16;
	v43 =	vadd.f32 v43, v53;
	v53 =	vld [tilespmem:$0x1E5D0]  }
0x4aa: {  	v31 =	vmul.f32 v21, v50;
	v21 =	vmul.f32 v21, v14  }
0x4ab: {  	v48 =	vadd.f32 v41, v42;
	v41 =	vadd.f32 v25, v36;
	v25 =	vmul.f32 v11, v1  }
0x4ac: {  	v30 =	vmul.f32 v24, v14;
	v6 =	vmul.f32 v56, v14  }
0x4ad: {  	v61 =	vmul.f32 v10, v50;
	[tilespmem:$0x1EA30] =	vst v47;
	v47 =	vmul.f32 v10, v9  }
0x4ae: {  	v52 =	vadd.f32 v52, v53;
	v53 =	vmul.f32 v10, v14;
	v10 =	vadd.f32 v32, v33  }
0x4af: {  	v58 =	vmul.f32 v12, v9;
	[tilespmem:$0x1E850] =	vst v49;
	v49 =	vmul.f32 v8, v16  }
0x4b0: {  	v24 =	vmul.f32 v56, v50;
	v57 =	vmul.f32 v8, v15;
	v5 =	vadd.f32 v5, v6;
	[tilespmem:$0x1EA90] =	vst v10;
	v10 =	vld [tilespmem:$0x1E5E0]  }
0x4b1: {  	v60 =	vmul.f32 v8, v0;
	v6 =	vadd.f32 v49, v58;
	[tilespmem:$0x1E890] =	vst v59;
	v59 =	vmul.f32 v12, v63  }
0x4b2: {  	v56 =	vmul.f32 v12, v50;
	v8 =	vmul.f32 v8, v1  }
0x4b3: {  	[tilespmem:$0x1EB10] =	vst v6;
	v6 =	vmul.f32 v62, v0;
	v12 =	vmul.f32 v12, v14;
	v0 =	vadd.f32 v60, v59  }
0x4b4: {  	v29 =	vmul.f32 v22, v15;
	v22 =	vmul.f32 v22, v1;
	v13 =	vadd.f32 v51, v13;
	[tilespmem:$0x1EAF0] =	vst v5  }
0x4b5: {  	[tilespmem:$0x1EB20] =	vst v0;
	v0 =	vadd.f32 v8, v12;
	v54 =	vmul.f32 v11, v15;
	v5 =	vmul.f32 v10, v63  }
0x4b6: {  	[tilespmem:$0x1EA50] =	vst v43;
	v43 =	vmul.f32 v11, v16;
	v11 =	vmul.f32 v62, v15;
	v15 =	vadd.f32 v22, v21  }
0x4b7: {  	[tilespmem:$0x1EAE0] =	vst v13;
	v21 =	vmul.f32 v62, v1;
	v13 =	vmul.f32 v10, v14;
	v1 =	vadd.f32 v6, v5  }
0x4b8: {  	[tilespmem:$0x1EB30] =	vst v0;
	v0 =	vadd.f32 v34, v38  }
0x4b9: {  	[tilespmem:$0x1EB70] =	vst v1;
	v1 =	vadd.f32 v21, v13  }
0x4ba: {  	v39 =	vadd.f32 v37, v39;
	[tilespmem:$0x1EB40] =	vst v0;
	v5 =	vld [tilespmem:$0x1E610]  }
0x4bb: {  	v37 =	vadd.f32 v23, v30;
	v0 =	vadd.f32 v25, v53;
	v23 =	vmul.f32 v10, v50;
	[tilespmem:$0x1EB80] =	vst v1;
	v1 =	vld [tilespmem:$0x1E600];
	_ =	sdelay $0x1  }
0x4bc: {  	[tilespmem:$0x1EB50] =	vst v0;
	v0 =	vadd.f32 v11, v23;
	_ =	sdelay $0x1  }
0x4bd: {  	[tilespmem:$0x1EB60] =	vst v0;
	v0 =	vld [tilespmem:$0x1E5F0]  }
0x4be: {  	v25 =	vadd.f32 v1, v5;
	v1 =	vld [tilespmem:$0x1E620]  }
0x4bf: {  	v5 =	vld [tilespmem:$0x1E630]  }
0x4c0: {  	v26 =	vadd.f32 v26, v28;
	v28 =	vadd.f32 v3, v18  }
0x4c1: {  	v3 =	vmul.f32 v62, v16;
	v50 =	vadd.f32 v17, v27;
	v17 =	vmul.f32 v10, v9;
	_ =	sdelay $0x1  }
0x4c2: {  	v14 =	vadd.f32 v3, v17  }
0x4c3: {  	v3 =	vmul.f32 v0, v2;
	v6 =	vmul.f32 v0, v4;
	v1 =	vadd.f32 v1, v5  }
0x4c4: {  	v10 =	vmul.f32 v0, v7;
	v11 =	vmul.f32 v0, v20;
	v0 =	vld [tilespmem:$0x1E640]  }
0x4c5: {  	[tilespmem:$0x1EB90] =	vst v1;
	v1 =	vld [tilespmem:$0x1E650];
	_ =	sdelay $0x4  }
0x4c6: {  	v13 =	vadd.f32 v0, v1;
	v0 =	vld [tilespmem:$0x1E660]  }
0x4c7: {  	v1 =	vld [tilespmem:$0x1E670];
	_ =	sdelay $0x3  }
0x4c8: {  	v5 =	vld [tilespmem:$0x1E6A0]  }
0x4c9: {  	v38 =	vadd.f32 v0, v1;
	v1 =	vld [tilespmem:$0x1E690];
	_ =	sdelay $0x4  }
0x4ca: {  	v55 =	vadd.f32 v35, v40;
	v40 =	vadd.f32 v1, v5;
	v1 =	vld [tilespmem:$0x1E6B0]  }
0x4cb: {  	v5 =	vld [tilespmem:$0x1E6C0];
	_ =	sdelay $0x4  }
0x4cc: {  	v63 =	vadd.f32 v43, v47;
	v47 =	vadd.f32 v1, v5;
	v1 =	vld [tilespmem:$0x1E6D0]  }
0x4cd: {  	v5 =	vld [tilespmem:$0x1E6E0];
	_ =	sdelay $0x4  }
0x4ce: {  	v23 =	vadd.f32 v1, v5;
	v1 =	vld [tilespmem:$0x1E6F0]  }
0x4cf: {  	v5 =	vld [tilespmem:$0x1E700];
	_ =	sdelay $0x3  }
0x4d0: {  	v45 =	vadd.f32 v45, v46  }
0x4d1: {  	v46 =	vadd.f32 v29, v31;
	v29 =	vadd.f32 v1, v5;
	v1 =	vld [tilespmem:$0x1E710]  }
0x4d2: {  	v5 =	vld [tilespmem:$0x1E720];
	_ =	sdelay $0x3  }
0x4d3: {  	v0 =	vld [tilespmem:$0x1E680]  }
0x4d4: {  	v33 =	vadd.f32 v1, v5;
	v1 =	vld [tilespmem:$0x1E730]  }
0x4d5: {  	v5 =	vld [tilespmem:$0x1E740];
	_ =	sdelay $0x3  }
0x4d6: {  	v12 =	vld [tilespmem:$0x1E7F0];
	v17 =	vmul.f32 v0, v2;
	v21 =	vmul.f32 v0, v4  }
0x4d7: {  	v43 =	vmul.f32 v0, v7;
	v36 =	vmul.f32 v0, v20;
	v0 =	vld [tilespmem:$0x1E750];
	v1 =	vadd.f32 v1, v5  }
0x4d8: {  	v5 =	vld [tilespmem:$0x1E7E0]  }
0x4d9: {  	[tilespmem:$0x1EBA0] =	vst v1;
	v1 =	vld [tilespmem:$0x1E760];
	_ =	sdelay $0x3  }
0x4da: {  	v18 =	vld [tilespmem:$0x1E810]  }
0x4db: {  	v5 =	vadd.f32 v5, v12;
	v12 =	vld [tilespmem:$0x1E800];
	v0 =	vadd.f32 v0, v1  }
0x4dc: {  	v1 =	vld [tilespmem:$0x1E780]  }
0x4dd: {  	[tilespmem:$0x1EBB0] =	vst v0;
	v0 =	vld [tilespmem:$0x1E770];
	_ =	sdelay $0x3  }
0x4de: {  	v22 =	vadd.f32 v12, v18;
	v12 =	vld [tilespmem:$0x1E820]  }
0x4df: {  	v18 =	vld [tilespmem:$0x1E830];
	v0 =	vadd.f32 v0, v1  }
0x4e0: {  	v1 =	vld [tilespmem:$0x1E7B0]  }
0x4e1: {  	[tilespmem:$0x1EBC0] =	vst v0;
	v0 =	vld [tilespmem:$0x1E7A0];
	_ =	sdelay $0x1  }
0x4e2: {  	v8 =	vld [tilespmem:$0x1E790]  }
0x4e3: {  	v9 =	vadd.f32 v19, v24;
	v24 =	vadd.f32 v12, v18;
	v12 =	vld [tilespmem:$0x1E840]  }
0x4e4: {  	v18 =	vld [tilespmem:$0x1E850]  }
0x4e5: {  	v16 =	vadd.f32 v54, v61;
	v61 =	vadd.f32 v0, v1;
	v0 =	vld [tilespmem:$0x1E7C0]  }
0x4e6: {  	v1 =	vld [tilespmem:$0x1E7D0];
	_ =	sdelay $0x3  }
0x4e7: {  	v60 =	vmul.f32 v8, v2;
	v42 =	vmul.f32 v8, v7;
	v30 =	vadd.f32 v12, v18;
	v12 =	vld [tilespmem:$0x1E870]  }
0x4e8: {  	v49 =	vmul.f32 v8, v20;
	v1 =	vadd.f32 v0, v1;
	v0 =	vmul.f32 v8, v4;
	v8 =	vld [tilespmem:$0x1E860];
	_ =	sdelay $0x4  }
0x4e9: {  	v31 =	vadd.f32 v8, v12;
	v8 =	vld [tilespmem:$0x1E880]  }
0x4ea: {  	v12 =	vld [tilespmem:$0x1E890];
	_ =	sdelay $0x3  }
0x4eb: {  	v18 =	vld [tilespmem:$0x1E8C0]  }
0x4ec: {  	v32 =	vadd.f32 v8, v12;
	v12 =	vld [tilespmem:$0x1E8B0];
	_ =	sdelay $0x4  }
0x4ed: {  	v34 =	vadd.f32 v12, v18;
	v12 =	vld [tilespmem:$0x1E8D0]  }
0x4ee: {  	v18 =	vld [tilespmem:$0x1E8E0];
	_ =	sdelay $0x4  }
0x4ef: {  	v35 =	vadd.f32 v12, v18;
	v12 =	vld [tilespmem:$0x1E8F0]  }
0x4f0: {  	v18 =	vld [tilespmem:$0x1E900];
	_ =	sdelay $0x4  }
0x4f1: {  	v12 =	vadd.f32 v12, v18  }
0x4f2: {  	v18 =	vld [tilespmem:$0x1E920]  }
0x4f3: {  	[tilespmem:$0x1EBD0] =	vst v12;
	v12 =	vld [tilespmem:$0x1E910];
	_ =	sdelay $0x4  }
0x4f4: {  	v12 =	vadd.f32 v12, v18  }
0x4f5: {  	v18 =	vld [tilespmem:$0x1E940]  }
0x4f6: {  	[tilespmem:$0x1EBE0] =	vst v12;
	v12 =	vld [tilespmem:$0x1E930];
	_ =	sdelay $0x4  }
0x4f7: {  	v8 =	vld [tilespmem:$0x1E8A0];
	v12 =	vadd.f32 v12, v18  }
0x4f8: {  	v18 =	vld [tilespmem:$0x1E960]  }
0x4f9: {  	[tilespmem:$0x1EBF0] =	vst v12;
	v12 =	vld [tilespmem:$0x1E950];
	_ =	sdelay $0x3  }
0x4fa: {  	v19 =	vadd.f32 v57, v56  }
0x4fb: {  	v51 =	vmul.f32 v8, v2;
	v56 =	vmul.f32 v8, v4;
	v12 =	vadd.f32 v12, v18  }
0x4fc: {  	v57 =	vmul.f32 v8, v7;
	v58 =	vmul.f32 v8, v20;
	v8 =	vld [tilespmem:$0x1E970]  }
0x4fd: {  	[tilespmem:$0x1EC00] =	vst v12;
	v12 =	vld [tilespmem:$0x1E980];
	_ =	sdelay $0x4  }
0x4fe: {  	v8 =	vadd.f32 v8, v12  }
0x4ff: {  	v12 =	vld [tilespmem:$0x1E9A0]  }
0x500: {  	[tilespmem:$0x1EC10] =	vst v8;
	v8 =	vld [tilespmem:$0x1E990];
	_ =	sdelay $0x3  }
0x501: {  	v18 =	vld [tilespmem:$0x1E9D0]  }
0x502: {  	v8 =	vadd.f32 v8, v12;
	v12 =	vld [tilespmem:$0x1E9C0];
	_ =	sdelay $0x4  }
0x503: {  	v12 =	vadd.f32 v12, v18  }
0x504: {  	v18 =	vld [tilespmem:$0x1E9F0]  }
0x505: {  	[tilespmem:$0x1EC30] =	vst v12;
	v12 =	vld [tilespmem:$0x1E9E0];
	_ =	sdelay $0x4  }
0x506: {  	v12 =	vadd.f32 v12, v18  }
0x507: {  	v18 =	vld [tilespmem:$0x1EA10]  }
0x508: {  	[tilespmem:$0x1EC50] =	vst v12;
	v12 =	vld [tilespmem:$0x1EA00];
	_ =	sdelay $0x4  }
0x509: {  	v59 =	vadd.f32 v12, v18;
	v12 =	vld [tilespmem:$0x1EA20]  }
0x50a: {  	v18 =	vld [tilespmem:$0x1EA30];
	_ =	sdelay $0x4  }
0x50b: {  	v12 =	vadd.f32 v12, v18;
	_ =	sdelay $0x1  }
0x50c: {  	[tilespmem:$0x1EE60] =	vst v12;
	v12 =	vld [tilespmem:$0x1EA40];
	_ =	sdelay $0x4  }
0x50d: {  	v3 =	vadd.f32 v3, v12;
	_ =	sdelay $0x1  }
0x50e: {  	[tilespmem:$0x1EE80] =	vst v3;
	v3 =	vld [tilespmem:$0x1EA50];
	_ =	sdelay $0x3  }
0x50f: {  	[tilespmem:$0x1EA60] =	vst v52  }
0x510: {  	v3 =	vadd.f32 v6, v3;
	v6 =	vld [tilespmem:$0x1EA60];
	_ =	sdelay $0x4  }
0x511: {  	v6 =	vadd.f32 v10, v6;
	_ =	sdelay $0x1  }
0x512: {  	[tilespmem:$0x1EEC0] =	vst v6;
	v6 =	vld [tilespmem:$0x1EA70];
	_ =	sdelay $0x1  }
0x513: {  	[tilespmem:$0x1EC20] =	vst v8;
	v8 =	vld [tilespmem:$0x1E9B0];
	_ =	sdelay $0x2  }
0x514: {  	v6 =	vadd.f32 v11, v6;
	_ =	sdelay $0x1  }
0x515: {  	v62 =	vmul.f32 v8, v2;
	[tilespmem:$0x1EEE0] =	vst v6;
	v6 =	vld [tilespmem:$0x1EA80]  }
0x516: {  	v52 =	vmul.f32 v8, v4;
	v53 =	vmul.f32 v8, v7  }
0x517: {  	[tilespmem:$0x1EEA0] =	vst v3;
	v3 =	vmul.f32 v8, v20;
	v8 =	vadd.f32 v17, v45;
	v17 =	vadd.f32 v58, v15;
	v15 =	vld [tilespmem:$0x1EAE0];
	_ =	sdelay $0x1  }
0x518: {  	[tilespmem:$0x1EF00] =	vst v8;
	v8 =	vadd.f32 v21, v44  }
0x519: {  	v41 =	vadd.f32 v0, v41;
	v27 =	vmul.f32 v6, v2;
	v11 =	vmul.f32 v6, v4  }
0x51a: {  	[tilespmem:$0x1EF10] =	vst v8;
	v8 =	vadd.f32 v43, v48;
	v48 =	vmul.f32 v6, v7;
	v0 =	vmul.f32 v6, v20;
	v6 =	vld [tilespmem:$0x1EA90]  }
0x51b: {  	v53 =	vadd.f32 v53, v15;
	v15 =	vld [tilespmem:$0x1EAF0];
	_ =	sdelay $0x3  }
0x51c: {  	v12 =	vld [tilespmem:$0x1EAA0];
	v44 =	vadd.f32 v42, v6  }
0x51d: {  	v6 =	vadd.f32 v52, v28;
	v52 =	vadd.f32 v3, v15;
	v15 =	vld [tilespmem:$0x1EB00];
	_ =	sdelay $0x4  }
0x51e: {  	v18 =	vmul.f32 v12, v2;
	v3 =	vmul.f32 v15, v2;
	v2 =	vld [tilespmem:$0x1EB10];
	_ =	sdelay $0x4  }
0x51f: {  	[tilespmem:$0x1EF20] =	vst v8;
	v8 =	vadd.f32 v36, v55;
	v55 =	vadd.f32 v11, v2;
	v2 =	vld [tilespmem:$0x1EB20];
	_ =	sdelay $0x3  }
0x520: {  	v21 =	vadd.f32 v51, v46  }
0x521: {  	v46 =	vadd.f32 v56, v26;
	v56 =	vadd.f32 v48, v2;
	v2 =	vld [tilespmem:$0x1EB30];
	_ =	sdelay $0x4  }
0x522: {  	v45 =	vadd.f32 v57, v50;
	v50 =	vadd.f32 v0, v2;
	v0 =	vld [tilespmem:$0x1EB40];
	_ =	sdelay $0x2  }
0x523: {  	s31 =	sshra.s32 s17, $0x2;
	v10 =	vmul.f32 v12, v7  }
0x524: {  	v43 =	vadd.f32 v49, v37;
	v49 =	vadd.f32 v18, v16;
	[tilespmem:$0x1EF40] =	vst v8;
	v8 =	vmul.f32 v12, v4;
	v42 =	vld [tilespmem:s31+$0x8000]  }
0x525: {  	v12 =	vmul.f32 v12, v20;
	v18 =	vmul.f32 v15, v20;
	v20 =	vadd.f32 v10, v0;
	v0 =	vld [tilespmem:$0x1EB50]  }
0x526: {  	v28 =	vadd.f32 v27, v19;
	v19 =	vmul.f32 v15, v7;
	v7 =	vld [tilespmem:$0x1EB80];
	_ =	sdelay $0x3  }
0x527: {  	v11 =	vmul.f32 v15, v4;
	v4 =	vadd.f32 v12, v0;
	v0 =	vld [tilespmem:$0x1EB60]  }
0x528: {  	v51 =	vadd.f32 v18, v7;
	v7 =	vld [tilespmem:$0x1EB90];
	v10 =	vbroadcast v42, $0xF  }
0x529: {  	v54 =	vadd.f32 v60, v39;
	v26 =	vadd.f32 v62, v9  }
0x52a: {  	v8 =	vadd.f32 v8, v63;
	v18 =	vld [tilespmem:$0x1EBB0];
	v62 =	vsub.f32 v25, v10;
	v12 =	vbroadcast v42, $0xC  }
0x52b: {  	v63 =	vsub.f32 v13, v10;
	v60 =	vsub.f32 v38, v10;
	v13 =	vld [tilespmem:$0x1EBA0]  }
0x52c: {  	v1 =	vsub.f32 v1, v12;
	v3 =	vadd.f32 v3, v0  }
0x52d: {  	v0 =	vadd.f32 v11, v14;
	v14 =	vsub.f32 v7, v10;
	v10 =	vbroadcast v42, $0xD;
	_ =	sdelay $0x1  }
0x52e: {  	[tilespmem:$0x1F090] =	vst v1;
	v1 =	vsub.f32 v5, v12;
	v5 =	vld [tilespmem:$0x1EBD0];
	v11 =	vbroadcast v42, $0xE;
	v18 =	vsub.f32 v18, v10  }
0x52f: {  	v13 =	vsub.f32 v13, v10  }
0x530: {  	v25 =	vsub.f32 v40, v11;
	[tilespmem:$0x1F070] =	vst v18;
	v18 =	vld [tilespmem:$0x1EBC0]  }
0x531: {  	v7 =	vsub.f32 v47, v11;
	v16 =	vsub.f32 v23, v11;
	[tilespmem:$0x1F060] =	vst v13;
	v13 =	vbroadcast v42, $0xA  }
0x532: {  	v15 =	vsub.f32 v29, v11;
	v29 =	vsub.f32 v61, v12  }
0x533: {  	v11 =	vbroadcast v42, $0xB;
	v61 =	vsub.f32 v22, v12;
	v12 =	vsub.f32 v5, v13;
	v5 =	vld [tilespmem:$0x1EBE0]  }
0x534: {  	v27 =	vsub.f32 v33, v10  }
0x535: {  	v33 =	vsub.f32 v24, v11;
	v10 =	vsub.f32 v18, v10  }
0x536: {  	v2 =	vld [tilespmem:$0x1EB70];
	v47 =	vsub.f32 v30, v11;
	v48 =	vsub.f32 v31, v11  }
0x537: {  	[tilespmem:$0x1F080] =	vst v10;
	v10 =	vsub.f32 v32, v11;
	v32 =	vsub.f32 v34, v13  }
0x538: {  	v11 =	vsub.f32 v35, v13;
	v13 =	vsub.f32 v5, v13;
	v5 =	vld [tilespmem:$0x1EBF0];
	_ =	sdelay $0x2  }
0x539: {  	v2 =	vadd.f32 v19, v2;
	v19 =	vbroadcast v42, $0x9;
	_ =	sdelay $0x1  }
0x53a: {  	v34 =	vsub.f32 v5, v19;
	v5 =	vld [tilespmem:$0x1EC00];
	_ =	sdelay $0x4  }
0x53b: {  	v22 =	vsub.f32 v5, v19;
	v5 =	vld [tilespmem:$0x1EC10];
	_ =	sdelay $0x4  }
0x53c: {  	v23 =	vsub.f32 v5, v19;
	v5 =	vld [tilespmem:$0x1EC20];
	_ =	sdelay $0x2  }
0x53d: {  	v31 =	vbroadcast v42, $0x0;
	_ =	sdelay $0x1  }
0x53e: {  	v24 =	vsub.f32 v5, v19;
	v19 =	vsub.f32 v3, v31;
	v3 =	vld [tilespmem:$0x1EC30]  }
0x53f: {  	p1 =	sne.s32 s16, $0xFF0;
	v5 =	vld [tilespmem:$0x1EC50]  }
.Ltmp2:
0x540: {  	v39 =	vbroadcast v42, $0x7;
	(pc) =	sbr.rel @p1 .LBB2_7-.Ltmp2, $4  }
0x541: {  	v57 =	vld [tilespmem:$0x1EAB0];
	v37 =	vbroadcast v42, $0x5;
	v30 =	vbroadcast v42, $0x1  }
0x542: {  	v58 =	vld [tilespmem:$0x1EAC0];
	v36 =	vbroadcast v42, $0x4;
	v18 =	vbroadcast v42, $0x8  }
0x543: {  	v9 =	vld [tilespmem:$0x1EAD0];
	v38 =	vbroadcast v42, $0x3;
	[tilespmem:$0x1F0A0] =	vst v1;
	v1 =	vbroadcast v42, $0x6;
	v40 =	vsub.f32 v49, v30  }
0x544: {  	s16 =	sadd.s32 $0x10, s16;
	v49 =	vld [tilespmem:$0x1EC40];
	v35 =	vbroadcast v42, $0x2;
	v3 =	vsub.f32 v3, v18;
	v5 =	vsub.f32 v5, v18  }
0x545: {  	v42 =	vld [tilespmem:$0x1EE60];
	_ =	sdelay $0x2  }
0x546: {  	[tilespmem:$0x1E210] =	vst v14;
	v14 =	vsub.f32 v59, v18  }
0x547: {  	v28 =	vsub.f32 v28, v35;
	v9 =	vmax.f32 v9, v19;
	v19 =	vsub.f32 v26, v38;
	v26 =	vld [tilespmem:$0x1EE80]  }
0x548: {  	v59 =	vmovc v15;
	v15 =	vsub.f32 v42, v18;
	v42 =	vmov v16;
	v16 =	vmax.f32 v9, v40;
	v40 =	vld [tilespmem:$0x1EEC0]  }
0x549: {  	v16 =	vmax.f32 v16, v28;
	v28 =	vld [tilespmem:$0x1EEA0]  }
0x54a: {  	v16 =	vmax.f32 v16, v19;
	v19 =	vld [tilespmem:$0x1EEE0];
	_ =	sdelay $0x2  }
0x54b: {  	v26 =	vsub.f32 v26, v39  }
0x54c: {  	v18 =	vsub.f32 v28, v39;
	v28 =	vsub.f32 v40, v39;
	v40 =	vld [tilespmem:$0x1EF00]  }
0x54d: {  	v19 =	vsub.f32 v19, v39;
	v39 =	vsub.f32 v54, v37;
	v54 =	vld [tilespmem:$0x1EF10]  }
0x54e: {  	v21 =	vsub.f32 v21, v36;
	v17 =	vsub.f32 v17, v36  }
0x54f: {  	v6 =	vsub.f32 v6, v38;
	v53 =	vsub.f32 v53, v38  }
0x550: {  	v0 =	vsub.f32 v0, v31;
	v2 =	vsub.f32 v2, v31  }
0x551: {  	v8 =	vsub.f32 v8, v30;
	v16 =	vmax.f32 v16, v21;
	v21 =	vsub.f32 v40, v1  }
0x552: {  	v20 =	vsub.f32 v20, v30;
	v16 =	vmax.f32 v16, v39;
	v39 =	vld [tilespmem:$0x1EF20];
	v40 =	vsub.f32 v54, v1  }
0x553: {  	v54 =	vld [tilespmem:$0x1EF40];
	v16 =	vmax.f32 v16, v21;
	v21 =	vsub.f32 v41, v37;
	v41 =	vsub.f32 v44, v37  }
0x554: {  	v16 =	vmax.f32 v16, v26;
	v26 =	vsub.f32 v43, v37;
	v37 =	vsub.f32 v46, v36  }
0x555: {  	v0 =	vmax.f32 v58, v0;
	v46 =	vsub.f32 v50, v35;
	v50 =	vsub.f32 v51, v31  }
0x556: {  	v4 =	vsub.f32 v4, v30;
	v0 =	vmax.f32 v0, v8;
	v2 =	vmax.f32 v49, v2  }
0x557: {  	v39 =	vsub.f32 v39, v1;
	v43 =	vsub.f32 v55, v35;
	v51 =	vmax.f32 v57, v50  }
0x558: {  	v1 =	vsub.f32 v54, v1;
	v54 =	vsub.f32 v52, v38;
	v4 =	vmax.f32 v51, v4  }
0x559: {  	v2 =	vmax.f32 v2, v20;
	v3 =	vmax.f32 v16, v3;
	v4 =	vmax.f32 v4, v46  }
0x55a: {  	v16 =	vsub.f32 v45, v36;
	v0 =	vmax.f32 v0, v43;
	v4 =	vmax.f32 v4, v54  }
0x55b: {  	v45 =	vsub.f32 v56, v35;
	v0 =	vmax.f32 v0, v6;
	v4 =	vmax.f32 v4, v17  }
0x55c: {  	v3 =	vmax.f32 v3, v34;
	v0 =	vmax.f32 v0, v37;
	v4 =	vmax.f32 v4, v26  }
0x55d: {  	v3 =	vmax.f32 v3, v32;
	v0 =	vmax.f32 v0, v21;
	v1 =	vmax.f32 v4, v1  }
0x55e: {  	v58 =	vld [tilespmem:$0x1FB40];
	v2 =	vmax.f32 v2, v45;
	v0 =	vmax.f32 v0, v40;
	v1 =	vmax.f32 v1, v19  }
0x55f: {  	v52 =	vld [tilespmem:$0x1F090];
	v3 =	vmax.f32 v3, v33;
	v0 =	vmax.f32 v0, v18;
	v1 =	vmax.f32 v1, v15  }
0x560: {  	v2 =	vmax.f32 v2, v53;
	v53 =	vld [tilespmem:$0x1F060];
	v0 =	vmax.f32 v0, v5;
	v1 =	vmax.f32 v1, v24  }
0x561: {  	v55 =	vld [tilespmem:$0x1F0B0];
	v3 =	vmax.f32 v3, v29;
	v0 =	vmax.f32 v0, v22;
	v1 =	vmax.f32 v1, v13  }
0x562: {  	v57 =	vld [tilespmem:$0x1E210];
	v2 =	vmax.f32 v2, v16;
	v0 =	vmax.f32 v0, v11;
	v1 =	vmax.f32 v1, v10  }
0x563: {  	v3 =	vmax.f32 v3, v27;
	v0 =	vmax.f32 v0, v47;
	v1 =	vmax.f32 v1, v61;
	v61 =	vld [tilespmem:$0x1F0C0]  }
0x564: {  	v2 =	vmax.f32 v2, v41;
	v3 =	vmax.f32 v3, v25;
	v0 =	vmax.f32 v0, v52  }
0x565: {  	v44 =	vmovc v7;
	v2 =	vmax.f32 v2, v39;
	v3 =	vmax.f32 v3, v62;
	v0 =	vmax.f32 v0, v53  }
0x566: {  	v54 =	vld [tilespmem:$0x1F0A0];
	v2 =	vmax.f32 v2, v28;
	v3 =	vsub.f32 v55, v3;
	v0 =	vmax.f32 v0, v44  }
0x567: {  	v56 =	vld [tilespmem:$0x1F070];
	v2 =	vmax.f32 v2, v14;
	v0 =	vmax.f32 v0, v57  }
0x568: {  	v2 =	vmax.f32 v2, v23;
	v3 =	vadd.f32 v3, v58;
	v0 =	vsub.f32 v61, v0  }
0x569: {  	v2 =	vmax.f32 v2, v12  }
0x56a: {  	v2 =	vmax.f32 v2, v48;
	v0 =	vadd.f32 v0, v3;
	v3 =	vld [tilespmem:$0x1F0D0]  }
0x56b: {  	v2 =	vmax.f32 v2, v54  }
0x56c: {  	v2 =	vmax.f32 v2, v56  }
0x56d: {  	v2 =	vmax.f32 v2, v42  }
0x56e: {  	v62 =	vld [tilespmem:$0x1F080];
	v2 =	vmax.f32 v2, v63  }
0x56f: {  	v2 =	vsub.f32 v3, v2;
	_ =	sdelay $0x1  }
0x570: {  	v0 =	vadd.f32 v2, v0;
	v2 =	vld [tilespmem:$0x1F0E0];
	_ =	sdelay $0x1  }
0x571: {  	v1 =	vmax.f32 v1, v62  }
.Ltmp3:
0x572: {  	v1 =	vmax.f32 v1, v59;
	(pc) =	sbr.rel @p0 .LBB2_6-.Ltmp3, $3  }
0x573: {  	v1 =	vmax.f32 v1, v60  }
0x574: {  	v1 =	vsub.f32 v2, v1;
	_ =	sdelay $0x1  }
0x575: {  	s16 =	simm.s32 $0x40;
	p1 =	por $0x0, $0x0;
	v0 =	vadd.f32 v1, v0  }
0x576: {  	_ = 	snop  }
0x577: {  	s14 =	sadd.s32 $0x1, s14;
	v0 =	vadd.f32 v0, v0  }
0x578: {  	p0 =	sne.s32 s14, s8  }
.Ltmp4:
0x579: {  	[tilespmem:$0xA000] =	vst v0;
	(pc) =	sbr.rel @p0 .LBB2_1-.Ltmp4, $4  }
0x57a: {  	[hbm4b:s7+s3] =	stream.linear.scatter [tilespmem:s13], [sflag:$0x1], $0x80, $0x38;
	[tilespmem:$0xA080] =	vst v63  }
0x57b: {  	_ =	swait.ge [sflag:s9], $0x80  }
0x57c: {  	[sflag:s9] =	ssyncset.done $0x0  }
0x57d: {  	[sflag:s9] =	ssyncadd.s32 $0xFFFFFF80  }
0x57e: {  	_ =	sfence.sel $0x180000  }
0x57f: {  	[bflag:$0x0] =	sbarrier.arrive $0xFFFF  }
0x580: {  	p0 =	sne.s32 s1, $0x0;
	_ =	strace $0x90000047  }
0x581: {  	s0 =	sadd.s32 @!p0 $0x100000, s0;
	[bflag:$0x2] =	sbarrier.arrive $0xFFFF  }
0x582: {  	[sflag:s0] =	ssyncadd.tile.s32 @!p0 $0x1;
	_ =	shalt  }
.Lfunc_end2:
_tile_overlayer_lowered:
.L_overlay_start_2:
0x583: {  	(tag) =	ssettag $0x2  }
0x584: {  	s0 =	rddreg [dreg:$0x0];
	s2 =	stileid.u32  }
0x585: {  	s1 =	rddreg [dreg:$0x1];
	p0 =	sne.s32 s2, $0x0  }
0x586: {  	s3 =	rddreg [dreg:$0x2];
	[bflag:$0x3] =	sbarrier.arrive $0xFFFF;
	s2 =	simm.s32 @!p0 $0x1C01  }
0x587: {  	[timem:s3], [sflag:s2] =	dma.local @!p0 [hbm:s0], s1  }
0x588: {  	s0 =	simm.s32 @!p0 $0x1  }
0x589: {  	_ =	swait.ge @!p0 [sflag:s0], s1  }
0x58a: {  	s1 =	ssub.s32 @!p0 $0x0, s1;
	[sflag:s0] =	ssyncset.done @!p0 $0x0  }
0x58b: {  	[sflag:s0] =	ssyncadd.s32 @!p0 s1  }
0x58c: {  	[bflag:$0x3] =	sbarrier.arrive $0xFFFF  }
0x58d: {  	_ =	shalt  }

</sc_bundles>
